<compile_context>
chip_gen: v7x
topology: tpu7x:2x2x1
jax: 0.10.2.dev20260603
libtpu: 0.0.44.dev20260713+nightly
codegen_flags: <defaults>
</compile_context>

<pallas_src>
import numpy as np

import jax
import jax.numpy as jnp
from jax import lax
from jax.experimental import pallas as pl
from jax.experimental.pallas import tpu as pltpu
from jax.experimental.pallas import tpu_sc as plsc

F = 26
CARD = 1000
D = 16
B = 4096

NC = 2
NS = 16
NW = NC * NS
BPW = B // NW
NG = B // 16

_PAIRS = [(i, j) for i in range(F) for j in range(i + 1, F)]
NPAIR = len(_PAIRS)
PPT = -(-NPAIR // NW)
_PACKED = np.full((((NPAIR + 7) // 8) * 8,), 0, np.int32)
for _p, (_i, _j) in enumerate(_PAIRS):
    _PACKED[_p] = (_i << 5) | _j
NPAD = _PACKED.shape[0]


def _ffm_body(tt, xft, lw, out, blk_v, xcol_v, acc_v, xft_v, lw_v,
              rows_idx, shared, pairs_s, sem0, sem1):
    cid = lax.axis_index("c")
    sid = lax.axis_index("s")
    wid = sid * NC + cid
    base = wid * BPW

    for p in range(NPAD):
        pairs_s[p] = jnp.int32(_PACKED[p])
    pltpu.sync_copy(lw, lw_v)
    pltpu.sync_copy(xft.at[:, pl.ds(base, BPW)], xft_v)

    sems = (sem0, sem1)

    def pair_ij(p):
        v = pairs_s[p]
        return lax.shift_right_logical(v, 5), lax.bitwise_and(v, 31)

    def start(q, k):
        p = q * NW + wid

        @pl.when(p < NPAIR)
        def _():
            i, j = pair_ij(p)
            pltpu.sync_copy(xft.at[i], xcol_v.at[k, 0])
            pltpu.sync_copy(xft.at[j], xcol_v.at[k, 1])
            pltpu.async_copy(tt.at[i, j], blk_v.at[k, 0], sems[k])
            pltpu.async_copy(tt.at[j, i], blk_v.at[k, 1], sems[k])

    def wait(q, k):
        p = q * NW + wid

        @pl.when(p < NPAIR)
        def _():
            i, j = pair_ij(p)
            pltpu.make_async_copy(tt.at[i, j], blk_v.at[k, 0], sems[k]).wait()
            pltpu.make_async_copy(tt.at[j, i], blk_v.at[k, 1], sems[k]).wait()

    zeros = jnp.zeros((16,), jnp.float32)
    lanes16 = lax.iota(jnp.int32, 16)

    def zero_g(g, _):
        acc_v[g] = zeros
        return _

    lax.fori_loop(0, NG, zero_g, 0)
    for g in range(NG // 16):
        rows_idx[pl.ds(g * 16, 16)] = lanes16 + (g * 16)

    start(0, 0)
    start(1, 1)

    dvecs = [jnp.full((16,), d, jnp.int32) for d in range(D)]

    def do_pair(q, k):
        wait(q, k)
        p = q * NW + wid

        @pl.when(p < NPAIR)
        def _():
            i, j = pair_ij(p)
            ioff = i * CARD
            joff = j * CARD

            def per_group(g, _):
                ci = xcol_v[k, 0, pl.ds(g * 16, 16)] - ioff
                cj = xcol_v[k, 1, pl.ds(g * 16, 16)] - joff
                acc = acc_v[g]
                for d in range(D):
                    u = plsc.load_gather(blk_v.at[k, 0], [dvecs[d], ci])
                    v = plsc.load_gather(blk_v.at[k, 1], [dvecs[d], cj])
                    acc = acc + u * v
                acc_v[g] = acc
                return _

            lax.fori_loop(0, NG, per_group, 0)

        start(q + 2, k)

    def outer(qq, _):
        do_pair(2 * qq, 0)
        do_pair(2 * qq + 1, 1)
        return _

    lax.fori_loop(0, (PPT + 1) // 2, outer, 0)

    grow = base // 16
    for g in range(BPW // 16):
        lin = acc_v[grow + g]
        for i in range(F):
            ids = xft_v[i, pl.ds(g * 16, 16)]
            lin = lin + plsc.load_gather(lw_v, [ids])
        acc_v[grow + g] = lin

    plsc.subcore_barrier()

    @pl.when(sid == 0)
    def _():
        pltpu.sync_copy(acc_v, shared)

    plsc.subcore_barrier()

    @pl.when(sid != 0)
    def _():
        pltpu.sync_copy(acc_v, shared.at[rows_idx], add=True)

    plsc.subcore_barrier()

    @pl.when(sid == 0)
    def _():
        pltpu.sync_copy(shared, out.at[cid])


@jax.jit
def _ffm(tt, xft, lw):
    mesh = plsc.VectorSubcoreMesh(core_axis_name="c", subcore_axis_name="s",
                                  num_cores=NC, num_subcores=NS)
    run = pl.kernel(
        _ffm_body,
        out_type=jax.ShapeDtypeStruct((NC, NG, 16), jnp.float32),
        mesh=mesh,
        scratch_types=[
            pltpu.VMEM((2, 2, D, CARD), jnp.float32),
            pltpu.VMEM((2, 2, B), jnp.int32),
            pltpu.VMEM((NG, 16), jnp.float32),
            pltpu.VMEM((F, BPW), jnp.int32),
            pltpu.VMEM((F * CARD,), jnp.float32),
            pltpu.VMEM((NG,), jnp.int32),
            pltpu.VMEM_SHARED((NG, 16), jnp.float32),
            pltpu.SMEM((NPAD,), jnp.int32),
            pltpu.SemaphoreType.DMA,
            pltpu.SemaphoreType.DMA,
        ],
        compiler_params=pltpu.CompilerParams(needs_layout_passes=False,
                                             use_tc_tiling_on_sc=False),
    )
    return run(tt, xft, lw)


def kernel(x, tables, linear_w, bias):
    tt = jnp.transpose(tables, (0, 2, 3, 1))
    xft = x.astype(jnp.int32).T + (jnp.arange(F, dtype=jnp.int32) * CARD)[:, None]
    lw = linear_w.reshape(-1)
    part = _ffm(tt, xft, lw)
    out = (part[0] + part[1]).reshape(B)
    return out[:, None] + bias

# --- scband reference (transcript-rebuilt; emitter-appended) ---
"""Pipeline reference for scband-field-aware-factorization-machine-34359738503 (READ-ONLY COPY).

The authoritative reference and input builder live on the scoring server;
editing this copy changes nothing except your own understanding.
"""

import jax, jax.numpy as jnp
import numpy as np

F = 26      # number of sparse fields
CARD = 1000 # cardinality of each field
D = 16      # factor_dim
B = 4096    # batch size


def setup_inputs(seed: int = 0) -> dict:
    key = jax.random.key(seed)
    k1, k2, k3 = jax.random.split(key, 3)
    # sparse feature ids, one id per field
    x = jax.random.randint(k1, (B, F), 0, CARD)
    # field-aware embedding tables: for each field f, table of shape [CARD, F, D]
    # (each feature id has F latent factor vectors, one per opposing field)
    tables = jax.random.normal(k2, (F, CARD, F, D), dtype=jnp.float32) * 0.01
    # linear model: per-field weight of shape [CARD] plus global bias
    linear_w = jax.random.normal(k3, (F, CARD), dtype=jnp.float32) * 0.01
    bias = jnp.zeros((1,), dtype=jnp.float32)
    return {"x": x, "tables": tables, "linear_w": linear_w, "bias": bias}


def reference(x, tables, linear_w, bias):
    B_, F_ = x.shape
    field_idx = jnp.arange(F_)
    # FieldAwareEmbedFeatures: gather per-field, per-feature factor blocks
    # factors_i[b, i, j, d] = j-th factor of the feature in field i
    factors_i = tables[field_idx[None, :], x]              # [B, F, F, D]
    factors_j = jnp.transpose(factors_i, (0, 2, 1, 3))      # [B, F, F, D]
    interactions = jnp.sum(factors_i * factors_j, axis=-1)  # [B, F, F]
    # band_part(A,0,-1) - band_part(A,0,0) == strict upper triangle
    mask = jnp.triu(jnp.ones((F_, F_), dtype=interactions.dtype), k=1)
    interaction_out = jnp.sum(interactions * mask, axis=(1, 2))[:, None]  # [B, 1]
    # LinearModel: sum of per-field scalar weights + bias
    linear_out = jnp.sum(linear_w[field_idx[None, :], x], axis=1, keepdims=True) + bias  # [B, 1]
    return linear_out + interaction_out

if __name__ == "__main__":
    import jax
    _d = setup_inputs()
    print(jax.jit(kernel)(*tuple(_d.values())))

</pallas_src>

<mosaic_0001>
#map = affine_map<(d0, d1) -> (0, 0, 0, 0)>
#map1 = affine_map<(d0, d1) -> (0, 0)>
#map2 = affine_map<(d0, d1) -> (0)>
#map3 = affine_map<(d0, d1) -> (0, 0, 0)>
module attributes {stable_mosaic.version = 14 : i64} {
  func.func @_ffm_body(%arg0: i32, %arg1: i32, %arg2: memref<26x26x16x1000xf32, #tpu.memory_space<hbm>>, %arg3: memref<26x4096xi32, #tpu.memory_space<hbm>>, %arg4: memref<26000xf32, #tpu.memory_space<hbm>>, %arg5: memref<2x256x16xf32, #tpu.memory_space<hbm>>, %arg6: memref<2x2x16x1000xf32, #tpu.memory_space<vmem>>, %arg7: memref<2x2x4096xi32, #tpu.memory_space<vmem>>, %arg8: memref<256x16xf32, #tpu.memory_space<vmem>>, %arg9: memref<26x128xi32, #tpu.memory_space<vmem>>, %arg10: memref<26000xf32, #tpu.memory_space<vmem>>, %arg11: memref<256xi32, #tpu.memory_space<vmem>>, %arg12: memref<256x16xf32, #tpu.memory_space<vmem_shared>>, %arg13: memref<328xi32, #tpu.memory_space<smem>>, %arg14: memref<!tpu.dma_semaphore, #tpu.memory_space<semaphore_mem>>, %arg15: memref<!tpu.dma_semaphore, #tpu.memory_space<semaphore_mem>>) attributes {dimension_semantics = [#tpu.dimension_semantics<core_parallel>, #tpu.dimension_semantics<subcore_parallel>], iteration_bounds = array<i64: 2, 16>, scalar_prefetch = 0 : i64, scratch_operands = 10 : i64, tpu.core_type = #tpu.core_type<sc_vector_subcore>, window_params = [{transform_indices = #map}, {transform_indices = #map1}, {transform_indices = #map2}, {transform_indices = #map3}]} {
    %mul3A = arith.constant 2 : i32
    %mul3A_0 = arith.muli %arg1, %mul3A : i32
    %add3A = arith.addi %mul3A_0, %arg0 : i32
    %mul3A_1 = arith.constant 128 : i32
    %mul3A_2 = arith.muli %add3A, %mul3A_1 : i32
    %swap3A = arith.constant 1 : i32
    %swap3A_3 = arith.constant 0 : i32
    %swap3A_4 = arith.index_cast %swap3A_3 : i32 to index
    %swap3A_5 = memref.load %arg13[%swap3A_4] : memref<328xi32, #tpu.memory_space<smem>>
    memref.store %swap3A, %arg13[%swap3A_4] : memref<328xi32, #tpu.memory_space<smem>>
    %swap3A_6 = arith.constant 2 : i32
    %swap3A_7 = arith.constant 1 : i32
    %swap3A_8 = arith.index_cast %swap3A_7 : i32 to index
    %swap3A_9 = memref.load %arg13[%swap3A_8] : memref<328xi32, #tpu.memory_space<smem>>
    memref.store %swap3A_6, %arg13[%swap3A_8] : memref<328xi32, #tpu.memory_space<smem>>
    %swap3A_10 = arith.constant 3 : i32
    %swap3A_11 = arith.constant 2 : i32
    %swap3A_12 = arith.index_cast %swap3A_11 : i32 to index
    %swap3A_13 = memref.load %arg13[%swap3A_12] : memref<328xi32, #tpu.memory_space<smem>>
    memref.store %swap3A_10, %arg13[%swap3A_12] : memref<328xi32, #tpu.memory_space<smem>>
    %swap3A_14 = arith.constant 4 : i32
    %swap3A_15 = arith.constant 3 : i32
    %swap3A_16 = arith.index_cast %swap3A_15 : i32 to index
    %swap3A_17 = memref.load %arg13[%swap3A_16] : memref<328xi32, #tpu.memory_space<smem>>
    memref.store %swap3A_14, %arg13[%swap3A_16] : memref<328xi32, #tpu.memory_space<smem>>
    %swap3A_18 = arith.constant 5 : i32
    %swap3A_19 = arith.constant 4 : i32
    %swap3A_20 = arith.index_cast %swap3A_19 : i32 to index
    %swap3A_21 = memref.load %arg13[%swap3A_20] : memref<328xi32, #tpu.memory_space<smem>>
    memref.store %swap3A_18, %arg13[%swap3A_20] : memref<328xi32, #tpu.memory_space<smem>>
    %swap3A_22 = arith.constant 6 : i32
    %swap3A_23 = arith.constant 5 : i32
    %swap3A_24 = arith.index_cast %swap3A_23 : i32 to index
    %swap3A_25 = memref.load %arg13[%swap3A_24] : memref<328xi32, #tpu.memory_space<smem>>
    memref.store %swap3A_22, %arg13[%swap3A_24] : memref<328xi32, #tpu.memory_space<smem>>
    %swap3A_26 = arith.constant 7 : i32
    %swap3A_27 = arith.constant 6 : i32
    %swap3A_28 = arith.index_cast %swap3A_27 : i32 to index
    %swap3A_29 = memref.load %arg13[%swap3A_28] : memref<328xi32, #tpu.memory_space<smem>>
    memref.store %swap3A_26, %arg13[%swap3A_28] : memref<328xi32, #tpu.memory_space<smem>>
    %swap3A_30 = arith.constant 8 : i32
    %swap3A_31 = arith.constant 7 : i32
    %swap3A_32 = arith.index_cast %swap3A_31 : i32 to index
    %swap3A_33 = memref.load %arg13[%swap3A_32] : memref<328xi32, #tpu.memory_space<smem>>
    memref.store %swap3A_30, %arg13[%swap3A_32] : memref<328xi32, #tpu.memory_space<smem>>
    %swap3A_34 = arith.constant 9 : i32
    %swap3A_35 = arith.constant 8 : i32
    %swap3A_36 = arith.index_cast %swap3A_35 : i32 to index
    %swap3A_37 = memref.load %arg13[%swap3A_36] : memref<328xi32, #tpu.memory_space<smem>>
    memref.store %swap3A_34, %arg13[%swap3A_36] : memref<328xi32, #tpu.memory_space<smem>>
    %swap3A_38 = arith.constant 10 : i32
    %swap3A_39 = arith.constant 9 : i32
    %swap3A_40 = arith.index_cast %swap3A_39 : i32 to index
    %swap3A_41 = memref.load %arg13[%swap3A_40] : memref<328xi32, #tpu.memory_space<smem>>
    memref.store %swap3A_38, %arg13[%swap3A_40] : memref<328xi32, #tpu.memory_space<smem>>
    %swap3A_42 = arith.constant 11 : i32
    %swap3A_43 = arith.constant 10 : i32
    %swap3A_44 = arith.index_cast %swap3A_43 : i32 to index
    %swap3A_45 = memref.load %arg13[%swap3A_44] : memref<328xi32, #tpu.memory_space<smem>>
    memref.store %swap3A_42, %arg13[%swap3A_44] : memref<328xi32, #tpu.memory_space<smem>>
    %swap3A_46 = arith.constant 12 : i32
    %swap3A_47 = arith.constant 11 : i32
    %swap3A_48 = arith.index_cast %swap3A_47 : i32 to index
    %swap3A_49 = memref.load %arg13[%swap3A_48] : memref<328xi32, #tpu.memory_space<smem>>
    memref.store %swap3A_46, %arg13[%swap3A_48] : memref<328xi32, #tpu.memory_space<smem>>
    %swap3A_50 = arith.constant 13 : i32
    %swap3A_51 = arith.constant 12 : i32
    %swap3A_52 = arith.index_cast %swap3A_51 : i32 to index
    %swap3A_53 = memref.load %arg13[%swap3A_52] : memref<328xi32, #tpu.memory_space<smem>>
    memref.store %swap3A_50, %arg13[%swap3A_52] : memref<328xi32, #tpu.memory_space<smem>>
    %swap3A_54 = arith.constant 14 : i32
    %swap3A_55 = arith.constant 13 : i32
    %swap3A_56 = arith.index_cast %swap3A_55 : i32 to index
    %swap3A_57 = memref.load %arg13[%swap3A_56] : memref<328xi32, #tpu.memory_space<smem>>
    memref.store %swap3A_54, %arg13[%swap3A_56] : memref<328xi32, #tpu.memory_space<smem>>
    %swap3A_58 = arith.constant 15 : i32
    %swap3A_59 = arith.constant 14 : i32
    %swap3A_60 = arith.index_cast %swap3A_59 : i32 to index
    %swap3A_61 = memref.load %arg13[%swap3A_60] : memref<328xi32, #tpu.memory_space<smem>>
    memref.store %swap3A_58, %arg13[%swap3A_60] : memref<328xi32, #tpu.memory_space<smem>>
    %swap3A_62 = arith.constant 16 : i32
    %swap3A_63 = arith.constant 15 : i32
    %swap3A_64 = arith.index_cast %swap3A_63 : i32 to index
    %swap3A_65 = memref.load %arg13[%swap3A_64] : memref<328xi32, #tpu.memory_space<smem>>
    memref.store %swap3A_62, %arg13[%swap3A_64] : memref<328xi32, #tpu.memory_space<smem>>
    %swap3A_66 = arith.constant 17 : i32
    %swap3A_67 = arith.constant 16 : i32
    %swap3A_68 = arith.index_cast %swap3A_67 : i32 to index
    %swap3A_69 = memref.load %arg13[%swap3A_68] : memref<328xi32, #tpu.memory_space<smem>>
    memref.store %swap3A_66, %arg13[%swap3A_68] : memref<328xi32, #tpu.memory_space<smem>>
    %swap3A_70 = arith.constant 18 : i32
    %swap3A_71 = arith.constant 17 : i32
    %swap3A_72 = arith.index_cast %swap3A_71 : i32 to index
    %swap3A_73 = memref.load %arg13[%swap3A_72] : memref<328xi32, #tpu.memory_space<smem>>
    memref.store %swap3A_70, %arg13[%swap3A_72] : memref<328xi32, #tpu.memory_space<smem>>
    %swap3A_74 = arith.constant 19 : i32
    %swap3A_75 = arith.constant 18 : i32
    %swap3A_76 = arith.index_cast %swap3A_75 : i32 to index
    %swap3A_77 = memref.load %arg13[%swap3A_76] : memref<328xi32, #tpu.memory_space<smem>>
    memref.store %swap3A_74, %arg13[%swap3A_76] : memref<328xi32, #tpu.memory_space<smem>>
    %swap3A_78 = arith.constant 20 : i32
    %swap3A_79 = arith.constant 19 : i32
    %swap3A_80 = arith.index_cast %swap3A_79 : i32 to index
    %swap3A_81 = memref.load %arg13[%swap3A_80] : memref<328xi32, #tpu.memory_space<smem>>
    memref.store %swap3A_78, %arg13[%swap3A_80] : memref<328xi32, #tpu.memory_space<smem>>
    %swap3A_82 = arith.constant 21 : i32
    %swap3A_83 = arith.constant 20 : i32
    %swap3A_84 = arith.index_cast %swap3A_83 : i32 to index
    %swap3A_85 = memref.load %arg13[%swap3A_84] : memref<328xi32, #tpu.memory_space<smem>>
    memref.store %swap3A_82, %arg13[%swap3A_84] : memref<328xi32, #tpu.memory_space<smem>>
    %swap3A_86 = arith.constant 22 : i32
    %swap3A_87 = arith.constant 21 : i32
    %swap3A_88 = arith.index_cast %swap3A_87 : i32 to index
    %swap3A_89 = memref.load %arg13[%swap3A_88] : memref<328xi32, #tpu.memory_space<smem>>
    memref.store %swap3A_86, %arg13[%swap3A_88] : memref<328xi32, #tpu.memory_space<smem>>
    %swap3A_90 = arith.constant 23 : i32
    %swap3A_91 = arith.constant 22 : i32
    %swap3A_92 = arith.index_cast %swap3A_91 : i32 to index
    %swap3A_93 = memref.load %arg13[%swap3A_92] : memref<328xi32, #tpu.memory_space<smem>>
    memref.store %swap3A_90, %arg13[%swap3A_92] : memref<328xi32, #tpu.memory_space<smem>>
    %swap3A_94 = arith.constant 24 : i32
    %swap3A_95 = arith.constant 23 : i32
    %swap3A_96 = arith.index_cast %swap3A_95 : i32 to index
    %swap3A_97 = memref.load %arg13[%swap3A_96] : memref<328xi32, #tpu.memory_space<smem>>
    memref.store %swap3A_94, %arg13[%swap3A_96] : memref<328xi32, #tpu.memory_space<smem>>
    %swap3A_98 = arith.constant 25 : i32
    %swap3A_99 = arith.constant 24 : i32
    %swap3A_100 = arith.index_cast %swap3A_99 : i32 to index
    %swap3A_101 = memref.load %arg13[%swap3A_100] : memref<328xi32, #tpu.memory_space<smem>>
    memref.store %swap3A_98, %arg13[%swap3A_100] : memref<328xi32, #tpu.memory_space<smem>>
    %swap3A_102 = arith.constant 34 : i32
    %swap3A_103 = arith.constant 25 : i32
    %swap3A_104 = arith.index_cast %swap3A_103 : i32 to index
    %swap3A_105 = memref.load %arg13[%swap3A_104] : memref<328xi32, #tpu.memory_space<smem>>
    memref.store %swap3A_102, %arg13[%swap3A_104] : memref<328xi32, #tpu.memory_space<smem>>
    %swap3A_106 = arith.constant 35 : i32
    %swap3A_107 = arith.constant 26 : i32
    %swap3A_108 = arith.index_cast %swap3A_107 : i32 to index
    %swap3A_109 = memref.load %arg13[%swap3A_108] : memref<328xi32, #tpu.memory_space<smem>>
    memref.store %swap3A_106, %arg13[%swap3A_108] : memref<328xi32, #tpu.memory_space<smem>>
    %swap3A_110 = arith.constant 36 : i32
    %swap3A_111 = arith.constant 27 : i32
    %swap3A_112 = arith.index_cast %swap3A_111 : i32 to index
    %swap3A_113 = memref.load %arg13[%swap3A_112] : memref<328xi32, #tpu.memory_space<smem>>
    memref.store %swap3A_110, %arg13[%swap3A_112] : memref<328xi32, #tpu.memory_space<smem>>
    %swap3A_114 = arith.constant 37 : i32
    %swap3A_115 = arith.constant 28 : i32
    %swap3A_116 = arith.index_cast %swap3A_115 : i32 to index
    %swap3A_117 = memref.load %arg13[%swap3A_116] : memref<328xi32, #tpu.memory_space<smem>>
    memref.store %swap3A_114, %arg13[%swap3A_116] : memref<328xi32, #tpu.memory_space<smem>>
    %swap3A_118 = arith.constant 38 : i32
    %swap3A_119 = arith.constant 29 : i32
    %swap3A_120 = arith.index_cast %swap3A_119 : i32 to index
    %swap3A_121 = memref.load %arg13[%swap3A_120] : memref<328xi32, #tpu.memory_space<smem>>
    memref.store %swap3A_118, %arg13[%swap3A_120] : memref<328xi32, #tpu.memory_space<smem>>
    %swap3A_122 = arith.constant 39 : i32
    %swap3A_123 = arith.constant 30 : i32
    %swap3A_124 = arith.index_cast %swap3A_123 : i32 to index
    %swap3A_125 = memref.load %arg13[%swap3A_124] : memref<328xi32, #tpu.memory_space<smem>>
    memref.store %swap3A_122, %arg13[%swap3A_124] : memref<328xi32, #tpu.memory_space<smem>>
    %swap3A_126 = arith.constant 40 : i32
    %swap3A_127 = arith.constant 31 : i32
    %swap3A_128 = arith.index_cast %swap3A_127 : i32 to index
    %swap3A_129 = memref.load %arg13[%swap3A_128] : memref<328xi32, #tpu.memory_space<smem>>
    memref.store %swap3A_126, %arg13[%swap3A_128] : memref<328xi32, #tpu.memory_space<smem>>
    %swap3A_130 = arith.constant 41 : i32
    %swap3A_131 = arith.constant 32 : i32
    %swap3A_132 = arith.index_cast %swap3A_131 : i32 to index
    %swap3A_133 = memref.load %arg13[%swap3A_132] : memref<328xi32, #tpu.memory_space<smem>>
    memref.store %swap3A_130, %arg13[%swap3A_132] : memref<328xi32, #tpu.memory_space<smem>>
    %swap3A_134 = arith.constant 42 : i32
    %swap3A_135 = arith.constant 33 : i32
    %swap3A_136 = arith.index_cast %swap3A_135 : i32 to index
    %swap3A_137 = memref.load %arg13[%swap3A_136] : memref<328xi32, #tpu.memory_space<smem>>
    memref.store %swap3A_134, %arg13[%swap3A_136] : memref<328xi32, #tpu.memory_space<smem>>
    %swap3A_138 = arith.constant 43 : i32
    %swap3A_139 = arith.constant 34 : i32
    %swap3A_140 = arith.index_cast %swap3A_139 : i32 to index
    %swap3A_141 = memref.load %arg13[%swap3A_140] : memref<328xi32, #tpu.memory_space<smem>>
    memref.store %swap3A_138, %arg13[%swap3A_140] : memref<328xi32, #tpu.memory_space<smem>>
    %swap3A_142 = arith.constant 44 : i32
    %swap3A_143 = arith.constant 35 : i32
    %swap3A_144 = arith.index_cast %swap3A_143 : i32 to index
    %swap3A_145 = memref.load %arg13[%swap3A_144] : memref<328xi32, #tpu.memory_space<smem>>
    memref.store %swap3A_142, %arg13[%swap3A_144] : memref<328xi32, #tpu.memory_space<smem>>
    %swap3A_146 = arith.constant 45 : i32
    %swap3A_147 = arith.constant 36 : i32
    %swap3A_148 = arith.index_cast %swap3A_147 : i32 to index
    %swap3A_149 = memref.load %arg13[%swap3A_148] : memref<328xi32, #tpu.memory_space<smem>>
    memref.store %swap3A_146, %arg13[%swap3A_148] : memref<328xi32, #tpu.memory_space<smem>>
    %swap3A_150 = arith.constant 46 : i32
    %swap3A_151 = arith.constant 37 : i32
    %swap3A_152 = arith.index_cast %swap3A_151 : i32 to index
    %swap3A_153 = memref.load %arg13[%swap3A_152] : memref<328xi32, #tpu.memory_space<smem>>
    memref.store %swap3A_150, %arg13[%swap3A_152] : memref<328xi32, #tpu.memory_space<smem>>
    %swap3A_154 = arith.constant 47 : i32
    %swap3A_155 = arith.constant 38 : i32
    %swap3A_156 = arith.index_cast %swap3A_155 : i32 to index
    %swap3A_157 = memref.load %arg13[%swap3A_156] : memref<328xi32, #tpu.memory_space<smem>>
    memref.store %swap3A_154, %arg13[%swap3A_156] : memref<328xi32, #tpu.memory_space<smem>>
    %swap3A_158 = arith.constant 48 : i32
    %swap3A_159 = arith.constant 39 : i32
    %swap3A_160 = arith.index_cast %swap3A_159 : i32 to index
    %swap3A_161 = memref.load %arg13[%swap3A_160] : memref<328xi32, #tpu.memory_space<smem>>
    memref.store %swap3A_158, %arg13[%swap3A_160] : memref<328xi32, #tpu.memory_space<smem>>
    %swap3A_162 = arith.constant 49 : i32
    %swap3A_163 = arith.constant 40 : i32
    %swap3A_164 = arith.index_cast %swap3A_163 : i32 to index
    %swap3A_165 = memref.load %arg13[%swap3A_164] : memref<328xi32, #tpu.memory_space<smem>>
    memref.store %swap3A_162, %arg13[%swap3A_164] : memref<328xi32, #tpu.memory_space<smem>>
    %swap3A_166 = arith.constant 50 : i32
    %swap3A_167 = arith.constant 41 : i32
    %swap3A_168 = arith.index_cast %swap3A_167 : i32 to index
    %swap3A_169 = memref.load %arg13[%swap3A_168] : memref<328xi32, #tpu.memory_space<smem>>
    memref.store %swap3A_166, %arg13[%swap3A_168] : memref<328xi32, #tpu.memory_space<smem>>
    %swap3A_170 = arith.constant 51 : i32
    %swap3A_171 = arith.constant 42 : i32
    %swap3A_172 = arith.index_cast %swap3A_171 : i32 to index
    %swap3A_173 = memref.load %arg13[%swap3A_172] : memref<328xi32, #tpu.memory_space<smem>>
    memref.store %swap3A_170, %arg13[%swap3A_172] : memref<328xi32, #tpu.memory_space<smem>>
    %swap3A_174 = arith.constant 52 : i32
    %swap3A_175 = arith.constant 43 : i32
    %swap3A_176 = arith.index_cast %swap3A_175 : i32 to index
    %swap3A_177 = memref.load %arg13[%swap3A_176] : memref<328xi32, #tpu.memory_space<smem>>
    memref.store %swap3A_174, %arg13[%swap3A_176] : memref<328xi32, #tpu.memory_space<smem>>
    %swap3A_178 = arith.constant 53 : i32
    %swap3A_179 = arith.constant 44 : i32
    %swap3A_180 = arith.index_cast %swap3A_179 : i32 to index
    %swap3A_181 = memref.load %arg13[%swap3A_180] : memref<328xi32, #tpu.memory_space<smem>>
    memref.store %swap3A_178, %arg13[%swap3A_180] : memref<328xi32, #tpu.memory_space<smem>>
    %swap3A_182 = arith.constant 54 : i32
    %swap3A_183 = arith.constant 45 : i32
    %swap3A_184 = arith.index_cast %swap3A_183 : i32 to index
    %swap3A_185 = memref.load %arg13[%swap3A_184] : memref<328xi32, #tpu.memory_space<smem>>
    memref.store %swap3A_182, %arg13[%swap3A_184] : memref<328xi32, #tpu.memory_space<smem>>
    %swap3A_186 = arith.constant 55 : i32
    %swap3A_187 = arith.constant 46 : i32
    %swap3A_188 = arith.index_cast %swap3A_187 : i32 to index
    %swap3A_189 = memref.load %arg13[%swap3A_188] : memref<328xi32, #tpu.memory_space<smem>>
    memref.store %swap3A_186, %arg13[%swap3A_188] : memref<328xi32, #tpu.memory_space<smem>>
    %swap3A_190 = arith.constant 56 : i32
    %swap3A_191 = arith.constant 47 : i32
    %swap3A_192 = arith.index_cast %swap3A_191 : i32 to index
    %swap3A_193 = memref.load %arg13[%swap3A_192] : memref<328xi32, #tpu.memory_space<smem>>
    memref.store %swap3A_190, %arg13[%swap3A_192] : memref<328xi32, #tpu.memory_space<smem>>
    %swap3A_194 = arith.constant 57 : i32
    %swap3A_195 = arith.constant 48 : i32
    %swap3A_196 = arith.index_cast %swap3A_195 : i32 to index
    %swap3A_197 = memref.load %arg13[%swap3A_196] : memref<328xi32, #tpu.memory_space<smem>>
    memref.store %swap3A_194, %arg13[%swap3A_196] : memref<328xi32, #tpu.memory_space<smem>>
    %swap3A_198 = arith.constant 67 : i32
    %swap3A_199 = arith.constant 49 : i32
    %swap3A_200 = arith.index_cast %swap3A_199 : i32 to index
    %swap3A_201 = memref.load %arg13[%swap3A_200] : memref<328xi32, #tpu.memory_space<smem>>
    memref.store %swap3A_198, %arg13[%swap3A_200] : memref<328xi32, #tpu.memory_space<smem>>
    %swap3A_202 = arith.constant 68 : i32
    %swap3A_203 = arith.constant 50 : i32
    %swap3A_204 = arith.index_cast %swap3A_203 : i32 to index
    %swap3A_205 = memref.load %arg13[%swap3A_204] : memref<328xi32, #tpu.memory_space<smem>>
    memref.store %swap3A_202, %arg13[%swap3A_204] : memref<328xi32, #tpu.memory_space<smem>>
    %swap3A_206 = arith.constant 69 : i32
    %swap3A_207 = arith.constant 51 : i32
    %swap3A_208 = arith.index_cast %swap3A_207 : i32 to index
    %swap3A_209 = memref.load %arg13[%swap3A_208] : memref<328xi32, #tpu.memory_space<smem>>
    memref.store %swap3A_206, %arg13[%swap3A_208] : memref<328xi32, #tpu.memory_space<smem>>
    %swap3A_210 = arith.constant 70 : i32
    %swap3A_211 = arith.constant 52 : i32
    %swap3A_212 = arith.index_cast %swap3A_211 : i32 to index
    %swap3A_213 = memref.load %arg13[%swap3A_212] : memref<328xi32, #tpu.memory_space<smem>>
    memref.store %swap3A_210, %arg13[%swap3A_212] : memref<328xi32, #tpu.memory_space<smem>>
    %swap3A_214 = arith.constant 71 : i32
    %swap3A_215 = arith.constant 53 : i32
    %swap3A_216 = arith.index_cast %swap3A_215 : i32 to index
    %swap3A_217 = memref.load %arg13[%swap3A_216] : memref<328xi32, #tpu.memory_space<smem>>
    memref.store %swap3A_214, %arg13[%swap3A_216] : memref<328xi32, #tpu.memory_space<smem>>
    %swap3A_218 = arith.constant 72 : i32
    %swap3A_219 = arith.constant 54 : i32
    %swap3A_220 = arith.index_cast %swap3A_219 : i32 to index
    %swap3A_221 = memref.load %arg13[%swap3A_220] : memref<328xi32, #tpu.memory_space<smem>>
    memref.store %swap3A_218, %arg13[%swap3A_220] : memref<328xi32, #tpu.memory_space<smem>>
    %swap3A_222 = arith.constant 73 : i32
    %swap3A_223 = arith.constant 55 : i32
    %swap3A_224 = arith.index_cast %swap3A_223 : i32 to index
    %swap3A_225 = memref.load %arg13[%swap3A_224] : memref<328xi32, #tpu.memory_space<smem>>
    memref.store %swap3A_222, %arg13[%swap3A_224] : memref<328xi32, #tpu.memory_space<smem>>
    %swap3A_226 = arith.constant 74 : i32
    %swap3A_227 = arith.constant 56 : i32
    %swap3A_228 = arith.index_cast %swap3A_227 : i32 to index
    %swap3A_229 = memref.load %arg13[%swap3A_228] : memref<328xi32, #tpu.memory_space<smem>>
    memref.store %swap3A_226, %arg13[%swap3A_228] : memref<328xi32, #tpu.memory_space<smem>>
    %swap3A_230 = arith.constant 75 : i32
    %swap3A_231 = arith.constant 57 : i32
    %swap3A_232 = arith.index_cast %swap3A_231 : i32 to index
    %swap3A_233 = memref.load %arg13[%swap3A_232] : memref<328xi32, #tpu.memory_space<smem>>
    memref.store %swap3A_230, %arg13[%swap3A_232] : memref<328xi32, #tpu.memory_space<smem>>
    %swap3A_234 = arith.constant 76 : i32
    %swap3A_235 = arith.constant 58 : i32
    %swap3A_236 = arith.index_cast %swap3A_235 : i32 to index
    %swap3A_237 = memref.load %arg13[%swap3A_236] : memref<328xi32, #tpu.memory_space<smem>>
    memref.store %swap3A_234, %arg13[%swap3A_236] : memref<328xi32, #tpu.memory_space<smem>>
    %swap3A_238 = arith.constant 77 : i32
    %swap3A_239 = arith.constant 59 : i32
    %swap3A_240 = arith.index_cast %swap3A_239 : i32 to index
    %swap3A_241 = memref.load %arg13[%swap3A_240] : memref<328xi32, #tpu.memory_space<smem>>
    memref.store %swap3A_238, %arg13[%swap3A_240] : memref<328xi32, #tpu.memory_space<smem>>
    %swap3A_242 = arith.constant 78 : i32
    %swap3A_243 = arith.constant 60 : i32
    %swap3A_244 = arith.index_cast %swap3A_243 : i32 to index
    %swap3A_245 = memref.load %arg13[%swap3A_244] : memref<328xi32, #tpu.memory_space<smem>>
    memref.store %swap3A_242, %arg13[%swap3A_244] : memref<328xi32, #tpu.memory_space<smem>>
    %swap3A_246 = arith.constant 79 : i32
    %swap3A_247 = arith.constant 61 : i32
    %swap3A_248 = arith.index_cast %swap3A_247 : i32 to index
    %swap3A_249 = memref.load %arg13[%swap3A_248] : memref<328xi32, #tpu.memory_space<smem>>
    memref.store %swap3A_246, %arg13[%swap3A_248] : memref<328xi32, #tpu.memory_space<smem>>
    %swap3A_250 = arith.constant 80 : i32
    %swap3A_251 = arith.constant 62 : i32
    %swap3A_252 = arith.index_cast %swap3A_251 : i32 to index
    %swap3A_253 = memref.load %arg13[%swap3A_252] : memref<328xi32, #tpu.memory_space<smem>>
    memref.store %swap3A_250, %arg13[%swap3A_252] : memref<328xi32, #tpu.memory_space<smem>>
    %swap3A_254 = arith.constant 81 : i32
    %swap3A_255 = arith.constant 63 : i32
    %swap3A_256 = arith.index_cast %swap3A_255 : i32 to index
    %swap3A_257 = memref.load %arg13[%swap3A_256] : memref<328xi32, #tpu.memory_space<smem>>
    memref.store %swap3A_254, %arg13[%swap3A_256] : memref<328xi32, #tpu.memory_space<smem>>
    %swap3A_258 = arith.constant 82 : i32
    %swap3A_259 = arith.constant 64 : i32
    %swap3A_260 = arith.index_cast %swap3A_259 : i32 to index
    %swap3A_261 = memref.load %arg13[%swap3A_260] : memref<328xi32, #tpu.memory_space<smem>>
    memref.store %swap3A_258, %arg13[%swap3A_260] : memref<328xi32, #tpu.memory_space<smem>>
    %swap3A_262 = arith.constant 83 : i32
    %swap3A_263 = arith.constant 65 : i32
    %swap3A_264 = arith.index_cast %swap3A_263 : i32 to index
    %swap3A_265 = memref.load %arg13[%swap3A_264] : memref<328xi32, #tpu.memory_space<smem>>
    memref.store %swap3A_262, %arg13[%swap3A_264] : memref<328xi32, #tpu.memory_space<smem>>
    %swap3A_266 = arith.constant 84 : i32
    %swap3A_267 = arith.constant 66 : i32
    %swap3A_268 = arith.index_cast %swap3A_267 : i32 to index
    %swap3A_269 = memref.load %arg13[%swap3A_268] : memref<328xi32, #tpu.memory_space<smem>>
    memref.store %swap3A_266, %arg13[%swap3A_268] : memref<328xi32, #tpu.memory_space<smem>>
    %swap3A_270 = arith.constant 85 : i32
    %swap3A_271 = arith.constant 67 : i32
    %swap3A_272 = arith.index_cast %swap3A_271 : i32 to index
    %swap3A_273 = memref.load %arg13[%swap3A_272] : memref<328xi32, #tpu.memory_space<smem>>
    memref.store %swap3A_270, %arg13[%swap3A_272] : memref<328xi32, #tpu.memory_space<smem>>
    %swap3A_274 = arith.constant 86 : i32
    %swap3A_275 = arith.constant 68 : i32
    %swap3A_276 = arith.index_cast %swap3A_275 : i32 to index
    %swap3A_277 = memref.load %arg13[%swap3A_276] : memref<328xi32, #tpu.memory_space<smem>>
    memref.store %swap3A_274, %arg13[%swap3A_276] : memref<328xi32, #tpu.memory_space<smem>>
    %swap3A_278 = arith.constant 87 : i32
    %swap3A_279 = arith.constant 69 : i32
    %swap3A_280 = arith.index_cast %swap3A_279 : i32 to index
    %swap3A_281 = memref.load %arg13[%swap3A_280] : memref<328xi32, #tpu.memory_space<smem>>
    memref.store %swap3A_278, %arg13[%swap3A_280] : memref<328xi32, #tpu.memory_space<smem>>
    %swap3A_282 = arith.constant 88 : i32
    %swap3A_283 = arith.constant 70 : i32
    %swap3A_284 = arith.index_cast %swap3A_283 : i32 to index
    %swap3A_285 = memref.load %arg13[%swap3A_284] : memref<328xi32, #tpu.memory_space<smem>>
    memref.store %swap3A_282, %arg13[%swap3A_284] : memref<328xi32, #tpu.memory_space<smem>>
    %swap3A_286 = arith.constant 89 : i32
    %swap3A_287 = arith.constant 71 : i32
    %swap3A_288 = arith.index_cast %swap3A_287 : i32 to index
    %swap3A_289 = memref.load %arg13[%swap3A_288] : memref<328xi32, #tpu.memory_space<smem>>
    memref.store %swap3A_286, %arg13[%swap3A_288] : memref<328xi32, #tpu.memory_space<smem>>
    %swap3A_290 = arith.constant 100 : i32
    %swap3A_291 = arith.constant 72 : i32
    %swap3A_292 = arith.index_cast %swap3A_291 : i32 to index
    %swap3A_293 = memref.load %arg13[%swap3A_292] : memref<328xi32, #tpu.memory_space<smem>>
    memref.store %swap3A_290, %arg13[%swap3A_292] : memref<328xi32, #tpu.memory_space<smem>>
    %swap3A_294 = arith.constant 101 : i32
    %swap3A_295 = arith.constant 73 : i32
    %swap3A_296 = arith.index_cast %swap3A_295 : i32 to index
    %swap3A_297 = memref.load %arg13[%swap3A_296] : memref<328xi32, #tpu.memory_space<smem>>
    memref.store %swap3A_294, %arg13[%swap3A_296] : memref<328xi32, #tpu.memory_space<smem>>
    %swap3A_298 = arith.constant 102 : i32
    %swap3A_299 = arith.constant 74 : i32
    %swap3A_300 = arith.index_cast %swap3A_299 : i32 to index
    %swap3A_301 = memref.load %arg13[%swap3A_300] : memref<328xi32, #tpu.memory_space<smem>>
    memref.store %swap3A_298, %arg13[%swap3A_300] : memref<328xi32, #tpu.memory_space<smem>>
    %swap3A_302 = arith.constant 103 : i32
    %swap3A_303 = arith.constant 75 : i32
    %swap3A_304 = arith.index_cast %swap3A_303 : i32 to index
    %swap3A_305 = memref.load %arg13[%swap3A_304] : memref<328xi32, #tpu.memory_space<smem>>
    memref.store %swap3A_302, %arg13[%swap3A_304] : memref<328xi32, #tpu.memory_space<smem>>
    %swap3A_306 = arith.constant 104 : i32
    %swap3A_307 = arith.constant 76 : i32
    %swap3A_308 = arith.index_cast %swap3A_307 : i32 to index
    %swap3A_309 = memref.load %arg13[%swap3A_308] : memref<328xi32, #tpu.memory_space<smem>>
    memref.store %swap3A_306, %arg13[%swap3A_308] : memref<328xi32, #tpu.memory_space<smem>>
    %swap3A_310 = arith.constant 105 : i32
    %swap3A_311 = arith.constant 77 : i32
    %swap3A_312 = arith.index_cast %swap3A_311 : i32 to index
    %swap3A_313 = memref.load %arg13[%swap3A_312] : memref<328xi32, #tpu.memory_space<smem>>
    memref.store %swap3A_310, %arg13[%swap3A_312] : memref<328xi32, #tpu.memory_space<smem>>
    %swap3A_314 = arith.constant 106 : i32
    %swap3A_315 = arith.constant 78 : i32
    %swap3A_316 = arith.index_cast %swap3A_315 : i32 to index
    %swap3A_317 = memref.load %arg13[%swap3A_316] : memref<328xi32, #tpu.memory_space<smem>>
    memref.store %swap3A_314, %arg13[%swap3A_316] : memref<328xi32, #tpu.memory_space<smem>>
    %swap3A_318 = arith.constant 107 : i32
    %swap3A_319 = arith.constant 79 : i32
    %swap3A_320 = arith.index_cast %swap3A_319 : i32 to index
    %swap3A_321 = memref.load %arg13[%swap3A_320] : memref<328xi32, #tpu.memory_space<smem>>
    memref.store %swap3A_318, %arg13[%swap3A_320] : memref<328xi32, #tpu.memory_space<smem>>
    %swap3A_322 = arith.constant 108 : i32
    %swap3A_323 = arith.constant 80 : i32
    %swap3A_324 = arith.index_cast %swap3A_323 : i32 to index
    %swap3A_325 = memref.load %arg13[%swap3A_324] : memref<328xi32, #tpu.memory_space<smem>>
    memref.store %swap3A_322, %arg13[%swap3A_324] : memref<328xi32, #tpu.memory_space<smem>>
    %swap3A_326 = arith.constant 109 : i32
    %swap3A_327 = arith.constant 81 : i32
    %swap3A_328 = arith.index_cast %swap3A_327 : i32 to index
    %swap3A_329 = memref.load %arg13[%swap3A_328] : memref<328xi32, #tpu.memory_space<smem>>
    memref.store %swap3A_326, %arg13[%swap3A_328] : memref<328xi32, #tpu.memory_space<smem>>
    %swap3A_330 = arith.constant 110 : i32
    %swap3A_331 = arith.constant 82 : i32
    %swap3A_332 = arith.index_cast %swap3A_331 : i32 to index
    %swap3A_333 = memref.load %arg13[%swap3A_332] : memref<328xi32, #tpu.memory_space<smem>>
    memref.store %swap3A_330, %arg13[%swap3A_332] : memref<328xi32, #tpu.memory_space<smem>>
    %swap3A_334 = arith.constant 111 : i32
    %swap3A_335 = arith.constant 83 : i32
    %swap3A_336 = arith.index_cast %swap3A_335 : i32 to index
    %swap3A_337 = memref.load %arg13[%swap3A_336] : memref<328xi32, #tpu.memory_space<smem>>
    memref.store %swap3A_334, %arg13[%swap3A_336] : memref<328xi32, #tpu.memory_space<smem>>
    %swap3A_338 = arith.constant 112 : i32
    %swap3A_339 = arith.constant 84 : i32
    %swap3A_340 = arith.index_cast %swap3A_339 : i32 to index
    %swap3A_341 = memref.load %arg13[%swap3A_340] : memref<328xi32, #tpu.memory_space<smem>>
    memref.store %swap3A_338, %arg13[%swap3A_340] : memref<328xi32, #tpu.memory_space<smem>>
    %swap3A_342 = arith.constant 113 : i32
    %swap3A_343 = arith.constant 85 : i32
    %swap3A_344 = arith.index_cast %swap3A_343 : i32 to index
    %swap3A_345 = memref.load %arg13[%swap3A_344] : memref<328xi32, #tpu.memory_space<smem>>
    memref.store %swap3A_342, %arg13[%swap3A_344] : memref<328xi32, #tpu.memory_space<smem>>
    %swap3A_346 = arith.constant 114 : i32
    %swap3A_347 = arith.constant 86 : i32
    %swap3A_348 = arith.index_cast %swap3A_347 : i32 to index
    %swap3A_349 = memref.load %arg13[%swap3A_348] : memref<328xi32, #tpu.memory_space<smem>>
    memref.store %swap3A_346, %arg13[%swap3A_348] : memref<328xi32, #tpu.memory_space<smem>>
    %swap3A_350 = arith.constant 115 : i32
    %swap3A_351 = arith.constant 87 : i32
    %swap3A_352 = arith.index_cast %swap3A_351 : i32 to index
    %swap3A_353 = memref.load %arg13[%swap3A_352] : memref<328xi32, #tpu.memory_space<smem>>
    memref.store %swap3A_350, %arg13[%swap3A_352] : memref<328xi32, #tpu.memory_space<smem>>
    %swap3A_354 = arith.constant 116 : i32
    %swap3A_355 = arith.constant 88 : i32
    %swap3A_356 = arith.index_cast %swap3A_355 : i32 to index
    %swap3A_357 = memref.load %arg13[%swap3A_356] : memref<328xi32, #tpu.memory_space<smem>>
    memref.store %swap3A_354, %arg13[%swap3A_356] : memref<328xi32, #tpu.memory_space<smem>>
    %swap3A_358 = arith.constant 117 : i32
    %swap3A_359 = arith.constant 89 : i32
    %swap3A_360 = arith.index_cast %swap3A_359 : i32 to index
    %swap3A_361 = memref.load %arg13[%swap3A_360] : memref<328xi32, #tpu.memory_space<smem>>
    memref.store %swap3A_358, %arg13[%swap3A_360] : memref<328xi32, #tpu.memory_space<smem>>
    %swap3A_362 = arith.constant 118 : i32
    %swap3A_363 = arith.constant 90 : i32
    %swap3A_364 = arith.index_cast %swap3A_363 : i32 to index
    %swap3A_365 = memref.load %arg13[%swap3A_364] : memref<328xi32, #tpu.memory_space<smem>>
    memref.store %swap3A_362, %arg13[%swap3A_364] : memref<328xi32, #tpu.memory_space<smem>>
    %swap3A_366 = arith.constant 119 : i32
    %swap3A_367 = arith.constant 91 : i32
    %swap3A_368 = arith.index_cast %swap3A_367 : i32 to index
    %swap3A_369 = memref.load %arg13[%swap3A_368] : memref<328xi32, #tpu.memory_space<smem>>
    memref.store %swap3A_366, %arg13[%swap3A_368] : memref<328xi32, #tpu.memory_space<smem>>
    %swap3A_370 = arith.constant 120 : i32
    %swap3A_371 = arith.constant 92 : i32
    %swap3A_372 = arith.index_cast %swap3A_371 : i32 to index
    %swap3A_373 = memref.load %arg13[%swap3A_372] : memref<328xi32, #tpu.memory_space<smem>>
    memref.store %swap3A_370, %arg13[%swap3A_372] : memref<328xi32, #tpu.memory_space<smem>>
    %swap3A_374 = arith.constant 121 : i32
    %swap3A_375 = arith.constant 93 : i32
    %swap3A_376 = arith.index_cast %swap3A_375 : i32 to index
    %swap3A_377 = memref.load %arg13[%swap3A_376] : memref<328xi32, #tpu.memory_space<smem>>
    memref.store %swap3A_374, %arg13[%swap3A_376] : memref<328xi32, #tpu.memory_space<smem>>
    %swap3A_378 = arith.constant 133 : i32
    %swap3A_379 = arith.constant 94 : i32
    %swap3A_380 = arith.index_cast %swap3A_379 : i32 to index
    %swap3A_381 = memref.load %arg13[%swap3A_380] : memref<328xi32, #tpu.memory_space<smem>>
    memref.store %swap3A_378, %arg13[%swap3A_380] : memref<328xi32, #tpu.memory_space<smem>>
    %swap3A_382 = arith.constant 134 : i32
    %swap3A_383 = arith.constant 95 : i32
    %swap3A_384 = arith.index_cast %swap3A_383 : i32 to index
    %swap3A_385 = memref.load %arg13[%swap3A_384] : memref<328xi32, #tpu.memory_space<smem>>
    memref.store %swap3A_382, %arg13[%swap3A_384] : memref<328xi32, #tpu.memory_space<smem>>
    %swap3A_386 = arith.constant 135 : i32
    %swap3A_387 = arith.constant 96 : i32
    %swap3A_388 = arith.index_cast %swap3A_387 : i32 to index
    %swap3A_389 = memref.load %arg13[%swap3A_388] : memref<328xi32, #tpu.memory_space<smem>>
    memref.store %swap3A_386, %arg13[%swap3A_388] : memref<328xi32, #tpu.memory_space<smem>>
    %swap3A_390 = arith.constant 136 : i32
    %swap3A_391 = arith.constant 97 : i32
    %swap3A_392 = arith.index_cast %swap3A_391 : i32 to index
    %swap3A_393 = memref.load %arg13[%swap3A_392] : memref<328xi32, #tpu.memory_space<smem>>
    memref.store %swap3A_390, %arg13[%swap3A_392] : memref<328xi32, #tpu.memory_space<smem>>
    %swap3A_394 = arith.constant 137 : i32
    %swap3A_395 = arith.constant 98 : i32
    %swap3A_396 = arith.index_cast %swap3A_395 : i32 to index
    %swap3A_397 = memref.load %arg13[%swap3A_396] : memref<328xi32, #tpu.memory_space<smem>>
    memref.store %swap3A_394, %arg13[%swap3A_396] : memref<328xi32, #tpu.memory_space<smem>>
    %swap3A_398 = arith.constant 138 : i32
    %swap3A_399 = arith.constant 99 : i32
    %swap3A_400 = arith.index_cast %swap3A_399 : i32 to index
    %swap3A_401 = memref.load %arg13[%swap3A_400] : memref<328xi32, #tpu.memory_space<smem>>
    memref.store %swap3A_398, %arg13[%swap3A_400] : memref<328xi32, #tpu.memory_space<smem>>
    %swap3A_402 = arith.constant 139 : i32
    %swap3A_403 = arith.constant 100 : i32
    %swap3A_404 = arith.index_cast %swap3A_403 : i32 to index
    %swap3A_405 = memref.load %arg13[%swap3A_404] : memref<328xi32, #tpu.memory_space<smem>>
    memref.store %swap3A_402, %arg13[%swap3A_404] : memref<328xi32, #tpu.memory_space<smem>>
    %swap3A_406 = arith.constant 140 : i32
    %swap3A_407 = arith.constant 101 : i32
    %swap3A_408 = arith.index_cast %swap3A_407 : i32 to index
    %swap3A_409 = memref.load %arg13[%swap3A_408] : memref<328xi32, #tpu.memory_space<smem>>
    memref.store %swap3A_406, %arg13[%swap3A_408] : memref<328xi32, #tpu.memory_space<smem>>
    %swap3A_410 = arith.constant 141 : i32
    %swap3A_411 = arith.constant 102 : i32
    %swap3A_412 = arith.index_cast %swap3A_411 : i32 to index
    %swap3A_413 = memref.load %arg13[%swap3A_412] : memref<328xi32, #tpu.memory_space<smem>>
    memref.store %swap3A_410, %arg13[%swap3A_412] : memref<328xi32, #tpu.memory_space<smem>>
    %swap3A_414 = arith.constant 142 : i32
    %swap3A_415 = arith.constant 103 : i32
    %swap3A_416 = arith.index_cast %swap3A_415 : i32 to index
    %swap3A_417 = memref.load %arg13[%swap3A_416] : memref<328xi32, #tpu.memory_space<smem>>
    memref.store %swap3A_414, %arg13[%swap3A_416] : memref<328xi32, #tpu.memory_space<smem>>
    %swap3A_418 = arith.constant 143 : i32
    %swap3A_419 = arith.constant 104 : i32
    %swap3A_420 = arith.index_cast %swap3A_419 : i32 to index
    %swap3A_421 = memref.load %arg13[%swap3A_420] : memref<328xi32, #tpu.memory_space<smem>>
    memref.store %swap3A_418, %arg13[%swap3A_420] : memref<328xi32, #tpu.memory_space<smem>>
    %swap3A_422 = arith.constant 144 : i32
    %swap3A_423 = arith.constant 105 : i32
    %swap3A_424 = arith.index_cast %swap3A_423 : i32 to index
    %swap3A_425 = memref.load %arg13[%swap3A_424] : memref<328xi32, #tpu.memory_space<smem>>
    memref.store %swap3A_422, %arg13[%swap3A_424] : memref<328xi32, #tpu.memory_space<smem>>
    %swap3A_426 = arith.constant 145 : i32
    %swap3A_427 = arith.constant 106 : i32
    %swap3A_428 = arith.index_cast %swap3A_427 : i32 to index
    %swap3A_429 = memref.load %arg13[%swap3A_428] : memref<328xi32, #tpu.memory_space<smem>>
    memref.store %swap3A_426, %arg13[%swap3A_428] : memref<328xi32, #tpu.memory_space<smem>>
    %swap3A_430 = arith.constant 146 : i32
    %swap3A_431 = arith.constant 107 : i32
    %swap3A_432 = arith.index_cast %swap3A_431 : i32 to index
    %swap3A_433 = memref.load %arg13[%swap3A_432] : memref<328xi32, #tpu.memory_space<smem>>
    memref.store %swap3A_430, %arg13[%swap3A_432] : memref<328xi32, #tpu.memory_space<smem>>
    %swap3A_434 = arith.constant 147 : i32
    %swap3A_435 = arith.constant 108 : i32
    %swap3A_436 = arith.index_cast %swap3A_435 : i32 to index
    %swap3A_437 = memref.load %arg13[%swap3A_436] : memref<328xi32, #tpu.memory_space<smem>>
    memref.store %swap3A_434, %arg13[%swap3A_436] : memref<328xi32, #tpu.memory_space<smem>>
    %swap3A_438 = arith.constant 148 : i32
    %swap3A_439 = arith.constant 109 : i32
    %swap3A_440 = arith.index_cast %swap3A_439 : i32 to index
    %swap3A_441 = memref.load %arg13[%swap3A_440] : memref<328xi32, #tpu.memory_space<smem>>
    memref.store %swap3A_438, %arg13[%swap3A_440] : memref<328xi32, #tpu.memory_space<smem>>
    %swap3A_442 = arith.constant 149 : i32
    %swap3A_443 = arith.constant 110 : i32
    %swap3A_444 = arith.index_cast %swap3A_443 : i32 to index
    %swap3A_445 = memref.load %arg13[%swap3A_444] : memref<328xi32, #tpu.memory_space<smem>>
    memref.store %swap3A_442, %arg13[%swap3A_444] : memref<328xi32, #tpu.memory_space<smem>>
    %swap3A_446 = arith.constant 150 : i32
    %swap3A_447 = arith.constant 111 : i32
    %swap3A_448 = arith.index_cast %swap3A_447 : i32 to index
    %swap3A_449 = memref.load %arg13[%swap3A_448] : memref<328xi32, #tpu.memory_space<smem>>
    memref.store %swap3A_446, %arg13[%swap3A_448] : memref<328xi32, #tpu.memory_space<smem>>
    %swap3A_450 = arith.constant 151 : i32
    %swap3A_451 = arith.constant 112 : i32
    %swap3A_452 = arith.index_cast %swap3A_451 : i32 to index
    %swap3A_453 = memref.load %arg13[%swap3A_452] : memref<328xi32, #tpu.memory_space<smem>>
    memref.store %swap3A_450, %arg13[%swap3A_452] : memref<328xi32, #tpu.memory_space<smem>>
    %swap3A_454 = arith.constant 152 : i32
    %swap3A_455 = arith.constant 113 : i32
    %swap3A_456 = arith.index_cast %swap3A_455 : i32 to index
    %swap3A_457 = memref.load %arg13[%swap3A_456] : memref<328xi32, #tpu.memory_space<smem>>
    memref.store %swap3A_454, %arg13[%swap3A_456] : memref<328xi32, #tpu.memory_space<smem>>
    %swap3A_458 = arith.constant 153 : i32
    %swap3A_459 = arith.constant 114 : i32
    %swap3A_460 = arith.index_cast %swap3A_459 : i32 to index
    %swap3A_461 = memref.load %arg13[%swap3A_460] : memref<328xi32, #tpu.memory_space<smem>>
    memref.store %swap3A_458, %arg13[%swap3A_460] : memref<328xi32, #tpu.memory_space<smem>>
    %swap3A_462 = arith.constant 166 : i32
    %swap3A_463 = arith.constant 115 : i32
    %swap3A_464 = arith.index_cast %swap3A_463 : i32 to index
    %swap3A_465 = memref.load %arg13[%swap3A_464] : memref<328xi32, #tpu.memory_space<smem>>
    memref.store %swap3A_462, %arg13[%swap3A_464] : memref<328xi32, #tpu.memory_space<smem>>
    %swap3A_466 = arith.constant 167 : i32
    %swap3A_467 = arith.constant 116 : i32
    %swap3A_468 = arith.index_cast %swap3A_467 : i32 to index
    %swap3A_469 = memref.load %arg13[%swap3A_468] : memref<328xi32, #tpu.memory_space<smem>>
    memref.store %swap3A_466, %arg13[%swap3A_468] : memref<328xi32, #tpu.memory_space<smem>>
    %swap3A_470 = arith.constant 168 : i32
    %swap3A_471 = arith.constant 117 : i32
    %swap3A_472 = arith.index_cast %swap3A_471 : i32 to index
    %swap3A_473 = memref.load %arg13[%swap3A_472] : memref<328xi32, #tpu.memory_space<smem>>
    memref.store %swap3A_470, %arg13[%swap3A_472] : memref<328xi32, #tpu.memory_space<smem>>
    %swap3A_474 = arith.constant 169 : i32
    %swap3A_475 = arith.constant 118 : i32
    %swap3A_476 = arith.index_cast %swap3A_475 : i32 to index
    %swap3A_477 = memref.load %arg13[%swap3A_476] : memref<328xi32, #tpu.memory_space<smem>>
    memref.store %swap3A_474, %arg13[%swap3A_476] : memref<328xi32, #tpu.memory_space<smem>>
    %swap3A_478 = arith.constant 170 : i32
    %swap3A_479 = arith.constant 119 : i32
    %swap3A_480 = arith.index_cast %swap3A_479 : i32 to index
    %swap3A_481 = memref.load %arg13[%swap3A_480] : memref<328xi32, #tpu.memory_space<smem>>
    memref.store %swap3A_478, %arg13[%swap3A_480] : memref<328xi32, #tpu.memory_space<smem>>
    %swap3A_482 = arith.constant 171 : i32
    %swap3A_483 = arith.constant 120 : i32
    %swap3A_484 = arith.index_cast %swap3A_483 : i32 to index
    %swap3A_485 = memref.load %arg13[%swap3A_484] : memref<328xi32, #tpu.memory_space<smem>>
    memref.store %swap3A_482, %arg13[%swap3A_484] : memref<328xi32, #tpu.memory_space<smem>>
    %swap3A_486 = arith.constant 172 : i32
    %swap3A_487 = arith.constant 121 : i32
    %swap3A_488 = arith.index_cast %swap3A_487 : i32 to index
    %swap3A_489 = memref.load %arg13[%swap3A_488] : memref<328xi32, #tpu.memory_space<smem>>
    memref.store %swap3A_486, %arg13[%swap3A_488] : memref<328xi32, #tpu.memory_space<smem>>
    %swap3A_490 = arith.constant 173 : i32
    %swap3A_491 = arith.constant 122 : i32
    %swap3A_492 = arith.index_cast %swap3A_491 : i32 to index
    %swap3A_493 = memref.load %arg13[%swap3A_492] : memref<328xi32, #tpu.memory_space<smem>>
    memref.store %swap3A_490, %arg13[%swap3A_492] : memref<328xi32, #tpu.memory_space<smem>>
    %swap3A_494 = arith.constant 174 : i32
    %swap3A_495 = arith.constant 123 : i32
    %swap3A_496 = arith.index_cast %swap3A_495 : i32 to index
    %swap3A_497 = memref.load %arg13[%swap3A_496] : memref<328xi32, #tpu.memory_space<smem>>
    memref.store %swap3A_494, %arg13[%swap3A_496] : memref<328xi32, #tpu.memory_space<smem>>
    %swap3A_498 = arith.constant 175 : i32
    %swap3A_499 = arith.constant 124 : i32
    %swap3A_500 = arith.index_cast %swap3A_499 : i32 to index
    %swap3A_501 = memref.load %arg13[%swap3A_500] : memref<328xi32, #tpu.memory_space<smem>>
    memref.store %swap3A_498, %arg13[%swap3A_500] : memref<328xi32, #tpu.memory_space<smem>>
    %swap3A_502 = arith.constant 176 : i32
    %swap3A_503 = arith.constant 125 : i32
    %swap3A_504 = arith.index_cast %swap3A_503 : i32 to index
    %swap3A_505 = memref.load %arg13[%swap3A_504] : memref<328xi32, #tpu.memory_space<smem>>
    memref.store %swap3A_502, %arg13[%swap3A_504] : memref<328xi32, #tpu.memory_space<smem>>
    %swap3A_506 = arith.constant 177 : i32
    %swap3A_507 = arith.constant 126 : i32
    %swap3A_508 = arith.index_cast %swap3A_507 : i32 to index
    %swap3A_509 = memref.load %arg13[%swap3A_508] : memref<328xi32, #tpu.memory_space<smem>>
    memref.store %swap3A_506, %arg13[%swap3A_508] : memref<328xi32, #tpu.memory_space<smem>>
    %swap3A_510 = arith.constant 178 : i32
    %swap3A_511 = arith.constant 127 : i32
    %swap3A_512 = arith.index_cast %swap3A_511 : i32 to index
    %swap3A_513 = memref.load %arg13[%swap3A_512] : memref<328xi32, #tpu.memory_space<smem>>
    memref.store %swap3A_510, %arg13[%swap3A_512] : memref<328xi32, #tpu.memory_space<smem>>
    %swap3A_514 = arith.constant 179 : i32
    %swap3A_515 = arith.constant 128 : i32
    %swap3A_516 = arith.index_cast %swap3A_515 : i32 to index
    %swap3A_517 = memref.load %arg13[%swap3A_516] : memref<328xi32, #tpu.memory_space<smem>>
    memref.store %swap3A_514, %arg13[%swap3A_516] : memref<328xi32, #tpu.memory_space<smem>>
    %swap3A_518 = arith.constant 180 : i32
    %swap3A_519 = arith.constant 129 : i32
    %swap3A_520 = arith.index_cast %swap3A_519 : i32 to index
    %swap3A_521 = memref.load %arg13[%swap3A_520] : memref<328xi32, #tpu.memory_space<smem>>
    memref.store %swap3A_518, %arg13[%swap3A_520] : memref<328xi32, #tpu.memory_space<smem>>
    %swap3A_522 = arith.constant 181 : i32
    %swap3A_523 = arith.constant 130 : i32
    %swap3A_524 = arith.index_cast %swap3A_523 : i32 to index
    %swap3A_525 = memref.load %arg13[%swap3A_524] : memref<328xi32, #tpu.memory_space<smem>>
    memref.store %swap3A_522, %arg13[%swap3A_524] : memref<328xi32, #tpu.memory_space<smem>>
    %swap3A_526 = arith.constant 182 : i32
    %swap3A_527 = arith.constant 131 : i32
    %swap3A_528 = arith.index_cast %swap3A_527 : i32 to index
    %swap3A_529 = memref.load %arg13[%swap3A_528] : memref<328xi32, #tpu.memory_space<smem>>
    memref.store %swap3A_526, %arg13[%swap3A_528] : memref<328xi32, #tpu.memory_space<smem>>
    %swap3A_530 = arith.constant 183 : i32
    %swap3A_531 = arith.constant 132 : i32
    %swap3A_532 = arith.index_cast %swap3A_531 : i32 to index
    %swap3A_533 = memref.load %arg13[%swap3A_532] : memref<328xi32, #tpu.memory_space<smem>>
    memref.store %swap3A_530, %arg13[%swap3A_532] : memref<328xi32, #tpu.memory_space<smem>>
    %swap3A_534 = arith.constant 184 : i32
    %swap3A_535 = arith.constant 133 : i32
    %swap3A_536 = arith.index_cast %swap3A_535 : i32 to index
    %swap3A_537 = memref.load %arg13[%swap3A_536] : memref<328xi32, #tpu.memory_space<smem>>
    memref.store %swap3A_534, %arg13[%swap3A_536] : memref<328xi32, #tpu.memory_space<smem>>
    %swap3A_538 = arith.constant 185 : i32
    %swap3A_539 = arith.constant 134 : i32
    %swap3A_540 = arith.index_cast %swap3A_539 : i32 to index
    %swap3A_541 = memref.load %arg13[%swap3A_540] : memref<328xi32, #tpu.memory_space<smem>>
    memref.store %swap3A_538, %arg13[%swap3A_540] : memref<328xi32, #tpu.memory_space<smem>>
    %swap3A_542 = arith.constant 199 : i32
    %swap3A_543 = arith.constant 135 : i32
    %swap3A_544 = arith.index_cast %swap3A_543 : i32 to index
    %swap3A_545 = memref.load %arg13[%swap3A_544] : memref<328xi32, #tpu.memory_space<smem>>
    memref.store %swap3A_542, %arg13[%swap3A_544] : memref<328xi32, #tpu.memory_space<smem>>
    %swap3A_546 = arith.constant 200 : i32
    %swap3A_547 = arith.constant 136 : i32
    %swap3A_548 = arith.index_cast %swap3A_547 : i32 to index
    %swap3A_549 = memref.load %arg13[%swap3A_548] : memref<328xi32, #tpu.memory_space<smem>>
    memref.store %swap3A_546, %arg13[%swap3A_548] : memref<328xi32, #tpu.memory_space<smem>>
    %swap3A_550 = arith.constant 201 : i32
    %swap3A_551 = arith.constant 137 : i32
    %swap3A_552 = arith.index_cast %swap3A_551 : i32 to index
    %swap3A_553 = memref.load %arg13[%swap3A_552] : memref<328xi32, #tpu.memory_space<smem>>
    memref.store %swap3A_550, %arg13[%swap3A_552] : memref<328xi32, #tpu.memory_space<smem>>
    %swap3A_554 = arith.constant 202 : i32
    %swap3A_555 = arith.constant 138 : i32
    %swap3A_556 = arith.index_cast %swap3A_555 : i32 to index
    %swap3A_557 = memref.load %arg13[%swap3A_556] : memref<328xi32, #tpu.memory_space<smem>>
    memref.store %swap3A_554, %arg13[%swap3A_556] : memref<328xi32, #tpu.memory_space<smem>>
    %swap3A_558 = arith.constant 203 : i32
    %swap3A_559 = arith.constant 139 : i32
    %swap3A_560 = arith.index_cast %swap3A_559 : i32 to index
    %swap3A_561 = memref.load %arg13[%swap3A_560] : memref<328xi32, #tpu.memory_space<smem>>
    memref.store %swap3A_558, %arg13[%swap3A_560] : memref<328xi32, #tpu.memory_space<smem>>
    %swap3A_562 = arith.constant 204 : i32
    %swap3A_563 = arith.constant 140 : i32
    %swap3A_564 = arith.index_cast %swap3A_563 : i32 to index
    %swap3A_565 = memref.load %arg13[%swap3A_564] : memref<328xi32, #tpu.memory_space<smem>>
    memref.store %swap3A_562, %arg13[%swap3A_564] : memref<328xi32, #tpu.memory_space<smem>>
    %swap3A_566 = arith.constant 205 : i32
    %swap3A_567 = arith.constant 141 : i32
    %swap3A_568 = arith.index_cast %swap3A_567 : i32 to index
    %swap3A_569 = memref.load %arg13[%swap3A_568] : memref<328xi32, #tpu.memory_space<smem>>
    memref.store %swap3A_566, %arg13[%swap3A_568] : memref<328xi32, #tpu.memory_space<smem>>
    %swap3A_570 = arith.constant 206 : i32
    %swap3A_571 = arith.constant 142 : i32
    %swap3A_572 = arith.index_cast %swap3A_571 : i32 to index
    %swap3A_573 = memref.load %arg13[%swap3A_572] : memref<328xi32, #tpu.memory_space<smem>>
    memref.store %swap3A_570, %arg13[%swap3A_572] : memref<328xi32, #tpu.memory_space<smem>>
    %swap3A_574 = arith.constant 207 : i32
    %swap3A_575 = arith.constant 143 : i32
    %swap3A_576 = arith.index_cast %swap3A_575 : i32 to index
    %swap3A_577 = memref.load %arg13[%swap3A_576] : memref<328xi32, #tpu.memory_space<smem>>
    memref.store %swap3A_574, %arg13[%swap3A_576] : memref<328xi32, #tpu.memory_space<smem>>
    %swap3A_578 = arith.constant 208 : i32
    %swap3A_579 = arith.constant 144 : i32
    %swap3A_580 = arith.index_cast %swap3A_579 : i32 to index
    %swap3A_581 = memref.load %arg13[%swap3A_580] : memref<328xi32, #tpu.memory_space<smem>>
    memref.store %swap3A_578, %arg13[%swap3A_580] : memref<328xi32, #tpu.memory_space<smem>>
    %swap3A_582 = arith.constant 209 : i32
    %swap3A_583 = arith.constant 145 : i32
    %swap3A_584 = arith.index_cast %swap3A_583 : i32 to index
    %swap3A_585 = memref.load %arg13[%swap3A_584] : memref<328xi32, #tpu.memory_space<smem>>
    memref.store %swap3A_582, %arg13[%swap3A_584] : memref<328xi32, #tpu.memory_space<smem>>
    %swap3A_586 = arith.constant 210 : i32
    %swap3A_587 = arith.constant 146 : i32
    %swap3A_588 = arith.index_cast %swap3A_587 : i32 to index
    %swap3A_589 = memref.load %arg13[%swap3A_588] : memref<328xi32, #tpu.memory_space<smem>>
    memref.store %swap3A_586, %arg13[%swap3A_588] : memref<328xi32, #tpu.memory_space<smem>>
    %swap3A_590 = arith.constant 211 : i32
    %swap3A_591 = arith.constant 147 : i32
    %swap3A_592 = arith.index_cast %swap3A_591 : i32 to index
    %swap3A_593 = memref.load %arg13[%swap3A_592] : memref<328xi32, #tpu.memory_space<smem>>
    memref.store %swap3A_590, %arg13[%swap3A_592] : memref<328xi32, #tpu.memory_space<smem>>
    %swap3A_594 = arith.constant 212 : i32
    %swap3A_595 = arith.constant 148 : i32
    %swap3A_596 = arith.index_cast %swap3A_595 : i32 to index
    %swap3A_597 = memref.load %arg13[%swap3A_596] : memref<328xi32, #tpu.memory_space<smem>>
    memref.store %swap3A_594, %arg13[%swap3A_596] : memref<328xi32, #tpu.memory_space<smem>>
    %swap3A_598 = arith.constant 213 : i32
    %swap3A_599 = arith.constant 149 : i32
    %swap3A_600 = arith.index_cast %swap3A_599 : i32 to index
    %swap3A_601 = memref.load %arg13[%swap3A_600] : memref<328xi32, #tpu.memory_space<smem>>
    memref.store %swap3A_598, %arg13[%swap3A_600] : memref<328xi32, #tpu.memory_space<smem>>
    %swap3A_602 = arith.constant 214 : i32
    %swap3A_603 = arith.constant 150 : i32
    %swap3A_604 = arith.index_cast %swap3A_603 : i32 to index
    %swap3A_605 = memref.load %arg13[%swap3A_604] : memref<328xi32, #tpu.memory_space<smem>>
    memref.store %swap3A_602, %arg13[%swap3A_604] : memref<328xi32, #tpu.memory_space<smem>>
    %swap3A_606 = arith.constant 215 : i32
    %swap3A_607 = arith.constant 151 : i32
    %swap3A_608 = arith.index_cast %swap3A_607 : i32 to index
    %swap3A_609 = memref.load %arg13[%swap3A_608] : memref<328xi32, #tpu.memory_space<smem>>
    memref.store %swap3A_606, %arg13[%swap3A_608] : memref<328xi32, #tpu.memory_space<smem>>
    %swap3A_610 = arith.constant 216 : i32
    %swap3A_611 = arith.constant 152 : i32
    %swap3A_612 = arith.index_cast %swap3A_611 : i32 to index
    %swap3A_613 = memref.load %arg13[%swap3A_612] : memref<328xi32, #tpu.memory_space<smem>>
    memref.store %swap3A_610, %arg13[%swap3A_612] : memref<328xi32, #tpu.memory_space<smem>>
    %swap3A_614 = arith.constant 217 : i32
    %swap3A_615 = arith.constant 153 : i32
    %swap3A_616 = arith.index_cast %swap3A_615 : i32 to index
    %swap3A_617 = memref.load %arg13[%swap3A_616] : memref<328xi32, #tpu.memory_space<smem>>
    memref.store %swap3A_614, %arg13[%swap3A_616] : memref<328xi32, #tpu.memory_space<smem>>
    %swap3A_618 = arith.constant 232 : i32
    %swap3A_619 = arith.constant 154 : i32
    %swap3A_620 = arith.index_cast %swap3A_619 : i32 to index
    %swap3A_621 = memref.load %arg13[%swap3A_620] : memref<328xi32, #tpu.memory_space<smem>>
    memref.store %swap3A_618, %arg13[%swap3A_620] : memref<328xi32, #tpu.memory_space<smem>>
    %swap3A_622 = arith.constant 233 : i32
    %swap3A_623 = arith.constant 155 : i32
    %swap3A_624 = arith.index_cast %swap3A_623 : i32 to index
    %swap3A_625 = memref.load %arg13[%swap3A_624] : memref<328xi32, #tpu.memory_space<smem>>
    memref.store %swap3A_622, %arg13[%swap3A_624] : memref<328xi32, #tpu.memory_space<smem>>
    %swap3A_626 = arith.constant 234 : i32
    %swap3A_627 = arith.constant 156 : i32
    %swap3A_628 = arith.index_cast %swap3A_627 : i32 to index
    %swap3A_629 = memref.load %arg13[%swap3A_628] : memref<328xi32, #tpu.memory_space<smem>>
    memref.store %swap3A_626, %arg13[%swap3A_628] : memref<328xi32, #tpu.memory_space<smem>>
    %swap3A_630 = arith.constant 235 : i32
    %swap3A_631 = arith.constant 157 : i32
    %swap3A_632 = arith.index_cast %swap3A_631 : i32 to index
    %swap3A_633 = memref.load %arg13[%swap3A_632] : memref<328xi32, #tpu.memory_space<smem>>
    memref.store %swap3A_630, %arg13[%swap3A_632] : memref<328xi32, #tpu.memory_space<smem>>
    %swap3A_634 = arith.constant 236 : i32
    %swap3A_635 = arith.constant 158 : i32
    %swap3A_636 = arith.index_cast %swap3A_635 : i32 to index
    %swap3A_637 = memref.load %arg13[%swap3A_636] : memref<328xi32, #tpu.memory_space<smem>>
    memref.store %swap3A_634, %arg13[%swap3A_636] : memref<328xi32, #tpu.memory_space<smem>>
    %swap3A_638 = arith.constant 237 : i32
    %swap3A_639 = arith.constant 159 : i32
    %swap3A_640 = arith.index_cast %swap3A_639 : i32 to index
    %swap3A_641 = memref.load %arg13[%swap3A_640] : memref<328xi32, #tpu.memory_space<smem>>
    memref.store %swap3A_638, %arg13[%swap3A_640] : memref<328xi32, #tpu.memory_space<smem>>
    %swap3A_642 = arith.constant 238 : i32
    %swap3A_643 = arith.constant 160 : i32
    %swap3A_644 = arith.index_cast %swap3A_643 : i32 to index
    %swap3A_645 = memref.load %arg13[%swap3A_644] : memref<328xi32, #tpu.memory_space<smem>>
    memref.store %swap3A_642, %arg13[%swap3A_644] : memref<328xi32, #tpu.memory_space<smem>>
    %swap3A_646 = arith.constant 239 : i32
    %swap3A_647 = arith.constant 161 : i32
    %swap3A_648 = arith.index_cast %swap3A_647 : i32 to index
    %swap3A_649 = memref.load %arg13[%swap3A_648] : memref<328xi32, #tpu.memory_space<smem>>
    memref.store %swap3A_646, %arg13[%swap3A_648] : memref<328xi32, #tpu.memory_space<smem>>
    %swap3A_650 = arith.constant 240 : i32
    %swap3A_651 = arith.constant 162 : i32
    %swap3A_652 = arith.index_cast %swap3A_651 : i32 to index
    %swap3A_653 = memref.load %arg13[%swap3A_652] : memref<328xi32, #tpu.memory_space<smem>>
    memref.store %swap3A_650, %arg13[%swap3A_652] : memref<328xi32, #tpu.memory_space<smem>>
    %swap3A_654 = arith.constant 241 : i32
    %swap3A_655 = arith.constant 163 : i32
    %swap3A_656 = arith.index_cast %swap3A_655 : i32 to index
    %swap3A_657 = memref.load %arg13[%swap3A_656] : memref<328xi32, #tpu.memory_space<smem>>
    memref.store %swap3A_654, %arg13[%swap3A_656] : memref<328xi32, #tpu.memory_space<smem>>
    %swap3A_658 = arith.constant 242 : i32
    %swap3A_659 = arith.constant 164 : i32
    %swap3A_660 = arith.index_cast %swap3A_659 : i32 to index
    %swap3A_661 = memref.load %arg13[%swap3A_660] : memref<328xi32, #tpu.memory_space<smem>>
    memref.store %swap3A_658, %arg13[%swap3A_660] : memref<328xi32, #tpu.memory_space<smem>>
    %swap3A_662 = arith.constant 243 : i32
    %swap3A_663 = arith.constant 165 : i32
    %swap3A_664 = arith.index_cast %swap3A_663 : i32 to index
    %swap3A_665 = memref.load %arg13[%swap3A_664] : memref<328xi32, #tpu.memory_space<smem>>
    memref.store %swap3A_662, %arg13[%swap3A_664] : memref<328xi32, #tpu.memory_space<smem>>
    %swap3A_666 = arith.constant 244 : i32
    %swap3A_667 = arith.constant 166 : i32
    %swap3A_668 = arith.index_cast %swap3A_667 : i32 to index
    %swap3A_669 = memref.load %arg13[%swap3A_668] : memref<328xi32, #tpu.memory_space<smem>>
    memref.store %swap3A_666, %arg13[%swap3A_668] : memref<328xi32, #tpu.memory_space<smem>>
    %swap3A_670 = arith.constant 245 : i32
    %swap3A_671 = arith.constant 167 : i32
    %swap3A_672 = arith.index_cast %swap3A_671 : i32 to index
    %swap3A_673 = memref.load %arg13[%swap3A_672] : memref<328xi32, #tpu.memory_space<smem>>
    memref.store %swap3A_670, %arg13[%swap3A_672] : memref<328xi32, #tpu.memory_space<smem>>
    %swap3A_674 = arith.constant 246 : i32
    %swap3A_675 = arith.constant 168 : i32
    %swap3A_676 = arith.index_cast %swap3A_675 : i32 to index
    %swap3A_677 = memref.load %arg13[%swap3A_676] : memref<328xi32, #tpu.memory_space<smem>>
    memref.store %swap3A_674, %arg13[%swap3A_676] : memref<328xi32, #tpu.memory_space<smem>>
    %swap3A_678 = arith.constant 247 : i32
    %swap3A_679 = arith.constant 169 : i32
    %swap3A_680 = arith.index_cast %swap3A_679 : i32 to index
    %swap3A_681 = memref.load %arg13[%swap3A_680] : memref<328xi32, #tpu.memory_space<smem>>
    memref.store %swap3A_678, %arg13[%swap3A_680] : memref<328xi32, #tpu.memory_space<smem>>
    %swap3A_682 = arith.constant 248 : i32
    %swap3A_683 = arith.constant 170 : i32
    %swap3A_684 = arith.index_cast %swap3A_683 : i32 to index
    %swap3A_685 = memref.load %arg13[%swap3A_684] : memref<328xi32, #tpu.memory_space<smem>>
    memref.store %swap3A_682, %arg13[%swap3A_684] : memref<328xi32, #tpu.memory_space<smem>>
    %swap3A_686 = arith.constant 249 : i32
    %swap3A_687 = arith.constant 171 : i32
    %swap3A_688 = arith.index_cast %swap3A_687 : i32 to index
    %swap3A_689 = memref.load %arg13[%swap3A_688] : memref<328xi32, #tpu.memory_space<smem>>
    memref.store %swap3A_686, %arg13[%swap3A_688] : memref<328xi32, #tpu.memory_space<smem>>
    %swap3A_690 = arith.constant 265 : i32
    %swap3A_691 = arith.constant 172 : i32
    %swap3A_692 = arith.index_cast %swap3A_691 : i32 to index
    %swap3A_693 = memref.load %arg13[%swap3A_692] : memref<328xi32, #tpu.memory_space<smem>>
    memref.store %swap3A_690, %arg13[%swap3A_692] : memref<328xi32, #tpu.memory_space<smem>>
    %swap3A_694 = arith.constant 266 : i32
    %swap3A_695 = arith.constant 173 : i32
    %swap3A_696 = arith.index_cast %swap3A_695 : i32 to index
    %swap3A_697 = memref.load %arg13[%swap3A_696] : memref<328xi32, #tpu.memory_space<smem>>
    memref.store %swap3A_694, %arg13[%swap3A_696] : memref<328xi32, #tpu.memory_space<smem>>
    %swap3A_698 = arith.constant 267 : i32
    %swap3A_699 = arith.constant 174 : i32
    %swap3A_700 = arith.index_cast %swap3A_699 : i32 to index
    %swap3A_701 = memref.load %arg13[%swap3A_700] : memref<328xi32, #tpu.memory_space<smem>>
    memref.store %swap3A_698, %arg13[%swap3A_700] : memref<328xi32, #tpu.memory_space<smem>>
    %swap3A_702 = arith.constant 268 : i32
    %swap3A_703 = arith.constant 175 : i32
    %swap3A_704 = arith.index_cast %swap3A_703 : i32 to index
    %swap3A_705 = memref.load %arg13[%swap3A_704] : memref<328xi32, #tpu.memory_space<smem>>
    memref.store %swap3A_702, %arg13[%swap3A_704] : memref<328xi32, #tpu.memory_space<smem>>
    %swap3A_706 = arith.constant 269 : i32
    %swap3A_707 = arith.constant 176 : i32
    %swap3A_708 = arith.index_cast %swap3A_707 : i32 to index
    %swap3A_709 = memref.load %arg13[%swap3A_708] : memref<328xi32, #tpu.memory_space<smem>>
    memref.store %swap3A_706, %arg13[%swap3A_708] : memref<328xi32, #tpu.memory_space<smem>>
    %swap3A_710 = arith.constant 270 : i32
    %swap3A_711 = arith.constant 177 : i32
    %swap3A_712 = arith.index_cast %swap3A_711 : i32 to index
    %swap3A_713 = memref.load %arg13[%swap3A_712] : memref<328xi32, #tpu.memory_space<smem>>
    memref.store %swap3A_710, %arg13[%swap3A_712] : memref<328xi32, #tpu.memory_space<smem>>
    %swap3A_714 = arith.constant 271 : i32
    %swap3A_715 = arith.constant 178 : i32
    %swap3A_716 = arith.index_cast %swap3A_715 : i32 to index
    %swap3A_717 = memref.load %arg13[%swap3A_716] : memref<328xi32, #tpu.memory_space<smem>>
    memref.store %swap3A_714, %arg13[%swap3A_716] : memref<328xi32, #tpu.memory_space<smem>>
    %swap3A_718 = arith.constant 272 : i32
    %swap3A_719 = arith.constant 179 : i32
    %swap3A_720 = arith.index_cast %swap3A_719 : i32 to index
    %swap3A_721 = memref.load %arg13[%swap3A_720] : memref<328xi32, #tpu.memory_space<smem>>
    memref.store %swap3A_718, %arg13[%swap3A_720] : memref<328xi32, #tpu.memory_space<smem>>
    %swap3A_722 = arith.constant 273 : i32
    %swap3A_723 = arith.constant 180 : i32
    %swap3A_724 = arith.index_cast %swap3A_723 : i32 to index
    %swap3A_725 = memref.load %arg13[%swap3A_724] : memref<328xi32, #tpu.memory_space<smem>>
    memref.store %swap3A_722, %arg13[%swap3A_724] : memref<328xi32, #tpu.memory_space<smem>>
    %swap3A_726 = arith.constant 274 : i32
    %swap3A_727 = arith.constant 181 : i32
    %swap3A_728 = arith.index_cast %swap3A_727 : i32 to index
    %swap3A_729 = memref.load %arg13[%swap3A_728] : memref<328xi32, #tpu.memory_space<smem>>
    memref.store %swap3A_726, %arg13[%swap3A_728] : memref<328xi32, #tpu.memory_space<smem>>
    %swap3A_730 = arith.constant 275 : i32
    %swap3A_731 = arith.constant 182 : i32
    %swap3A_732 = arith.index_cast %swap3A_731 : i32 to index
    %swap3A_733 = memref.load %arg13[%swap3A_732] : memref<328xi32, #tpu.memory_space<smem>>
    memref.store %swap3A_730, %arg13[%swap3A_732] : memref<328xi32, #tpu.memory_space<smem>>
    %swap3A_734 = arith.constant 276 : i32
    %swap3A_735 = arith.constant 183 : i32
    %swap3A_736 = arith.index_cast %swap3A_735 : i32 to index
    %swap3A_737 = memref.load %arg13[%swap3A_736] : memref<328xi32, #tpu.memory_space<smem>>
    memref.store %swap3A_734, %arg13[%swap3A_736] : memref<328xi32, #tpu.memory_space<smem>>
    %swap3A_738 = arith.constant 277 : i32
    %swap3A_739 = arith.constant 184 : i32
    %swap3A_740 = arith.index_cast %swap3A_739 : i32 to index
    %swap3A_741 = memref.load %arg13[%swap3A_740] : memref<328xi32, #tpu.memory_space<smem>>
    memref.store %swap3A_738, %arg13[%swap3A_740] : memref<328xi32, #tpu.memory_space<smem>>
    %swap3A_742 = arith.constant 278 : i32
    %swap3A_743 = arith.constant 185 : i32
    %swap3A_744 = arith.index_cast %swap3A_743 : i32 to index
    %swap3A_745 = memref.load %arg13[%swap3A_744] : memref<328xi32, #tpu.memory_space<smem>>
    memref.store %swap3A_742, %arg13[%swap3A_744] : memref<328xi32, #tpu.memory_space<smem>>
    %swap3A_746 = arith.constant 279 : i32
    %swap3A_747 = arith.constant 186 : i32
    %swap3A_748 = arith.index_cast %swap3A_747 : i32 to index
    %swap3A_749 = memref.load %arg13[%swap3A_748] : memref<328xi32, #tpu.memory_space<smem>>
    memref.store %swap3A_746, %arg13[%swap3A_748] : memref<328xi32, #tpu.memory_space<smem>>
    %swap3A_750 = arith.constant 280 : i32
    %swap3A_751 = arith.constant 187 : i32
    %swap3A_752 = arith.index_cast %swap3A_751 : i32 to index
    %swap3A_753 = memref.load %arg13[%swap3A_752] : memref<328xi32, #tpu.memory_space<smem>>
    memref.store %swap3A_750, %arg13[%swap3A_752] : memref<328xi32, #tpu.memory_space<smem>>
    %swap3A_754 = arith.constant 281 : i32
    %swap3A_755 = arith.constant 188 : i32
    %swap3A_756 = arith.index_cast %swap3A_755 : i32 to index
    %swap3A_757 = memref.load %arg13[%swap3A_756] : memref<328xi32, #tpu.memory_space<smem>>
    memref.store %swap3A_754, %arg13[%swap3A_756] : memref<328xi32, #tpu.memory_space<smem>>
    %swap3A_758 = arith.constant 298 : i32
    %swap3A_759 = arith.constant 189 : i32
    %swap3A_760 = arith.index_cast %swap3A_759 : i32 to index
    %swap3A_761 = memref.load %arg13[%swap3A_760] : memref<328xi32, #tpu.memory_space<smem>>
    memref.store %swap3A_758, %arg13[%swap3A_760] : memref<328xi32, #tpu.memory_space<smem>>
    %swap3A_762 = arith.constant 299 : i32
    %swap3A_763 = arith.constant 190 : i32
    %swap3A_764 = arith.index_cast %swap3A_763 : i32 to index
    %swap3A_765 = memref.load %arg13[%swap3A_764] : memref<328xi32, #tpu.memory_space<smem>>
    memref.store %swap3A_762, %arg13[%swap3A_764] : memref<328xi32, #tpu.memory_space<smem>>
    %swap3A_766 = arith.constant 300 : i32
    %swap3A_767 = arith.constant 191 : i32
    %swap3A_768 = arith.index_cast %swap3A_767 : i32 to index
    %swap3A_769 = memref.load %arg13[%swap3A_768] : memref<328xi32, #tpu.memory_space<smem>>
    memref.store %swap3A_766, %arg13[%swap3A_768] : memref<328xi32, #tpu.memory_space<smem>>
    %swap3A_770 = arith.constant 301 : i32
    %swap3A_771 = arith.constant 192 : i32
    %swap3A_772 = arith.index_cast %swap3A_771 : i32 to index
    %swap3A_773 = memref.load %arg13[%swap3A_772] : memref<328xi32, #tpu.memory_space<smem>>
    memref.store %swap3A_770, %arg13[%swap3A_772] : memref<328xi32, #tpu.memory_space<smem>>
    %swap3A_774 = arith.constant 302 : i32
    %swap3A_775 = arith.constant 193 : i32
    %swap3A_776 = arith.index_cast %swap3A_775 : i32 to index
    %swap3A_777 = memref.load %arg13[%swap3A_776] : memref<328xi32, #tpu.memory_space<smem>>
    memref.store %swap3A_774, %arg13[%swap3A_776] : memref<328xi32, #tpu.memory_space<smem>>
    %swap3A_778 = arith.constant 303 : i32
    %swap3A_779 = arith.constant 194 : i32
    %swap3A_780 = arith.index_cast %swap3A_779 : i32 to index
    %swap3A_781 = memref.load %arg13[%swap3A_780] : memref<328xi32, #tpu.memory_space<smem>>
    memref.store %swap3A_778, %arg13[%swap3A_780] : memref<328xi32, #tpu.memory_space<smem>>
    %swap3A_782 = arith.constant 304 : i32
    %swap3A_783 = arith.constant 195 : i32
    %swap3A_784 = arith.index_cast %swap3A_783 : i32 to index
    %swap3A_785 = memref.load %arg13[%swap3A_784] : memref<328xi32, #tpu.memory_space<smem>>
    memref.store %swap3A_782, %arg13[%swap3A_784] : memref<328xi32, #tpu.memory_space<smem>>
    %swap3A_786 = arith.constant 305 : i32
    %swap3A_787 = arith.constant 196 : i32
    %swap3A_788 = arith.index_cast %swap3A_787 : i32 to index
    %swap3A_789 = memref.load %arg13[%swap3A_788] : memref<328xi32, #tpu.memory_space<smem>>
    memref.store %swap3A_786, %arg13[%swap3A_788] : memref<328xi32, #tpu.memory_space<smem>>
    %swap3A_790 = arith.constant 306 : i32
    %swap3A_791 = arith.constant 197 : i32
    %swap3A_792 = arith.index_cast %swap3A_791 : i32 to index
    %swap3A_793 = memref.load %arg13[%swap3A_792] : memref<328xi32, #tpu.memory_space<smem>>
    memref.store %swap3A_790, %arg13[%swap3A_792] : memref<328xi32, #tpu.memory_space<smem>>
    %swap3A_794 = arith.constant 307 : i32
    %swap3A_795 = arith.constant 198 : i32
    %swap3A_796 = arith.index_cast %swap3A_795 : i32 to index
    %swap3A_797 = memref.load %arg13[%swap3A_796] : memref<328xi32, #tpu.memory_space<smem>>
    memref.store %swap3A_794, %arg13[%swap3A_796] : memref<328xi32, #tpu.memory_space<smem>>
    %swap3A_798 = arith.constant 308 : i32
    %swap3A_799 = arith.constant 199 : i32
    %swap3A_800 = arith.index_cast %swap3A_799 : i32 to index
    %swap3A_801 = memref.load %arg13[%swap3A_800] : memref<328xi32, #tpu.memory_space<smem>>
    memref.store %swap3A_798, %arg13[%swap3A_800] : memref<328xi32, #tpu.memory_space<smem>>
    %swap3A_802 = arith.constant 309 : i32
    %swap3A_803 = arith.constant 200 : i32
    %swap3A_804 = arith.index_cast %swap3A_803 : i32 to index
    %swap3A_805 = memref.load %arg13[%swap3A_804] : memref<328xi32, #tpu.memory_space<smem>>
    memref.store %swap3A_802, %arg13[%swap3A_804] : memref<328xi32, #tpu.memory_space<smem>>
    %swap3A_806 = arith.constant 310 : i32
    %swap3A_807 = arith.constant 201 : i32
    %swap3A_808 = arith.index_cast %swap3A_807 : i32 to index
    %swap3A_809 = memref.load %arg13[%swap3A_808] : memref<328xi32, #tpu.memory_space<smem>>
    memref.store %swap3A_806, %arg13[%swap3A_808] : memref<328xi32, #tpu.memory_space<smem>>
    %swap3A_810 = arith.constant 311 : i32
    %swap3A_811 = arith.constant 202 : i32
    %swap3A_812 = arith.index_cast %swap3A_811 : i32 to index
    %swap3A_813 = memref.load %arg13[%swap3A_812] : memref<328xi32, #tpu.memory_space<smem>>
    memref.store %swap3A_810, %arg13[%swap3A_812] : memref<328xi32, #tpu.memory_space<smem>>
    %swap3A_814 = arith.constant 312 : i32
    %swap3A_815 = arith.constant 203 : i32
    %swap3A_816 = arith.index_cast %swap3A_815 : i32 to index
    %swap3A_817 = memref.load %arg13[%swap3A_816] : memref<328xi32, #tpu.memory_space<smem>>
    memref.store %swap3A_814, %arg13[%swap3A_816] : memref<328xi32, #tpu.memory_space<smem>>
    %swap3A_818 = arith.constant 313 : i32
    %swap3A_819 = arith.constant 204 : i32
    %swap3A_820 = arith.index_cast %swap3A_819 : i32 to index
    %swap3A_821 = memref.load %arg13[%swap3A_820] : memref<328xi32, #tpu.memory_space<smem>>
    memref.store %swap3A_818, %arg13[%swap3A_820] : memref<328xi32, #tpu.memory_space<smem>>
    %swap3A_822 = arith.constant 331 : i32
    %swap3A_823 = arith.constant 205 : i32
    %swap3A_824 = arith.index_cast %swap3A_823 : i32 to index
    %swap3A_825 = memref.load %arg13[%swap3A_824] : memref<328xi32, #tpu.memory_space<smem>>
    memref.store %swap3A_822, %arg13[%swap3A_824] : memref<328xi32, #tpu.memory_space<smem>>
    %swap3A_826 = arith.constant 332 : i32
    %swap3A_827 = arith.constant 206 : i32
    %swap3A_828 = arith.index_cast %swap3A_827 : i32 to index
    %swap3A_829 = memref.load %arg13[%swap3A_828] : memref<328xi32, #tpu.memory_space<smem>>
    memref.store %swap3A_826, %arg13[%swap3A_828] : memref<328xi32, #tpu.memory_space<smem>>
    %swap3A_830 = arith.constant 333 : i32
    %swap3A_831 = arith.constant 207 : i32
    %swap3A_832 = arith.index_cast %swap3A_831 : i32 to index
    %swap3A_833 = memref.load %arg13[%swap3A_832] : memref<328xi32, #tpu.memory_space<smem>>
    memref.store %swap3A_830, %arg13[%swap3A_832] : memref<328xi32, #tpu.memory_space<smem>>
    %swap3A_834 = arith.constant 334 : i32
    %swap3A_835 = arith.constant 208 : i32
    %swap3A_836 = arith.index_cast %swap3A_835 : i32 to index
    %swap3A_837 = memref.load %arg13[%swap3A_836] : memref<328xi32, #tpu.memory_space<smem>>
    memref.store %swap3A_834, %arg13[%swap3A_836] : memref<328xi32, #tpu.memory_space<smem>>
    %swap3A_838 = arith.constant 335 : i32
    %swap3A_839 = arith.constant 209 : i32
    %swap3A_840 = arith.index_cast %swap3A_839 : i32 to index
    %swap3A_841 = memref.load %arg13[%swap3A_840] : memref<328xi32, #tpu.memory_space<smem>>
    memref.store %swap3A_838, %arg13[%swap3A_840] : memref<328xi32, #tpu.memory_space<smem>>
    %swap3A_842 = arith.constant 336 : i32
    %swap3A_843 = arith.constant 210 : i32
    %swap3A_844 = arith.index_cast %swap3A_843 : i32 to index
    %swap3A_845 = memref.load %arg13[%swap3A_844] : memref<328xi32, #tpu.memory_space<smem>>
    memref.store %swap3A_842, %arg13[%swap3A_844] : memref<328xi32, #tpu.memory_space<smem>>
    %swap3A_846 = arith.constant 337 : i32
    %swap3A_847 = arith.constant 211 : i32
    %swap3A_848 = arith.index_cast %swap3A_847 : i32 to index
    %swap3A_849 = memref.load %arg13[%swap3A_848] : memref<328xi32, #tpu.memory_space<smem>>
    memref.store %swap3A_846, %arg13[%swap3A_848] : memref<328xi32, #tpu.memory_space<smem>>
    %swap3A_850 = arith.constant 338 : i32
    %swap3A_851 = arith.constant 212 : i32
    %swap3A_852 = arith.index_cast %swap3A_851 : i32 to index
    %swap3A_853 = memref.load %arg13[%swap3A_852] : memref<328xi32, #tpu.memory_space<smem>>
    memref.store %swap3A_850, %arg13[%swap3A_852] : memref<328xi32, #tpu.memory_space<smem>>
    %swap3A_854 = arith.constant 339 : i32
    %swap3A_855 = arith.constant 213 : i32
    %swap3A_856 = arith.index_cast %swap3A_855 : i32 to index
    %swap3A_857 = memref.load %arg13[%swap3A_856] : memref<328xi32, #tpu.memory_space<smem>>
    memref.store %swap3A_854, %arg13[%swap3A_856] : memref<328xi32, #tpu.memory_space<smem>>
    %swap3A_858 = arith.constant 340 : i32
    %swap3A_859 = arith.constant 214 : i32
    %swap3A_860 = arith.index_cast %swap3A_859 : i32 to index
    %swap3A_861 = memref.load %arg13[%swap3A_860] : memref<328xi32, #tpu.memory_space<smem>>
    memref.store %swap3A_858, %arg13[%swap3A_860] : memref<328xi32, #tpu.memory_space<smem>>
    %swap3A_862 = arith.constant 341 : i32
    %swap3A_863 = arith.constant 215 : i32
    %swap3A_864 = arith.index_cast %swap3A_863 : i32 to index
    %swap3A_865 = memref.load %arg13[%swap3A_864] : memref<328xi32, #tpu.memory_space<smem>>
    memref.store %swap3A_862, %arg13[%swap3A_864] : memref<328xi32, #tpu.memory_space<smem>>
    %swap3A_866 = arith.constant 342 : i32
    %swap3A_867 = arith.constant 216 : i32
    %swap3A_868 = arith.index_cast %swap3A_867 : i32 to index
    %swap3A_869 = memref.load %arg13[%swap3A_868] : memref<328xi32, #tpu.memory_space<smem>>
    memref.store %swap3A_866, %arg13[%swap3A_868] : memref<328xi32, #tpu.memory_space<smem>>
    %swap3A_870 = arith.constant 343 : i32
    %swap3A_871 = arith.constant 217 : i32
    %swap3A_872 = arith.index_cast %swap3A_871 : i32 to index
    %swap3A_873 = memref.load %arg13[%swap3A_872] : memref<328xi32, #tpu.memory_space<smem>>
    memref.store %swap3A_870, %arg13[%swap3A_872] : memref<328xi32, #tpu.memory_space<smem>>
    %swap3A_874 = arith.constant 344 : i32
    %swap3A_875 = arith.constant 218 : i32
    %swap3A_876 = arith.index_cast %swap3A_875 : i32 to index
    %swap3A_877 = memref.load %arg13[%swap3A_876] : memref<328xi32, #tpu.memory_space<smem>>
    memref.store %swap3A_874, %arg13[%swap3A_876] : memref<328xi32, #tpu.memory_space<smem>>
    %swap3A_878 = arith.constant 345 : i32
    %swap3A_879 = arith.constant 219 : i32
    %swap3A_880 = arith.index_cast %swap3A_879 : i32 to index
    %swap3A_881 = memref.load %arg13[%swap3A_880] : memref<328xi32, #tpu.memory_space<smem>>
    memref.store %swap3A_878, %arg13[%swap3A_880] : memref<328xi32, #tpu.memory_space<smem>>
    %swap3A_882 = arith.constant 364 : i32
    %swap3A_883 = arith.constant 220 : i32
    %swap3A_884 = arith.index_cast %swap3A_883 : i32 to index
    %swap3A_885 = memref.load %arg13[%swap3A_884] : memref<328xi32, #tpu.memory_space<smem>>
    memref.store %swap3A_882, %arg13[%swap3A_884] : memref<328xi32, #tpu.memory_space<smem>>
    %swap3A_886 = arith.constant 365 : i32
    %swap3A_887 = arith.constant 221 : i32
    %swap3A_888 = arith.index_cast %swap3A_887 : i32 to index
    %swap3A_889 = memref.load %arg13[%swap3A_888] : memref<328xi32, #tpu.memory_space<smem>>
    memref.store %swap3A_886, %arg13[%swap3A_888] : memref<328xi32, #tpu.memory_space<smem>>
    %swap3A_890 = arith.constant 366 : i32
    %swap3A_891 = arith.constant 222 : i32
    %swap3A_892 = arith.index_cast %swap3A_891 : i32 to index
    %swap3A_893 = memref.load %arg13[%swap3A_892] : memref<328xi32, #tpu.memory_space<smem>>
    memref.store %swap3A_890, %arg13[%swap3A_892] : memref<328xi32, #tpu.memory_space<smem>>
    %swap3A_894 = arith.constant 367 : i32
    %swap3A_895 = arith.constant 223 : i32
    %swap3A_896 = arith.index_cast %swap3A_895 : i32 to index
    %swap3A_897 = memref.load %arg13[%swap3A_896] : memref<328xi32, #tpu.memory_space<smem>>
    memref.store %swap3A_894, %arg13[%swap3A_896] : memref<328xi32, #tpu.memory_space<smem>>
    %swap3A_898 = arith.constant 368 : i32
    %swap3A_899 = arith.constant 224 : i32
    %swap3A_900 = arith.index_cast %swap3A_899 : i32 to index
    %swap3A_901 = memref.load %arg13[%swap3A_900] : memref<328xi32, #tpu.memory_space<smem>>
    memref.store %swap3A_898, %arg13[%swap3A_900] : memref<328xi32, #tpu.memory_space<smem>>
    %swap3A_902 = arith.constant 369 : i32
    %swap3A_903 = arith.constant 225 : i32
    %swap3A_904 = arith.index_cast %swap3A_903 : i32 to index
    %swap3A_905 = memref.load %arg13[%swap3A_904] : memref<328xi32, #tpu.memory_space<smem>>
    memref.store %swap3A_902, %arg13[%swap3A_904] : memref<328xi32, #tpu.memory_space<smem>>
    %swap3A_906 = arith.constant 370 : i32
    %swap3A_907 = arith.constant 226 : i32
    %swap3A_908 = arith.index_cast %swap3A_907 : i32 to index
    %swap3A_909 = memref.load %arg13[%swap3A_908] : memref<328xi32, #tpu.memory_space<smem>>
    memref.store %swap3A_906, %arg13[%swap3A_908] : memref<328xi32, #tpu.memory_space<smem>>
    %swap3A_910 = arith.constant 371 : i32
    %swap3A_911 = arith.constant 227 : i32
    %swap3A_912 = arith.index_cast %swap3A_911 : i32 to index
    %swap3A_913 = memref.load %arg13[%swap3A_912] : memref<328xi32, #tpu.memory_space<smem>>
    memref.store %swap3A_910, %arg13[%swap3A_912] : memref<328xi32, #tpu.memory_space<smem>>
    %swap3A_914 = arith.constant 372 : i32
    %swap3A_915 = arith.constant 228 : i32
    %swap3A_916 = arith.index_cast %swap3A_915 : i32 to index
    %swap3A_917 = memref.load %arg13[%swap3A_916] : memref<328xi32, #tpu.memory_space<smem>>
    memref.store %swap3A_914, %arg13[%swap3A_916] : memref<328xi32, #tpu.memory_space<smem>>
    %swap3A_918 = arith.constant 373 : i32
    %swap3A_919 = arith.constant 229 : i32
    %swap3A_920 = arith.index_cast %swap3A_919 : i32 to index
    %swap3A_921 = memref.load %arg13[%swap3A_920] : memref<328xi32, #tpu.memory_space<smem>>
    memref.store %swap3A_918, %arg13[%swap3A_920] : memref<328xi32, #tpu.memory_space<smem>>
    %swap3A_922 = arith.constant 374 : i32
    %swap3A_923 = arith.constant 230 : i32
    %swap3A_924 = arith.index_cast %swap3A_923 : i32 to index
    %swap3A_925 = memref.load %arg13[%swap3A_924] : memref<328xi32, #tpu.memory_space<smem>>
    memref.store %swap3A_922, %arg13[%swap3A_924] : memref<328xi32, #tpu.memory_space<smem>>
    %swap3A_926 = arith.constant 375 : i32
    %swap3A_927 = arith.constant 231 : i32
    %swap3A_928 = arith.index_cast %swap3A_927 : i32 to index
    %swap3A_929 = memref.load %arg13[%swap3A_928] : memref<328xi32, #tpu.memory_space<smem>>
    memref.store %swap3A_926, %arg13[%swap3A_928] : memref<328xi32, #tpu.memory_space<smem>>
    %swap3A_930 = arith.constant 376 : i32
    %swap3A_931 = arith.constant 232 : i32
    %swap3A_932 = arith.index_cast %swap3A_931 : i32 to index
    %swap3A_933 = memref.load %arg13[%swap3A_932] : memref<328xi32, #tpu.memory_space<smem>>
    memref.store %swap3A_930, %arg13[%swap3A_932] : memref<328xi32, #tpu.memory_space<smem>>
    %swap3A_934 = arith.constant 377 : i32
    %swap3A_935 = arith.constant 233 : i32
    %swap3A_936 = arith.index_cast %swap3A_935 : i32 to index
    %swap3A_937 = memref.load %arg13[%swap3A_936] : memref<328xi32, #tpu.memory_space<smem>>
    memref.store %swap3A_934, %arg13[%swap3A_936] : memref<328xi32, #tpu.memory_space<smem>>
    %swap3A_938 = arith.constant 397 : i32
    %swap3A_939 = arith.constant 234 : i32
    %swap3A_940 = arith.index_cast %swap3A_939 : i32 to index
    %swap3A_941 = memref.load %arg13[%swap3A_940] : memref<328xi32, #tpu.memory_space<smem>>
    memref.store %swap3A_938, %arg13[%swap3A_940] : memref<328xi32, #tpu.memory_space<smem>>
    %swap3A_942 = arith.constant 398 : i32
    %swap3A_943 = arith.constant 235 : i32
    %swap3A_944 = arith.index_cast %swap3A_943 : i32 to index
    %swap3A_945 = memref.load %arg13[%swap3A_944] : memref<328xi32, #tpu.memory_space<smem>>
    memref.store %swap3A_942, %arg13[%swap3A_944] : memref<328xi32, #tpu.memory_space<smem>>
    %swap3A_946 = arith.constant 399 : i32
    %swap3A_947 = arith.constant 236 : i32
    %swap3A_948 = arith.index_cast %swap3A_947 : i32 to index
    %swap3A_949 = memref.load %arg13[%swap3A_948] : memref<328xi32, #tpu.memory_space<smem>>
    memref.store %swap3A_946, %arg13[%swap3A_948] : memref<328xi32, #tpu.memory_space<smem>>
    %swap3A_950 = arith.constant 400 : i32
    %swap3A_951 = arith.constant 237 : i32
    %swap3A_952 = arith.index_cast %swap3A_951 : i32 to index
    %swap3A_953 = memref.load %arg13[%swap3A_952] : memref<328xi32, #tpu.memory_space<smem>>
    memref.store %swap3A_950, %arg13[%swap3A_952] : memref<328xi32, #tpu.memory_space<smem>>
    %swap3A_954 = arith.constant 401 : i32
    %swap3A_955 = arith.constant 238 : i32
    %swap3A_956 = arith.index_cast %swap3A_955 : i32 to index
    %swap3A_957 = memref.load %arg13[%swap3A_956] : memref<328xi32, #tpu.memory_space<smem>>
    memref.store %swap3A_954, %arg13[%swap3A_956] : memref<328xi32, #tpu.memory_space<smem>>
    %swap3A_958 = arith.constant 402 : i32
    %swap3A_959 = arith.constant 239 : i32
    %swap3A_960 = arith.index_cast %swap3A_959 : i32 to index
    %swap3A_961 = memref.load %arg13[%swap3A_960] : memref<328xi32, #tpu.memory_space<smem>>
    memref.store %swap3A_958, %arg13[%swap3A_960] : memref<328xi32, #tpu.memory_space<smem>>
    %swap3A_962 = arith.constant 403 : i32
    %swap3A_963 = arith.constant 240 : i32
    %swap3A_964 = arith.index_cast %swap3A_963 : i32 to index
    %swap3A_965 = memref.load %arg13[%swap3A_964] : memref<328xi32, #tpu.memory_space<smem>>
    memref.store %swap3A_962, %arg13[%swap3A_964] : memref<328xi32, #tpu.memory_space<smem>>
    %swap3A_966 = arith.constant 404 : i32
    %swap3A_967 = arith.constant 241 : i32
    %swap3A_968 = arith.index_cast %swap3A_967 : i32 to index
    %swap3A_969 = memref.load %arg13[%swap3A_968] : memref<328xi32, #tpu.memory_space<smem>>
    memref.store %swap3A_966, %arg13[%swap3A_968] : memref<328xi32, #tpu.memory_space<smem>>
    %swap3A_970 = arith.constant 405 : i32
    %swap3A_971 = arith.constant 242 : i32
    %swap3A_972 = arith.index_cast %swap3A_971 : i32 to index
    %swap3A_973 = memref.load %arg13[%swap3A_972] : memref<328xi32, #tpu.memory_space<smem>>
    memref.store %swap3A_970, %arg13[%swap3A_972] : memref<328xi32, #tpu.memory_space<smem>>
    %swap3A_974 = arith.constant 406 : i32
    %swap3A_975 = arith.constant 243 : i32
    %swap3A_976 = arith.index_cast %swap3A_975 : i32 to index
    %swap3A_977 = memref.load %arg13[%swap3A_976] : memref<328xi32, #tpu.memory_space<smem>>
    memref.store %swap3A_974, %arg13[%swap3A_976] : memref<328xi32, #tpu.memory_space<smem>>
    %swap3A_978 = arith.constant 407 : i32
    %swap3A_979 = arith.constant 244 : i32
    %swap3A_980 = arith.index_cast %swap3A_979 : i32 to index
    %swap3A_981 = memref.load %arg13[%swap3A_980] : memref<328xi32, #tpu.memory_space<smem>>
    memref.store %swap3A_978, %arg13[%swap3A_980] : memref<328xi32, #tpu.memory_space<smem>>
    %swap3A_982 = arith.constant 408 : i32
    %swap3A_983 = arith.constant 245 : i32
    %swap3A_984 = arith.index_cast %swap3A_983 : i32 to index
    %swap3A_985 = memref.load %arg13[%swap3A_984] : memref<328xi32, #tpu.memory_space<smem>>
    memref.store %swap3A_982, %arg13[%swap3A_984] : memref<328xi32, #tpu.memory_space<smem>>
    %swap3A_986 = arith.constant 409 : i32
    %swap3A_987 = arith.constant 246 : i32
    %swap3A_988 = arith.index_cast %swap3A_987 : i32 to index
    %swap3A_989 = memref.load %arg13[%swap3A_988] : memref<328xi32, #tpu.memory_space<smem>>
    memref.store %swap3A_986, %arg13[%swap3A_988] : memref<328xi32, #tpu.memory_space<smem>>
    %swap3A_990 = arith.constant 430 : i32
    %swap3A_991 = arith.constant 247 : i32
    %swap3A_992 = arith.index_cast %swap3A_991 : i32 to index
    %swap3A_993 = memref.load %arg13[%swap3A_992] : memref<328xi32, #tpu.memory_space<smem>>
    memref.store %swap3A_990, %arg13[%swap3A_992] : memref<328xi32, #tpu.memory_space<smem>>
    %swap3A_994 = arith.constant 431 : i32
    %swap3A_995 = arith.constant 248 : i32
    %swap3A_996 = arith.index_cast %swap3A_995 : i32 to index
    %swap3A_997 = memref.load %arg13[%swap3A_996] : memref<328xi32, #tpu.memory_space<smem>>
    memref.store %swap3A_994, %arg13[%swap3A_996] : memref<328xi32, #tpu.memory_space<smem>>
    %swap3A_998 = arith.constant 432 : i32
    %swap3A_999 = arith.constant 249 : i32
    %swap3A_1000 = arith.index_cast %swap3A_999 : i32 to index
    %swap3A_1001 = memref.load %arg13[%swap3A_1000] : memref<328xi32, #tpu.memory_space<smem>>
    memref.store %swap3A_998, %arg13[%swap3A_1000] : memref<328xi32, #tpu.memory_space<smem>>
    %swap3A_1002 = arith.constant 433 : i32
    %swap3A_1003 = arith.constant 250 : i32
    %swap3A_1004 = arith.index_cast %swap3A_1003 : i32 to index
    %swap3A_1005 = memref.load %arg13[%swap3A_1004] : memref<328xi32, #tpu.memory_space<smem>>
    memref.store %swap3A_1002, %arg13[%swap3A_1004] : memref<328xi32, #tpu.memory_space<smem>>
    %swap3A_1006 = arith.constant 434 : i32
    %swap3A_1007 = arith.constant 251 : i32
    %swap3A_1008 = arith.index_cast %swap3A_1007 : i32 to index
    %swap3A_1009 = memref.load %arg13[%swap3A_1008] : memref<328xi32, #tpu.memory_space<smem>>
    memref.store %swap3A_1006, %arg13[%swap3A_1008] : memref<328xi32, #tpu.memory_space<smem>>
    %swap3A_1010 = arith.constant 435 : i32
    %swap3A_1011 = arith.constant 252 : i32
    %swap3A_1012 = arith.index_cast %swap3A_1011 : i32 to index
    %swap3A_1013 = memref.load %arg13[%swap3A_1012] : memref<328xi32, #tpu.memory_space<smem>>
    memref.store %swap3A_1010, %arg13[%swap3A_1012] : memref<328xi32, #tpu.memory_space<smem>>
    %swap3A_1014 = arith.constant 436 : i32
    %swap3A_1015 = arith.constant 253 : i32
    %swap3A_1016 = arith.index_cast %swap3A_1015 : i32 to index
    %swap3A_1017 = memref.load %arg13[%swap3A_1016] : memref<328xi32, #tpu.memory_space<smem>>
    memref.store %swap3A_1014, %arg13[%swap3A_1016] : memref<328xi32, #tpu.memory_space<smem>>
    %swap3A_1018 = arith.constant 437 : i32
    %swap3A_1019 = arith.constant 254 : i32
    %swap3A_1020 = arith.index_cast %swap3A_1019 : i32 to index
    %swap3A_1021 = memref.load %arg13[%swap3A_1020] : memref<328xi32, #tpu.memory_space<smem>>
    memref.store %swap3A_1018, %arg13[%swap3A_1020] : memref<328xi32, #tpu.memory_space<smem>>
    %swap3A_1022 = arith.constant 438 : i32
    %swap3A_1023 = arith.constant 255 : i32
    %swap3A_1024 = arith.index_cast %swap3A_1023 : i32 to index
    %swap3A_1025 = memref.load %arg13[%swap3A_1024] : memref<328xi32, #tpu.memory_space<smem>>
    memref.store %swap3A_1022, %arg13[%swap3A_1024] : memref<328xi32, #tpu.memory_space<smem>>
    %swap3A_1026 = arith.constant 439 : i32
    %swap3A_1027 = arith.constant 256 : i32
    %swap3A_1028 = arith.index_cast %swap3A_1027 : i32 to index
    %swap3A_1029 = memref.load %arg13[%swap3A_1028] : memref<328xi32, #tpu.memory_space<smem>>
    memref.store %swap3A_1026, %arg13[%swap3A_1028] : memref<328xi32, #tpu.memory_space<smem>>
    %swap3A_1030 = arith.constant 440 : i32
    %swap3A_1031 = arith.constant 257 : i32
    %swap3A_1032 = arith.index_cast %swap3A_1031 : i32 to index
    %swap3A_1033 = memref.load %arg13[%swap3A_1032] : memref<328xi32, #tpu.memory_space<smem>>
    memref.store %swap3A_1030, %arg13[%swap3A_1032] : memref<328xi32, #tpu.memory_space<smem>>
    %swap3A_1034 = arith.constant 441 : i32
    %swap3A_1035 = arith.constant 258 : i32
    %swap3A_1036 = arith.index_cast %swap3A_1035 : i32 to index
    %swap3A_1037 = memref.load %arg13[%swap3A_1036] : memref<328xi32, #tpu.memory_space<smem>>
    memref.store %swap3A_1034, %arg13[%swap3A_1036] : memref<328xi32, #tpu.memory_space<smem>>
    %swap3A_1038 = arith.constant 463 : i32
    %swap3A_1039 = arith.constant 259 : i32
    %swap3A_1040 = arith.index_cast %swap3A_1039 : i32 to index
    %swap3A_1041 = memref.load %arg13[%swap3A_1040] : memref<328xi32, #tpu.memory_space<smem>>
    memref.store %swap3A_1038, %arg13[%swap3A_1040] : memref<328xi32, #tpu.memory_space<smem>>
    %swap3A_1042 = arith.constant 464 : i32
    %swap3A_1043 = arith.constant 260 : i32
    %swap3A_1044 = arith.index_cast %swap3A_1043 : i32 to index
    %swap3A_1045 = memref.load %arg13[%swap3A_1044] : memref<328xi32, #tpu.memory_space<smem>>
    memref.store %swap3A_1042, %arg13[%swap3A_1044] : memref<328xi32, #tpu.memory_space<smem>>
    %swap3A_1046 = arith.constant 465 : i32
    %swap3A_1047 = arith.constant 261 : i32
    %swap3A_1048 = arith.index_cast %swap3A_1047 : i32 to index
    %swap3A_1049 = memref.load %arg13[%swap3A_1048] : memref<328xi32, #tpu.memory_space<smem>>
    memref.store %swap3A_1046, %arg13[%swap3A_1048] : memref<328xi32, #tpu.memory_space<smem>>
    %swap3A_1050 = arith.constant 466 : i32
    %swap3A_1051 = arith.constant 262 : i32
    %swap3A_1052 = arith.index_cast %swap3A_1051 : i32 to index
    %swap3A_1053 = memref.load %arg13[%swap3A_1052] : memref<328xi32, #tpu.memory_space<smem>>
    memref.store %swap3A_1050, %arg13[%swap3A_1052] : memref<328xi32, #tpu.memory_space<smem>>
    %swap3A_1054 = arith.constant 467 : i32
    %swap3A_1055 = arith.constant 263 : i32
    %swap3A_1056 = arith.index_cast %swap3A_1055 : i32 to index
    %swap3A_1057 = memref.load %arg13[%swap3A_1056] : memref<328xi32, #tpu.memory_space<smem>>
    memref.store %swap3A_1054, %arg13[%swap3A_1056] : memref<328xi32, #tpu.memory_space<smem>>
    %swap3A_1058 = arith.constant 468 : i32
    %swap3A_1059 = arith.constant 264 : i32
    %swap3A_1060 = arith.index_cast %swap3A_1059 : i32 to index
    %swap3A_1061 = memref.load %arg13[%swap3A_1060] : memref<328xi32, #tpu.memory_space<smem>>
    memref.store %swap3A_1058, %arg13[%swap3A_1060] : memref<328xi32, #tpu.memory_space<smem>>
    %swap3A_1062 = arith.constant 469 : i32
    %swap3A_1063 = arith.constant 265 : i32
    %swap3A_1064 = arith.index_cast %swap3A_1063 : i32 to index
    %swap3A_1065 = memref.load %arg13[%swap3A_1064] : memref<328xi32, #tpu.memory_space<smem>>
    memref.store %swap3A_1062, %arg13[%swap3A_1064] : memref<328xi32, #tpu.memory_space<smem>>
    %swap3A_1066 = arith.constant 470 : i32
    %swap3A_1067 = arith.constant 266 : i32
    %swap3A_1068 = arith.index_cast %swap3A_1067 : i32 to index
    %swap3A_1069 = memref.load %arg13[%swap3A_1068] : memref<328xi32, #tpu.memory_space<smem>>
    memref.store %swap3A_1066, %arg13[%swap3A_1068] : memref<328xi32, #tpu.memory_space<smem>>
    %swap3A_1070 = arith.constant 471 : i32
    %swap3A_1071 = arith.constant 267 : i32
    %swap3A_1072 = arith.index_cast %swap3A_1071 : i32 to index
    %swap3A_1073 = memref.load %arg13[%swap3A_1072] : memref<328xi32, #tpu.memory_space<smem>>
    memref.store %swap3A_1070, %arg13[%swap3A_1072] : memref<328xi32, #tpu.memory_space<smem>>
    %swap3A_1074 = arith.constant 472 : i32
    %swap3A_1075 = arith.constant 268 : i32
    %swap3A_1076 = arith.index_cast %swap3A_1075 : i32 to index
    %swap3A_1077 = memref.load %arg13[%swap3A_1076] : memref<328xi32, #tpu.memory_space<smem>>
    memref.store %swap3A_1074, %arg13[%swap3A_1076] : memref<328xi32, #tpu.memory_space<smem>>
    %swap3A_1078 = arith.constant 473 : i32
    %swap3A_1079 = arith.constant 269 : i32
    %swap3A_1080 = arith.index_cast %swap3A_1079 : i32 to index
    %swap3A_1081 = memref.load %arg13[%swap3A_1080] : memref<328xi32, #tpu.memory_space<smem>>
    memref.store %swap3A_1078, %arg13[%swap3A_1080] : memref<328xi32, #tpu.memory_space<smem>>
    %swap3A_1082 = arith.constant 496 : i32
    %swap3A_1083 = arith.constant 270 : i32
    %swap3A_1084 = arith.index_cast %swap3A_1083 : i32 to index
    %swap3A_1085 = memref.load %arg13[%swap3A_1084] : memref<328xi32, #tpu.memory_space<smem>>
    memref.store %swap3A_1082, %arg13[%swap3A_1084] : memref<328xi32, #tpu.memory_space<smem>>
    %swap3A_1086 = arith.constant 497 : i32
    %swap3A_1087 = arith.constant 271 : i32
    %swap3A_1088 = arith.index_cast %swap3A_1087 : i32 to index
    %swap3A_1089 = memref.load %arg13[%swap3A_1088] : memref<328xi32, #tpu.memory_space<smem>>
    memref.store %swap3A_1086, %arg13[%swap3A_1088] : memref<328xi32, #tpu.memory_space<smem>>
    %swap3A_1090 = arith.constant 498 : i32
    %swap3A_1091 = arith.constant 272 : i32
    %swap3A_1092 = arith.index_cast %swap3A_1091 : i32 to index
    %swap3A_1093 = memref.load %arg13[%swap3A_1092] : memref<328xi32, #tpu.memory_space<smem>>
    memref.store %swap3A_1090, %arg13[%swap3A_1092] : memref<328xi32, #tpu.memory_space<smem>>
    %swap3A_1094 = arith.constant 499 : i32
    %swap3A_1095 = arith.constant 273 : i32
    %swap3A_1096 = arith.index_cast %swap3A_1095 : i32 to index
    %swap3A_1097 = memref.load %arg13[%swap3A_1096] : memref<328xi32, #tpu.memory_space<smem>>
    memref.store %swap3A_1094, %arg13[%swap3A_1096] : memref<328xi32, #tpu.memory_space<smem>>
    %swap3A_1098 = arith.constant 500 : i32
    %swap3A_1099 = arith.constant 274 : i32
    %swap3A_1100 = arith.index_cast %swap3A_1099 : i32 to index
    %swap3A_1101 = memref.load %arg13[%swap3A_1100] : memref<328xi32, #tpu.memory_space<smem>>
    memref.store %swap3A_1098, %arg13[%swap3A_1100] : memref<328xi32, #tpu.memory_space<smem>>
    %swap3A_1102 = arith.constant 501 : i32
    %swap3A_1103 = arith.constant 275 : i32
    %swap3A_1104 = arith.index_cast %swap3A_1103 : i32 to index
    %swap3A_1105 = memref.load %arg13[%swap3A_1104] : memref<328xi32, #tpu.memory_space<smem>>
    memref.store %swap3A_1102, %arg13[%swap3A_1104] : memref<328xi32, #tpu.memory_space<smem>>
    %swap3A_1106 = arith.constant 502 : i32
    %swap3A_1107 = arith.constant 276 : i32
    %swap3A_1108 = arith.index_cast %swap3A_1107 : i32 to index
    %swap3A_1109 = memref.load %arg13[%swap3A_1108] : memref<328xi32, #tpu.memory_space<smem>>
    memref.store %swap3A_1106, %arg13[%swap3A_1108] : memref<328xi32, #tpu.memory_space<smem>>
    %swap3A_1110 = arith.constant 503 : i32
    %swap3A_1111 = arith.constant 277 : i32
    %swap3A_1112 = arith.index_cast %swap3A_1111 : i32 to index
    %swap3A_1113 = memref.load %arg13[%swap3A_1112] : memref<328xi32, #tpu.memory_space<smem>>
    memref.store %swap3A_1110, %arg13[%swap3A_1112] : memref<328xi32, #tpu.memory_space<smem>>
    %swap3A_1114 = arith.constant 504 : i32
    %swap3A_1115 = arith.constant 278 : i32
    %swap3A_1116 = arith.index_cast %swap3A_1115 : i32 to index
    %swap3A_1117 = memref.load %arg13[%swap3A_1116] : memref<328xi32, #tpu.memory_space<smem>>
    memref.store %swap3A_1114, %arg13[%swap3A_1116] : memref<328xi32, #tpu.memory_space<smem>>
    %swap3A_1118 = arith.constant 505 : i32
    %swap3A_1119 = arith.constant 279 : i32
    %swap3A_1120 = arith.index_cast %swap3A_1119 : i32 to index
    %swap3A_1121 = memref.load %arg13[%swap3A_1120] : memref<328xi32, #tpu.memory_space<smem>>
    memref.store %swap3A_1118, %arg13[%swap3A_1120] : memref<328xi32, #tpu.memory_space<smem>>
    %swap3A_1122 = arith.constant 529 : i32
    %swap3A_1123 = arith.constant 280 : i32
    %swap3A_1124 = arith.index_cast %swap3A_1123 : i32 to index
    %swap3A_1125 = memref.load %arg13[%swap3A_1124] : memref<328xi32, #tpu.memory_space<smem>>
    memref.store %swap3A_1122, %arg13[%swap3A_1124] : memref<328xi32, #tpu.memory_space<smem>>
    %swap3A_1126 = arith.constant 530 : i32
    %swap3A_1127 = arith.constant 281 : i32
    %swap3A_1128 = arith.index_cast %swap3A_1127 : i32 to index
    %swap3A_1129 = memref.load %arg13[%swap3A_1128] : memref<328xi32, #tpu.memory_space<smem>>
    memref.store %swap3A_1126, %arg13[%swap3A_1128] : memref<328xi32, #tpu.memory_space<smem>>
    %swap3A_1130 = arith.constant 531 : i32
    %swap3A_1131 = arith.constant 282 : i32
    %swap3A_1132 = arith.index_cast %swap3A_1131 : i32 to index
    %swap3A_1133 = memref.load %arg13[%swap3A_1132] : memref<328xi32, #tpu.memory_space<smem>>
    memref.store %swap3A_1130, %arg13[%swap3A_1132] : memref<328xi32, #tpu.memory_space<smem>>
    %swap3A_1134 = arith.constant 532 : i32
    %swap3A_1135 = arith.constant 283 : i32
    %swap3A_1136 = arith.index_cast %swap3A_1135 : i32 to index
    %swap3A_1137 = memref.load %arg13[%swap3A_1136] : memref<328xi32, #tpu.memory_space<smem>>
    memref.store %swap3A_1134, %arg13[%swap3A_1136] : memref<328xi32, #tpu.memory_space<smem>>
    %swap3A_1138 = arith.constant 533 : i32
    %swap3A_1139 = arith.constant 284 : i32
    %swap3A_1140 = arith.index_cast %swap3A_1139 : i32 to index
    %swap3A_1141 = memref.load %arg13[%swap3A_1140] : memref<328xi32, #tpu.memory_space<smem>>
    memref.store %swap3A_1138, %arg13[%swap3A_1140] : memref<328xi32, #tpu.memory_space<smem>>
    %swap3A_1142 = arith.constant 534 : i32
    %swap3A_1143 = arith.constant 285 : i32
    %swap3A_1144 = arith.index_cast %swap3A_1143 : i32 to index
    %swap3A_1145 = memref.load %arg13[%swap3A_1144] : memref<328xi32, #tpu.memory_space<smem>>
    memref.store %swap3A_1142, %arg13[%swap3A_1144] : memref<328xi32, #tpu.memory_space<smem>>
    %swap3A_1146 = arith.constant 535 : i32
    %swap3A_1147 = arith.constant 286 : i32
    %swap3A_1148 = arith.index_cast %swap3A_1147 : i32 to index
    %swap3A_1149 = memref.load %arg13[%swap3A_1148] : memref<328xi32, #tpu.memory_space<smem>>
    memref.store %swap3A_1146, %arg13[%swap3A_1148] : memref<328xi32, #tpu.memory_space<smem>>
    %swap3A_1150 = arith.constant 536 : i32
    %swap3A_1151 = arith.constant 287 : i32
    %swap3A_1152 = arith.index_cast %swap3A_1151 : i32 to index
    %swap3A_1153 = memref.load %arg13[%swap3A_1152] : memref<328xi32, #tpu.memory_space<smem>>
    memref.store %swap3A_1150, %arg13[%swap3A_1152] : memref<328xi32, #tpu.memory_space<smem>>
    %swap3A_1154 = arith.constant 537 : i32
    %swap3A_1155 = arith.constant 288 : i32
    %swap3A_1156 = arith.index_cast %swap3A_1155 : i32 to index
    %swap3A_1157 = memref.load %arg13[%swap3A_1156] : memref<328xi32, #tpu.memory_space<smem>>
    memref.store %swap3A_1154, %arg13[%swap3A_1156] : memref<328xi32, #tpu.memory_space<smem>>
    %swap3A_1158 = arith.constant 562 : i32
    %swap3A_1159 = arith.constant 289 : i32
    %swap3A_1160 = arith.index_cast %swap3A_1159 : i32 to index
    %swap3A_1161 = memref.load %arg13[%swap3A_1160] : memref<328xi32, #tpu.memory_space<smem>>
    memref.store %swap3A_1158, %arg13[%swap3A_1160] : memref<328xi32, #tpu.memory_space<smem>>
    %swap3A_1162 = arith.constant 563 : i32
    %swap3A_1163 = arith.constant 290 : i32
    %swap3A_1164 = arith.index_cast %swap3A_1163 : i32 to index
    %swap3A_1165 = memref.load %arg13[%swap3A_1164] : memref<328xi32, #tpu.memory_space<smem>>
    memref.store %swap3A_1162, %arg13[%swap3A_1164] : memref<328xi32, #tpu.memory_space<smem>>
    %swap3A_1166 = arith.constant 564 : i32
    %swap3A_1167 = arith.constant 291 : i32
    %swap3A_1168 = arith.index_cast %swap3A_1167 : i32 to index
    %swap3A_1169 = memref.load %arg13[%swap3A_1168] : memref<328xi32, #tpu.memory_space<smem>>
    memref.store %swap3A_1166, %arg13[%swap3A_1168] : memref<328xi32, #tpu.memory_space<smem>>
    %swap3A_1170 = arith.constant 565 : i32
    %swap3A_1171 = arith.constant 292 : i32
    %swap3A_1172 = arith.index_cast %swap3A_1171 : i32 to index
    %swap3A_1173 = memref.load %arg13[%swap3A_1172] : memref<328xi32, #tpu.memory_space<smem>>
    memref.store %swap3A_1170, %arg13[%swap3A_1172] : memref<328xi32, #tpu.memory_space<smem>>
    %swap3A_1174 = arith.constant 566 : i32
    %swap3A_1175 = arith.constant 293 : i32
    %swap3A_1176 = arith.index_cast %swap3A_1175 : i32 to index
    %swap3A_1177 = memref.load %arg13[%swap3A_1176] : memref<328xi32, #tpu.memory_space<smem>>
    memref.store %swap3A_1174, %arg13[%swap3A_1176] : memref<328xi32, #tpu.memory_space<smem>>
    %swap3A_1178 = arith.constant 567 : i32
    %swap3A_1179 = arith.constant 294 : i32
    %swap3A_1180 = arith.index_cast %swap3A_1179 : i32 to index
    %swap3A_1181 = memref.load %arg13[%swap3A_1180] : memref<328xi32, #tpu.memory_space<smem>>
    memref.store %swap3A_1178, %arg13[%swap3A_1180] : memref<328xi32, #tpu.memory_space<smem>>
    %swap3A_1182 = arith.constant 568 : i32
    %swap3A_1183 = arith.constant 295 : i32
    %swap3A_1184 = arith.index_cast %swap3A_1183 : i32 to index
    %swap3A_1185 = memref.load %arg13[%swap3A_1184] : memref<328xi32, #tpu.memory_space<smem>>
    memref.store %swap3A_1182, %arg13[%swap3A_1184] : memref<328xi32, #tpu.memory_space<smem>>
    %swap3A_1186 = arith.constant 569 : i32
    %swap3A_1187 = arith.constant 296 : i32
    %swap3A_1188 = arith.index_cast %swap3A_1187 : i32 to index
    %swap3A_1189 = memref.load %arg13[%swap3A_1188] : memref<328xi32, #tpu.memory_space<smem>>
    memref.store %swap3A_1186, %arg13[%swap3A_1188] : memref<328xi32, #tpu.memory_space<smem>>
    %swap3A_1190 = arith.constant 595 : i32
    %swap3A_1191 = arith.constant 297 : i32
    %swap3A_1192 = arith.index_cast %swap3A_1191 : i32 to index
    %swap3A_1193 = memref.load %arg13[%swap3A_1192] : memref<328xi32, #tpu.memory_space<smem>>
    memref.store %swap3A_1190, %arg13[%swap3A_1192] : memref<328xi32, #tpu.memory_space<smem>>
    %swap3A_1194 = arith.constant 596 : i32
    %swap3A_1195 = arith.constant 298 : i32
    %swap3A_1196 = arith.index_cast %swap3A_1195 : i32 to index
    %swap3A_1197 = memref.load %arg13[%swap3A_1196] : memref<328xi32, #tpu.memory_space<smem>>
    memref.store %swap3A_1194, %arg13[%swap3A_1196] : memref<328xi32, #tpu.memory_space<smem>>
    %swap3A_1198 = arith.constant 597 : i32
    %swap3A_1199 = arith.constant 299 : i32
    %swap3A_1200 = arith.index_cast %swap3A_1199 : i32 to index
    %swap3A_1201 = memref.load %arg13[%swap3A_1200] : memref<328xi32, #tpu.memory_space<smem>>
    memref.store %swap3A_1198, %arg13[%swap3A_1200] : memref<328xi32, #tpu.memory_space<smem>>
    %swap3A_1202 = arith.constant 598 : i32
    %swap3A_1203 = arith.constant 300 : i32
    %swap3A_1204 = arith.index_cast %swap3A_1203 : i32 to index
    %swap3A_1205 = memref.load %arg13[%swap3A_1204] : memref<328xi32, #tpu.memory_space<smem>>
    memref.store %swap3A_1202, %arg13[%swap3A_1204] : memref<328xi32, #tpu.memory_space<smem>>
    %swap3A_1206 = arith.constant 599 : i32
    %swap3A_1207 = arith.constant 301 : i32
    %swap3A_1208 = arith.index_cast %swap3A_1207 : i32 to index
    %swap3A_1209 = memref.load %arg13[%swap3A_1208] : memref<328xi32, #tpu.memory_space<smem>>
    memref.store %swap3A_1206, %arg13[%swap3A_1208] : memref<328xi32, #tpu.memory_space<smem>>
    %swap3A_1210 = arith.constant 600 : i32
    %swap3A_1211 = arith.constant 302 : i32
    %swap3A_1212 = arith.index_cast %swap3A_1211 : i32 to index
    %swap3A_1213 = memref.load %arg13[%swap3A_1212] : memref<328xi32, #tpu.memory_space<smem>>
    memref.store %swap3A_1210, %arg13[%swap3A_1212] : memref<328xi32, #tpu.memory_space<smem>>
    %swap3A_1214 = arith.constant 601 : i32
    %swap3A_1215 = arith.constant 303 : i32
    %swap3A_1216 = arith.index_cast %swap3A_1215 : i32 to index
    %swap3A_1217 = memref.load %arg13[%swap3A_1216] : memref<328xi32, #tpu.memory_space<smem>>
    memref.store %swap3A_1214, %arg13[%swap3A_1216] : memref<328xi32, #tpu.memory_space<smem>>
    %swap3A_1218 = arith.constant 628 : i32
    %swap3A_1219 = arith.constant 304 : i32
    %swap3A_1220 = arith.index_cast %swap3A_1219 : i32 to index
    %swap3A_1221 = memref.load %arg13[%swap3A_1220] : memref<328xi32, #tpu.memory_space<smem>>
    memref.store %swap3A_1218, %arg13[%swap3A_1220] : memref<328xi32, #tpu.memory_space<smem>>
    %swap3A_1222 = arith.constant 629 : i32
    %swap3A_1223 = arith.constant 305 : i32
    %swap3A_1224 = arith.index_cast %swap3A_1223 : i32 to index
    %swap3A_1225 = memref.load %arg13[%swap3A_1224] : memref<328xi32, #tpu.memory_space<smem>>
    memref.store %swap3A_1222, %arg13[%swap3A_1224] : memref<328xi32, #tpu.memory_space<smem>>
    %swap3A_1226 = arith.constant 630 : i32
    %swap3A_1227 = arith.constant 306 : i32
    %swap3A_1228 = arith.index_cast %swap3A_1227 : i32 to index
    %swap3A_1229 = memref.load %arg13[%swap3A_1228] : memref<328xi32, #tpu.memory_space<smem>>
    memref.store %swap3A_1226, %arg13[%swap3A_1228] : memref<328xi32, #tpu.memory_space<smem>>
    %swap3A_1230 = arith.constant 631 : i32
    %swap3A_1231 = arith.constant 307 : i32
    %swap3A_1232 = arith.index_cast %swap3A_1231 : i32 to index
    %swap3A_1233 = memref.load %arg13[%swap3A_1232] : memref<328xi32, #tpu.memory_space<smem>>
    memref.store %swap3A_1230, %arg13[%swap3A_1232] : memref<328xi32, #tpu.memory_space<smem>>
    %swap3A_1234 = arith.constant 632 : i32
    %swap3A_1235 = arith.constant 308 : i32
    %swap3A_1236 = arith.index_cast %swap3A_1235 : i32 to index
    %swap3A_1237 = memref.load %arg13[%swap3A_1236] : memref<328xi32, #tpu.memory_space<smem>>
    memref.store %swap3A_1234, %arg13[%swap3A_1236] : memref<328xi32, #tpu.memory_space<smem>>
    %swap3A_1238 = arith.constant 633 : i32
    %swap3A_1239 = arith.constant 309 : i32
    %swap3A_1240 = arith.index_cast %swap3A_1239 : i32 to index
    %swap3A_1241 = memref.load %arg13[%swap3A_1240] : memref<328xi32, #tpu.memory_space<smem>>
    memref.store %swap3A_1238, %arg13[%swap3A_1240] : memref<328xi32, #tpu.memory_space<smem>>
    %swap3A_1242 = arith.constant 661 : i32
    %swap3A_1243 = arith.constant 310 : i32
    %swap3A_1244 = arith.index_cast %swap3A_1243 : i32 to index
    %swap3A_1245 = memref.load %arg13[%swap3A_1244] : memref<328xi32, #tpu.memory_space<smem>>
    memref.store %swap3A_1242, %arg13[%swap3A_1244] : memref<328xi32, #tpu.memory_space<smem>>
    %swap3A_1246 = arith.constant 662 : i32
    %swap3A_1247 = arith.constant 311 : i32
    %swap3A_1248 = arith.index_cast %swap3A_1247 : i32 to index
    %swap3A_1249 = memref.load %arg13[%swap3A_1248] : memref<328xi32, #tpu.memory_space<smem>>
    memref.store %swap3A_1246, %arg13[%swap3A_1248] : memref<328xi32, #tpu.memory_space<smem>>
    %swap3A_1250 = arith.constant 663 : i32
    %swap3A_1251 = arith.constant 312 : i32
    %swap3A_1252 = arith.index_cast %swap3A_1251 : i32 to index
    %swap3A_1253 = memref.load %arg13[%swap3A_1252] : memref<328xi32, #tpu.memory_space<smem>>
    memref.store %swap3A_1250, %arg13[%swap3A_1252] : memref<328xi32, #tpu.memory_space<smem>>
    %swap3A_1254 = arith.constant 664 : i32
    %swap3A_1255 = arith.constant 313 : i32
    %swap3A_1256 = arith.index_cast %swap3A_1255 : i32 to index
    %swap3A_1257 = memref.load %arg13[%swap3A_1256] : memref<328xi32, #tpu.memory_space<smem>>
    memref.store %swap3A_1254, %arg13[%swap3A_1256] : memref<328xi32, #tpu.memory_space<smem>>
    %swap3A_1258 = arith.constant 665 : i32
    %swap3A_1259 = arith.constant 314 : i32
    %swap3A_1260 = arith.index_cast %swap3A_1259 : i32 to index
    %swap3A_1261 = memref.load %arg13[%swap3A_1260] : memref<328xi32, #tpu.memory_space<smem>>
    memref.store %swap3A_1258, %arg13[%swap3A_1260] : memref<328xi32, #tpu.memory_space<smem>>
    %swap3A_1262 = arith.constant 694 : i32
    %swap3A_1263 = arith.constant 315 : i32
    %swap3A_1264 = arith.index_cast %swap3A_1263 : i32 to index
    %swap3A_1265 = memref.load %arg13[%swap3A_1264] : memref<328xi32, #tpu.memory_space<smem>>
    memref.store %swap3A_1262, %arg13[%swap3A_1264] : memref<328xi32, #tpu.memory_space<smem>>
    %swap3A_1266 = arith.constant 695 : i32
    %swap3A_1267 = arith.constant 316 : i32
    %swap3A_1268 = arith.index_cast %swap3A_1267 : i32 to index
    %swap3A_1269 = memref.load %arg13[%swap3A_1268] : memref<328xi32, #tpu.memory_space<smem>>
    memref.store %swap3A_1266, %arg13[%swap3A_1268] : memref<328xi32, #tpu.memory_space<smem>>
    %swap3A_1270 = arith.constant 696 : i32
    %swap3A_1271 = arith.constant 317 : i32
    %swap3A_1272 = arith.index_cast %swap3A_1271 : i32 to index
    %swap3A_1273 = memref.load %arg13[%swap3A_1272] : memref<328xi32, #tpu.memory_space<smem>>
    memref.store %swap3A_1270, %arg13[%swap3A_1272] : memref<328xi32, #tpu.memory_space<smem>>
    %swap3A_1274 = arith.constant 697 : i32
    %swap3A_1275 = arith.constant 318 : i32
    %swap3A_1276 = arith.index_cast %swap3A_1275 : i32 to index
    %swap3A_1277 = memref.load %arg13[%swap3A_1276] : memref<328xi32, #tpu.memory_space<smem>>
    memref.store %swap3A_1274, %arg13[%swap3A_1276] : memref<328xi32, #tpu.memory_space<smem>>
    %swap3A_1278 = arith.constant 727 : i32
    %swap3A_1279 = arith.constant 319 : i32
    %swap3A_1280 = arith.index_cast %swap3A_1279 : i32 to index
    %swap3A_1281 = memref.load %arg13[%swap3A_1280] : memref<328xi32, #tpu.memory_space<smem>>
    memref.store %swap3A_1278, %arg13[%swap3A_1280] : memref<328xi32, #tpu.memory_space<smem>>
    %swap3A_1282 = arith.constant 728 : i32
    %swap3A_1283 = arith.constant 320 : i32
    %swap3A_1284 = arith.index_cast %swap3A_1283 : i32 to index
    %swap3A_1285 = memref.load %arg13[%swap3A_1284] : memref<328xi32, #tpu.memory_space<smem>>
    memref.store %swap3A_1282, %arg13[%swap3A_1284] : memref<328xi32, #tpu.memory_space<smem>>
    %swap3A_1286 = arith.constant 729 : i32
    %swap3A_1287 = arith.constant 321 : i32
    %swap3A_1288 = arith.index_cast %swap3A_1287 : i32 to index
    %swap3A_1289 = memref.load %arg13[%swap3A_1288] : memref<328xi32, #tpu.memory_space<smem>>
    memref.store %swap3A_1286, %arg13[%swap3A_1288] : memref<328xi32, #tpu.memory_space<smem>>
    %swap3A_1290 = arith.constant 760 : i32
    %swap3A_1291 = arith.constant 322 : i32
    %swap3A_1292 = arith.index_cast %swap3A_1291 : i32 to index
    %swap3A_1293 = memref.load %arg13[%swap3A_1292] : memref<328xi32, #tpu.memory_space<smem>>
    memref.store %swap3A_1290, %arg13[%swap3A_1292] : memref<328xi32, #tpu.memory_space<smem>>
    %swap3A_1294 = arith.constant 761 : i32
    %swap3A_1295 = arith.constant 323 : i32
    %swap3A_1296 = arith.index_cast %swap3A_1295 : i32 to index
    %swap3A_1297 = memref.load %arg13[%swap3A_1296] : memref<328xi32, #tpu.memory_space<smem>>
    memref.store %swap3A_1294, %arg13[%swap3A_1296] : memref<328xi32, #tpu.memory_space<smem>>
    %swap3A_1298 = arith.constant 793 : i32
    %swap3A_1299 = arith.constant 324 : i32
    %swap3A_1300 = arith.index_cast %swap3A_1299 : i32 to index
    %swap3A_1301 = memref.load %arg13[%swap3A_1300] : memref<328xi32, #tpu.memory_space<smem>>
    memref.store %swap3A_1298, %arg13[%swap3A_1300] : memref<328xi32, #tpu.memory_space<smem>>
    %swap3A_1302 = arith.constant 0 : i32
    %swap3A_1303 = arith.constant 325 : i32
    %swap3A_1304 = arith.index_cast %swap3A_1303 : i32 to index
    %swap3A_1305 = memref.load %arg13[%swap3A_1304] : memref<328xi32, #tpu.memory_space<smem>>
    memref.store %swap3A_1302, %arg13[%swap3A_1304] : memref<328xi32, #tpu.memory_space<smem>>
    %swap3A_1306 = arith.constant 0 : i32
    %swap3A_1307 = arith.constant 326 : i32
    %swap3A_1308 = arith.index_cast %swap3A_1307 : i32 to index
    %swap3A_1309 = memref.load %arg13[%swap3A_1308] : memref<328xi32, #tpu.memory_space<smem>>
    memref.store %swap3A_1306, %arg13[%swap3A_1308] : memref<328xi32, #tpu.memory_space<smem>>
    %swap3A_1310 = arith.constant 0 : i32
    %swap3A_1311 = arith.constant 327 : i32
    %swap3A_1312 = arith.index_cast %swap3A_1311 : i32 to index
    %swap3A_1313 = memref.load %arg13[%swap3A_1312] : memref<328xi32, #tpu.memory_space<smem>>
    memref.store %swap3A_1310, %arg13[%swap3A_1312] : memref<328xi32, #tpu.memory_space<smem>>
    "tpu.region"() ({
      %run_scoped3A = tpu.sem_alloc : memref<!tpu.dma_semaphore, #tpu.memory_space<semaphore_mem>>
      tpu.enqueue_dma source(%arg4 : memref<26000xf32, #tpu.memory_space<hbm>>) target(%arg10 : memref<26000xf32, #tpu.memory_space<vmem>>) target_semaphore(%run_scoped3A : memref<!tpu.dma_semaphore, #tpu.memory_space<semaphore_mem>>)
      tpu.wait_dma2 semaphore(%run_scoped3A : memref<!tpu.dma_semaphore, #tpu.memory_space<semaphore_mem>>) src(%arg4 : memref<26000xf32, #tpu.memory_space<hbm>>) dst(%arg10 : memref<26000xf32, #tpu.memory_space<vmem>>)
      tpu.yield
    }) : () -> ()
    "tpu.region"() ({
      %run_scoped3A = tpu.sem_alloc : memref<!tpu.dma_semaphore, #tpu.memory_space<semaphore_mem>>
      %dma_start3A = arith.constant 0 : i32
      %dma_start3A_2807 = tpu.memref_slice %arg3[%dma_start3A, %mul3A_2] : memref<26x4096xi32, #tpu.memory_space<hbm>> -> memref<26x128xi32, #tpu.memory_space<hbm>>
      %dma_start3A_2808 = arith.constant 0 : i32
      %dma_start3A_2809 = tpu.memref_slice %arg3[%dma_start3A_2808, %mul3A_2] : memref<26x4096xi32, #tpu.memory_space<hbm>> -> memref<26x128xi32, #tpu.memory_space<hbm>>
      tpu.enqueue_dma source(%dma_start3A_2809 : memref<26x128xi32, #tpu.memory_space<hbm>>) target(%arg9 : memref<26x128xi32, #tpu.memory_space<vmem>>) target_semaphore(%run_scoped3A : memref<!tpu.dma_semaphore, #tpu.memory_space<semaphore_mem>>)
      %dma_wait3A = arith.constant 0 : i32
      %dma_wait3A_2810 = tpu.memref_slice %arg3[%dma_wait3A, %mul3A_2] : memref<26x4096xi32, #tpu.memory_space<hbm>> -> memref<26x128xi32, #tpu.memory_space<hbm>>
      %dma_wait3A_2811 = arith.constant 0 : i32
      %dma_wait3A_2812 = tpu.memref_slice %arg3[%dma_wait3A_2811, %mul3A_2] : memref<26x4096xi32, #tpu.memory_space<hbm>> -> memref<26x128xi32, #tpu.memory_space<hbm>>
      tpu.wait_dma2 semaphore(%run_scoped3A : memref<!tpu.dma_semaphore, #tpu.memory_space<semaphore_mem>>) src(%dma_wait3A_2812 : memref<26x128xi32, #tpu.memory_space<hbm>>) dst(%arg9 : memref<26x128xi32, #tpu.memory_space<vmem>>)
      tpu.yield
    }) : () -> ()
    %broadcast_in_dim3A = arith.constant 0.000000e+00 : f32
    %broadcast_in_dim3A_1314 = vector.broadcast %broadcast_in_dim3A : f32 to vector<16xf32>
    %iota3A = tpu.iota {dimensions = array<i32: 0>} : vector<16xi32>
    %scan3A = arith.constant 0 : i32
    %scan3A_1315 = arith.constant 0 : i32
    %scan3A_1316 = arith.constant 256 : i32
    %scan3A_1317 = arith.addi %scan3A_1315, %scan3A_1316 : i32
    %scan3A_1318 = arith.constant 1 : i32
    scf.for %scan3A_2807 = %scan3A_1315 to %scan3A_1317 step %scan3A_1318  : i32 {
      %swap3A_2808 = arith.index_cast %scan3A_2807 : i32 to index
      %swap3A_2809 = arith.constant 0 : index
      %swap3A_2810 = tpu.vector_load %arg8[%swap3A_2808, %swap3A_2809] {strides = array<i32>} : memref<256x16xf32, #tpu.memory_space<vmem>>, vector<16xf32>,
      tpu.vector_store %arg8[%swap3A_2808, %swap3A_2809], %broadcast_in_dim3A_1314 {strides = array<i32>} : memref<256x16xf32, #tpu.memory_space<vmem>>, vector<16xf32>,
    }
    %scan3A_1319 = arith.constant 256 : i32
    %add3A_1320 = arith.constant 0 : i32
    %add3A_1321 = vector.broadcast %add3A_1320 : i32 to vector<16xi32>
    %add3A_1322 = arith.addi %iota3A, %add3A_1321 : vector<16xi32>
    %swap3A_1323 = arith.constant 0 : index
    %swap3A_1324 = tpu.vector_load %arg11[%swap3A_1323] {strides = array<i32>} : memref<256xi32, #tpu.memory_space<vmem>>, vector<16xi32>,
    tpu.vector_store %arg11[%swap3A_1323], %add3A_1322 {strides = array<i32>} : memref<256xi32, #tpu.memory_space<vmem>>, vector<16xi32>,
    %add3A_1325 = arith.constant 16 : i32
    %add3A_1326 = vector.broadcast %add3A_1325 : i32 to vector<16xi32>
    %add3A_1327 = arith.addi %iota3A, %add3A_1326 : vector<16xi32>
    %swap3A_1328 = arith.constant 16 : index
    %swap3A_1329 = tpu.vector_load %arg11[%swap3A_1328] {strides = array<i32>} : memref<256xi32, #tpu.memory_space<vmem>>, vector<16xi32>,
    tpu.vector_store %arg11[%swap3A_1328], %add3A_1327 {strides = array<i32>} : memref<256xi32, #tpu.memory_space<vmem>>, vector<16xi32>,
    %add3A_1330 = arith.constant 32 : i32
    %add3A_1331 = vector.broadcast %add3A_1330 : i32 to vector<16xi32>
    %add3A_1332 = arith.addi %iota3A, %add3A_1331 : vector<16xi32>
    %swap3A_1333 = arith.constant 32 : index
    %swap3A_1334 = tpu.vector_load %arg11[%swap3A_1333] {strides = array<i32>} : memref<256xi32, #tpu.memory_space<vmem>>, vector<16xi32>,
    tpu.vector_store %arg11[%swap3A_1333], %add3A_1332 {strides = array<i32>} : memref<256xi32, #tpu.memory_space<vmem>>, vector<16xi32>,
    %add3A_1335 = arith.constant 48 : i32
    %add3A_1336 = vector.broadcast %add3A_1335 : i32 to vector<16xi32>
    %add3A_1337 = arith.addi %iota3A, %add3A_1336 : vector<16xi32>
    %swap3A_1338 = arith.constant 48 : index
    %swap3A_1339 = tpu.vector_load %arg11[%swap3A_1338] {strides = array<i32>} : memref<256xi32, #tpu.memory_space<vmem>>, vector<16xi32>,
    tpu.vector_store %arg11[%swap3A_1338], %add3A_1337 {strides = array<i32>} : memref<256xi32, #tpu.memory_space<vmem>>, vector<16xi32>,
    %add3A_1340 = arith.constant 64 : i32
    %add3A_1341 = vector.broadcast %add3A_1340 : i32 to vector<16xi32>
    %add3A_1342 = arith.addi %iota3A, %add3A_1341 : vector<16xi32>
    %swap3A_1343 = arith.constant 64 : index
    %swap3A_1344 = tpu.vector_load %arg11[%swap3A_1343] {strides = array<i32>} : memref<256xi32, #tpu.memory_space<vmem>>, vector<16xi32>,
    tpu.vector_store %arg11[%swap3A_1343], %add3A_1342 {strides = array<i32>} : memref<256xi32, #tpu.memory_space<vmem>>, vector<16xi32>,
    %add3A_1345 = arith.constant 80 : i32
    %add3A_1346 = vector.broadcast %add3A_1345 : i32 to vector<16xi32>
    %add3A_1347 = arith.addi %iota3A, %add3A_1346 : vector<16xi32>
    %swap3A_1348 = arith.constant 80 : index
    %swap3A_1349 = tpu.vector_load %arg11[%swap3A_1348] {strides = array<i32>} : memref<256xi32, #tpu.memory_space<vmem>>, vector<16xi32>,
    tpu.vector_store %arg11[%swap3A_1348], %add3A_1347 {strides = array<i32>} : memref<256xi32, #tpu.memory_space<vmem>>, vector<16xi32>,
    %add3A_1350 = arith.constant 96 : i32
    %add3A_1351 = vector.broadcast %add3A_1350 : i32 to vector<16xi32>
    %add3A_1352 = arith.addi %iota3A, %add3A_1351 : vector<16xi32>
    %swap3A_1353 = arith.constant 96 : index
    %swap3A_1354 = tpu.vector_load %arg11[%swap3A_1353] {strides = array<i32>} : memref<256xi32, #tpu.memory_space<vmem>>, vector<16xi32>,
    tpu.vector_store %arg11[%swap3A_1353], %add3A_1352 {strides = array<i32>} : memref<256xi32, #tpu.memory_space<vmem>>, vector<16xi32>,
    %add3A_1355 = arith.constant 112 : i32
    %add3A_1356 = vector.broadcast %add3A_1355 : i32 to vector<16xi32>
    %add3A_1357 = arith.addi %iota3A, %add3A_1356 : vector<16xi32>
    %swap3A_1358 = arith.constant 112 : index
    %swap3A_1359 = tpu.vector_load %arg11[%swap3A_1358] {strides = array<i32>} : memref<256xi32, #tpu.memory_space<vmem>>, vector<16xi32>,
    tpu.vector_store %arg11[%swap3A_1358], %add3A_1357 {strides = array<i32>} : memref<256xi32, #tpu.memory_space<vmem>>, vector<16xi32>,
    %add3A_1360 = arith.constant 128 : i32
    %add3A_1361 = vector.broadcast %add3A_1360 : i32 to vector<16xi32>
    %add3A_1362 = arith.addi %iota3A, %add3A_1361 : vector<16xi32>
    %swap3A_1363 = arith.constant 128 : index
    %swap3A_1364 = tpu.vector_load %arg11[%swap3A_1363] {strides = array<i32>} : memref<256xi32, #tpu.memory_space<vmem>>, vector<16xi32>,
    tpu.vector_store %arg11[%swap3A_1363], %add3A_1362 {strides = array<i32>} : memref<256xi32, #tpu.memory_space<vmem>>, vector<16xi32>,
    %add3A_1365 = arith.constant 144 : i32
    %add3A_1366 = vector.broadcast %add3A_1365 : i32 to vector<16xi32>
    %add3A_1367 = arith.addi %iota3A, %add3A_1366 : vector<16xi32>
    %swap3A_1368 = arith.constant 144 : index
    %swap3A_1369 = tpu.vector_load %arg11[%swap3A_1368] {strides = array<i32>} : memref<256xi32, #tpu.memory_space<vmem>>, vector<16xi32>,
    tpu.vector_store %arg11[%swap3A_1368], %add3A_1367 {strides = array<i32>} : memref<256xi32, #tpu.memory_space<vmem>>, vector<16xi32>,
    %add3A_1370 = arith.constant 160 : i32
    %add3A_1371 = vector.broadcast %add3A_1370 : i32 to vector<16xi32>
    %add3A_1372 = arith.addi %iota3A, %add3A_1371 : vector<16xi32>
    %swap3A_1373 = arith.constant 160 : index
    %swap3A_1374 = tpu.vector_load %arg11[%swap3A_1373] {strides = array<i32>} : memref<256xi32, #tpu.memory_space<vmem>>, vector<16xi32>,
    tpu.vector_store %arg11[%swap3A_1373], %add3A_1372 {strides = array<i32>} : memref<256xi32, #tpu.memory_space<vmem>>, vector<16xi32>,
    %add3A_1375 = arith.constant 176 : i32
    %add3A_1376 = vector.broadcast %add3A_1375 : i32 to vector<16xi32>
    %add3A_1377 = arith.addi %iota3A, %add3A_1376 : vector<16xi32>
    %swap3A_1378 = arith.constant 176 : index
    %swap3A_1379 = tpu.vector_load %arg11[%swap3A_1378] {strides = array<i32>} : memref<256xi32, #tpu.memory_space<vmem>>, vector<16xi32>,
    tpu.vector_store %arg11[%swap3A_1378], %add3A_1377 {strides = array<i32>} : memref<256xi32, #tpu.memory_space<vmem>>, vector<16xi32>,
    %add3A_1380 = arith.constant 192 : i32
    %add3A_1381 = vector.broadcast %add3A_1380 : i32 to vector<16xi32>
    %add3A_1382 = arith.addi %iota3A, %add3A_1381 : vector<16xi32>
    %swap3A_1383 = arith.constant 192 : index
    %swap3A_1384 = tpu.vector_load %arg11[%swap3A_1383] {strides = array<i32>} : memref<256xi32, #tpu.memory_space<vmem>>, vector<16xi32>,
    tpu.vector_store %arg11[%swap3A_1383], %add3A_1382 {strides = array<i32>} : memref<256xi32, #tpu.memory_space<vmem>>, vector<16xi32>,
    %add3A_1385 = arith.constant 208 : i32
    %add3A_1386 = vector.broadcast %add3A_1385 : i32 to vector<16xi32>
    %add3A_1387 = arith.addi %iota3A, %add3A_1386 : vector<16xi32>
    %swap3A_1388 = arith.constant 208 : index
    %swap3A_1389 = tpu.vector_load %arg11[%swap3A_1388] {strides = array<i32>} : memref<256xi32, #tpu.memory_space<vmem>>, vector<16xi32>,
    tpu.vector_store %arg11[%swap3A_1388], %add3A_1387 {strides = array<i32>} : memref<256xi32, #tpu.memory_space<vmem>>, vector<16xi32>,
    %add3A_1390 = arith.constant 224 : i32
    %add3A_1391 = vector.broadcast %add3A_1390 : i32 to vector<16xi32>
    %add3A_1392 = arith.addi %iota3A, %add3A_1391 : vector<16xi32>
    %swap3A_1393 = arith.constant 224 : index
    %swap3A_1394 = tpu.vector_load %arg11[%swap3A_1393] {strides = array<i32>} : memref<256xi32, #tpu.memory_space<vmem>>, vector<16xi32>,
    tpu.vector_store %arg11[%swap3A_1393], %add3A_1392 {strides = array<i32>} : memref<256xi32, #tpu.memory_space<vmem>>, vector<16xi32>,
    %add3A_1395 = arith.constant 240 : i32
    %add3A_1396 = vector.broadcast %add3A_1395 : i32 to vector<16xi32>
    %add3A_1397 = arith.addi %iota3A, %add3A_1396 : vector<16xi32>
    %swap3A_1398 = arith.constant 240 : index
    %swap3A_1399 = tpu.vector_load %arg11[%swap3A_1398] {strides = array<i32>} : memref<256xi32, #tpu.memory_space<vmem>>, vector<16xi32>,
    tpu.vector_store %arg11[%swap3A_1398], %add3A_1397 {strides = array<i32>} : memref<256xi32, #tpu.memory_space<vmem>>, vector<16xi32>,
    %add3A_1400 = arith.constant 0 : i32
    %add3A_1401 = arith.addi %add3A_1400, %add3A : i32
    %lt3A = arith.constant 325 : i32
    %lt3A_1402 = arith.cmpi slt, %add3A_1401, %lt3A : i32
    %convert_element_type3A = arith.extui %lt3A_1402 : i1 to i32
    %cond3A = arith.constant 0 : i32
    %cond3A_1403 = arith.cmpi ne, %convert_element_type3A, %cond3A : i32
    scf.if %cond3A_1403 {
      %get3A_2807 = arith.index_cast %add3A_1401 : i32 to index
      %get3A_2808 = memref.load %arg13[%get3A_2807] : memref<328xi32, #tpu.memory_space<smem>>
      %shift_right_logical3A = arith.constant 5 : i32
      %shift_right_logical3A_2809 = arith.shrui %get3A_2808, %shift_right_logical3A : i32
      %and3A_2810 = arith.constant 31 : i32
      %and3A_2811 = arith.andi %get3A_2808, %and3A_2810 : i32
      %run_scoped3A = arith.constant 0 : i32
      %run_scoped3A_2812 = arith.constant 0 : i32
      "tpu.region"() ({
        %run_scoped3A_2850 = tpu.sem_alloc : memref<!tpu.dma_semaphore, #tpu.memory_space<semaphore_mem>>
        %dma_start3A_2851 = arith.constant 0 : i32
        %dma_start3A_2852 = tpu.memref_slice %arg7[%run_scoped3A, %run_scoped3A_2812, %dma_start3A_2851] : memref<2x2x4096xi32, #tpu.memory_space<vmem>> -> memref<1x1x4096xi32, #tpu.memory_space<vmem>>
        %dma_start3A_2853 = tpu.memref_squeeze %dma_start3A_2852 : memref<1x1x4096xi32, #tpu.memory_space<vmem>> -> memref<4096xi32, #tpu.memory_space<vmem>>
        %dma_start3A_2854 = arith.constant 0 : i32
        %dma_start3A_2855 = tpu.memref_slice %arg3[%shift_right_logical3A_2809, %dma_start3A_2854] : memref<26x4096xi32, #tpu.memory_space<hbm>> -> memref<1x4096xi32, #tpu.memory_space<hbm>>
        %dma_start3A_2856 = tpu.memref_squeeze %dma_start3A_2855 : memref<1x4096xi32, #tpu.memory_space<hbm>> -> memref<4096xi32, #tpu.memory_space<hbm>>
        %dma_start3A_2857 = arith.constant 0 : i32
        %dma_start3A_2858 = tpu.memref_slice %arg7[%run_scoped3A, %run_scoped3A_2812, %dma_start3A_2857] : memref<2x2x4096xi32, #tpu.memory_space<vmem>> -> memref<1x1x4096xi32, #tpu.memory_space<vmem>>
        %dma_start3A_2859 = tpu.memref_squeeze %dma_start3A_2858 : memref<1x1x4096xi32, #tpu.memory_space<vmem>> -> memref<4096xi32, #tpu.memory_space<vmem>>
        %dma_start3A_2860 = arith.constant 0 : i32
        %dma_start3A_2861 = tpu.memref_slice %arg3[%shift_right_logical3A_2809, %dma_start3A_2860] : memref<26x4096xi32, #tpu.memory_space<hbm>> -> memref<1x4096xi32, #tpu.memory_space<hbm>>
        %dma_start3A_2862 = tpu.memref_squeeze %dma_start3A_2861 : memref<1x4096xi32, #tpu.memory_space<hbm>> -> memref<4096xi32, #tpu.memory_space<hbm>>
        tpu.enqueue_dma source(%dma_start3A_2862 : memref<4096xi32, #tpu.memory_space<hbm>>) target(%dma_start3A_2859 : memref<4096xi32, #tpu.memory_space<vmem>>) target_semaphore(%run_scoped3A_2850 : memref<!tpu.dma_semaphore, #tpu.memory_space<semaphore_mem>>)
        %dma_wait3A = arith.constant 0 : i32
        %dma_wait3A_2863 = tpu.memref_slice %arg7[%run_scoped3A, %run_scoped3A_2812, %dma_wait3A] : memref<2x2x4096xi32, #tpu.memory_space<vmem>> -> memref<1x1x4096xi32, #tpu.memory_space<vmem>>
        %dma_wait3A_2864 = tpu.memref_squeeze %dma_wait3A_2863 : memref<1x1x4096xi32, #tpu.memory_space<vmem>> -> memref<4096xi32, #tpu.memory_space<vmem>>
        %dma_wait3A_2865 = arith.constant 0 : i32
        %dma_wait3A_2866 = tpu.memref_slice %arg3[%shift_right_logical3A_2809, %dma_wait3A_2865] : memref<26x4096xi32, #tpu.memory_space<hbm>> -> memref<1x4096xi32, #tpu.memory_space<hbm>>
        %dma_wait3A_2867 = tpu.memref_squeeze %dma_wait3A_2866 : memref<1x4096xi32, #tpu.memory_space<hbm>> -> memref<4096xi32, #tpu.memory_space<hbm>>
        %dma_wait3A_2868 = arith.constant 0 : i32
        %dma_wait3A_2869 = tpu.memref_slice %arg7[%run_scoped3A, %run_scoped3A_2812, %dma_wait3A_2868] : memref<2x2x4096xi32, #tpu.memory_space<vmem>> -> memref<1x1x4096xi32, #tpu.memory_space<vmem>>
        %dma_wait3A_2870 = tpu.memref_squeeze %dma_wait3A_2869 : memref<1x1x4096xi32, #tpu.memory_space<vmem>> -> memref<4096xi32, #tpu.memory_space<vmem>>
        %dma_wait3A_2871 = arith.constant 0 : i32
        %dma_wait3A_2872 = tpu.memref_slice %arg3[%shift_right_logical3A_2809, %dma_wait3A_2871] : memref<26x4096xi32, #tpu.memory_space<hbm>> -> memref<1x4096xi32, #tpu.memory_space<hbm>>
        %dma_wait3A_2873 = tpu.memref_squeeze %dma_wait3A_2872 : memref<1x4096xi32, #tpu.memory_space<hbm>> -> memref<4096xi32, #tpu.memory_space<hbm>>
        tpu.wait_dma2 semaphore(%run_scoped3A_2850 : memref<!tpu.dma_semaphore, #tpu.memory_space<semaphore_mem>>) src(%dma_wait3A_2873 : memref<4096xi32, #tpu.memory_space<hbm>>) dst(%dma_wait3A_2870 : memref<4096xi32, #tpu.memory_space<vmem>>)
        tpu.yield
      }) : () -> ()
      %run_scoped3A_2813 = arith.constant 0 : i32
      %run_scoped3A_2814 = arith.constant 1 : i32
      "tpu.region"() ({
        %run_scoped3A_2850 = tpu.sem_alloc : memref<!tpu.dma_semaphore, #tpu.memory_space<semaphore_mem>>
        %dma_start3A_2851 = arith.constant 0 : i32
        %dma_start3A_2852 = tpu.memref_slice %arg7[%run_scoped3A_2813, %run_scoped3A_2814, %dma_start3A_2851] : memref<2x2x4096xi32, #tpu.memory_space<vmem>> -> memref<1x1x4096xi32, #tpu.memory_space<vmem>>
        %dma_start3A_2853 = tpu.memref_squeeze %dma_start3A_2852 : memref<1x1x4096xi32, #tpu.memory_space<vmem>> -> memref<4096xi32, #tpu.memory_space<vmem>>
        %dma_start3A_2854 = arith.constant 0 : i32
        %dma_start3A_2855 = tpu.memref_slice %arg3[%and3A_2811, %dma_start3A_2854] : memref<26x4096xi32, #tpu.memory_space<hbm>> -> memref<1x4096xi32, #tpu.memory_space<hbm>>
        %dma_start3A_2856 = tpu.memref_squeeze %dma_start3A_2855 : memref<1x4096xi32, #tpu.memory_space<hbm>> -> memref<4096xi32, #tpu.memory_space<hbm>>
        %dma_start3A_2857 = arith.constant 0 : i32
        %dma_start3A_2858 = tpu.memref_slice %arg7[%run_scoped3A_2813, %run_scoped3A_2814, %dma_start3A_2857] : memref<2x2x4096xi32, #tpu.memory_space<vmem>> -> memref<1x1x4096xi32, #tpu.memory_space<vmem>>
        %dma_start3A_2859 = tpu.memref_squeeze %dma_start3A_2858 : memref<1x1x4096xi32, #tpu.memory_space<vmem>> -> memref<4096xi32, #tpu.memory_space<vmem>>
        %dma_start3A_2860 = arith.constant 0 : i32
        %dma_start3A_2861 = tpu.memref_slice %arg3[%and3A_2811, %dma_start3A_2860] : memref<26x4096xi32, #tpu.memory_space<hbm>> -> memref<1x4096xi32, #tpu.memory_space<hbm>>
        %dma_start3A_2862 = tpu.memref_squeeze %dma_start3A_2861 : memref<1x4096xi32, #tpu.memory_space<hbm>> -> memref<4096xi32, #tpu.memory_space<hbm>>
        tpu.enqueue_dma source(%dma_start3A_2862 : memref<4096xi32, #tpu.memory_space<hbm>>) target(%dma_start3A_2859 : memref<4096xi32, #tpu.memory_space<vmem>>) target_semaphore(%run_scoped3A_2850 : memref<!tpu.dma_semaphore, #tpu.memory_space<semaphore_mem>>)
        %dma_wait3A = arith.constant 0 : i32
        %dma_wait3A_2863 = tpu.memref_slice %arg7[%run_scoped3A_2813, %run_scoped3A_2814, %dma_wait3A] : memref<2x2x4096xi32, #tpu.memory_space<vmem>> -> memref<1x1x4096xi32, #tpu.memory_space<vmem>>
        %dma_wait3A_2864 = tpu.memref_squeeze %dma_wait3A_2863 : memref<1x1x4096xi32, #tpu.memory_space<vmem>> -> memref<4096xi32, #tpu.memory_space<vmem>>
        %dma_wait3A_2865 = arith.constant 0 : i32
        %dma_wait3A_2866 = tpu.memref_slice %arg3[%and3A_2811, %dma_wait3A_2865] : memref<26x4096xi32, #tpu.memory_space<hbm>> -> memref<1x4096xi32, #tpu.memory_space<hbm>>
        %dma_wait3A_2867 = tpu.memref_squeeze %dma_wait3A_2866 : memref<1x4096xi32, #tpu.memory_space<hbm>> -> memref<4096xi32, #tpu.memory_space<hbm>>
        %dma_wait3A_2868 = arith.constant 0 : i32
        %dma_wait3A_2869 = tpu.memref_slice %arg7[%run_scoped3A_2813, %run_scoped3A_2814, %dma_wait3A_2868] : memref<2x2x4096xi32, #tpu.memory_space<vmem>> -> memref<1x1x4096xi32, #tpu.memory_space<vmem>>
        %dma_wait3A_2870 = tpu.memref_squeeze %dma_wait3A_2869 : memref<1x1x4096xi32, #tpu.memory_space<vmem>> -> memref<4096xi32, #tpu.memory_space<vmem>>
        %dma_wait3A_2871 = arith.constant 0 : i32
        %dma_wait3A_2872 = tpu.memref_slice %arg3[%and3A_2811, %dma_wait3A_2871] : memref<26x4096xi32, #tpu.memory_space<hbm>> -> memref<1x4096xi32, #tpu.memory_space<hbm>>
        %dma_wait3A_2873 = tpu.memref_squeeze %dma_wait3A_2872 : memref<1x4096xi32, #tpu.memory_space<hbm>> -> memref<4096xi32, #tpu.memory_space<hbm>>
        tpu.wait_dma2 semaphore(%run_scoped3A_2850 : memref<!tpu.dma_semaphore, #tpu.memory_space<semaphore_mem>>) src(%dma_wait3A_2873 : memref<4096xi32, #tpu.memory_space<hbm>>) dst(%dma_wait3A_2870 : memref<4096xi32, #tpu.memory_space<vmem>>)
        tpu.yield
      }) : () -> ()
      %dma_start3A = arith.constant 0 : i32
      %dma_start3A_2815 = arith.constant 0 : i32
      %dma_start3A_2816 = arith.constant 0 : i32
      %dma_start3A_2817 = arith.constant 0 : i32
      %dma_start3A_2818 = tpu.memref_slice %arg6[%dma_start3A, %dma_start3A_2815, %dma_start3A_2816, %dma_start3A_2817] : memref<2x2x16x1000xf32, #tpu.memory_space<vmem>> -> memref<1x1x16x1000xf32, #tpu.memory_space<vmem>>
      %dma_start3A_2819 = tpu.memref_squeeze %dma_start3A_2818 : memref<1x1x16x1000xf32, #tpu.memory_space<vmem>> -> memref<16x1000xf32, #tpu.memory_space<vmem>>
      %dma_start3A_2820 = arith.constant 0 : i32
      %dma_start3A_2821 = arith.constant 0 : i32
      %dma_start3A_2822 = tpu.memref_slice %arg2[%shift_right_logical3A_2809, %and3A_2811, %dma_start3A_2820, %dma_start3A_2821] : memref<26x26x16x1000xf32, #tpu.memory_space<hbm>> -> memref<1x1x16x1000xf32, #tpu.memory_space<hbm>>
      %dma_start3A_2823 = tpu.memref_squeeze %dma_start3A_2822 : memref<1x1x16x1000xf32, #tpu.memory_space<hbm>> -> memref<16x1000xf32, #tpu.memory_space<hbm>>
      %dma_start3A_2824 = arith.constant 0 : i32
      %dma_start3A_2825 = arith.constant 0 : i32
      %dma_start3A_2826 = tpu.memref_slice %arg6[%dma_start3A, %dma_start3A_2815, %dma_start3A_2824, %dma_start3A_2825] : memref<2x2x16x1000xf32, #tpu.memory_space<vmem>> -> memref<1x1x16x1000xf32, #tpu.memory_space<vmem>>
      %dma_start3A_2827 = tpu.memref_squeeze %dma_start3A_2826 : memref<1x1x16x1000xf32, #tpu.memory_space<vmem>> -> memref<16x1000xf32, #tpu.memory_space<vmem>>
      %dma_start3A_2828 = arith.constant 0 : i32
      %dma_start3A_2829 = arith.constant 0 : i32
      %dma_start3A_2830 = tpu.memref_slice %arg2[%shift_right_logical3A_2809, %and3A_2811, %dma_start3A_2828, %dma_start3A_2829] : memref<26x26x16x1000xf32, #tpu.memory_space<hbm>> -> memref<1x1x16x1000xf32, #tpu.memory_space<hbm>>
      %dma_start3A_2831 = tpu.memref_squeeze %dma_start3A_2830 : memref<1x1x16x1000xf32, #tpu.memory_space<hbm>> -> memref<16x1000xf32, #tpu.memory_space<hbm>>
      tpu.enqueue_dma source(%dma_start3A_2831 : memref<16x1000xf32, #tpu.memory_space<hbm>>) target(%dma_start3A_2827 : memref<16x1000xf32, #tpu.memory_space<vmem>>) target_semaphore(%arg14 : memref<!tpu.dma_semaphore, #tpu.memory_space<semaphore_mem>>)
      %dma_start3A_2832 = arith.constant 0 : i32
      %dma_start3A_2833 = arith.constant 1 : i32
      %dma_start3A_2834 = arith.constant 0 : i32
      %dma_start3A_2835 = arith.constant 0 : i32
      %dma_start3A_2836 = tpu.memref_slice %arg6[%dma_start3A_2832, %dma_start3A_2833, %dma_start3A_2834, %dma_start3A_2835] : memref<2x2x16x1000xf32, #tpu.memory_space<vmem>> -> memref<1x1x16x1000xf32, #tpu.memory_space<vmem>>
      %dma_start3A_2837 = tpu.memref_squeeze %dma_start3A_2836 : memref<1x1x16x1000xf32, #tpu.memory_space<vmem>> -> memref<16x1000xf32, #tpu.memory_space<vmem>>
      %dma_start3A_2838 = arith.constant 0 : i32
      %dma_start3A_2839 = arith.constant 0 : i32
      %dma_start3A_2840 = tpu.memref_slice %arg2[%and3A_2811, %shift_right_logical3A_2809, %dma_start3A_2838, %dma_start3A_2839] : memref<26x26x16x1000xf32, #tpu.memory_space<hbm>> -> memref<1x1x16x1000xf32, #tpu.memory_space<hbm>>
      %dma_start3A_2841 = tpu.memref_squeeze %dma_start3A_2840 : memref<1x1x16x1000xf32, #tpu.memory_space<hbm>> -> memref<16x1000xf32, #tpu.memory_space<hbm>>
      %dma_start3A_2842 = arith.constant 0 : i32
      %dma_start3A_2843 = arith.constant 0 : i32
      %dma_start3A_2844 = tpu.memref_slice %arg6[%dma_start3A_2832, %dma_start3A_2833, %dma_start3A_2842, %dma_start3A_2843] : memref<2x2x16x1000xf32, #tpu.memory_space<vmem>> -> memref<1x1x16x1000xf32, #tpu.memory_space<vmem>>
      %dma_start3A_2845 = tpu.memref_squeeze %dma_start3A_2844 : memref<1x1x16x1000xf32, #tpu.memory_space<vmem>> -> memref<16x1000xf32, #tpu.memory_space<vmem>>
      %dma_start3A_2846 = arith.constant 0 : i32
      %dma_start3A_2847 = arith.constant 0 : i32
      %dma_start3A_2848 = tpu.memref_slice %arg2[%and3A_2811, %shift_right_logical3A_2809, %dma_start3A_2846, %dma_start3A_2847] : memref<26x26x16x1000xf32, #tpu.memory_space<hbm>> -> memref<1x1x16x1000xf32, #tpu.memory_space<hbm>>
      %dma_start3A_2849 = tpu.memref_squeeze %dma_start3A_2848 : memref<1x1x16x1000xf32, #tpu.memory_space<hbm>> -> memref<16x1000xf32, #tpu.memory_space<hbm>>
      tpu.enqueue_dma source(%dma_start3A_2849 : memref<16x1000xf32, #tpu.memory_space<hbm>>) target(%dma_start3A_2845 : memref<16x1000xf32, #tpu.memory_space<vmem>>) target_semaphore(%arg14 : memref<!tpu.dma_semaphore, #tpu.memory_space<semaphore_mem>>)
    } else {
    }
    %add3A_1404 = arith.constant 32 : i32
    %add3A_1405 = arith.addi %add3A_1404, %add3A : i32
    %lt3A_1406 = arith.constant 325 : i32
    %lt3A_1407 = arith.cmpi slt, %add3A_1405, %lt3A_1406 : i32
    %convert_element_type3A_1408 = arith.extui %lt3A_1407 : i1 to i32
    %cond3A_1409 = arith.constant 0 : i32
    %cond3A_1410 = arith.cmpi ne, %convert_element_type3A_1408, %cond3A_1409 : i32
    scf.if %cond3A_1410 {
      %get3A_2807 = arith.index_cast %add3A_1405 : i32 to index
      %get3A_2808 = memref.load %arg13[%get3A_2807] : memref<328xi32, #tpu.memory_space<smem>>
      %shift_right_logical3A = arith.constant 5 : i32
      %shift_right_logical3A_2809 = arith.shrui %get3A_2808, %shift_right_logical3A : i32
      %and3A_2810 = arith.constant 31 : i32
      %and3A_2811 = arith.andi %get3A_2808, %and3A_2810 : i32
      %run_scoped3A = arith.constant 1 : i32
      %run_scoped3A_2812 = arith.constant 0 : i32
      "tpu.region"() ({
        %run_scoped3A_2850 = tpu.sem_alloc : memref<!tpu.dma_semaphore, #tpu.memory_space<semaphore_mem>>
        %dma_start3A_2851 = arith.constant 0 : i32
        %dma_start3A_2852 = tpu.memref_slice %arg7[%run_scoped3A, %run_scoped3A_2812, %dma_start3A_2851] : memref<2x2x4096xi32, #tpu.memory_space<vmem>> -> memref<1x1x4096xi32, #tpu.memory_space<vmem>>
        %dma_start3A_2853 = tpu.memref_squeeze %dma_start3A_2852 : memref<1x1x4096xi32, #tpu.memory_space<vmem>> -> memref<4096xi32, #tpu.memory_space<vmem>>
        %dma_start3A_2854 = arith.constant 0 : i32
        %dma_start3A_2855 = tpu.memref_slice %arg3[%shift_right_logical3A_2809, %dma_start3A_2854] : memref<26x4096xi32, #tpu.memory_space<hbm>> -> memref<1x4096xi32, #tpu.memory_space<hbm>>
        %dma_start3A_2856 = tpu.memref_squeeze %dma_start3A_2855 : memref<1x4096xi32, #tpu.memory_space<hbm>> -> memref<4096xi32, #tpu.memory_space<hbm>>
        %dma_start3A_2857 = arith.constant 0 : i32
        %dma_start3A_2858 = tpu.memref_slice %arg7[%run_scoped3A, %run_scoped3A_2812, %dma_start3A_2857] : memref<2x2x4096xi32, #tpu.memory_space<vmem>> -> memref<1x1x4096xi32, #tpu.memory_space<vmem>>
        %dma_start3A_2859 = tpu.memref_squeeze %dma_start3A_2858 : memref<1x1x4096xi32, #tpu.memory_space<vmem>> -> memref<4096xi32, #tpu.memory_space<vmem>>
        %dma_start3A_2860 = arith.constant 0 : i32
        %dma_start3A_2861 = tpu.memref_slice %arg3[%shift_right_logical3A_2809, %dma_start3A_2860] : memref<26x4096xi32, #tpu.memory_space<hbm>> -> memref<1x4096xi32, #tpu.memory_space<hbm>>
        %dma_start3A_2862 = tpu.memref_squeeze %dma_start3A_2861 : memref<1x4096xi32, #tpu.memory_space<hbm>> -> memref<4096xi32, #tpu.memory_space<hbm>>
        tpu.enqueue_dma source(%dma_start3A_2862 : memref<4096xi32, #tpu.memory_space<hbm>>) target(%dma_start3A_2859 : memref<4096xi32, #tpu.memory_space<vmem>>) target_semaphore(%run_scoped3A_2850 : memref<!tpu.dma_semaphore, #tpu.memory_space<semaphore_mem>>)
        %dma_wait3A = arith.constant 0 : i32
        %dma_wait3A_2863 = tpu.memref_slice %arg7[%run_scoped3A, %run_scoped3A_2812, %dma_wait3A] : memref<2x2x4096xi32, #tpu.memory_space<vmem>> -> memref<1x1x4096xi32, #tpu.memory_space<vmem>>
        %dma_wait3A_2864 = tpu.memref_squeeze %dma_wait3A_2863 : memref<1x1x4096xi32, #tpu.memory_space<vmem>> -> memref<4096xi32, #tpu.memory_space<vmem>>
        %dma_wait3A_2865 = arith.constant 0 : i32
        %dma_wait3A_2866 = tpu.memref_slice %arg3[%shift_right_logical3A_2809, %dma_wait3A_2865] : memref<26x4096xi32, #tpu.memory_space<hbm>> -> memref<1x4096xi32, #tpu.memory_space<hbm>>
        %dma_wait3A_2867 = tpu.memref_squeeze %dma_wait3A_2866 : memref<1x4096xi32, #tpu.memory_space<hbm>> -> memref<4096xi32, #tpu.memory_space<hbm>>
        %dma_wait3A_2868 = arith.constant 0 : i32
        %dma_wait3A_2869 = tpu.memref_slice %arg7[%run_scoped3A, %run_scoped3A_2812, %dma_wait3A_2868] : memref<2x2x4096xi32, #tpu.memory_space<vmem>> -> memref<1x1x4096xi32, #tpu.memory_space<vmem>>
        %dma_wait3A_2870 = tpu.memref_squeeze %dma_wait3A_2869 : memref<1x1x4096xi32, #tpu.memory_space<vmem>> -> memref<4096xi32, #tpu.memory_space<vmem>>
        %dma_wait3A_2871 = arith.constant 0 : i32
        %dma_wait3A_2872 = tpu.memref_slice %arg3[%shift_right_logical3A_2809, %dma_wait3A_2871] : memref<26x4096xi32, #tpu.memory_space<hbm>> -> memref<1x4096xi32, #tpu.memory_space<hbm>>
        %dma_wait3A_2873 = tpu.memref_squeeze %dma_wait3A_2872 : memref<1x4096xi32, #tpu.memory_space<hbm>> -> memref<4096xi32, #tpu.memory_space<hbm>>
        tpu.wait_dma2 semaphore(%run_scoped3A_2850 : memref<!tpu.dma_semaphore, #tpu.memory_space<semaphore_mem>>) src(%dma_wait3A_2873 : memref<4096xi32, #tpu.memory_space<hbm>>) dst(%dma_wait3A_2870 : memref<4096xi32, #tpu.memory_space<vmem>>)
        tpu.yield
      }) : () -> ()
      %run_scoped3A_2813 = arith.constant 1 : i32
      %run_scoped3A_2814 = arith.constant 1 : i32
      "tpu.region"() ({
        %run_scoped3A_2850 = tpu.sem_alloc : memref<!tpu.dma_semaphore, #tpu.memory_space<semaphore_mem>>
        %dma_start3A_2851 = arith.constant 0 : i32
        %dma_start3A_2852 = tpu.memref_slice %arg7[%run_scoped3A_2813, %run_scoped3A_2814, %dma_start3A_2851] : memref<2x2x4096xi32, #tpu.memory_space<vmem>> -> memref<1x1x4096xi32, #tpu.memory_space<vmem>>
        %dma_start3A_2853 = tpu.memref_squeeze %dma_start3A_2852 : memref<1x1x4096xi32, #tpu.memory_space<vmem>> -> memref<4096xi32, #tpu.memory_space<vmem>>
        %dma_start3A_2854 = arith.constant 0 : i32
        %dma_start3A_2855 = tpu.memref_slice %arg3[%and3A_2811, %dma_start3A_2854] : memref<26x4096xi32, #tpu.memory_space<hbm>> -> memref<1x4096xi32, #tpu.memory_space<hbm>>
        %dma_start3A_2856 = tpu.memref_squeeze %dma_start3A_2855 : memref<1x4096xi32, #tpu.memory_space<hbm>> -> memref<4096xi32, #tpu.memory_space<hbm>>
        %dma_start3A_2857 = arith.constant 0 : i32
        %dma_start3A_2858 = tpu.memref_slice %arg7[%run_scoped3A_2813, %run_scoped3A_2814, %dma_start3A_2857] : memref<2x2x4096xi32, #tpu.memory_space<vmem>> -> memref<1x1x4096xi32, #tpu.memory_space<vmem>>
        %dma_start3A_2859 = tpu.memref_squeeze %dma_start3A_2858 : memref<1x1x4096xi32, #tpu.memory_space<vmem>> -> memref<4096xi32, #tpu.memory_space<vmem>>
        %dma_start3A_2860 = arith.constant 0 : i32
        %dma_start3A_2861 = tpu.memref_slice %arg3[%and3A_2811, %dma_start3A_2860] : memref<26x4096xi32, #tpu.memory_space<hbm>> -> memref<1x4096xi32, #tpu.memory_space<hbm>>
        %dma_start3A_2862 = tpu.memref_squeeze %dma_start3A_2861 : memref<1x4096xi32, #tpu.memory_space<hbm>> -> memref<4096xi32, #tpu.memory_space<hbm>>
        tpu.enqueue_dma source(%dma_start3A_2862 : memref<4096xi32, #tpu.memory_space<hbm>>) target(%dma_start3A_2859 : memref<4096xi32, #tpu.memory_space<vmem>>) target_semaphore(%run_scoped3A_2850 : memref<!tpu.dma_semaphore, #tpu.memory_space<semaphore_mem>>)
        %dma_wait3A = arith.constant 0 : i32
        %dma_wait3A_2863 = tpu.memref_slice %arg7[%run_scoped3A_2813, %run_scoped3A_2814, %dma_wait3A] : memref<2x2x4096xi32, #tpu.memory_space<vmem>> -> memref<1x1x4096xi32, #tpu.memory_space<vmem>>
        %dma_wait3A_2864 = tpu.memref_squeeze %dma_wait3A_2863 : memref<1x1x4096xi32, #tpu.memory_space<vmem>> -> memref<4096xi32, #tpu.memory_space<vmem>>
        %dma_wait3A_2865 = arith.constant 0 : i32
        %dma_wait3A_2866 = tpu.memref_slice %arg3[%and3A_2811, %dma_wait3A_2865] : memref<26x4096xi32, #tpu.memory_space<hbm>> -> memref<1x4096xi32, #tpu.memory_space<hbm>>
        %dma_wait3A_2867 = tpu.memref_squeeze %dma_wait3A_2866 : memref<1x4096xi32, #tpu.memory_space<hbm>> -> memref<4096xi32, #tpu.memory_space<hbm>>
        %dma_wait3A_2868 = arith.constant 0 : i32
        %dma_wait3A_2869 = tpu.memref_slice %arg7[%run_scoped3A_2813, %run_scoped3A_2814, %dma_wait3A_2868] : memref<2x2x4096xi32, #tpu.memory_space<vmem>> -> memref<1x1x4096xi32, #tpu.memory_space<vmem>>
        %dma_wait3A_2870 = tpu.memref_squeeze %dma_wait3A_2869 : memref<1x1x4096xi32, #tpu.memory_space<vmem>> -> memref<4096xi32, #tpu.memory_space<vmem>>
        %dma_wait3A_2871 = arith.constant 0 : i32
        %dma_wait3A_2872 = tpu.memref_slice %arg3[%and3A_2811, %dma_wait3A_2871] : memref<26x4096xi32, #tpu.memory_space<hbm>> -> memref<1x4096xi32, #tpu.memory_space<hbm>>
        %dma_wait3A_2873 = tpu.memref_squeeze %dma_wait3A_2872 : memref<1x4096xi32, #tpu.memory_space<hbm>> -> memref<4096xi32, #tpu.memory_space<hbm>>
        tpu.wait_dma2 semaphore(%run_scoped3A_2850 : memref<!tpu.dma_semaphore, #tpu.memory_space<semaphore_mem>>) src(%dma_wait3A_2873 : memref<4096xi32, #tpu.memory_space<hbm>>) dst(%dma_wait3A_2870 : memref<4096xi32, #tpu.memory_space<vmem>>)
        tpu.yield
      }) : () -> ()
      %dma_start3A = arith.constant 1 : i32
      %dma_start3A_2815 = arith.constant 0 : i32
      %dma_start3A_2816 = arith.constant 0 : i32
      %dma_start3A_2817 = arith.constant 0 : i32
      %dma_start3A_2818 = tpu.memref_slice %arg6[%dma_start3A, %dma_start3A_2815, %dma_start3A_2816, %dma_start3A_2817] : memref<2x2x16x1000xf32, #tpu.memory_space<vmem>> -> memref<1x1x16x1000xf32, #tpu.memory_space<vmem>>
      %dma_start3A_2819 = tpu.memref_squeeze %dma_start3A_2818 : memref<1x1x16x1000xf32, #tpu.memory_space<vmem>> -> memref<16x1000xf32, #tpu.memory_space<vmem>>
      %dma_start3A_2820 = arith.constant 0 : i32
      %dma_start3A_2821 = arith.constant 0 : i32
      %dma_start3A_2822 = tpu.memref_slice %arg2[%shift_right_logical3A_2809, %and3A_2811, %dma_start3A_2820, %dma_start3A_2821] : memref<26x26x16x1000xf32, #tpu.memory_space<hbm>> -> memref<1x1x16x1000xf32, #tpu.memory_space<hbm>>
      %dma_start3A_2823 = tpu.memref_squeeze %dma_start3A_2822 : memref<1x1x16x1000xf32, #tpu.memory_space<hbm>> -> memref<16x1000xf32, #tpu.memory_space<hbm>>
      %dma_start3A_2824 = arith.constant 0 : i32
      %dma_start3A_2825 = arith.constant 0 : i32
      %dma_start3A_2826 = tpu.memref_slice %arg6[%dma_start3A, %dma_start3A_2815, %dma_start3A_2824, %dma_start3A_2825] : memref<2x2x16x1000xf32, #tpu.memory_space<vmem>> -> memref<1x1x16x1000xf32, #tpu.memory_space<vmem>>
      %dma_start3A_2827 = tpu.memref_squeeze %dma_start3A_2826 : memref<1x1x16x1000xf32, #tpu.memory_space<vmem>> -> memref<16x1000xf32, #tpu.memory_space<vmem>>
      %dma_start3A_2828 = arith.constant 0 : i32
      %dma_start3A_2829 = arith.constant 0 : i32
      %dma_start3A_2830 = tpu.memref_slice %arg2[%shift_right_logical3A_2809, %and3A_2811, %dma_start3A_2828, %dma_start3A_2829] : memref<26x26x16x1000xf32, #tpu.memory_space<hbm>> -> memref<1x1x16x1000xf32, #tpu.memory_space<hbm>>
      %dma_start3A_2831 = tpu.memref_squeeze %dma_start3A_2830 : memref<1x1x16x1000xf32, #tpu.memory_space<hbm>> -> memref<16x1000xf32, #tpu.memory_space<hbm>>
      tpu.enqueue_dma source(%dma_start3A_2831 : memref<16x1000xf32, #tpu.memory_space<hbm>>) target(%dma_start3A_2827 : memref<16x1000xf32, #tpu.memory_space<vmem>>) target_semaphore(%arg15 : memref<!tpu.dma_semaphore, #tpu.memory_space<semaphore_mem>>)
      %dma_start3A_2832 = arith.constant 1 : i32
      %dma_start3A_2833 = arith.constant 1 : i32
      %dma_start3A_2834 = arith.constant 0 : i32
      %dma_start3A_2835 = arith.constant 0 : i32
      %dma_start3A_2836 = tpu.memref_slice %arg6[%dma_start3A_2832, %dma_start3A_2833, %dma_start3A_2834, %dma_start3A_2835] : memref<2x2x16x1000xf32, #tpu.memory_space<vmem>> -> memref<1x1x16x1000xf32, #tpu.memory_space<vmem>>
      %dma_start3A_2837 = tpu.memref_squeeze %dma_start3A_2836 : memref<1x1x16x1000xf32, #tpu.memory_space<vmem>> -> memref<16x1000xf32, #tpu.memory_space<vmem>>
      %dma_start3A_2838 = arith.constant 0 : i32
      %dma_start3A_2839 = arith.constant 0 : i32
      %dma_start3A_2840 = tpu.memref_slice %arg2[%and3A_2811, %shift_right_logical3A_2809, %dma_start3A_2838, %dma_start3A_2839] : memref<26x26x16x1000xf32, #tpu.memory_space<hbm>> -> memref<1x1x16x1000xf32, #tpu.memory_space<hbm>>
      %dma_start3A_2841 = tpu.memref_squeeze %dma_start3A_2840 : memref<1x1x16x1000xf32, #tpu.memory_space<hbm>> -> memref<16x1000xf32, #tpu.memory_space<hbm>>
      %dma_start3A_2842 = arith.constant 0 : i32
      %dma_start3A_2843 = arith.constant 0 : i32
      %dma_start3A_2844 = tpu.memref_slice %arg6[%dma_start3A_2832, %dma_start3A_2833, %dma_start3A_2842, %dma_start3A_2843] : memref<2x2x16x1000xf32, #tpu.memory_space<vmem>> -> memref<1x1x16x1000xf32, #tpu.memory_space<vmem>>
      %dma_start3A_2845 = tpu.memref_squeeze %dma_start3A_2844 : memref<1x1x16x1000xf32, #tpu.memory_space<vmem>> -> memref<16x1000xf32, #tpu.memory_space<vmem>>
      %dma_start3A_2846 = arith.constant 0 : i32
      %dma_start3A_2847 = arith.constant 0 : i32
      %dma_start3A_2848 = tpu.memref_slice %arg2[%and3A_2811, %shift_right_logical3A_2809, %dma_start3A_2846, %dma_start3A_2847] : memref<26x26x16x1000xf32, #tpu.memory_space<hbm>> -> memref<1x1x16x1000xf32, #tpu.memory_space<hbm>>
      %dma_start3A_2849 = tpu.memref_squeeze %dma_start3A_2848 : memref<1x1x16x1000xf32, #tpu.memory_space<hbm>> -> memref<16x1000xf32, #tpu.memory_space<hbm>>
      tpu.enqueue_dma source(%dma_start3A_2849 : memref<16x1000xf32, #tpu.memory_space<hbm>>) target(%dma_start3A_2845 : memref<16x1000xf32, #tpu.memory_space<vmem>>) target_semaphore(%arg15 : memref<!tpu.dma_semaphore, #tpu.memory_space<semaphore_mem>>)
    } else {
    }
    %broadcast_in_dim3A_1411 = arith.constant 0 : i32
    %broadcast_in_dim3A_1412 = vector.broadcast %broadcast_in_dim3A_1411 : i32 to vector<16xi32>
    %broadcast_in_dim3A_1413 = arith.constant 1 : i32
    %broadcast_in_dim3A_1414 = vector.broadcast %broadcast_in_dim3A_1413 : i32 to vector<16xi32>
    %broadcast_in_dim3A_1415 = arith.constant 2 : i32
    %broadcast_in_dim3A_1416 = vector.broadcast %broadcast_in_dim3A_1415 : i32 to vector<16xi32>
    %broadcast_in_dim3A_1417 = arith.constant 3 : i32
    %broadcast_in_dim3A_1418 = vector.broadcast %broadcast_in_dim3A_1417 : i32 to vector<16xi32>
    %broadcast_in_dim3A_1419 = arith.constant 4 : i32
    %broadcast_in_dim3A_1420 = vector.broadcast %broadcast_in_dim3A_1419 : i32 to vector<16xi32>
    %broadcast_in_dim3A_1421 = arith.constant 5 : i32
    %broadcast_in_dim3A_1422 = vector.broadcast %broadcast_in_dim3A_1421 : i32 to vector<16xi32>
    %broadcast_in_dim3A_1423 = arith.constant 6 : i32
    %broadcast_in_dim3A_1424 = vector.broadcast %broadcast_in_dim3A_1423 : i32 to vector<16xi32>
    %broadcast_in_dim3A_1425 = arith.constant 7 : i32
    %broadcast_in_dim3A_1426 = vector.broadcast %broadcast_in_dim3A_1425 : i32 to vector<16xi32>
    %broadcast_in_dim3A_1427 = arith.constant 8 : i32
    %broadcast_in_dim3A_1428 = vector.broadcast %broadcast_in_dim3A_1427 : i32 to vector<16xi32>
    %broadcast_in_dim3A_1429 = arith.constant 9 : i32
    %broadcast_in_dim3A_1430 = vector.broadcast %broadcast_in_dim3A_1429 : i32 to vector<16xi32>
    %broadcast_in_dim3A_1431 = arith.constant 10 : i32
    %broadcast_in_dim3A_1432 = vector.broadcast %broadcast_in_dim3A_1431 : i32 to vector<16xi32>
    %broadcast_in_dim3A_1433 = arith.constant 11 : i32
    %broadcast_in_dim3A_1434 = vector.broadcast %broadcast_in_dim3A_1433 : i32 to vector<16xi32>
    %broadcast_in_dim3A_1435 = arith.constant 12 : i32
    %broadcast_in_dim3A_1436 = vector.broadcast %broadcast_in_dim3A_1435 : i32 to vector<16xi32>
    %broadcast_in_dim3A_1437 = arith.constant 13 : i32
    %broadcast_in_dim3A_1438 = vector.broadcast %broadcast_in_dim3A_1437 : i32 to vector<16xi32>
    %broadcast_in_dim3A_1439 = arith.constant 14 : i32
    %broadcast_in_dim3A_1440 = vector.broadcast %broadcast_in_dim3A_1439 : i32 to vector<16xi32>
    %broadcast_in_dim3A_1441 = arith.constant 15 : i32
    %broadcast_in_dim3A_1442 = vector.broadcast %broadcast_in_dim3A_1441 : i32 to vector<16xi32>
    %scan3A_1443 = arith.constant 0 : i32
    %scan3A_1444 = arith.constant 0 : i32
    %scan3A_1445 = arith.constant 6 : i32
    %scan3A_1446 = arith.addi %scan3A_1444, %scan3A_1445 : i32
    %scan3A_1447 = arith.constant 1 : i32
    scf.for %scan3A_2807 = %scan3A_1444 to %scan3A_1446 step %scan3A_1447  : i32 {
      %mul3A_2808 = arith.constant 2 : i32
      %mul3A_2809 = arith.muli %mul3A_2808, %scan3A_2807 : i32
      %mul3A_2810 = arith.constant 32 : i32
      %mul3A_2811 = arith.muli %mul3A_2809, %mul3A_2810 : i32
      %add3A_2812 = arith.addi %mul3A_2811, %add3A : i32
      %lt3A_2813 = arith.constant 325 : i32
      %lt3A_2814 = arith.cmpi slt, %add3A_2812, %lt3A_2813 : i32
      %convert_element_type3A_2815 = arith.extui %lt3A_2814 : i1 to i32
      %cond3A_2816 = arith.constant 0 : i32
      %cond3A_2817 = arith.cmpi ne, %convert_element_type3A_2815, %cond3A_2816 : i32
      scf.if %cond3A_2817 {
        %get3A_2866 = arith.index_cast %add3A_2812 : i32 to index
        %get3A_2867 = memref.load %arg13[%get3A_2866] : memref<328xi32, #tpu.memory_space<smem>>
        %shift_right_logical3A = arith.constant 5 : i32
        %shift_right_logical3A_2868 = arith.shrui %get3A_2867, %shift_right_logical3A : i32
        %and3A_2869 = arith.constant 31 : i32
        %and3A_2870 = arith.andi %get3A_2867, %and3A_2869 : i32
        %dma_wait3A = arith.constant 0 : i32
        %dma_wait3A_2871 = arith.constant 0 : i32
        %dma_wait3A_2872 = arith.constant 0 : i32
        %dma_wait3A_2873 = arith.constant 0 : i32
        %dma_wait3A_2874 = tpu.memref_slice %arg6[%dma_wait3A, %dma_wait3A_2871, %dma_wait3A_2872, %dma_wait3A_2873] : memref<2x2x16x1000xf32, #tpu.memory_space<vmem>> -> memref<1x1x16x1000xf32, #tpu.memory_space<vmem>>
        %dma_wait3A_2875 = tpu.memref_squeeze %dma_wait3A_2874 : memref<1x1x16x1000xf32, #tpu.memory_space<vmem>> -> memref<16x1000xf32, #tpu.memory_space<vmem>>
        %dma_wait3A_2876 = arith.constant 0 : i32
        %dma_wait3A_2877 = arith.constant 0 : i32
        %dma_wait3A_2878 = tpu.memref_slice %arg2[%shift_right_logical3A_2868, %and3A_2870, %dma_wait3A_2876, %dma_wait3A_2877] : memref<26x26x16x1000xf32, #tpu.memory_space<hbm>> -> memref<1x1x16x1000xf32, #tpu.memory_space<hbm>>
        %dma_wait3A_2879 = tpu.memref_squeeze %dma_wait3A_2878 : memref<1x1x16x1000xf32, #tpu.memory_space<hbm>> -> memref<16x1000xf32, #tpu.memory_space<hbm>>
        %dma_wait3A_2880 = arith.constant 0 : i32
        %dma_wait3A_2881 = arith.constant 0 : i32
        %dma_wait3A_2882 = tpu.memref_slice %arg6[%dma_wait3A, %dma_wait3A_2871, %dma_wait3A_2880, %dma_wait3A_2881] : memref<2x2x16x1000xf32, #tpu.memory_space<vmem>> -> memref<1x1x16x1000xf32, #tpu.memory_space<vmem>>
        %dma_wait3A_2883 = tpu.memref_squeeze %dma_wait3A_2882 : memref<1x1x16x1000xf32, #tpu.memory_space<vmem>> -> memref<16x1000xf32, #tpu.memory_space<vmem>>
        %dma_wait3A_2884 = arith.constant 0 : i32
        %dma_wait3A_2885 = arith.constant 0 : i32
        %dma_wait3A_2886 = tpu.memref_slice %arg2[%shift_right_logical3A_2868, %and3A_2870, %dma_wait3A_2884, %dma_wait3A_2885] : memref<26x26x16x1000xf32, #tpu.memory_space<hbm>> -> memref<1x1x16x1000xf32, #tpu.memory_space<hbm>>
        %dma_wait3A_2887 = tpu.memref_squeeze %dma_wait3A_2886 : memref<1x1x16x1000xf32, #tpu.memory_space<hbm>> -> memref<16x1000xf32, #tpu.memory_space<hbm>>
        tpu.wait_dma2 semaphore(%arg14 : memref<!tpu.dma_semaphore, #tpu.memory_space<semaphore_mem>>) src(%dma_wait3A_2887 : memref<16x1000xf32, #tpu.memory_space<hbm>>) dst(%dma_wait3A_2883 : memref<16x1000xf32, #tpu.memory_space<vmem>>)
        %dma_wait3A_2888 = arith.constant 0 : i32
        %dma_wait3A_2889 = arith.constant 1 : i32
        %dma_wait3A_2890 = arith.constant 0 : i32
        %dma_wait3A_2891 = arith.constant 0 : i32
        %dma_wait3A_2892 = tpu.memref_slice %arg6[%dma_wait3A_2888, %dma_wait3A_2889, %dma_wait3A_2890, %dma_wait3A_2891] : memref<2x2x16x1000xf32, #tpu.memory_space<vmem>> -> memref<1x1x16x1000xf32, #tpu.memory_space<vmem>>
        %dma_wait3A_2893 = tpu.memref_squeeze %dma_wait3A_2892 : memref<1x1x16x1000xf32, #tpu.memory_space<vmem>> -> memref<16x1000xf32, #tpu.memory_space<vmem>>
        %dma_wait3A_2894 = arith.constant 0 : i32
        %dma_wait3A_2895 = arith.constant 0 : i32
        %dma_wait3A_2896 = tpu.memref_slice %arg2[%and3A_2870, %shift_right_logical3A_2868, %dma_wait3A_2894, %dma_wait3A_2895] : memref<26x26x16x1000xf32, #tpu.memory_space<hbm>> -> memref<1x1x16x1000xf32, #tpu.memory_space<hbm>>
        %dma_wait3A_2897 = tpu.memref_squeeze %dma_wait3A_2896 : memref<1x1x16x1000xf32, #tpu.memory_space<hbm>> -> memref<16x1000xf32, #tpu.memory_space<hbm>>
        %dma_wait3A_2898 = arith.constant 0 : i32
        %dma_wait3A_2899 = arith.constant 0 : i32
        %dma_wait3A_2900 = tpu.memref_slice %arg6[%dma_wait3A_2888, %dma_wait3A_2889, %dma_wait3A_2898, %dma_wait3A_2899] : memref<2x2x16x1000xf32, #tpu.memory_space<vmem>> -> memref<1x1x16x1000xf32, #tpu.memory_space<vmem>>
        %dma_wait3A_2901 = tpu.memref_squeeze %dma_wait3A_2900 : memref<1x1x16x1000xf32, #tpu.memory_space<vmem>> -> memref<16x1000xf32, #tpu.memory_space<vmem>>
        %dma_wait3A_2902 = arith.constant 0 : i32
        %dma_wait3A_2903 = arith.constant 0 : i32
        %dma_wait3A_2904 = tpu.memref_slice %arg2[%and3A_2870, %shift_right_logical3A_2868, %dma_wait3A_2902, %dma_wait3A_2903] : memref<26x26x16x1000xf32, #tpu.memory_space<hbm>> -> memref<1x1x16x1000xf32, #tpu.memory_space<hbm>>
        %dma_wait3A_2905 = tpu.memref_squeeze %dma_wait3A_2904 : memref<1x1x16x1000xf32, #tpu.memory_space<hbm>> -> memref<16x1000xf32, #tpu.memory_space<hbm>>
        tpu.wait_dma2 semaphore(%arg14 : memref<!tpu.dma_semaphore, #tpu.memory_space<semaphore_mem>>) src(%dma_wait3A_2905 : memref<16x1000xf32, #tpu.memory_space<hbm>>) dst(%dma_wait3A_2901 : memref<16x1000xf32, #tpu.memory_space<vmem>>)
      } else {
      }
      %mul3A_2818 = arith.constant 32 : i32
      %mul3A_2819 = arith.muli %mul3A_2809, %mul3A_2818 : i32
      %add3A_2820 = arith.addi %mul3A_2819, %add3A : i32
      %lt3A_2821 = arith.constant 325 : i32
      %lt3A_2822 = arith.cmpi slt, %add3A_2820, %lt3A_2821 : i32
      %convert_element_type3A_2823 = arith.extui %lt3A_2822 : i1 to i32
      %cond3A_2824 = arith.constant 0 : i32
      %cond3A_2825 = arith.cmpi ne, %convert_element_type3A_2823, %cond3A_2824 : i32
      scf.if %cond3A_2825 {
        %get3A_2866 = arith.index_cast %add3A_2820 : i32 to index
        %get3A_2867 = memref.load %arg13[%get3A_2866] : memref<328xi32, #tpu.memory_space<smem>>
        %shift_right_logical3A = arith.constant 5 : i32
        %shift_right_logical3A_2868 = arith.shrui %get3A_2867, %shift_right_logical3A : i32
        %and3A_2869 = arith.constant 31 : i32
        %and3A_2870 = arith.andi %get3A_2867, %and3A_2869 : i32
        %mul3A_2871 = arith.constant 1000 : i32
        %mul3A_2872 = arith.muli %shift_right_logical3A_2868, %mul3A_2871 : i32
        %mul3A_2873 = arith.constant 1000 : i32
        %mul3A_2874 = arith.muli %and3A_2870, %mul3A_2873 : i32
        %scan3A_2875 = arith.constant 0 : i32
        %scan3A_2876 = arith.constant 0 : i32
        %scan3A_2877 = arith.constant 256 : i32
        %scan3A_2878 = arith.addi %scan3A_2876, %scan3A_2877 : i32
        %scan3A_2879 = arith.constant 1 : i32
        scf.for %scan3A_2881 = %scan3A_2876 to %scan3A_2878 step %scan3A_2879  : i32 {
          %mul3A_2882 = arith.constant 16 : i32
          %mul3A_2883 = arith.muli %scan3A_2881, %mul3A_2882 : i32
          %get3A_2884 = arith.constant 0 : i32
          %get3A_2885 = arith.constant 0 : i32
          %get3A_2886 = arith.index_cast %get3A_2884 : i32 to index
          %get3A_2887 = arith.index_cast %get3A_2885 : i32 to index
          %get3A_2888 = arith.index_cast %mul3A_2883 : i32 to index
          %get3A_2889 = tpu.vector_load %arg7[%get3A_2886, %get3A_2887, %get3A_2888] {strides = array<i32>} : memref<2x2x4096xi32, #tpu.memory_space<vmem>>, vector<16xi32>,
          %sub3A_2890 = vector.broadcast %mul3A_2872 : i32 to vector<16xi32>
          %sub3A_2891 = arith.subi %get3A_2889, %sub3A_2890 : vector<16xi32>
          %mul3A_2892 = arith.constant 16 : i32
          %mul3A_2893 = arith.muli %scan3A_2881, %mul3A_2892 : i32
          %get3A_2894 = arith.constant 0 : i32
          %get3A_2895 = arith.constant 1 : i32
          %get3A_2896 = arith.index_cast %get3A_2894 : i32 to index
          %get3A_2897 = arith.index_cast %get3A_2895 : i32 to index
          %get3A_2898 = arith.index_cast %mul3A_2893 : i32 to index
          %get3A_2899 = tpu.vector_load %arg7[%get3A_2896, %get3A_2897, %get3A_2898] {strides = array<i32>} : memref<2x2x4096xi32, #tpu.memory_space<vmem>>, vector<16xi32>,
          %sub3A_2900 = vector.broadcast %mul3A_2874 : i32 to vector<16xi32>
          %sub3A_2901 = arith.subi %get3A_2899, %sub3A_2900 : vector<16xi32>
          %get3A_2902 = arith.index_cast %scan3A_2881 : i32 to index
          %get3A_2903 = arith.constant 0 : index
          %get3A_2904 = tpu.vector_load %arg8[%get3A_2902, %get3A_2903] {strides = array<i32>} : memref<256x16xf32, #tpu.memory_space<vmem>>, vector<16xf32>,
          %gather3A_2905 = arith.constant 0 : i32
          %gather3A_2906 = arith.constant 0 : i32
          %gather3A_2907 = arith.constant 0 : i32
          %gather3A_2908 = arith.constant 0 : i32
          %gather3A_2909 = tpu.memref_slice %arg6[%gather3A_2905, %gather3A_2906, %gather3A_2907, %gather3A_2908] : memref<2x2x16x1000xf32, #tpu.memory_space<vmem>> -> memref<1x1x16x1000xf32, #tpu.memory_space<vmem>>
          %gather3A_2910 = tpu.memref_squeeze %gather3A_2909 : memref<1x1x16x1000xf32, #tpu.memory_space<vmem>> -> memref<16x1000xf32, #tpu.memory_space<vmem>>
          %gather3A_2911 = tpu.vector_load_idx %gather3A_2910[%broadcast_in_dim3A_1412, %sub3A_2891] : memref<16x1000xf32, #tpu.memory_space<vmem>>[vector<16xi32>, vector<16xi32>], vector<16xf32>,
          %gather3A_2912 = arith.constant 0 : i32
          %gather3A_2913 = arith.constant 1 : i32
          %gather3A_2914 = arith.constant 0 : i32
          %gather3A_2915 = arith.constant 0 : i32
          %gather3A_2916 = tpu.memref_slice %arg6[%gather3A_2912, %gather3A_2913, %gather3A_2914, %gather3A_2915] : memref<2x2x16x1000xf32, #tpu.memory_space<vmem>> -> memref<1x1x16x1000xf32, #tpu.memory_space<vmem>>
          %gather3A_2917 = tpu.memref_squeeze %gather3A_2916 : memref<1x1x16x1000xf32, #tpu.memory_space<vmem>> -> memref<16x1000xf32, #tpu.memory_space<vmem>>
          %gather3A_2918 = tpu.vector_load_idx %gather3A_2917[%broadcast_in_dim3A_1412, %sub3A_2901] : memref<16x1000xf32, #tpu.memory_space<vmem>>[vector<16xi32>, vector<16xi32>], vector<16xf32>,
          %mul3A_2919 = arith.mulf %gather3A_2911, %gather3A_2918 : vector<16xf32>
          %add3A_2920 = arith.addf %get3A_2904, %mul3A_2919 : vector<16xf32>
          %gather3A_2921 = arith.constant 0 : i32
          %gather3A_2922 = arith.constant 0 : i32
          %gather3A_2923 = arith.constant 0 : i32
          %gather3A_2924 = arith.constant 0 : i32
          %gather3A_2925 = tpu.memref_slice %arg6[%gather3A_2921, %gather3A_2922, %gather3A_2923, %gather3A_2924] : memref<2x2x16x1000xf32, #tpu.memory_space<vmem>> -> memref<1x1x16x1000xf32, #tpu.memory_space<vmem>>
          %gather3A_2926 = tpu.memref_squeeze %gather3A_2925 : memref<1x1x16x1000xf32, #tpu.memory_space<vmem>> -> memref<16x1000xf32, #tpu.memory_space<vmem>>
          %gather3A_2927 = tpu.vector_load_idx %gather3A_2926[%broadcast_in_dim3A_1414, %sub3A_2891] : memref<16x1000xf32, #tpu.memory_space<vmem>>[vector<16xi32>, vector<16xi32>], vector<16xf32>,
          %gather3A_2928 = arith.constant 0 : i32
          %gather3A_2929 = arith.constant 1 : i32
          %gather3A_2930 = arith.constant 0 : i32
          %gather3A_2931 = arith.constant 0 : i32
          %gather3A_2932 = tpu.memref_slice %arg6[%gather3A_2928, %gather3A_2929, %gather3A_2930, %gather3A_2931] : memref<2x2x16x1000xf32, #tpu.memory_space<vmem>> -> memref<1x1x16x1000xf32, #tpu.memory_space<vmem>>
          %gather3A_2933 = tpu.memref_squeeze %gather3A_2932 : memref<1x1x16x1000xf32, #tpu.memory_space<vmem>> -> memref<16x1000xf32, #tpu.memory_space<vmem>>
          %gather3A_2934 = tpu.vector_load_idx %gather3A_2933[%broadcast_in_dim3A_1414, %sub3A_2901] : memref<16x1000xf32, #tpu.memory_space<vmem>>[vector<16xi32>, vector<16xi32>], vector<16xf32>,
          %mul3A_2935 = arith.mulf %gather3A_2927, %gather3A_2934 : vector<16xf32>
          %add3A_2936 = arith.addf %add3A_2920, %mul3A_2935 : vector<16xf32>
          %gather3A_2937 = arith.constant 0 : i32
          %gather3A_2938 = arith.constant 0 : i32
          %gather3A_2939 = arith.constant 0 : i32
          %gather3A_2940 = arith.constant 0 : i32
          %gather3A_2941 = tpu.memref_slice %arg6[%gather3A_2937, %gather3A_2938, %gather3A_2939, %gather3A_2940] : memref<2x2x16x1000xf32, #tpu.memory_space<vmem>> -> memref<1x1x16x1000xf32, #tpu.memory_space<vmem>>
          %gather3A_2942 = tpu.memref_squeeze %gather3A_2941 : memref<1x1x16x1000xf32, #tpu.memory_space<vmem>> -> memref<16x1000xf32, #tpu.memory_space<vmem>>
          %gather3A_2943 = tpu.vector_load_idx %gather3A_2942[%broadcast_in_dim3A_1416, %sub3A_2891] : memref<16x1000xf32, #tpu.memory_space<vmem>>[vector<16xi32>, vector<16xi32>], vector<16xf32>,
          %gather3A_2944 = arith.constant 0 : i32
          %gather3A_2945 = arith.constant 1 : i32
          %gather3A_2946 = arith.constant 0 : i32
          %gather3A_2947 = arith.constant 0 : i32
          %gather3A_2948 = tpu.memref_slice %arg6[%gather3A_2944, %gather3A_2945, %gather3A_2946, %gather3A_2947] : memref<2x2x16x1000xf32, #tpu.memory_space<vmem>> -> memref<1x1x16x1000xf32, #tpu.memory_space<vmem>>
          %gather3A_2949 = tpu.memref_squeeze %gather3A_2948 : memref<1x1x16x1000xf32, #tpu.memory_space<vmem>> -> memref<16x1000xf32, #tpu.memory_space<vmem>>
          %gather3A_2950 = tpu.vector_load_idx %gather3A_2949[%broadcast_in_dim3A_1416, %sub3A_2901] : memref<16x1000xf32, #tpu.memory_space<vmem>>[vector<16xi32>, vector<16xi32>], vector<16xf32>,
          %mul3A_2951 = arith.mulf %gather3A_2943, %gather3A_2950 : vector<16xf32>
          %add3A_2952 = arith.addf %add3A_2936, %mul3A_2951 : vector<16xf32>
          %gather3A_2953 = arith.constant 0 : i32
          %gather3A_2954 = arith.constant 0 : i32
          %gather3A_2955 = arith.constant 0 : i32
          %gather3A_2956 = arith.constant 0 : i32
          %gather3A_2957 = tpu.memref_slice %arg6[%gather3A_2953, %gather3A_2954, %gather3A_2955, %gather3A_2956] : memref<2x2x16x1000xf32, #tpu.memory_space<vmem>> -> memref<1x1x16x1000xf32, #tpu.memory_space<vmem>>
          %gather3A_2958 = tpu.memref_squeeze %gather3A_2957 : memref<1x1x16x1000xf32, #tpu.memory_space<vmem>> -> memref<16x1000xf32, #tpu.memory_space<vmem>>
          %gather3A_2959 = tpu.vector_load_idx %gather3A_2958[%broadcast_in_dim3A_1418, %sub3A_2891] : memref<16x1000xf32, #tpu.memory_space<vmem>>[vector<16xi32>, vector<16xi32>], vector<16xf32>,
          %gather3A_2960 = arith.constant 0 : i32
          %gather3A_2961 = arith.constant 1 : i32
          %gather3A_2962 = arith.constant 0 : i32
          %gather3A_2963 = arith.constant 0 : i32
          %gather3A_2964 = tpu.memref_slice %arg6[%gather3A_2960, %gather3A_2961, %gather3A_2962, %gather3A_2963] : memref<2x2x16x1000xf32, #tpu.memory_space<vmem>> -> memref<1x1x16x1000xf32, #tpu.memory_space<vmem>>
          %gather3A_2965 = tpu.memref_squeeze %gather3A_2964 : memref<1x1x16x1000xf32, #tpu.memory_space<vmem>> -> memref<16x1000xf32, #tpu.memory_space<vmem>>
          %gather3A_2966 = tpu.vector_load_idx %gather3A_2965[%broadcast_in_dim3A_1418, %sub3A_2901] : memref<16x1000xf32, #tpu.memory_space<vmem>>[vector<16xi32>, vector<16xi32>], vector<16xf32>,
          %mul3A_2967 = arith.mulf %gather3A_2959, %gather3A_2966 : vector<16xf32>
          %add3A_2968 = arith.addf %add3A_2952, %mul3A_2967 : vector<16xf32>
          %gather3A_2969 = arith.constant 0 : i32
          %gather3A_2970 = arith.constant 0 : i32
          %gather3A_2971 = arith.constant 0 : i32
          %gather3A_2972 = arith.constant 0 : i32
          %gather3A_2973 = tpu.memref_slice %arg6[%gather3A_2969, %gather3A_2970, %gather3A_2971, %gather3A_2972] : memref<2x2x16x1000xf32, #tpu.memory_space<vmem>> -> memref<1x1x16x1000xf32, #tpu.memory_space<vmem>>
          %gather3A_2974 = tpu.memref_squeeze %gather3A_2973 : memref<1x1x16x1000xf32, #tpu.memory_space<vmem>> -> memref<16x1000xf32, #tpu.memory_space<vmem>>
          %gather3A_2975 = tpu.vector_load_idx %gather3A_2974[%broadcast_in_dim3A_1420, %sub3A_2891] : memref<16x1000xf32, #tpu.memory_space<vmem>>[vector<16xi32>, vector<16xi32>], vector<16xf32>,
          %gather3A_2976 = arith.constant 0 : i32
          %gather3A_2977 = arith.constant 1 : i32
          %gather3A_2978 = arith.constant 0 : i32
          %gather3A_2979 = arith.constant 0 : i32
          %gather3A_2980 = tpu.memref_slice %arg6[%gather3A_2976, %gather3A_2977, %gather3A_2978, %gather3A_2979] : memref<2x2x16x1000xf32, #tpu.memory_space<vmem>> -> memref<1x1x16x1000xf32, #tpu.memory_space<vmem>>
          %gather3A_2981 = tpu.memref_squeeze %gather3A_2980 : memref<1x1x16x1000xf32, #tpu.memory_space<vmem>> -> memref<16x1000xf32, #tpu.memory_space<vmem>>
          %gather3A_2982 = tpu.vector_load_idx %gather3A_2981[%broadcast_in_dim3A_1420, %sub3A_2901] : memref<16x1000xf32, #tpu.memory_space<vmem>>[vector<16xi32>, vector<16xi32>], vector<16xf32>,
          %mul3A_2983 = arith.mulf %gather3A_2975, %gather3A_2982 : vector<16xf32>
          %add3A_2984 = arith.addf %add3A_2968, %mul3A_2983 : vector<16xf32>
          %gather3A_2985 = arith.constant 0 : i32
          %gather3A_2986 = arith.constant 0 : i32
          %gather3A_2987 = arith.constant 0 : i32
          %gather3A_2988 = arith.constant 0 : i32
          %gather3A_2989 = tpu.memref_slice %arg6[%gather3A_2985, %gather3A_2986, %gather3A_2987, %gather3A_2988] : memref<2x2x16x1000xf32, #tpu.memory_space<vmem>> -> memref<1x1x16x1000xf32, #tpu.memory_space<vmem>>
          %gather3A_2990 = tpu.memref_squeeze %gather3A_2989 : memref<1x1x16x1000xf32, #tpu.memory_space<vmem>> -> memref<16x1000xf32, #tpu.memory_space<vmem>>
          %gather3A_2991 = tpu.vector_load_idx %gather3A_2990[%broadcast_in_dim3A_1422, %sub3A_2891] : memref<16x1000xf32, #tpu.memory_space<vmem>>[vector<16xi32>, vector<16xi32>], vector<16xf32>,
          %gather3A_2992 = arith.constant 0 : i32
          %gather3A_2993 = arith.constant 1 : i32
          %gather3A_2994 = arith.constant 0 : i32
          %gather3A_2995 = arith.constant 0 : i32
          %gather3A_2996 = tpu.memref_slice %arg6[%gather3A_2992, %gather3A_2993, %gather3A_2994, %gather3A_2995] : memref<2x2x16x1000xf32, #tpu.memory_space<vmem>> -> memref<1x1x16x1000xf32, #tpu.memory_space<vmem>>
          %gather3A_2997 = tpu.memref_squeeze %gather3A_2996 : memref<1x1x16x1000xf32, #tpu.memory_space<vmem>> -> memref<16x1000xf32, #tpu.memory_space<vmem>>
          %gather3A_2998 = tpu.vector_load_idx %gather3A_2997[%broadcast_in_dim3A_1422, %sub3A_2901] : memref<16x1000xf32, #tpu.memory_space<vmem>>[vector<16xi32>, vector<16xi32>], vector<16xf32>,
          %mul3A_2999 = arith.mulf %gather3A_2991, %gather3A_2998 : vector<16xf32>
          %add3A_3000 = arith.addf %add3A_2984, %mul3A_2999 : vector<16xf32>
          %gather3A_3001 = arith.constant 0 : i32
          %gather3A_3002 = arith.constant 0 : i32
          %gather3A_3003 = arith.constant 0 : i32
          %gather3A_3004 = arith.constant 0 : i32
          %gather3A_3005 = tpu.memref_slice %arg6[%gather3A_3001, %gather3A_3002, %gather3A_3003, %gather3A_3004] : memref<2x2x16x1000xf32, #tpu.memory_space<vmem>> -> memref<1x1x16x1000xf32, #tpu.memory_space<vmem>>
          %gather3A_3006 = tpu.memref_squeeze %gather3A_3005 : memref<1x1x16x1000xf32, #tpu.memory_space<vmem>> -> memref<16x1000xf32, #tpu.memory_space<vmem>>
          %gather3A_3007 = tpu.vector_load_idx %gather3A_3006[%broadcast_in_dim3A_1424, %sub3A_2891] : memref<16x1000xf32, #tpu.memory_space<vmem>>[vector<16xi32>, vector<16xi32>], vector<16xf32>,
          %gather3A_3008 = arith.constant 0 : i32
          %gather3A_3009 = arith.constant 1 : i32
          %gather3A_3010 = arith.constant 0 : i32
          %gather3A_3011 = arith.constant 0 : i32
          %gather3A_3012 = tpu.memref_slice %arg6[%gather3A_3008, %gather3A_3009, %gather3A_3010, %gather3A_3011] : memref<2x2x16x1000xf32, #tpu.memory_space<vmem>> -> memref<1x1x16x1000xf32, #tpu.memory_space<vmem>>
          %gather3A_3013 = tpu.memref_squeeze %gather3A_3012 : memref<1x1x16x1000xf32, #tpu.memory_space<vmem>> -> memref<16x1000xf32, #tpu.memory_space<vmem>>
          %gather3A_3014 = tpu.vector_load_idx %gather3A_3013[%broadcast_in_dim3A_1424, %sub3A_2901] : memref<16x1000xf32, #tpu.memory_space<vmem>>[vector<16xi32>, vector<16xi32>], vector<16xf32>,
          %mul3A_3015 = arith.mulf %gather3A_3007, %gather3A_3014 : vector<16xf32>
          %add3A_3016 = arith.addf %add3A_3000, %mul3A_3015 : vector<16xf32>
          %gather3A_3017 = arith.constant 0 : i32
          %gather3A_3018 = arith.constant 0 : i32
          %gather3A_3019 = arith.constant 0 : i32
          %gather3A_3020 = arith.constant 0 : i32
          %gather3A_3021 = tpu.memref_slice %arg6[%gather3A_3017, %gather3A_3018, %gather3A_3019, %gather3A_3020] : memref<2x2x16x1000xf32, #tpu.memory_space<vmem>> -> memref<1x1x16x1000xf32, #tpu.memory_space<vmem>>
          %gather3A_3022 = tpu.memref_squeeze %gather3A_3021 : memref<1x1x16x1000xf32, #tpu.memory_space<vmem>> -> memref<16x1000xf32, #tpu.memory_space<vmem>>
          %gather3A_3023 = tpu.vector_load_idx %gather3A_3022[%broadcast_in_dim3A_1426, %sub3A_2891] : memref<16x1000xf32, #tpu.memory_space<vmem>>[vector<16xi32>, vector<16xi32>], vector<16xf32>,
          %gather3A_3024 = arith.constant 0 : i32
          %gather3A_3025 = arith.constant 1 : i32
          %gather3A_3026 = arith.constant 0 : i32
          %gather3A_3027 = arith.constant 0 : i32
          %gather3A_3028 = tpu.memref_slice %arg6[%gather3A_3024, %gather3A_3025, %gather3A_3026, %gather3A_3027] : memref<2x2x16x1000xf32, #tpu.memory_space<vmem>> -> memref<1x1x16x1000xf32, #tpu.memory_space<vmem>>
          %gather3A_3029 = tpu.memref_squeeze %gather3A_3028 : memref<1x1x16x1000xf32, #tpu.memory_space<vmem>> -> memref<16x1000xf32, #tpu.memory_space<vmem>>
          %gather3A_3030 = tpu.vector_load_idx %gather3A_3029[%broadcast_in_dim3A_1426, %sub3A_2901] : memref<16x1000xf32, #tpu.memory_space<vmem>>[vector<16xi32>, vector<16xi32>], vector<16xf32>,
          %mul3A_3031 = arith.mulf %gather3A_3023, %gather3A_3030 : vector<16xf32>
          %add3A_3032 = arith.addf %add3A_3016, %mul3A_3031 : vector<16xf32>
          %gather3A_3033 = arith.constant 0 : i32
          %gather3A_3034 = arith.constant 0 : i32
          %gather3A_3035 = arith.constant 0 : i32
          %gather3A_3036 = arith.constant 0 : i32
          %gather3A_3037 = tpu.memref_slice %arg6[%gather3A_3033, %gather3A_3034, %gather3A_3035, %gather3A_3036] : memref<2x2x16x1000xf32, #tpu.memory_space<vmem>> -> memref<1x1x16x1000xf32, #tpu.memory_space<vmem>>
          %gather3A_3038 = tpu.memref_squeeze %gather3A_3037 : memref<1x1x16x1000xf32, #tpu.memory_space<vmem>> -> memref<16x1000xf32, #tpu.memory_space<vmem>>
          %gather3A_3039 = tpu.vector_load_idx %gather3A_3038[%broadcast_in_dim3A_1428, %sub3A_2891] : memref<16x1000xf32, #tpu.memory_space<vmem>>[vector<16xi32>, vector<16xi32>], vector<16xf32>,
          %gather3A_3040 = arith.constant 0 : i32
          %gather3A_3041 = arith.constant 1 : i32
          %gather3A_3042 = arith.constant 0 : i32
          %gather3A_3043 = arith.constant 0 : i32
          %gather3A_3044 = tpu.memref_slice %arg6[%gather3A_3040, %gather3A_3041, %gather3A_3042, %gather3A_3043] : memref<2x2x16x1000xf32, #tpu.memory_space<vmem>> -> memref<1x1x16x1000xf32, #tpu.memory_space<vmem>>
          %gather3A_3045 = tpu.memref_squeeze %gather3A_3044 : memref<1x1x16x1000xf32, #tpu.memory_space<vmem>> -> memref<16x1000xf32, #tpu.memory_space<vmem>>
          %gather3A_3046 = tpu.vector_load_idx %gather3A_3045[%broadcast_in_dim3A_1428, %sub3A_2901] : memref<16x1000xf32, #tpu.memory_space<vmem>>[vector<16xi32>, vector<16xi32>], vector<16xf32>,
          %mul3A_3047 = arith.mulf %gather3A_3039, %gather3A_3046 : vector<16xf32>
          %add3A_3048 = arith.addf %add3A_3032, %mul3A_3047 : vector<16xf32>
          %gather3A_3049 = arith.constant 0 : i32
          %gather3A_3050 = arith.constant 0 : i32
          %gather3A_3051 = arith.constant 0 : i32
          %gather3A_3052 = arith.constant 0 : i32
          %gather3A_3053 = tpu.memref_slice %arg6[%gather3A_3049, %gather3A_3050, %gather3A_3051, %gather3A_3052] : memref<2x2x16x1000xf32, #tpu.memory_space<vmem>> -> memref<1x1x16x1000xf32, #tpu.memory_space<vmem>>
          %gather3A_3054 = tpu.memref_squeeze %gather3A_3053 : memref<1x1x16x1000xf32, #tpu.memory_space<vmem>> -> memref<16x1000xf32, #tpu.memory_space<vmem>>
          %gather3A_3055 = tpu.vector_load_idx %gather3A_3054[%broadcast_in_dim3A_1430, %sub3A_2891] : memref<16x1000xf32, #tpu.memory_space<vmem>>[vector<16xi32>, vector<16xi32>], vector<16xf32>,
          %gather3A_3056 = arith.constant 0 : i32
          %gather3A_3057 = arith.constant 1 : i32
          %gather3A_3058 = arith.constant 0 : i32
          %gather3A_3059 = arith.constant 0 : i32
          %gather3A_3060 = tpu.memref_slice %arg6[%gather3A_3056, %gather3A_3057, %gather3A_3058, %gather3A_3059] : memref<2x2x16x1000xf32, #tpu.memory_space<vmem>> -> memref<1x1x16x1000xf32, #tpu.memory_space<vmem>>
          %gather3A_3061 = tpu.memref_squeeze %gather3A_3060 : memref<1x1x16x1000xf32, #tpu.memory_space<vmem>> -> memref<16x1000xf32, #tpu.memory_space<vmem>>
          %gather3A_3062 = tpu.vector_load_idx %gather3A_3061[%broadcast_in_dim3A_1430, %sub3A_2901] : memref<16x1000xf32, #tpu.memory_space<vmem>>[vector<16xi32>, vector<16xi32>], vector<16xf32>,
          %mul3A_3063 = arith.mulf %gather3A_3055, %gather3A_3062 : vector<16xf32>
          %add3A_3064 = arith.addf %add3A_3048, %mul3A_3063 : vector<16xf32>
          %gather3A_3065 = arith.constant 0 : i32
          %gather3A_3066 = arith.constant 0 : i32
          %gather3A_3067 = arith.constant 0 : i32
          %gather3A_3068 = arith.constant 0 : i32
          %gather3A_3069 = tpu.memref_slice %arg6[%gather3A_3065, %gather3A_3066, %gather3A_3067, %gather3A_3068] : memref<2x2x16x1000xf32, #tpu.memory_space<vmem>> -> memref<1x1x16x1000xf32, #tpu.memory_space<vmem>>
          %gather3A_3070 = tpu.memref_squeeze %gather3A_3069 : memref<1x1x16x1000xf32, #tpu.memory_space<vmem>> -> memref<16x1000xf32, #tpu.memory_space<vmem>>
          %gather3A_3071 = tpu.vector_load_idx %gather3A_3070[%broadcast_in_dim3A_1432, %sub3A_2891] : memref<16x1000xf32, #tpu.memory_space<vmem>>[vector<16xi32>, vector<16xi32>], vector<16xf32>,
          %gather3A_3072 = arith.constant 0 : i32
          %gather3A_3073 = arith.constant 1 : i32
          %gather3A_3074 = arith.constant 0 : i32
          %gather3A_3075 = arith.constant 0 : i32
          %gather3A_3076 = tpu.memref_slice %arg6[%gather3A_3072, %gather3A_3073, %gather3A_3074, %gather3A_3075] : memref<2x2x16x1000xf32, #tpu.memory_space<vmem>> -> memref<1x1x16x1000xf32, #tpu.memory_space<vmem>>
          %gather3A_3077 = tpu.memref_squeeze %gather3A_3076 : memref<1x1x16x1000xf32, #tpu.memory_space<vmem>> -> memref<16x1000xf32, #tpu.memory_space<vmem>>
          %gather3A_3078 = tpu.vector_load_idx %gather3A_3077[%broadcast_in_dim3A_1432, %sub3A_2901] : memref<16x1000xf32, #tpu.memory_space<vmem>>[vector<16xi32>, vector<16xi32>], vector<16xf32>,
          %mul3A_3079 = arith.mulf %gather3A_3071, %gather3A_3078 : vector<16xf32>
          %add3A_3080 = arith.addf %add3A_3064, %mul3A_3079 : vector<16xf32>
          %gather3A_3081 = arith.constant 0 : i32
          %gather3A_3082 = arith.constant 0 : i32
          %gather3A_3083 = arith.constant 0 : i32
          %gather3A_3084 = arith.constant 0 : i32
          %gather3A_3085 = tpu.memref_slice %arg6[%gather3A_3081, %gather3A_3082, %gather3A_3083, %gather3A_3084] : memref<2x2x16x1000xf32, #tpu.memory_space<vmem>> -> memref<1x1x16x1000xf32, #tpu.memory_space<vmem>>
          %gather3A_3086 = tpu.memref_squeeze %gather3A_3085 : memref<1x1x16x1000xf32, #tpu.memory_space<vmem>> -> memref<16x1000xf32, #tpu.memory_space<vmem>>
          %gather3A_3087 = tpu.vector_load_idx %gather3A_3086[%broadcast_in_dim3A_1434, %sub3A_2891] : memref<16x1000xf32, #tpu.memory_space<vmem>>[vector<16xi32>, vector<16xi32>], vector<16xf32>,
          %gather3A_3088 = arith.constant 0 : i32
          %gather3A_3089 = arith.constant 1 : i32
          %gather3A_3090 = arith.constant 0 : i32
          %gather3A_3091 = arith.constant 0 : i32
          %gather3A_3092 = tpu.memref_slice %arg6[%gather3A_3088, %gather3A_3089, %gather3A_3090, %gather3A_3091] : memref<2x2x16x1000xf32, #tpu.memory_space<vmem>> -> memref<1x1x16x1000xf32, #tpu.memory_space<vmem>>
          %gather3A_3093 = tpu.memref_squeeze %gather3A_3092 : memref<1x1x16x1000xf32, #tpu.memory_space<vmem>> -> memref<16x1000xf32, #tpu.memory_space<vmem>>
          %gather3A_3094 = tpu.vector_load_idx %gather3A_3093[%broadcast_in_dim3A_1434, %sub3A_2901] : memref<16x1000xf32, #tpu.memory_space<vmem>>[vector<16xi32>, vector<16xi32>], vector<16xf32>,
          %mul3A_3095 = arith.mulf %gather3A_3087, %gather3A_3094 : vector<16xf32>
          %add3A_3096 = arith.addf %add3A_3080, %mul3A_3095 : vector<16xf32>
          %gather3A_3097 = arith.constant 0 : i32
          %gather3A_3098 = arith.constant 0 : i32
          %gather3A_3099 = arith.constant 0 : i32
          %gather3A_3100 = arith.constant 0 : i32
          %gather3A_3101 = tpu.memref_slice %arg6[%gather3A_3097, %gather3A_3098, %gather3A_3099, %gather3A_3100] : memref<2x2x16x1000xf32, #tpu.memory_space<vmem>> -> memref<1x1x16x1000xf32, #tpu.memory_space<vmem>>
          %gather3A_3102 = tpu.memref_squeeze %gather3A_3101 : memref<1x1x16x1000xf32, #tpu.memory_space<vmem>> -> memref<16x1000xf32, #tpu.memory_space<vmem>>
          %gather3A_3103 = tpu.vector_load_idx %gather3A_3102[%broadcast_in_dim3A_1436, %sub3A_2891] : memref<16x1000xf32, #tpu.memory_space<vmem>>[vector<16xi32>, vector<16xi32>], vector<16xf32>,
          %gather3A_3104 = arith.constant 0 : i32
          %gather3A_3105 = arith.constant 1 : i32
          %gather3A_3106 = arith.constant 0 : i32
          %gather3A_3107 = arith.constant 0 : i32
          %gather3A_3108 = tpu.memref_slice %arg6[%gather3A_3104, %gather3A_3105, %gather3A_3106, %gather3A_3107] : memref<2x2x16x1000xf32, #tpu.memory_space<vmem>> -> memref<1x1x16x1000xf32, #tpu.memory_space<vmem>>
          %gather3A_3109 = tpu.memref_squeeze %gather3A_3108 : memref<1x1x16x1000xf32, #tpu.memory_space<vmem>> -> memref<16x1000xf32, #tpu.memory_space<vmem>>
          %gather3A_3110 = tpu.vector_load_idx %gather3A_3109[%broadcast_in_dim3A_1436, %sub3A_2901] : memref<16x1000xf32, #tpu.memory_space<vmem>>[vector<16xi32>, vector<16xi32>], vector<16xf32>,
          %mul3A_3111 = arith.mulf %gather3A_3103, %gather3A_3110 : vector<16xf32>
          %add3A_3112 = arith.addf %add3A_3096, %mul3A_3111 : vector<16xf32>
          %gather3A_3113 = arith.constant 0 : i32
          %gather3A_3114 = arith.constant 0 : i32
          %gather3A_3115 = arith.constant 0 : i32
          %gather3A_3116 = arith.constant 0 : i32
          %gather3A_3117 = tpu.memref_slice %arg6[%gather3A_3113, %gather3A_3114, %gather3A_3115, %gather3A_3116] : memref<2x2x16x1000xf32, #tpu.memory_space<vmem>> -> memref<1x1x16x1000xf32, #tpu.memory_space<vmem>>
          %gather3A_3118 = tpu.memref_squeeze %gather3A_3117 : memref<1x1x16x1000xf32, #tpu.memory_space<vmem>> -> memref<16x1000xf32, #tpu.memory_space<vmem>>
          %gather3A_3119 = tpu.vector_load_idx %gather3A_3118[%broadcast_in_dim3A_1438, %sub3A_2891] : memref<16x1000xf32, #tpu.memory_space<vmem>>[vector<16xi32>, vector<16xi32>], vector<16xf32>,
          %gather3A_3120 = arith.constant 0 : i32
          %gather3A_3121 = arith.constant 1 : i32
          %gather3A_3122 = arith.constant 0 : i32
          %gather3A_3123 = arith.constant 0 : i32
          %gather3A_3124 = tpu.memref_slice %arg6[%gather3A_3120, %gather3A_3121, %gather3A_3122, %gather3A_3123] : memref<2x2x16x1000xf32, #tpu.memory_space<vmem>> -> memref<1x1x16x1000xf32, #tpu.memory_space<vmem>>
          %gather3A_3125 = tpu.memref_squeeze %gather3A_3124 : memref<1x1x16x1000xf32, #tpu.memory_space<vmem>> -> memref<16x1000xf32, #tpu.memory_space<vmem>>
          %gather3A_3126 = tpu.vector_load_idx %gather3A_3125[%broadcast_in_dim3A_1438, %sub3A_2901] : memref<16x1000xf32, #tpu.memory_space<vmem>>[vector<16xi32>, vector<16xi32>], vector<16xf32>,
          %mul3A_3127 = arith.mulf %gather3A_3119, %gather3A_3126 : vector<16xf32>
          %add3A_3128 = arith.addf %add3A_3112, %mul3A_3127 : vector<16xf32>
          %gather3A_3129 = arith.constant 0 : i32
          %gather3A_3130 = arith.constant 0 : i32
          %gather3A_3131 = arith.constant 0 : i32
          %gather3A_3132 = arith.constant 0 : i32
          %gather3A_3133 = tpu.memref_slice %arg6[%gather3A_3129, %gather3A_3130, %gather3A_3131, %gather3A_3132] : memref<2x2x16x1000xf32, #tpu.memory_space<vmem>> -> memref<1x1x16x1000xf32, #tpu.memory_space<vmem>>
          %gather3A_3134 = tpu.memref_squeeze %gather3A_3133 : memref<1x1x16x1000xf32, #tpu.memory_space<vmem>> -> memref<16x1000xf32, #tpu.memory_space<vmem>>
          %gather3A_3135 = tpu.vector_load_idx %gather3A_3134[%broadcast_in_dim3A_1440, %sub3A_2891] : memref<16x1000xf32, #tpu.memory_space<vmem>>[vector<16xi32>, vector<16xi32>], vector<16xf32>,
          %gather3A_3136 = arith.constant 0 : i32
          %gather3A_3137 = arith.constant 1 : i32
          %gather3A_3138 = arith.constant 0 : i32
          %gather3A_3139 = arith.constant 0 : i32
          %gather3A_3140 = tpu.memref_slice %arg6[%gather3A_3136, %gather3A_3137, %gather3A_3138, %gather3A_3139] : memref<2x2x16x1000xf32, #tpu.memory_space<vmem>> -> memref<1x1x16x1000xf32, #tpu.memory_space<vmem>>
          %gather3A_3141 = tpu.memref_squeeze %gather3A_3140 : memref<1x1x16x1000xf32, #tpu.memory_space<vmem>> -> memref<16x1000xf32, #tpu.memory_space<vmem>>
          %gather3A_3142 = tpu.vector_load_idx %gather3A_3141[%broadcast_in_dim3A_1440, %sub3A_2901] : memref<16x1000xf32, #tpu.memory_space<vmem>>[vector<16xi32>, vector<16xi32>], vector<16xf32>,
          %mul3A_3143 = arith.mulf %gather3A_3135, %gather3A_3142 : vector<16xf32>
          %add3A_3144 = arith.addf %add3A_3128, %mul3A_3143 : vector<16xf32>
          %gather3A_3145 = arith.constant 0 : i32
          %gather3A_3146 = arith.constant 0 : i32
          %gather3A_3147 = arith.constant 0 : i32
          %gather3A_3148 = arith.constant 0 : i32
          %gather3A_3149 = tpu.memref_slice %arg6[%gather3A_3145, %gather3A_3146, %gather3A_3147, %gather3A_3148] : memref<2x2x16x1000xf32, #tpu.memory_space<vmem>> -> memref<1x1x16x1000xf32, #tpu.memory_space<vmem>>
          %gather3A_3150 = tpu.memref_squeeze %gather3A_3149 : memref<1x1x16x1000xf32, #tpu.memory_space<vmem>> -> memref<16x1000xf32, #tpu.memory_space<vmem>>
          %gather3A_3151 = tpu.vector_load_idx %gather3A_3150[%broadcast_in_dim3A_1442, %sub3A_2891] : memref<16x1000xf32, #tpu.memory_space<vmem>>[vector<16xi32>, vector<16xi32>], vector<16xf32>,
          %gather3A_3152 = arith.constant 0 : i32
          %gather3A_3153 = arith.constant 1 : i32
          %gather3A_3154 = arith.constant 0 : i32
          %gather3A_3155 = arith.constant 0 : i32
          %gather3A_3156 = tpu.memref_slice %arg6[%gather3A_3152, %gather3A_3153, %gather3A_3154, %gather3A_3155] : memref<2x2x16x1000xf32, #tpu.memory_space<vmem>> -> memref<1x1x16x1000xf32, #tpu.memory_space<vmem>>
          %gather3A_3157 = tpu.memref_squeeze %gather3A_3156 : memref<1x1x16x1000xf32, #tpu.memory_space<vmem>> -> memref<16x1000xf32, #tpu.memory_space<vmem>>
          %gather3A_3158 = tpu.vector_load_idx %gather3A_3157[%broadcast_in_dim3A_1442, %sub3A_2901] : memref<16x1000xf32, #tpu.memory_space<vmem>>[vector<16xi32>, vector<16xi32>], vector<16xf32>,
          %mul3A_3159 = arith.mulf %gather3A_3151, %gather3A_3158 : vector<16xf32>
          %add3A_3160 = arith.addf %add3A_3144, %mul3A_3159 : vector<16xf32>
          %swap3A_3161 = arith.index_cast %scan3A_2881 : i32 to index
          %swap3A_3162 = arith.constant 0 : index
          %swap3A_3163 = tpu.vector_load %arg8[%swap3A_3161, %swap3A_3162] {strides = array<i32>} : memref<256x16xf32, #tpu.memory_space<vmem>>, vector<16xf32>,
          tpu.vector_store %arg8[%swap3A_3161, %swap3A_3162], %add3A_3160 {strides = array<i32>} : memref<256x16xf32, #tpu.memory_space<vmem>>, vector<16xf32>,
        }
        %scan3A_2880 = arith.constant 256 : i32
      } else {
      }
      %add3A_2826 = arith.constant 2 : i32
      %add3A_2827 = arith.addi %mul3A_2809, %add3A_2826 : i32
      %mul3A_2828 = arith.constant 32 : i32
      %mul3A_2829 = arith.muli %add3A_2827, %mul3A_2828 : i32
      %add3A_2830 = arith.addi %mul3A_2829, %add3A : i32
      %lt3A_2831 = arith.constant 325 : i32
      %lt3A_2832 = arith.cmpi slt, %add3A_2830, %lt3A_2831 : i32
      %convert_element_type3A_2833 = arith.extui %lt3A_2832 : i1 to i32
      %cond3A_2834 = arith.constant 0 : i32
      %cond3A_2835 = arith.cmpi ne, %convert_element_type3A_2833, %cond3A_2834 : i32
      scf.if %cond3A_2835 {
        %get3A_2866 = arith.index_cast %add3A_2830 : i32 to index
        %get3A_2867 = memref.load %arg13[%get3A_2866] : memref<328xi32, #tpu.memory_space<smem>>
        %shift_right_logical3A = arith.constant 5 : i32
        %shift_right_logical3A_2868 = arith.shrui %get3A_2867, %shift_right_logical3A : i32
        %and3A_2869 = arith.constant 31 : i32
        %and3A_2870 = arith.andi %get3A_2867, %and3A_2869 : i32
        %run_scoped3A = arith.constant 0 : i32
        %run_scoped3A_2871 = arith.constant 0 : i32
        "tpu.region"() ({
          %run_scoped3A_2909 = tpu.sem_alloc : memref<!tpu.dma_semaphore, #tpu.memory_space<semaphore_mem>>
          %dma_start3A_2910 = arith.constant 0 : i32
          %dma_start3A_2911 = tpu.memref_slice %arg7[%run_scoped3A, %run_scoped3A_2871, %dma_start3A_2910] : memref<2x2x4096xi32, #tpu.memory_space<vmem>> -> memref<1x1x4096xi32, #tpu.memory_space<vmem>>
          %dma_start3A_2912 = tpu.memref_squeeze %dma_start3A_2911 : memref<1x1x4096xi32, #tpu.memory_space<vmem>> -> memref<4096xi32, #tpu.memory_space<vmem>>
          %dma_start3A_2913 = arith.constant 0 : i32
          %dma_start3A_2914 = tpu.memref_slice %arg3[%shift_right_logical3A_2868, %dma_start3A_2913] : memref<26x4096xi32, #tpu.memory_space<hbm>> -> memref<1x4096xi32, #tpu.memory_space<hbm>>
          %dma_start3A_2915 = tpu.memref_squeeze %dma_start3A_2914 : memref<1x4096xi32, #tpu.memory_space<hbm>> -> memref<4096xi32, #tpu.memory_space<hbm>>
          %dma_start3A_2916 = arith.constant 0 : i32
          %dma_start3A_2917 = tpu.memref_slice %arg7[%run_scoped3A, %run_scoped3A_2871, %dma_start3A_2916] : memref<2x2x4096xi32, #tpu.memory_space<vmem>> -> memref<1x1x4096xi32, #tpu.memory_space<vmem>>
          %dma_start3A_2918 = tpu.memref_squeeze %dma_start3A_2917 : memref<1x1x4096xi32, #tpu.memory_space<vmem>> -> memref<4096xi32, #tpu.memory_space<vmem>>
          %dma_start3A_2919 = arith.constant 0 : i32
          %dma_start3A_2920 = tpu.memref_slice %arg3[%shift_right_logical3A_2868, %dma_start3A_2919] : memref<26x4096xi32, #tpu.memory_space<hbm>> -> memref<1x4096xi32, #tpu.memory_space<hbm>>
          %dma_start3A_2921 = tpu.memref_squeeze %dma_start3A_2920 : memref<1x4096xi32, #tpu.memory_space<hbm>> -> memref<4096xi32, #tpu.memory_space<hbm>>
          tpu.enqueue_dma source(%dma_start3A_2921 : memref<4096xi32, #tpu.memory_space<hbm>>) target(%dma_start3A_2918 : memref<4096xi32, #tpu.memory_space<vmem>>) target_semaphore(%run_scoped3A_2909 : memref<!tpu.dma_semaphore, #tpu.memory_space<semaphore_mem>>)
          %dma_wait3A = arith.constant 0 : i32
          %dma_wait3A_2922 = tpu.memref_slice %arg7[%run_scoped3A, %run_scoped3A_2871, %dma_wait3A] : memref<2x2x4096xi32, #tpu.memory_space<vmem>> -> memref<1x1x4096xi32, #tpu.memory_space<vmem>>
          %dma_wait3A_2923 = tpu.memref_squeeze %dma_wait3A_2922 : memref<1x1x4096xi32, #tpu.memory_space<vmem>> -> memref<4096xi32, #tpu.memory_space<vmem>>
          %dma_wait3A_2924 = arith.constant 0 : i32
          %dma_wait3A_2925 = tpu.memref_slice %arg3[%shift_right_logical3A_2868, %dma_wait3A_2924] : memref<26x4096xi32, #tpu.memory_space<hbm>> -> memref<1x4096xi32, #tpu.memory_space<hbm>>
          %dma_wait3A_2926 = tpu.memref_squeeze %dma_wait3A_2925 : memref<1x4096xi32, #tpu.memory_space<hbm>> -> memref<4096xi32, #tpu.memory_space<hbm>>
          %dma_wait3A_2927 = arith.constant 0 : i32
          %dma_wait3A_2928 = tpu.memref_slice %arg7[%run_scoped3A, %run_scoped3A_2871, %dma_wait3A_2927] : memref<2x2x4096xi32, #tpu.memory_space<vmem>> -> memref<1x1x4096xi32, #tpu.memory_space<vmem>>
          %dma_wait3A_2929 = tpu.memref_squeeze %dma_wait3A_2928 : memref<1x1x4096xi32, #tpu.memory_space<vmem>> -> memref<4096xi32, #tpu.memory_space<vmem>>
          %dma_wait3A_2930 = arith.constant 0 : i32
          %dma_wait3A_2931 = tpu.memref_slice %arg3[%shift_right_logical3A_2868, %dma_wait3A_2930] : memref<26x4096xi32, #tpu.memory_space<hbm>> -> memref<1x4096xi32, #tpu.memory_space<hbm>>
          %dma_wait3A_2932 = tpu.memref_squeeze %dma_wait3A_2931 : memref<1x4096xi32, #tpu.memory_space<hbm>> -> memref<4096xi32, #tpu.memory_space<hbm>>
          tpu.wait_dma2 semaphore(%run_scoped3A_2909 : memref<!tpu.dma_semaphore, #tpu.memory_space<semaphore_mem>>) src(%dma_wait3A_2932 : memref<4096xi32, #tpu.memory_space<hbm>>) dst(%dma_wait3A_2929 : memref<4096xi32, #tpu.memory_space<vmem>>)
          tpu.yield
        }) : () -> ()
        %run_scoped3A_2872 = arith.constant 0 : i32
        %run_scoped3A_2873 = arith.constant 1 : i32
        "tpu.region"() ({
          %run_scoped3A_2909 = tpu.sem_alloc : memref<!tpu.dma_semaphore, #tpu.memory_space<semaphore_mem>>
          %dma_start3A_2910 = arith.constant 0 : i32
          %dma_start3A_2911 = tpu.memref_slice %arg7[%run_scoped3A_2872, %run_scoped3A_2873, %dma_start3A_2910] : memref<2x2x4096xi32, #tpu.memory_space<vmem>> -> memref<1x1x4096xi32, #tpu.memory_space<vmem>>
          %dma_start3A_2912 = tpu.memref_squeeze %dma_start3A_2911 : memref<1x1x4096xi32, #tpu.memory_space<vmem>> -> memref<4096xi32, #tpu.memory_space<vmem>>
          %dma_start3A_2913 = arith.constant 0 : i32
          %dma_start3A_2914 = tpu.memref_slice %arg3[%and3A_2870, %dma_start3A_2913] : memref<26x4096xi32, #tpu.memory_space<hbm>> -> memref<1x4096xi32, #tpu.memory_space<hbm>>
          %dma_start3A_2915 = tpu.memref_squeeze %dma_start3A_2914 : memref<1x4096xi32, #tpu.memory_space<hbm>> -> memref<4096xi32, #tpu.memory_space<hbm>>
          %dma_start3A_2916 = arith.constant 0 : i32
          %dma_start3A_2917 = tpu.memref_slice %arg7[%run_scoped3A_2872, %run_scoped3A_2873, %dma_start3A_2916] : memref<2x2x4096xi32, #tpu.memory_space<vmem>> -> memref<1x1x4096xi32, #tpu.memory_space<vmem>>
          %dma_start3A_2918 = tpu.memref_squeeze %dma_start3A_2917 : memref<1x1x4096xi32, #tpu.memory_space<vmem>> -> memref<4096xi32, #tpu.memory_space<vmem>>
          %dma_start3A_2919 = arith.constant 0 : i32
          %dma_start3A_2920 = tpu.memref_slice %arg3[%and3A_2870, %dma_start3A_2919] : memref<26x4096xi32, #tpu.memory_space<hbm>> -> memref<1x4096xi32, #tpu.memory_space<hbm>>
          %dma_start3A_2921 = tpu.memref_squeeze %dma_start3A_2920 : memref<1x4096xi32, #tpu.memory_space<hbm>> -> memref<4096xi32, #tpu.memory_space<hbm>>
          tpu.enqueue_dma source(%dma_start3A_2921 : memref<4096xi32, #tpu.memory_space<hbm>>) target(%dma_start3A_2918 : memref<4096xi32, #tpu.memory_space<vmem>>) target_semaphore(%run_scoped3A_2909 : memref<!tpu.dma_semaphore, #tpu.memory_space<semaphore_mem>>)
          %dma_wait3A = arith.constant 0 : i32
          %dma_wait3A_2922 = tpu.memref_slice %arg7[%run_scoped3A_2872, %run_scoped3A_2873, %dma_wait3A] : memref<2x2x4096xi32, #tpu.memory_space<vmem>> -> memref<1x1x4096xi32, #tpu.memory_space<vmem>>
          %dma_wait3A_2923 = tpu.memref_squeeze %dma_wait3A_2922 : memref<1x1x4096xi32, #tpu.memory_space<vmem>> -> memref<4096xi32, #tpu.memory_space<vmem>>
          %dma_wait3A_2924 = arith.constant 0 : i32
          %dma_wait3A_2925 = tpu.memref_slice %arg3[%and3A_2870, %dma_wait3A_2924] : memref<26x4096xi32, #tpu.memory_space<hbm>> -> memref<1x4096xi32, #tpu.memory_space<hbm>>
          %dma_wait3A_2926 = tpu.memref_squeeze %dma_wait3A_2925 : memref<1x4096xi32, #tpu.memory_space<hbm>> -> memref<4096xi32, #tpu.memory_space<hbm>>
          %dma_wait3A_2927 = arith.constant 0 : i32
          %dma_wait3A_2928 = tpu.memref_slice %arg7[%run_scoped3A_2872, %run_scoped3A_2873, %dma_wait3A_2927] : memref<2x2x4096xi32, #tpu.memory_space<vmem>> -> memref<1x1x4096xi32, #tpu.memory_space<vmem>>
          %dma_wait3A_2929 = tpu.memref_squeeze %dma_wait3A_2928 : memref<1x1x4096xi32, #tpu.memory_space<vmem>> -> memref<4096xi32, #tpu.memory_space<vmem>>
          %dma_wait3A_2930 = arith.constant 0 : i32
          %dma_wait3A_2931 = tpu.memref_slice %arg3[%and3A_2870, %dma_wait3A_2930] : memref<26x4096xi32, #tpu.memory_space<hbm>> -> memref<1x4096xi32, #tpu.memory_space<hbm>>
          %dma_wait3A_2932 = tpu.memref_squeeze %dma_wait3A_2931 : memref<1x4096xi32, #tpu.memory_space<hbm>> -> memref<4096xi32, #tpu.memory_space<hbm>>
          tpu.wait_dma2 semaphore(%run_scoped3A_2909 : memref<!tpu.dma_semaphore, #tpu.memory_space<semaphore_mem>>) src(%dma_wait3A_2932 : memref<4096xi32, #tpu.memory_space<hbm>>) dst(%dma_wait3A_2929 : memref<4096xi32, #tpu.memory_space<vmem>>)
          tpu.yield
        }) : () -> ()
        %dma_start3A = arith.constant 0 : i32
        %dma_start3A_2874 = arith.constant 0 : i32
        %dma_start3A_2875 = arith.constant 0 : i32
        %dma_start3A_2876 = arith.constant 0 : i32
        %dma_start3A_2877 = tpu.memref_slice %arg6[%dma_start3A, %dma_start3A_2874, %dma_start3A_2875, %dma_start3A_2876] : memref<2x2x16x1000xf32, #tpu.memory_space<vmem>> -> memref<1x1x16x1000xf32, #tpu.memory_space<vmem>>
        %dma_start3A_2878 = tpu.memref_squeeze %dma_start3A_2877 : memref<1x1x16x1000xf32, #tpu.memory_space<vmem>> -> memref<16x1000xf32, #tpu.memory_space<vmem>>
        %dma_start3A_2879 = arith.constant 0 : i32
        %dma_start3A_2880 = arith.constant 0 : i32
        %dma_start3A_2881 = tpu.memref_slice %arg2[%shift_right_logical3A_2868, %and3A_2870, %dma_start3A_2879, %dma_start3A_2880] : memref<26x26x16x1000xf32, #tpu.memory_space<hbm>> -> memref<1x1x16x1000xf32, #tpu.memory_space<hbm>>
        %dma_start3A_2882 = tpu.memref_squeeze %dma_start3A_2881 : memref<1x1x16x1000xf32, #tpu.memory_space<hbm>> -> memref<16x1000xf32, #tpu.memory_space<hbm>>
        %dma_start3A_2883 = arith.constant 0 : i32
        %dma_start3A_2884 = arith.constant 0 : i32
        %dma_start3A_2885 = tpu.memref_slice %arg6[%dma_start3A, %dma_start3A_2874, %dma_start3A_2883, %dma_start3A_2884] : memref<2x2x16x1000xf32, #tpu.memory_space<vmem>> -> memref<1x1x16x1000xf32, #tpu.memory_space<vmem>>
        %dma_start3A_2886 = tpu.memref_squeeze %dma_start3A_2885 : memref<1x1x16x1000xf32, #tpu.memory_space<vmem>> -> memref<16x1000xf32, #tpu.memory_space<vmem>>
        %dma_start3A_2887 = arith.constant 0 : i32
        %dma_start3A_2888 = arith.constant 0 : i32
        %dma_start3A_2889 = tpu.memref_slice %arg2[%shift_right_logical3A_2868, %and3A_2870, %dma_start3A_2887, %dma_start3A_2888] : memref<26x26x16x1000xf32, #tpu.memory_space<hbm>> -> memref<1x1x16x1000xf32, #tpu.memory_space<hbm>>
        %dma_start3A_2890 = tpu.memref_squeeze %dma_start3A_2889 : memref<1x1x16x1000xf32, #tpu.memory_space<hbm>> -> memref<16x1000xf32, #tpu.memory_space<hbm>>
        tpu.enqueue_dma source(%dma_start3A_2890 : memref<16x1000xf32, #tpu.memory_space<hbm>>) target(%dma_start3A_2886 : memref<16x1000xf32, #tpu.memory_space<vmem>>) target_semaphore(%arg14 : memref<!tpu.dma_semaphore, #tpu.memory_space<semaphore_mem>>)
        %dma_start3A_2891 = arith.constant 0 : i32
        %dma_start3A_2892 = arith.constant 1 : i32
        %dma_start3A_2893 = arith.constant 0 : i32
        %dma_start3A_2894 = arith.constant 0 : i32
        %dma_start3A_2895 = tpu.memref_slice %arg6[%dma_start3A_2891, %dma_start3A_2892, %dma_start3A_2893, %dma_start3A_2894] : memref<2x2x16x1000xf32, #tpu.memory_space<vmem>> -> memref<1x1x16x1000xf32, #tpu.memory_space<vmem>>
        %dma_start3A_2896 = tpu.memref_squeeze %dma_start3A_2895 : memref<1x1x16x1000xf32, #tpu.memory_space<vmem>> -> memref<16x1000xf32, #tpu.memory_space<vmem>>
        %dma_start3A_2897 = arith.constant 0 : i32
        %dma_start3A_2898 = arith.constant 0 : i32
        %dma_start3A_2899 = tpu.memref_slice %arg2[%and3A_2870, %shift_right_logical3A_2868, %dma_start3A_2897, %dma_start3A_2898] : memref<26x26x16x1000xf32, #tpu.memory_space<hbm>> -> memref<1x1x16x1000xf32, #tpu.memory_space<hbm>>
        %dma_start3A_2900 = tpu.memref_squeeze %dma_start3A_2899 : memref<1x1x16x1000xf32, #tpu.memory_space<hbm>> -> memref<16x1000xf32, #tpu.memory_space<hbm>>
        %dma_start3A_2901 = arith.constant 0 : i32
        %dma_start3A_2902 = arith.constant 0 : i32
        %dma_start3A_2903 = tpu.memref_slice %arg6[%dma_start3A_2891, %dma_start3A_2892, %dma_start3A_2901, %dma_start3A_2902] : memref<2x2x16x1000xf32, #tpu.memory_space<vmem>> -> memref<1x1x16x1000xf32, #tpu.memory_space<vmem>>
        %dma_start3A_2904 = tpu.memref_squeeze %dma_start3A_2903 : memref<1x1x16x1000xf32, #tpu.memory_space<vmem>> -> memref<16x1000xf32, #tpu.memory_space<vmem>>
        %dma_start3A_2905 = arith.constant 0 : i32
        %dma_start3A_2906 = arith.constant 0 : i32
        %dma_start3A_2907 = tpu.memref_slice %arg2[%and3A_2870, %shift_right_logical3A_2868, %dma_start3A_2905, %dma_start3A_2906] : memref<26x26x16x1000xf32, #tpu.memory_space<hbm>> -> memref<1x1x16x1000xf32, #tpu.memory_space<hbm>>
        %dma_start3A_2908 = tpu.memref_squeeze %dma_start3A_2907 : memref<1x1x16x1000xf32, #tpu.memory_space<hbm>> -> memref<16x1000xf32, #tpu.memory_space<hbm>>
        tpu.enqueue_dma source(%dma_start3A_2908 : memref<16x1000xf32, #tpu.memory_space<hbm>>) target(%dma_start3A_2904 : memref<16x1000xf32, #tpu.memory_space<vmem>>) target_semaphore(%arg14 : memref<!tpu.dma_semaphore, #tpu.memory_space<semaphore_mem>>)
      } else {
      }
      %mul3A_2836 = arith.constant 2 : i32
      %mul3A_2837 = arith.muli %mul3A_2836, %scan3A_2807 : i32
      %add3A_2838 = arith.constant 1 : i32
      %add3A_2839 = arith.addi %mul3A_2837, %add3A_2838 : i32
      %mul3A_2840 = arith.constant 32 : i32
      %mul3A_2841 = arith.muli %add3A_2839, %mul3A_2840 : i32
      %add3A_2842 = arith.addi %mul3A_2841, %add3A : i32
      %lt3A_2843 = arith.constant 325 : i32
      %lt3A_2844 = arith.cmpi slt, %add3A_2842, %lt3A_2843 : i32
      %convert_element_type3A_2845 = arith.extui %lt3A_2844 : i1 to i32
      %cond3A_2846 = arith.constant 0 : i32
      %cond3A_2847 = arith.cmpi ne, %convert_element_type3A_2845, %cond3A_2846 : i32
      scf.if %cond3A_2847 {
        %get3A_2866 = arith.index_cast %add3A_2842 : i32 to index
        %get3A_2867 = memref.load %arg13[%get3A_2866] : memref<328xi32, #tpu.memory_space<smem>>
        %shift_right_logical3A = arith.constant 5 : i32
        %shift_right_logical3A_2868 = arith.shrui %get3A_2867, %shift_right_logical3A : i32
        %and3A_2869 = arith.constant 31 : i32
        %and3A_2870 = arith.andi %get3A_2867, %and3A_2869 : i32
        %dma_wait3A = arith.constant 1 : i32
        %dma_wait3A_2871 = arith.constant 0 : i32
        %dma_wait3A_2872 = arith.constant 0 : i32
        %dma_wait3A_2873 = arith.constant 0 : i32
        %dma_wait3A_2874 = tpu.memref_slice %arg6[%dma_wait3A, %dma_wait3A_2871, %dma_wait3A_2872, %dma_wait3A_2873] : memref<2x2x16x1000xf32, #tpu.memory_space<vmem>> -> memref<1x1x16x1000xf32, #tpu.memory_space<vmem>>
        %dma_wait3A_2875 = tpu.memref_squeeze %dma_wait3A_2874 : memref<1x1x16x1000xf32, #tpu.memory_space<vmem>> -> memref<16x1000xf32, #tpu.memory_space<vmem>>
        %dma_wait3A_2876 = arith.constant 0 : i32
        %dma_wait3A_2877 = arith.constant 0 : i32
        %dma_wait3A_2878 = tpu.memref_slice %arg2[%shift_right_logical3A_2868, %and3A_2870, %dma_wait3A_2876, %dma_wait3A_2877] : memref<26x26x16x1000xf32, #tpu.memory_space<hbm>> -> memref<1x1x16x1000xf32, #tpu.memory_space<hbm>>
        %dma_wait3A_2879 = tpu.memref_squeeze %dma_wait3A_2878 : memref<1x1x16x1000xf32, #tpu.memory_space<hbm>> -> memref<16x1000xf32, #tpu.memory_space<hbm>>
        %dma_wait3A_2880 = arith.constant 0 : i32
        %dma_wait3A_2881 = arith.constant 0 : i32
        %dma_wait3A_2882 = tpu.memref_slice %arg6[%dma_wait3A, %dma_wait3A_2871, %dma_wait3A_2880, %dma_wait3A_2881] : memref<2x2x16x1000xf32, #tpu.memory_space<vmem>> -> memref<1x1x16x1000xf32, #tpu.memory_space<vmem>>
        %dma_wait3A_2883 = tpu.memref_squeeze %dma_wait3A_2882 : memref<1x1x16x1000xf32, #tpu.memory_space<vmem>> -> memref<16x1000xf32, #tpu.memory_space<vmem>>
        %dma_wait3A_2884 = arith.constant 0 : i32
        %dma_wait3A_2885 = arith.constant 0 : i32
        %dma_wait3A_2886 = tpu.memref_slice %arg2[%shift_right_logical3A_2868, %and3A_2870, %dma_wait3A_2884, %dma_wait3A_2885] : memref<26x26x16x1000xf32, #tpu.memory_space<hbm>> -> memref<1x1x16x1000xf32, #tpu.memory_space<hbm>>
        %dma_wait3A_2887 = tpu.memref_squeeze %dma_wait3A_2886 : memref<1x1x16x1000xf32, #tpu.memory_space<hbm>> -> memref<16x1000xf32, #tpu.memory_space<hbm>>
        tpu.wait_dma2 semaphore(%arg15 : memref<!tpu.dma_semaphore, #tpu.memory_space<semaphore_mem>>) src(%dma_wait3A_2887 : memref<16x1000xf32, #tpu.memory_space<hbm>>) dst(%dma_wait3A_2883 : memref<16x1000xf32, #tpu.memory_space<vmem>>)
        %dma_wait3A_2888 = arith.constant 1 : i32
        %dma_wait3A_2889 = arith.constant 1 : i32
        %dma_wait3A_2890 = arith.constant 0 : i32
        %dma_wait3A_2891 = arith.constant 0 : i32
        %dma_wait3A_2892 = tpu.memref_slice %arg6[%dma_wait3A_2888, %dma_wait3A_2889, %dma_wait3A_2890, %dma_wait3A_2891] : memref<2x2x16x1000xf32, #tpu.memory_space<vmem>> -> memref<1x1x16x1000xf32, #tpu.memory_space<vmem>>
        %dma_wait3A_2893 = tpu.memref_squeeze %dma_wait3A_2892 : memref<1x1x16x1000xf32, #tpu.memory_space<vmem>> -> memref<16x1000xf32, #tpu.memory_space<vmem>>
        %dma_wait3A_2894 = arith.constant 0 : i32
        %dma_wait3A_2895 = arith.constant 0 : i32
        %dma_wait3A_2896 = tpu.memref_slice %arg2[%and3A_2870, %shift_right_logical3A_2868, %dma_wait3A_2894, %dma_wait3A_2895] : memref<26x26x16x1000xf32, #tpu.memory_space<hbm>> -> memref<1x1x16x1000xf32, #tpu.memory_space<hbm>>
        %dma_wait3A_2897 = tpu.memref_squeeze %dma_wait3A_2896 : memref<1x1x16x1000xf32, #tpu.memory_space<hbm>> -> memref<16x1000xf32, #tpu.memory_space<hbm>>
        %dma_wait3A_2898 = arith.constant 0 : i32
        %dma_wait3A_2899 = arith.constant 0 : i32
        %dma_wait3A_2900 = tpu.memref_slice %arg6[%dma_wait3A_2888, %dma_wait3A_2889, %dma_wait3A_2898, %dma_wait3A_2899] : memref<2x2x16x1000xf32, #tpu.memory_space<vmem>> -> memref<1x1x16x1000xf32, #tpu.memory_space<vmem>>
        %dma_wait3A_2901 = tpu.memref_squeeze %dma_wait3A_2900 : memref<1x1x16x1000xf32, #tpu.memory_space<vmem>> -> memref<16x1000xf32, #tpu.memory_space<vmem>>
        %dma_wait3A_2902 = arith.constant 0 : i32
        %dma_wait3A_2903 = arith.constant 0 : i32
        %dma_wait3A_2904 = tpu.memref_slice %arg2[%and3A_2870, %shift_right_logical3A_2868, %dma_wait3A_2902, %dma_wait3A_2903] : memref<26x26x16x1000xf32, #tpu.memory_space<hbm>> -> memref<1x1x16x1000xf32, #tpu.memory_space<hbm>>
        %dma_wait3A_2905 = tpu.memref_squeeze %dma_wait3A_2904 : memref<1x1x16x1000xf32, #tpu.memory_space<hbm>> -> memref<16x1000xf32, #tpu.memory_space<hbm>>
        tpu.wait_dma2 semaphore(%arg15 : memref<!tpu.dma_semaphore, #tpu.memory_space<semaphore_mem>>) src(%dma_wait3A_2905 : memref<16x1000xf32, #tpu.memory_space<hbm>>) dst(%dma_wait3A_2901 : memref<16x1000xf32, #tpu.memory_space<vmem>>)
      } else {
      }
      %mul3A_2848 = arith.constant 32 : i32
      %mul3A_2849 = arith.muli %add3A_2839, %mul3A_2848 : i32
      %add3A_2850 = arith.addi %mul3A_2849, %add3A : i32
      %lt3A_2851 = arith.constant 325 : i32
      %lt3A_2852 = arith.cmpi slt, %add3A_2850, %lt3A_2851 : i32
      %convert_element_type3A_2853 = arith.extui %lt3A_2852 : i1 to i32
      %cond3A_2854 = arith.constant 0 : i32
      %cond3A_2855 = arith.cmpi ne, %convert_element_type3A_2853, %cond3A_2854 : i32
      scf.if %cond3A_2855 {
        %get3A_2866 = arith.index_cast %add3A_2850 : i32 to index
        %get3A_2867 = memref.load %arg13[%get3A_2866] : memref<328xi32, #tpu.memory_space<smem>>
        %shift_right_logical3A = arith.constant 5 : i32
        %shift_right_logical3A_2868 = arith.shrui %get3A_2867, %shift_right_logical3A : i32
        %and3A_2869 = arith.constant 31 : i32
        %and3A_2870 = arith.andi %get3A_2867, %and3A_2869 : i32
        %mul3A_2871 = arith.constant 1000 : i32
        %mul3A_2872 = arith.muli %shift_right_logical3A_2868, %mul3A_2871 : i32
        %mul3A_2873 = arith.constant 1000 : i32
        %mul3A_2874 = arith.muli %and3A_2870, %mul3A_2873 : i32
        %scan3A_2875 = arith.constant 0 : i32
        %scan3A_2876 = arith.constant 0 : i32
        %scan3A_2877 = arith.constant 256 : i32
        %scan3A_2878 = arith.addi %scan3A_2876, %scan3A_2877 : i32
        %scan3A_2879 = arith.constant 1 : i32
        scf.for %scan3A_2881 = %scan3A_2876 to %scan3A_2878 step %scan3A_2879  : i32 {
          %mul3A_2882 = arith.constant 16 : i32
          %mul3A_2883 = arith.muli %scan3A_2881, %mul3A_2882 : i32
          %get3A_2884 = arith.constant 1 : i32
          %get3A_2885 = arith.constant 0 : i32
          %get3A_2886 = arith.index_cast %get3A_2884 : i32 to index
          %get3A_2887 = arith.index_cast %get3A_2885 : i32 to index
          %get3A_2888 = arith.index_cast %mul3A_2883 : i32 to index
          %get3A_2889 = tpu.vector_load %arg7[%get3A_2886, %get3A_2887, %get3A_2888] {strides = array<i32>} : memref<2x2x4096xi32, #tpu.memory_space<vmem>>, vector<16xi32>,
          %sub3A_2890 = vector.broadcast %mul3A_2872 : i32 to vector<16xi32>
          %sub3A_2891 = arith.subi %get3A_2889, %sub3A_2890 : vector<16xi32>
          %mul3A_2892 = arith.constant 16 : i32
          %mul3A_2893 = arith.muli %scan3A_2881, %mul3A_2892 : i32
          %get3A_2894 = arith.constant 1 : i32
          %get3A_2895 = arith.constant 1 : i32
          %get3A_2896 = arith.index_cast %get3A_2894 : i32 to index
          %get3A_2897 = arith.index_cast %get3A_2895 : i32 to index
          %get3A_2898 = arith.index_cast %mul3A_2893 : i32 to index
          %get3A_2899 = tpu.vector_load %arg7[%get3A_2896, %get3A_2897, %get3A_2898] {strides = array<i32>} : memref<2x2x4096xi32, #tpu.memory_space<vmem>>, vector<16xi32>,
          %sub3A_2900 = vector.broadcast %mul3A_2874 : i32 to vector<16xi32>
          %sub3A_2901 = arith.subi %get3A_2899, %sub3A_2900 : vector<16xi32>
          %get3A_2902 = arith.index_cast %scan3A_2881 : i32 to index
          %get3A_2903 = arith.constant 0 : index
          %get3A_2904 = tpu.vector_load %arg8[%get3A_2902, %get3A_2903] {strides = array<i32>} : memref<256x16xf32, #tpu.memory_space<vmem>>, vector<16xf32>,
          %gather3A_2905 = arith.constant 1 : i32
          %gather3A_2906 = arith.constant 0 : i32
          %gather3A_2907 = arith.constant 0 : i32
          %gather3A_2908 = arith.constant 0 : i32
          %gather3A_2909 = tpu.memref_slice %arg6[%gather3A_2905, %gather3A_2906, %gather3A_2907, %gather3A_2908] : memref<2x2x16x1000xf32, #tpu.memory_space<vmem>> -> memref<1x1x16x1000xf32, #tpu.memory_space<vmem>>
          %gather3A_2910 = tpu.memref_squeeze %gather3A_2909 : memref<1x1x16x1000xf32, #tpu.memory_space<vmem>> -> memref<16x1000xf32, #tpu.memory_space<vmem>>
          %gather3A_2911 = tpu.vector_load_idx %gather3A_2910[%broadcast_in_dim3A_1412, %sub3A_2891] : memref<16x1000xf32, #tpu.memory_space<vmem>>[vector<16xi32>, vector<16xi32>], vector<16xf32>,
          %gather3A_2912 = arith.constant 1 : i32
          %gather3A_2913 = arith.constant 1 : i32
          %gather3A_2914 = arith.constant 0 : i32
          %gather3A_2915 = arith.constant 0 : i32
          %gather3A_2916 = tpu.memref_slice %arg6[%gather3A_2912, %gather3A_2913, %gather3A_2914, %gather3A_2915] : memref<2x2x16x1000xf32, #tpu.memory_space<vmem>> -> memref<1x1x16x1000xf32, #tpu.memory_space<vmem>>
          %gather3A_2917 = tpu.memref_squeeze %gather3A_2916 : memref<1x1x16x1000xf32, #tpu.memory_space<vmem>> -> memref<16x1000xf32, #tpu.memory_space<vmem>>
          %gather3A_2918 = tpu.vector_load_idx %gather3A_2917[%broadcast_in_dim3A_1412, %sub3A_2901] : memref<16x1000xf32, #tpu.memory_space<vmem>>[vector<16xi32>, vector<16xi32>], vector<16xf32>,
          %mul3A_2919 = arith.mulf %gather3A_2911, %gather3A_2918 : vector<16xf32>
          %add3A_2920 = arith.addf %get3A_2904, %mul3A_2919 : vector<16xf32>
          %gather3A_2921 = arith.constant 1 : i32
          %gather3A_2922 = arith.constant 0 : i32
          %gather3A_2923 = arith.constant 0 : i32
          %gather3A_2924 = arith.constant 0 : i32
          %gather3A_2925 = tpu.memref_slice %arg6[%gather3A_2921, %gather3A_2922, %gather3A_2923, %gather3A_2924] : memref<2x2x16x1000xf32, #tpu.memory_space<vmem>> -> memref<1x1x16x1000xf32, #tpu.memory_space<vmem>>
          %gather3A_2926 = tpu.memref_squeeze %gather3A_2925 : memref<1x1x16x1000xf32, #tpu.memory_space<vmem>> -> memref<16x1000xf32, #tpu.memory_space<vmem>>
          %gather3A_2927 = tpu.vector_load_idx %gather3A_2926[%broadcast_in_dim3A_1414, %sub3A_2891] : memref<16x1000xf32, #tpu.memory_space<vmem>>[vector<16xi32>, vector<16xi32>], vector<16xf32>,
          %gather3A_2928 = arith.constant 1 : i32
          %gather3A_2929 = arith.constant 1 : i32
          %gather3A_2930 = arith.constant 0 : i32
          %gather3A_2931 = arith.constant 0 : i32
          %gather3A_2932 = tpu.memref_slice %arg6[%gather3A_2928, %gather3A_2929, %gather3A_2930, %gather3A_2931] : memref<2x2x16x1000xf32, #tpu.memory_space<vmem>> -> memref<1x1x16x1000xf32, #tpu.memory_space<vmem>>
          %gather3A_2933 = tpu.memref_squeeze %gather3A_2932 : memref<1x1x16x1000xf32, #tpu.memory_space<vmem>> -> memref<16x1000xf32, #tpu.memory_space<vmem>>
          %gather3A_2934 = tpu.vector_load_idx %gather3A_2933[%broadcast_in_dim3A_1414, %sub3A_2901] : memref<16x1000xf32, #tpu.memory_space<vmem>>[vector<16xi32>, vector<16xi32>], vector<16xf32>,
          %mul3A_2935 = arith.mulf %gather3A_2927, %gather3A_2934 : vector<16xf32>
          %add3A_2936 = arith.addf %add3A_2920, %mul3A_2935 : vector<16xf32>
          %gather3A_2937 = arith.constant 1 : i32
          %gather3A_2938 = arith.constant 0 : i32
          %gather3A_2939 = arith.constant 0 : i32
          %gather3A_2940 = arith.constant 0 : i32
          %gather3A_2941 = tpu.memref_slice %arg6[%gather3A_2937, %gather3A_2938, %gather3A_2939, %gather3A_2940] : memref<2x2x16x1000xf32, #tpu.memory_space<vmem>> -> memref<1x1x16x1000xf32, #tpu.memory_space<vmem>>
          %gather3A_2942 = tpu.memref_squeeze %gather3A_2941 : memref<1x1x16x1000xf32, #tpu.memory_space<vmem>> -> memref<16x1000xf32, #tpu.memory_space<vmem>>
          %gather3A_2943 = tpu.vector_load_idx %gather3A_2942[%broadcast_in_dim3A_1416, %sub3A_2891] : memref<16x1000xf32, #tpu.memory_space<vmem>>[vector<16xi32>, vector<16xi32>], vector<16xf32>,
          %gather3A_2944 = arith.constant 1 : i32
          %gather3A_2945 = arith.constant 1 : i32
          %gather3A_2946 = arith.constant 0 : i32
          %gather3A_2947 = arith.constant 0 : i32
          %gather3A_2948 = tpu.memref_slice %arg6[%gather3A_2944, %gather3A_2945, %gather3A_2946, %gather3A_2947] : memref<2x2x16x1000xf32, #tpu.memory_space<vmem>> -> memref<1x1x16x1000xf32, #tpu.memory_space<vmem>>
          %gather3A_2949 = tpu.memref_squeeze %gather3A_2948 : memref<1x1x16x1000xf32, #tpu.memory_space<vmem>> -> memref<16x1000xf32, #tpu.memory_space<vmem>>
          %gather3A_2950 = tpu.vector_load_idx %gather3A_2949[%broadcast_in_dim3A_1416, %sub3A_2901] : memref<16x1000xf32, #tpu.memory_space<vmem>>[vector<16xi32>, vector<16xi32>], vector<16xf32>,
          %mul3A_2951 = arith.mulf %gather3A_2943, %gather3A_2950 : vector<16xf32>
          %add3A_2952 = arith.addf %add3A_2936, %mul3A_2951 : vector<16xf32>
          %gather3A_2953 = arith.constant 1 : i32
          %gather3A_2954 = arith.constant 0 : i32
          %gather3A_2955 = arith.constant 0 : i32
          %gather3A_2956 = arith.constant 0 : i32
          %gather3A_2957 = tpu.memref_slice %arg6[%gather3A_2953, %gather3A_2954, %gather3A_2955, %gather3A_2956] : memref<2x2x16x1000xf32, #tpu.memory_space<vmem>> -> memref<1x1x16x1000xf32, #tpu.memory_space<vmem>>
          %gather3A_2958 = tpu.memref_squeeze %gather3A_2957 : memref<1x1x16x1000xf32, #tpu.memory_space<vmem>> -> memref<16x1000xf32, #tpu.memory_space<vmem>>
          %gather3A_2959 = tpu.vector_load_idx %gather3A_2958[%broadcast_in_dim3A_1418, %sub3A_2891] : memref<16x1000xf32, #tpu.memory_space<vmem>>[vector<16xi32>, vector<16xi32>], vector<16xf32>,
          %gather3A_2960 = arith.constant 1 : i32
          %gather3A_2961 = arith.constant 1 : i32
          %gather3A_2962 = arith.constant 0 : i32
          %gather3A_2963 = arith.constant 0 : i32
          %gather3A_2964 = tpu.memref_slice %arg6[%gather3A_2960, %gather3A_2961, %gather3A_2962, %gather3A_2963] : memref<2x2x16x1000xf32, #tpu.memory_space<vmem>> -> memref<1x1x16x1000xf32, #tpu.memory_space<vmem>>
          %gather3A_2965 = tpu.memref_squeeze %gather3A_2964 : memref<1x1x16x1000xf32, #tpu.memory_space<vmem>> -> memref<16x1000xf32, #tpu.memory_space<vmem>>
          %gather3A_2966 = tpu.vector_load_idx %gather3A_2965[%broadcast_in_dim3A_1418, %sub3A_2901] : memref<16x1000xf32, #tpu.memory_space<vmem>>[vector<16xi32>, vector<16xi32>], vector<16xf32>,
          %mul3A_2967 = arith.mulf %gather3A_2959, %gather3A_2966 : vector<16xf32>
          %add3A_2968 = arith.addf %add3A_2952, %mul3A_2967 : vector<16xf32>
          %gather3A_2969 = arith.constant 1 : i32
          %gather3A_2970 = arith.constant 0 : i32
          %gather3A_2971 = arith.constant 0 : i32
          %gather3A_2972 = arith.constant 0 : i32
          %gather3A_2973 = tpu.memref_slice %arg6[%gather3A_2969, %gather3A_2970, %gather3A_2971, %gather3A_2972] : memref<2x2x16x1000xf32, #tpu.memory_space<vmem>> -> memref<1x1x16x1000xf32, #tpu.memory_space<vmem>>
          %gather3A_2974 = tpu.memref_squeeze %gather3A_2973 : memref<1x1x16x1000xf32, #tpu.memory_space<vmem>> -> memref<16x1000xf32, #tpu.memory_space<vmem>>
          %gather3A_2975 = tpu.vector_load_idx %gather3A_2974[%broadcast_in_dim3A_1420, %sub3A_2891] : memref<16x1000xf32, #tpu.memory_space<vmem>>[vector<16xi32>, vector<16xi32>], vector<16xf32>,
          %gather3A_2976 = arith.constant 1 : i32
          %gather3A_2977 = arith.constant 1 : i32
          %gather3A_2978 = arith.constant 0 : i32
          %gather3A_2979 = arith.constant 0 : i32
          %gather3A_2980 = tpu.memref_slice %arg6[%gather3A_2976, %gather3A_2977, %gather3A_2978, %gather3A_2979] : memref<2x2x16x1000xf32, #tpu.memory_space<vmem>> -> memref<1x1x16x1000xf32, #tpu.memory_space<vmem>>
          %gather3A_2981 = tpu.memref_squeeze %gather3A_2980 : memref<1x1x16x1000xf32, #tpu.memory_space<vmem>> -> memref<16x1000xf32, #tpu.memory_space<vmem>>
          %gather3A_2982 = tpu.vector_load_idx %gather3A_2981[%broadcast_in_dim3A_1420, %sub3A_2901] : memref<16x1000xf32, #tpu.memory_space<vmem>>[vector<16xi32>, vector<16xi32>], vector<16xf32>,
          %mul3A_2983 = arith.mulf %gather3A_2975, %gather3A_2982 : vector<16xf32>
          %add3A_2984 = arith.addf %add3A_2968, %mul3A_2983 : vector<16xf32>
          %gather3A_2985 = arith.constant 1 : i32
          %gather3A_2986 = arith.constant 0 : i32
          %gather3A_2987 = arith.constant 0 : i32
          %gather3A_2988 = arith.constant 0 : i32
          %gather3A_2989 = tpu.memref_slice %arg6[%gather3A_2985, %gather3A_2986, %gather3A_2987, %gather3A_2988] : memref<2x2x16x1000xf32, #tpu.memory_space<vmem>> -> memref<1x1x16x1000xf32, #tpu.memory_space<vmem>>
          %gather3A_2990 = tpu.memref_squeeze %gather3A_2989 : memref<1x1x16x1000xf32, #tpu.memory_space<vmem>> -> memref<16x1000xf32, #tpu.memory_space<vmem>>
          %gather3A_2991 = tpu.vector_load_idx %gather3A_2990[%broadcast_in_dim3A_1422, %sub3A_2891] : memref<16x1000xf32, #tpu.memory_space<vmem>>[vector<16xi32>, vector<16xi32>], vector<16xf32>,
          %gather3A_2992 = arith.constant 1 : i32
          %gather3A_2993 = arith.constant 1 : i32
          %gather3A_2994 = arith.constant 0 : i32
          %gather3A_2995 = arith.constant 0 : i32
          %gather3A_2996 = tpu.memref_slice %arg6[%gather3A_2992, %gather3A_2993, %gather3A_2994, %gather3A_2995] : memref<2x2x16x1000xf32, #tpu.memory_space<vmem>> -> memref<1x1x16x1000xf32, #tpu.memory_space<vmem>>
          %gather3A_2997 = tpu.memref_squeeze %gather3A_2996 : memref<1x1x16x1000xf32, #tpu.memory_space<vmem>> -> memref<16x1000xf32, #tpu.memory_space<vmem>>
          %gather3A_2998 = tpu.vector_load_idx %gather3A_2997[%broadcast_in_dim3A_1422, %sub3A_2901] : memref<16x1000xf32, #tpu.memory_space<vmem>>[vector<16xi32>, vector<16xi32>], vector<16xf32>,
          %mul3A_2999 = arith.mulf %gather3A_2991, %gather3A_2998 : vector<16xf32>
          %add3A_3000 = arith.addf %add3A_2984, %mul3A_2999 : vector<16xf32>
          %gather3A_3001 = arith.constant 1 : i32
          %gather3A_3002 = arith.constant 0 : i32
          %gather3A_3003 = arith.constant 0 : i32
          %gather3A_3004 = arith.constant 0 : i32
          %gather3A_3005 = tpu.memref_slice %arg6[%gather3A_3001, %gather3A_3002, %gather3A_3003, %gather3A_3004] : memref<2x2x16x1000xf32, #tpu.memory_space<vmem>> -> memref<1x1x16x1000xf32, #tpu.memory_space<vmem>>
          %gather3A_3006 = tpu.memref_squeeze %gather3A_3005 : memref<1x1x16x1000xf32, #tpu.memory_space<vmem>> -> memref<16x1000xf32, #tpu.memory_space<vmem>>
          %gather3A_3007 = tpu.vector_load_idx %gather3A_3006[%broadcast_in_dim3A_1424, %sub3A_2891] : memref<16x1000xf32, #tpu.memory_space<vmem>>[vector<16xi32>, vector<16xi32>], vector<16xf32>,
          %gather3A_3008 = arith.constant 1 : i32
          %gather3A_3009 = arith.constant 1 : i32
          %gather3A_3010 = arith.constant 0 : i32
          %gather3A_3011 = arith.constant 0 : i32
          %gather3A_3012 = tpu.memref_slice %arg6[%gather3A_3008, %gather3A_3009, %gather3A_3010, %gather3A_3011] : memref<2x2x16x1000xf32, #tpu.memory_space<vmem>> -> memref<1x1x16x1000xf32, #tpu.memory_space<vmem>>
          %gather3A_3013 = tpu.memref_squeeze %gather3A_3012 : memref<1x1x16x1000xf32, #tpu.memory_space<vmem>> -> memref<16x1000xf32, #tpu.memory_space<vmem>>
          %gather3A_3014 = tpu.vector_load_idx %gather3A_3013[%broadcast_in_dim3A_1424, %sub3A_2901] : memref<16x1000xf32, #tpu.memory_space<vmem>>[vector<16xi32>, vector<16xi32>], vector<16xf32>,
          %mul3A_3015 = arith.mulf %gather3A_3007, %gather3A_3014 : vector<16xf32>
          %add3A_3016 = arith.addf %add3A_3000, %mul3A_3015 : vector<16xf32>
          %gather3A_3017 = arith.constant 1 : i32
          %gather3A_3018 = arith.constant 0 : i32
          %gather3A_3019 = arith.constant 0 : i32
          %gather3A_3020 = arith.constant 0 : i32
          %gather3A_3021 = tpu.memref_slice %arg6[%gather3A_3017, %gather3A_3018, %gather3A_3019, %gather3A_3020] : memref<2x2x16x1000xf32, #tpu.memory_space<vmem>> -> memref<1x1x16x1000xf32, #tpu.memory_space<vmem>>
          %gather3A_3022 = tpu.memref_squeeze %gather3A_3021 : memref<1x1x16x1000xf32, #tpu.memory_space<vmem>> -> memref<16x1000xf32, #tpu.memory_space<vmem>>
          %gather3A_3023 = tpu.vector_load_idx %gather3A_3022[%broadcast_in_dim3A_1426, %sub3A_2891] : memref<16x1000xf32, #tpu.memory_space<vmem>>[vector<16xi32>, vector<16xi32>], vector<16xf32>,
          %gather3A_3024 = arith.constant 1 : i32
          %gather3A_3025 = arith.constant 1 : i32
          %gather3A_3026 = arith.constant 0 : i32
          %gather3A_3027 = arith.constant 0 : i32
          %gather3A_3028 = tpu.memref_slice %arg6[%gather3A_3024, %gather3A_3025, %gather3A_3026, %gather3A_3027] : memref<2x2x16x1000xf32, #tpu.memory_space<vmem>> -> memref<1x1x16x1000xf32, #tpu.memory_space<vmem>>
          %gather3A_3029 = tpu.memref_squeeze %gather3A_3028 : memref<1x1x16x1000xf32, #tpu.memory_space<vmem>> -> memref<16x1000xf32, #tpu.memory_space<vmem>>
          %gather3A_3030 = tpu.vector_load_idx %gather3A_3029[%broadcast_in_dim3A_1426, %sub3A_2901] : memref<16x1000xf32, #tpu.memory_space<vmem>>[vector<16xi32>, vector<16xi32>], vector<16xf32>,
          %mul3A_3031 = arith.mulf %gather3A_3023, %gather3A_3030 : vector<16xf32>
          %add3A_3032 = arith.addf %add3A_3016, %mul3A_3031 : vector<16xf32>
          %gather3A_3033 = arith.constant 1 : i32
          %gather3A_3034 = arith.constant 0 : i32
          %gather3A_3035 = arith.constant 0 : i32
          %gather3A_3036 = arith.constant 0 : i32
          %gather3A_3037 = tpu.memref_slice %arg6[%gather3A_3033, %gather3A_3034, %gather3A_3035, %gather3A_3036] : memref<2x2x16x1000xf32, #tpu.memory_space<vmem>> -> memref<1x1x16x1000xf32, #tpu.memory_space<vmem>>
          %gather3A_3038 = tpu.memref_squeeze %gather3A_3037 : memref<1x1x16x1000xf32, #tpu.memory_space<vmem>> -> memref<16x1000xf32, #tpu.memory_space<vmem>>
          %gather3A_3039 = tpu.vector_load_idx %gather3A_3038[%broadcast_in_dim3A_1428, %sub3A_2891] : memref<16x1000xf32, #tpu.memory_space<vmem>>[vector<16xi32>, vector<16xi32>], vector<16xf32>,
          %gather3A_3040 = arith.constant 1 : i32
          %gather3A_3041 = arith.constant 1 : i32
          %gather3A_3042 = arith.constant 0 : i32
          %gather3A_3043 = arith.constant 0 : i32
          %gather3A_3044 = tpu.memref_slice %arg6[%gather3A_3040, %gather3A_3041, %gather3A_3042, %gather3A_3043] : memref<2x2x16x1000xf32, #tpu.memory_space<vmem>> -> memref<1x1x16x1000xf32, #tpu.memory_space<vmem>>
          %gather3A_3045 = tpu.memref_squeeze %gather3A_3044 : memref<1x1x16x1000xf32, #tpu.memory_space<vmem>> -> memref<16x1000xf32, #tpu.memory_space<vmem>>
          %gather3A_3046 = tpu.vector_load_idx %gather3A_3045[%broadcast_in_dim3A_1428, %sub3A_2901] : memref<16x1000xf32, #tpu.memory_space<vmem>>[vector<16xi32>, vector<16xi32>], vector<16xf32>,
          %mul3A_3047 = arith.mulf %gather3A_3039, %gather3A_3046 : vector<16xf32>
          %add3A_3048 = arith.addf %add3A_3032, %mul3A_3047 : vector<16xf32>
          %gather3A_3049 = arith.constant 1 : i32
          %gather3A_3050 = arith.constant 0 : i32
          %gather3A_3051 = arith.constant 0 : i32
          %gather3A_3052 = arith.constant 0 : i32
          %gather3A_3053 = tpu.memref_slice %arg6[%gather3A_3049, %gather3A_3050, %gather3A_3051, %gather3A_3052] : memref<2x2x16x1000xf32, #tpu.memory_space<vmem>> -> memref<1x1x16x1000xf32, #tpu.memory_space<vmem>>
          %gather3A_3054 = tpu.memref_squeeze %gather3A_3053 : memref<1x1x16x1000xf32, #tpu.memory_space<vmem>> -> memref<16x1000xf32, #tpu.memory_space<vmem>>
          %gather3A_3055 = tpu.vector_load_idx %gather3A_3054[%broadcast_in_dim3A_1430, %sub3A_2891] : memref<16x1000xf32, #tpu.memory_space<vmem>>[vector<16xi32>, vector<16xi32>], vector<16xf32>,
          %gather3A_3056 = arith.constant 1 : i32
          %gather3A_3057 = arith.constant 1 : i32
          %gather3A_3058 = arith.constant 0 : i32
          %gather3A_3059 = arith.constant 0 : i32
          %gather3A_3060 = tpu.memref_slice %arg6[%gather3A_3056, %gather3A_3057, %gather3A_3058, %gather3A_3059] : memref<2x2x16x1000xf32, #tpu.memory_space<vmem>> -> memref<1x1x16x1000xf32, #tpu.memory_space<vmem>>
          %gather3A_3061 = tpu.memref_squeeze %gather3A_3060 : memref<1x1x16x1000xf32, #tpu.memory_space<vmem>> -> memref<16x1000xf32, #tpu.memory_space<vmem>>
          %gather3A_3062 = tpu.vector_load_idx %gather3A_3061[%broadcast_in_dim3A_1430, %sub3A_2901] : memref<16x1000xf32, #tpu.memory_space<vmem>>[vector<16xi32>, vector<16xi32>], vector<16xf32>,
          %mul3A_3063 = arith.mulf %gather3A_3055, %gather3A_3062 : vector<16xf32>
          %add3A_3064 = arith.addf %add3A_3048, %mul3A_3063 : vector<16xf32>
          %gather3A_3065 = arith.constant 1 : i32
          %gather3A_3066 = arith.constant 0 : i32
          %gather3A_3067 = arith.constant 0 : i32
          %gather3A_3068 = arith.constant 0 : i32
          %gather3A_3069 = tpu.memref_slice %arg6[%gather3A_3065, %gather3A_3066, %gather3A_3067, %gather3A_3068] : memref<2x2x16x1000xf32, #tpu.memory_space<vmem>> -> memref<1x1x16x1000xf32, #tpu.memory_space<vmem>>
          %gather3A_3070 = tpu.memref_squeeze %gather3A_3069 : memref<1x1x16x1000xf32, #tpu.memory_space<vmem>> -> memref<16x1000xf32, #tpu.memory_space<vmem>>
          %gather3A_3071 = tpu.vector_load_idx %gather3A_3070[%broadcast_in_dim3A_1432, %sub3A_2891] : memref<16x1000xf32, #tpu.memory_space<vmem>>[vector<16xi32>, vector<16xi32>], vector<16xf32>,
          %gather3A_3072 = arith.constant 1 : i32
          %gather3A_3073 = arith.constant 1 : i32
          %gather3A_3074 = arith.constant 0 : i32
          %gather3A_3075 = arith.constant 0 : i32
          %gather3A_3076 = tpu.memref_slice %arg6[%gather3A_3072, %gather3A_3073, %gather3A_3074, %gather3A_3075] : memref<2x2x16x1000xf32, #tpu.memory_space<vmem>> -> memref<1x1x16x1000xf32, #tpu.memory_space<vmem>>
          %gather3A_3077 = tpu.memref_squeeze %gather3A_3076 : memref<1x1x16x1000xf32, #tpu.memory_space<vmem>> -> memref<16x1000xf32, #tpu.memory_space<vmem>>
          %gather3A_3078 = tpu.vector_load_idx %gather3A_3077[%broadcast_in_dim3A_1432, %sub3A_2901] : memref<16x1000xf32, #tpu.memory_space<vmem>>[vector<16xi32>, vector<16xi32>], vector<16xf32>,
          %mul3A_3079 = arith.mulf %gather3A_3071, %gather3A_3078 : vector<16xf32>
          %add3A_3080 = arith.addf %add3A_3064, %mul3A_3079 : vector<16xf32>
          %gather3A_3081 = arith.constant 1 : i32
          %gather3A_3082 = arith.constant 0 : i32
          %gather3A_3083 = arith.constant 0 : i32
          %gather3A_3084 = arith.constant 0 : i32
          %gather3A_3085 = tpu.memref_slice %arg6[%gather3A_3081, %gather3A_3082, %gather3A_3083, %gather3A_3084] : memref<2x2x16x1000xf32, #tpu.memory_space<vmem>> -> memref<1x1x16x1000xf32, #tpu.memory_space<vmem>>
          %gather3A_3086 = tpu.memref_squeeze %gather3A_3085 : memref<1x1x16x1000xf32, #tpu.memory_space<vmem>> -> memref<16x1000xf32, #tpu.memory_space<vmem>>
          %gather3A_3087 = tpu.vector_load_idx %gather3A_3086[%broadcast_in_dim3A_1434, %sub3A_2891] : memref<16x1000xf32, #tpu.memory_space<vmem>>[vector<16xi32>, vector<16xi32>], vector<16xf32>,
          %gather3A_3088 = arith.constant 1 : i32
          %gather3A_3089 = arith.constant 1 : i32
          %gather3A_3090 = arith.constant 0 : i32
          %gather3A_3091 = arith.constant 0 : i32
          %gather3A_3092 = tpu.memref_slice %arg6[%gather3A_3088, %gather3A_3089, %gather3A_3090, %gather3A_3091] : memref<2x2x16x1000xf32, #tpu.memory_space<vmem>> -> memref<1x1x16x1000xf32, #tpu.memory_space<vmem>>
          %gather3A_3093 = tpu.memref_squeeze %gather3A_3092 : memref<1x1x16x1000xf32, #tpu.memory_space<vmem>> -> memref<16x1000xf32, #tpu.memory_space<vmem>>
          %gather3A_3094 = tpu.vector_load_idx %gather3A_3093[%broadcast_in_dim3A_1434, %sub3A_2901] : memref<16x1000xf32, #tpu.memory_space<vmem>>[vector<16xi32>, vector<16xi32>], vector<16xf32>,
          %mul3A_3095 = arith.mulf %gather3A_3087, %gather3A_3094 : vector<16xf32>
          %add3A_3096 = arith.addf %add3A_3080, %mul3A_3095 : vector<16xf32>
          %gather3A_3097 = arith.constant 1 : i32
          %gather3A_3098 = arith.constant 0 : i32
          %gather3A_3099 = arith.constant 0 : i32
          %gather3A_3100 = arith.constant 0 : i32
          %gather3A_3101 = tpu.memref_slice %arg6[%gather3A_3097, %gather3A_3098, %gather3A_3099, %gather3A_3100] : memref<2x2x16x1000xf32, #tpu.memory_space<vmem>> -> memref<1x1x16x1000xf32, #tpu.memory_space<vmem>>
          %gather3A_3102 = tpu.memref_squeeze %gather3A_3101 : memref<1x1x16x1000xf32, #tpu.memory_space<vmem>> -> memref<16x1000xf32, #tpu.memory_space<vmem>>
          %gather3A_3103 = tpu.vector_load_idx %gather3A_3102[%broadcast_in_dim3A_1436, %sub3A_2891] : memref<16x1000xf32, #tpu.memory_space<vmem>>[vector<16xi32>, vector<16xi32>], vector<16xf32>,
          %gather3A_3104 = arith.constant 1 : i32
          %gather3A_3105 = arith.constant 1 : i32
          %gather3A_3106 = arith.constant 0 : i32
          %gather3A_3107 = arith.constant 0 : i32
          %gather3A_3108 = tpu.memref_slice %arg6[%gather3A_3104, %gather3A_3105, %gather3A_3106, %gather3A_3107] : memref<2x2x16x1000xf32, #tpu.memory_space<vmem>> -> memref<1x1x16x1000xf32, #tpu.memory_space<vmem>>
          %gather3A_3109 = tpu.memref_squeeze %gather3A_3108 : memref<1x1x16x1000xf32, #tpu.memory_space<vmem>> -> memref<16x1000xf32, #tpu.memory_space<vmem>>
          %gather3A_3110 = tpu.vector_load_idx %gather3A_3109[%broadcast_in_dim3A_1436, %sub3A_2901] : memref<16x1000xf32, #tpu.memory_space<vmem>>[vector<16xi32>, vector<16xi32>], vector<16xf32>,
          %mul3A_3111 = arith.mulf %gather3A_3103, %gather3A_3110 : vector<16xf32>
          %add3A_3112 = arith.addf %add3A_3096, %mul3A_3111 : vector<16xf32>
          %gather3A_3113 = arith.constant 1 : i32
          %gather3A_3114 = arith.constant 0 : i32
          %gather3A_3115 = arith.constant 0 : i32
          %gather3A_3116 = arith.constant 0 : i32
          %gather3A_3117 = tpu.memref_slice %arg6[%gather3A_3113, %gather3A_3114, %gather3A_3115, %gather3A_3116] : memref<2x2x16x1000xf32, #tpu.memory_space<vmem>> -> memref<1x1x16x1000xf32, #tpu.memory_space<vmem>>
          %gather3A_3118 = tpu.memref_squeeze %gather3A_3117 : memref<1x1x16x1000xf32, #tpu.memory_space<vmem>> -> memref<16x1000xf32, #tpu.memory_space<vmem>>
          %gather3A_3119 = tpu.vector_load_idx %gather3A_3118[%broadcast_in_dim3A_1438, %sub3A_2891] : memref<16x1000xf32, #tpu.memory_space<vmem>>[vector<16xi32>, vector<16xi32>], vector<16xf32>,
          %gather3A_3120 = arith.constant 1 : i32
          %gather3A_3121 = arith.constant 1 : i32
          %gather3A_3122 = arith.constant 0 : i32
          %gather3A_3123 = arith.constant 0 : i32
          %gather3A_3124 = tpu.memref_slice %arg6[%gather3A_3120, %gather3A_3121, %gather3A_3122, %gather3A_3123] : memref<2x2x16x1000xf32, #tpu.memory_space<vmem>> -> memref<1x1x16x1000xf32, #tpu.memory_space<vmem>>
          %gather3A_3125 = tpu.memref_squeeze %gather3A_3124 : memref<1x1x16x1000xf32, #tpu.memory_space<vmem>> -> memref<16x1000xf32, #tpu.memory_space<vmem>>
          %gather3A_3126 = tpu.vector_load_idx %gather3A_3125[%broadcast_in_dim3A_1438, %sub3A_2901] : memref<16x1000xf32, #tpu.memory_space<vmem>>[vector<16xi32>, vector<16xi32>], vector<16xf32>,
          %mul3A_3127 = arith.mulf %gather3A_3119, %gather3A_3126 : vector<16xf32>
          %add3A_3128 = arith.addf %add3A_3112, %mul3A_3127 : vector<16xf32>
          %gather3A_3129 = arith.constant 1 : i32
          %gather3A_3130 = arith.constant 0 : i32
          %gather3A_3131 = arith.constant 0 : i32
          %gather3A_3132 = arith.constant 0 : i32
          %gather3A_3133 = tpu.memref_slice %arg6[%gather3A_3129, %gather3A_3130, %gather3A_3131, %gather3A_3132] : memref<2x2x16x1000xf32, #tpu.memory_space<vmem>> -> memref<1x1x16x1000xf32, #tpu.memory_space<vmem>>
          %gather3A_3134 = tpu.memref_squeeze %gather3A_3133 : memref<1x1x16x1000xf32, #tpu.memory_space<vmem>> -> memref<16x1000xf32, #tpu.memory_space<vmem>>
          %gather3A_3135 = tpu.vector_load_idx %gather3A_3134[%broadcast_in_dim3A_1440, %sub3A_2891] : memref<16x1000xf32, #tpu.memory_space<vmem>>[vector<16xi32>, vector<16xi32>], vector<16xf32>,
          %gather3A_3136 = arith.constant 1 : i32
          %gather3A_3137 = arith.constant 1 : i32
          %gather3A_3138 = arith.constant 0 : i32
          %gather3A_3139 = arith.constant 0 : i32
          %gather3A_3140 = tpu.memref_slice %arg6[%gather3A_3136, %gather3A_3137, %gather3A_3138, %gather3A_3139] : memref<2x2x16x1000xf32, #tpu.memory_space<vmem>> -> memref<1x1x16x1000xf32, #tpu.memory_space<vmem>>
          %gather3A_3141 = tpu.memref_squeeze %gather3A_3140 : memref<1x1x16x1000xf32, #tpu.memory_space<vmem>> -> memref<16x1000xf32, #tpu.memory_space<vmem>>
          %gather3A_3142 = tpu.vector_load_idx %gather3A_3141[%broadcast_in_dim3A_1440, %sub3A_2901] : memref<16x1000xf32, #tpu.memory_space<vmem>>[vector<16xi32>, vector<16xi32>], vector<16xf32>,
          %mul3A_3143 = arith.mulf %gather3A_3135, %gather3A_3142 : vector<16xf32>
          %add3A_3144 = arith.addf %add3A_3128, %mul3A_3143 : vector<16xf32>
          %gather3A_3145 = arith.constant 1 : i32
          %gather3A_3146 = arith.constant 0 : i32
          %gather3A_3147 = arith.constant 0 : i32
          %gather3A_3148 = arith.constant 0 : i32
          %gather3A_3149 = tpu.memref_slice %arg6[%gather3A_3145, %gather3A_3146, %gather3A_3147, %gather3A_3148] : memref<2x2x16x1000xf32, #tpu.memory_space<vmem>> -> memref<1x1x16x1000xf32, #tpu.memory_space<vmem>>
          %gather3A_3150 = tpu.memref_squeeze %gather3A_3149 : memref<1x1x16x1000xf32, #tpu.memory_space<vmem>> -> memref<16x1000xf32, #tpu.memory_space<vmem>>
          %gather3A_3151 = tpu.vector_load_idx %gather3A_3150[%broadcast_in_dim3A_1442, %sub3A_2891] : memref<16x1000xf32, #tpu.memory_space<vmem>>[vector<16xi32>, vector<16xi32>], vector<16xf32>,
          %gather3A_3152 = arith.constant 1 : i32
          %gather3A_3153 = arith.constant 1 : i32
          %gather3A_3154 = arith.constant 0 : i32
          %gather3A_3155 = arith.constant 0 : i32
          %gather3A_3156 = tpu.memref_slice %arg6[%gather3A_3152, %gather3A_3153, %gather3A_3154, %gather3A_3155] : memref<2x2x16x1000xf32, #tpu.memory_space<vmem>> -> memref<1x1x16x1000xf32, #tpu.memory_space<vmem>>
          %gather3A_3157 = tpu.memref_squeeze %gather3A_3156 : memref<1x1x16x1000xf32, #tpu.memory_space<vmem>> -> memref<16x1000xf32, #tpu.memory_space<vmem>>
          %gather3A_3158 = tpu.vector_load_idx %gather3A_3157[%broadcast_in_dim3A_1442, %sub3A_2901] : memref<16x1000xf32, #tpu.memory_space<vmem>>[vector<16xi32>, vector<16xi32>], vector<16xf32>,
          %mul3A_3159 = arith.mulf %gather3A_3151, %gather3A_3158 : vector<16xf32>
          %add3A_3160 = arith.addf %add3A_3144, %mul3A_3159 : vector<16xf32>
          %swap3A_3161 = arith.index_cast %scan3A_2881 : i32 to index
          %swap3A_3162 = arith.constant 0 : index
          %swap3A_3163 = tpu.vector_load %arg8[%swap3A_3161, %swap3A_3162] {strides = array<i32>} : memref<256x16xf32, #tpu.memory_space<vmem>>, vector<16xf32>,
          tpu.vector_store %arg8[%swap3A_3161, %swap3A_3162], %add3A_3160 {strides = array<i32>} : memref<256x16xf32, #tpu.memory_space<vmem>>, vector<16xf32>,
        }
        %scan3A_2880 = arith.constant 256 : i32
      } else {
      }
      %add3A_2856 = arith.constant 2 : i32
      %add3A_2857 = arith.addi %add3A_2839, %add3A_2856 : i32
      %mul3A_2858 = arith.constant 32 : i32
      %mul3A_2859 = arith.muli %add3A_2857, %mul3A_2858 : i32
      %add3A_2860 = arith.addi %mul3A_2859, %add3A : i32
      %lt3A_2861 = arith.constant 325 : i32
      %lt3A_2862 = arith.cmpi slt, %add3A_2860, %lt3A_2861 : i32
      %convert_element_type3A_2863 = arith.extui %lt3A_2862 : i1 to i32
      %cond3A_2864 = arith.constant 0 : i32
      %cond3A_2865 = arith.cmpi ne, %convert_element_type3A_2863, %cond3A_2864 : i32
      scf.if %cond3A_2865 {
        %get3A_2866 = arith.index_cast %add3A_2860 : i32 to index
        %get3A_2867 = memref.load %arg13[%get3A_2866] : memref<328xi32, #tpu.memory_space<smem>>
        %shift_right_logical3A = arith.constant 5 : i32
        %shift_right_logical3A_2868 = arith.shrui %get3A_2867, %shift_right_logical3A : i32
        %and3A_2869 = arith.constant 31 : i32
        %and3A_2870 = arith.andi %get3A_2867, %and3A_2869 : i32
        %run_scoped3A = arith.constant 1 : i32
        %run_scoped3A_2871 = arith.constant 0 : i32
        "tpu.region"() ({
          %run_scoped3A_2909 = tpu.sem_alloc : memref<!tpu.dma_semaphore, #tpu.memory_space<semaphore_mem>>
          %dma_start3A_2910 = arith.constant 0 : i32
          %dma_start3A_2911 = tpu.memref_slice %arg7[%run_scoped3A, %run_scoped3A_2871, %dma_start3A_2910] : memref<2x2x4096xi32, #tpu.memory_space<vmem>> -> memref<1x1x4096xi32, #tpu.memory_space<vmem>>
          %dma_start3A_2912 = tpu.memref_squeeze %dma_start3A_2911 : memref<1x1x4096xi32, #tpu.memory_space<vmem>> -> memref<4096xi32, #tpu.memory_space<vmem>>
          %dma_start3A_2913 = arith.constant 0 : i32
          %dma_start3A_2914 = tpu.memref_slice %arg3[%shift_right_logical3A_2868, %dma_start3A_2913] : memref<26x4096xi32, #tpu.memory_space<hbm>> -> memref<1x4096xi32, #tpu.memory_space<hbm>>
          %dma_start3A_2915 = tpu.memref_squeeze %dma_start3A_2914 : memref<1x4096xi32, #tpu.memory_space<hbm>> -> memref<4096xi32, #tpu.memory_space<hbm>>
          %dma_start3A_2916 = arith.constant 0 : i32
          %dma_start3A_2917 = tpu.memref_slice %arg7[%run_scoped3A, %run_scoped3A_2871, %dma_start3A_2916] : memref<2x2x4096xi32, #tpu.memory_space<vmem>> -> memref<1x1x4096xi32, #tpu.memory_space<vmem>>
          %dma_start3A_2918 = tpu.memref_squeeze %dma_start3A_2917 : memref<1x1x4096xi32, #tpu.memory_space<vmem>> -> memref<4096xi32, #tpu.memory_space<vmem>>
          %dma_start3A_2919 = arith.constant 0 : i32
          %dma_start3A_2920 = tpu.memref_slice %arg3[%shift_right_logical3A_2868, %dma_start3A_2919] : memref<26x4096xi32, #tpu.memory_space<hbm>> -> memref<1x4096xi32, #tpu.memory_space<hbm>>
          %dma_start3A_2921 = tpu.memref_squeeze %dma_start3A_2920 : memref<1x4096xi32, #tpu.memory_space<hbm>> -> memref<4096xi32, #tpu.memory_space<hbm>>
          tpu.enqueue_dma source(%dma_start3A_2921 : memref<4096xi32, #tpu.memory_space<hbm>>) target(%dma_start3A_2918 : memref<4096xi32, #tpu.memory_space<vmem>>) target_semaphore(%run_scoped3A_2909 : memref<!tpu.dma_semaphore, #tpu.memory_space<semaphore_mem>>)
          %dma_wait3A = arith.constant 0 : i32
          %dma_wait3A_2922 = tpu.memref_slice %arg7[%run_scoped3A, %run_scoped3A_2871, %dma_wait3A] : memref<2x2x4096xi32, #tpu.memory_space<vmem>> -> memref<1x1x4096xi32, #tpu.memory_space<vmem>>
          %dma_wait3A_2923 = tpu.memref_squeeze %dma_wait3A_2922 : memref<1x1x4096xi32, #tpu.memory_space<vmem>> -> memref<4096xi32, #tpu.memory_space<vmem>>
          %dma_wait3A_2924 = arith.constant 0 : i32
          %dma_wait3A_2925 = tpu.memref_slice %arg3[%shift_right_logical3A_2868, %dma_wait3A_2924] : memref<26x4096xi32, #tpu.memory_space<hbm>> -> memref<1x4096xi32, #tpu.memory_space<hbm>>
          %dma_wait3A_2926 = tpu.memref_squeeze %dma_wait3A_2925 : memref<1x4096xi32, #tpu.memory_space<hbm>> -> memref<4096xi32, #tpu.memory_space<hbm>>
          %dma_wait3A_2927 = arith.constant 0 : i32
          %dma_wait3A_2928 = tpu.memref_slice %arg7[%run_scoped3A, %run_scoped3A_2871, %dma_wait3A_2927] : memref<2x2x4096xi32, #tpu.memory_space<vmem>> -> memref<1x1x4096xi32, #tpu.memory_space<vmem>>
          %dma_wait3A_2929 = tpu.memref_squeeze %dma_wait3A_2928 : memref<1x1x4096xi32, #tpu.memory_space<vmem>> -> memref<4096xi32, #tpu.memory_space<vmem>>
          %dma_wait3A_2930 = arith.constant 0 : i32
          %dma_wait3A_2931 = tpu.memref_slice %arg3[%shift_right_logical3A_2868, %dma_wait3A_2930] : memref<26x4096xi32, #tpu.memory_space<hbm>> -> memref<1x4096xi32, #tpu.memory_space<hbm>>
          %dma_wait3A_2932 = tpu.memref_squeeze %dma_wait3A_2931 : memref<1x4096xi32, #tpu.memory_space<hbm>> -> memref<4096xi32, #tpu.memory_space<hbm>>
          tpu.wait_dma2 semaphore(%run_scoped3A_2909 : memref<!tpu.dma_semaphore, #tpu.memory_space<semaphore_mem>>) src(%dma_wait3A_2932 : memref<4096xi32, #tpu.memory_space<hbm>>) dst(%dma_wait3A_2929 : memref<4096xi32, #tpu.memory_space<vmem>>)
          tpu.yield
        }) : () -> ()
        %run_scoped3A_2872 = arith.constant 1 : i32
        %run_scoped3A_2873 = arith.constant 1 : i32
        "tpu.region"() ({
          %run_scoped3A_2909 = tpu.sem_alloc : memref<!tpu.dma_semaphore, #tpu.memory_space<semaphore_mem>>
          %dma_start3A_2910 = arith.constant 0 : i32
          %dma_start3A_2911 = tpu.memref_slice %arg7[%run_scoped3A_2872, %run_scoped3A_2873, %dma_start3A_2910] : memref<2x2x4096xi32, #tpu.memory_space<vmem>> -> memref<1x1x4096xi32, #tpu.memory_space<vmem>>
          %dma_start3A_2912 = tpu.memref_squeeze %dma_start3A_2911 : memref<1x1x4096xi32, #tpu.memory_space<vmem>> -> memref<4096xi32, #tpu.memory_space<vmem>>
          %dma_start3A_2913 = arith.constant 0 : i32
          %dma_start3A_2914 = tpu.memref_slice %arg3[%and3A_2870, %dma_start3A_2913] : memref<26x4096xi32, #tpu.memory_space<hbm>> -> memref<1x4096xi32, #tpu.memory_space<hbm>>
          %dma_start3A_2915 = tpu.memref_squeeze %dma_start3A_2914 : memref<1x4096xi32, #tpu.memory_space<hbm>> -> memref<4096xi32, #tpu.memory_space<hbm>>
          %dma_start3A_2916 = arith.constant 0 : i32
          %dma_start3A_2917 = tpu.memref_slice %arg7[%run_scoped3A_2872, %run_scoped3A_2873, %dma_start3A_2916] : memref<2x2x4096xi32, #tpu.memory_space<vmem>> -> memref<1x1x4096xi32, #tpu.memory_space<vmem>>
          %dma_start3A_2918 = tpu.memref_squeeze %dma_start3A_2917 : memref<1x1x4096xi32, #tpu.memory_space<vmem>> -> memref<4096xi32, #tpu.memory_space<vmem>>
          %dma_start3A_2919 = arith.constant 0 : i32
          %dma_start3A_2920 = tpu.memref_slice %arg3[%and3A_2870, %dma_start3A_2919] : memref<26x4096xi32, #tpu.memory_space<hbm>> -> memref<1x4096xi32, #tpu.memory_space<hbm>>
          %dma_start3A_2921 = tpu.memref_squeeze %dma_start3A_2920 : memref<1x4096xi32, #tpu.memory_space<hbm>> -> memref<4096xi32, #tpu.memory_space<hbm>>
          tpu.enqueue_dma source(%dma_start3A_2921 : memref<4096xi32, #tpu.memory_space<hbm>>) target(%dma_start3A_2918 : memref<4096xi32, #tpu.memory_space<vmem>>) target_semaphore(%run_scoped3A_2909 : memref<!tpu.dma_semaphore, #tpu.memory_space<semaphore_mem>>)
          %dma_wait3A = arith.constant 0 : i32
          %dma_wait3A_2922 = tpu.memref_slice %arg7[%run_scoped3A_2872, %run_scoped3A_2873, %dma_wait3A] : memref<2x2x4096xi32, #tpu.memory_space<vmem>> -> memref<1x1x4096xi32, #tpu.memory_space<vmem>>
          %dma_wait3A_2923 = tpu.memref_squeeze %dma_wait3A_2922 : memref<1x1x4096xi32, #tpu.memory_space<vmem>> -> memref<4096xi32, #tpu.memory_space<vmem>>
          %dma_wait3A_2924 = arith.constant 0 : i32
          %dma_wait3A_2925 = tpu.memref_slice %arg3[%and3A_2870, %dma_wait3A_2924] : memref<26x4096xi32, #tpu.memory_space<hbm>> -> memref<1x4096xi32, #tpu.memory_space<hbm>>
          %dma_wait3A_2926 = tpu.memref_squeeze %dma_wait3A_2925 : memref<1x4096xi32, #tpu.memory_space<hbm>> -> memref<4096xi32, #tpu.memory_space<hbm>>
          %dma_wait3A_2927 = arith.constant 0 : i32
          %dma_wait3A_2928 = tpu.memref_slice %arg7[%run_scoped3A_2872, %run_scoped3A_2873, %dma_wait3A_2927] : memref<2x2x4096xi32, #tpu.memory_space<vmem>> -> memref<1x1x4096xi32, #tpu.memory_space<vmem>>
          %dma_wait3A_2929 = tpu.memref_squeeze %dma_wait3A_2928 : memref<1x1x4096xi32, #tpu.memory_space<vmem>> -> memref<4096xi32, #tpu.memory_space<vmem>>
          %dma_wait3A_2930 = arith.constant 0 : i32
          %dma_wait3A_2931 = tpu.memref_slice %arg3[%and3A_2870, %dma_wait3A_2930] : memref<26x4096xi32, #tpu.memory_space<hbm>> -> memref<1x4096xi32, #tpu.memory_space<hbm>>
          %dma_wait3A_2932 = tpu.memref_squeeze %dma_wait3A_2931 : memref<1x4096xi32, #tpu.memory_space<hbm>> -> memref<4096xi32, #tpu.memory_space<hbm>>
          tpu.wait_dma2 semaphore(%run_scoped3A_2909 : memref<!tpu.dma_semaphore, #tpu.memory_space<semaphore_mem>>) src(%dma_wait3A_2932 : memref<4096xi32, #tpu.memory_space<hbm>>) dst(%dma_wait3A_2929 : memref<4096xi32, #tpu.memory_space<vmem>>)
          tpu.yield
        }) : () -> ()
        %dma_start3A = arith.constant 1 : i32
        %dma_start3A_2874 = arith.constant 0 : i32
        %dma_start3A_2875 = arith.constant 0 : i32
        %dma_start3A_2876 = arith.constant 0 : i32
        %dma_start3A_2877 = tpu.memref_slice %arg6[%dma_start3A, %dma_start3A_2874, %dma_start3A_2875, %dma_start3A_2876] : memref<2x2x16x1000xf32, #tpu.memory_space<vmem>> -> memref<1x1x16x1000xf32, #tpu.memory_space<vmem>>
        %dma_start3A_2878 = tpu.memref_squeeze %dma_start3A_2877 : memref<1x1x16x1000xf32, #tpu.memory_space<vmem>> -> memref<16x1000xf32, #tpu.memory_space<vmem>>
        %dma_start3A_2879 = arith.constant 0 : i32
        %dma_start3A_2880 = arith.constant 0 : i32
        %dma_start3A_2881 = tpu.memref_slice %arg2[%shift_right_logical3A_2868, %and3A_2870, %dma_start3A_2879, %dma_start3A_2880] : memref<26x26x16x1000xf32, #tpu.memory_space<hbm>> -> memref<1x1x16x1000xf32, #tpu.memory_space<hbm>>
        %dma_start3A_2882 = tpu.memref_squeeze %dma_start3A_2881 : memref<1x1x16x1000xf32, #tpu.memory_space<hbm>> -> memref<16x1000xf32, #tpu.memory_space<hbm>>
        %dma_start3A_2883 = arith.constant 0 : i32
        %dma_start3A_2884 = arith.constant 0 : i32
        %dma_start3A_2885 = tpu.memref_slice %arg6[%dma_start3A, %dma_start3A_2874, %dma_start3A_2883, %dma_start3A_2884] : memref<2x2x16x1000xf32, #tpu.memory_space<vmem>> -> memref<1x1x16x1000xf32, #tpu.memory_space<vmem>>
        %dma_start3A_2886 = tpu.memref_squeeze %dma_start3A_2885 : memref<1x1x16x1000xf32, #tpu.memory_space<vmem>> -> memref<16x1000xf32, #tpu.memory_space<vmem>>
        %dma_start3A_2887 = arith.constant 0 : i32
        %dma_start3A_2888 = arith.constant 0 : i32
        %dma_start3A_2889 = tpu.memref_slice %arg2[%shift_right_logical3A_2868, %and3A_2870, %dma_start3A_2887, %dma_start3A_2888] : memref<26x26x16x1000xf32, #tpu.memory_space<hbm>> -> memref<1x1x16x1000xf32, #tpu.memory_space<hbm>>
        %dma_start3A_2890 = tpu.memref_squeeze %dma_start3A_2889 : memref<1x1x16x1000xf32, #tpu.memory_space<hbm>> -> memref<16x1000xf32, #tpu.memory_space<hbm>>
        tpu.enqueue_dma source(%dma_start3A_2890 : memref<16x1000xf32, #tpu.memory_space<hbm>>) target(%dma_start3A_2886 : memref<16x1000xf32, #tpu.memory_space<vmem>>) target_semaphore(%arg15 : memref<!tpu.dma_semaphore, #tpu.memory_space<semaphore_mem>>)
        %dma_start3A_2891 = arith.constant 1 : i32
        %dma_start3A_2892 = arith.constant 1 : i32
        %dma_start3A_2893 = arith.constant 0 : i32
        %dma_start3A_2894 = arith.constant 0 : i32
        %dma_start3A_2895 = tpu.memref_slice %arg6[%dma_start3A_2891, %dma_start3A_2892, %dma_start3A_2893, %dma_start3A_2894] : memref<2x2x16x1000xf32, #tpu.memory_space<vmem>> -> memref<1x1x16x1000xf32, #tpu.memory_space<vmem>>
        %dma_start3A_2896 = tpu.memref_squeeze %dma_start3A_2895 : memref<1x1x16x1000xf32, #tpu.memory_space<vmem>> -> memref<16x1000xf32, #tpu.memory_space<vmem>>
        %dma_start3A_2897 = arith.constant 0 : i32
        %dma_start3A_2898 = arith.constant 0 : i32
        %dma_start3A_2899 = tpu.memref_slice %arg2[%and3A_2870, %shift_right_logical3A_2868, %dma_start3A_2897, %dma_start3A_2898] : memref<26x26x16x1000xf32, #tpu.memory_space<hbm>> -> memref<1x1x16x1000xf32, #tpu.memory_space<hbm>>
        %dma_start3A_2900 = tpu.memref_squeeze %dma_start3A_2899 : memref<1x1x16x1000xf32, #tpu.memory_space<hbm>> -> memref<16x1000xf32, #tpu.memory_space<hbm>>
        %dma_start3A_2901 = arith.constant 0 : i32
        %dma_start3A_2902 = arith.constant 0 : i32
        %dma_start3A_2903 = tpu.memref_slice %arg6[%dma_start3A_2891, %dma_start3A_2892, %dma_start3A_2901, %dma_start3A_2902] : memref<2x2x16x1000xf32, #tpu.memory_space<vmem>> -> memref<1x1x16x1000xf32, #tpu.memory_space<vmem>>
        %dma_start3A_2904 = tpu.memref_squeeze %dma_start3A_2903 : memref<1x1x16x1000xf32, #tpu.memory_space<vmem>> -> memref<16x1000xf32, #tpu.memory_space<vmem>>
        %dma_start3A_2905 = arith.constant 0 : i32
        %dma_start3A_2906 = arith.constant 0 : i32
        %dma_start3A_2907 = tpu.memref_slice %arg2[%and3A_2870, %shift_right_logical3A_2868, %dma_start3A_2905, %dma_start3A_2906] : memref<26x26x16x1000xf32, #tpu.memory_space<hbm>> -> memref<1x1x16x1000xf32, #tpu.memory_space<hbm>>
        %dma_start3A_2908 = tpu.memref_squeeze %dma_start3A_2907 : memref<1x1x16x1000xf32, #tpu.memory_space<hbm>> -> memref<16x1000xf32, #tpu.memory_space<hbm>>
        tpu.enqueue_dma source(%dma_start3A_2908 : memref<16x1000xf32, #tpu.memory_space<hbm>>) target(%dma_start3A_2904 : memref<16x1000xf32, #tpu.memory_space<vmem>>) target_semaphore(%arg15 : memref<!tpu.dma_semaphore, #tpu.memory_space<semaphore_mem>>)
      } else {
      }
    }
    %scan3A_1448 = arith.constant 6 : i32
    %jit3A = arith.constant 16 : i32
    %div3A = arith.divsi %mul3A_2, %jit3A : i32
    %sign3A = arith.constant 0 : i32
    %sign3A_1449 = arith.cmpi sgt, %mul3A_2, %sign3A : i32
    %sign3A_1450 = arith.extui %sign3A_1449 : i1 to i32
    %sign3A_1451 = arith.constant 0 : i32
    %sign3A_1452 = arith.cmpi slt, %mul3A_2, %sign3A_1451 : i32
    %sign3A_1453 = arith.extui %sign3A_1452 : i1 to i32
    %sign3A_1454 = arith.subi %sign3A_1450, %sign3A_1453 : i32
    %sign3A_1455 = arith.constant 0 : i32
    %sign3A_1456 = arith.cmpi sgt, %jit3A, %sign3A_1455 : i32
    %sign3A_1457 = arith.extui %sign3A_1456 : i1 to i32
    %sign3A_1458 = arith.constant 0 : i32
    %sign3A_1459 = arith.cmpi slt, %jit3A, %sign3A_1458 : i32
    %sign3A_1460 = arith.extui %sign3A_1459 : i1 to i32
    %sign3A_1461 = arith.subi %sign3A_1457, %sign3A_1460 : i32
    %ne3A = arith.cmpi ne, %sign3A_1454, %sign3A_1461 : i32
    %rem3A = arith.remsi %mul3A_2, %jit3A : i32
    %ne3A_1462 = arith.constant 0 : i32
    %ne3A_1463 = arith.cmpi ne, %rem3A, %ne3A_1462 : i32
    %and3A = arith.andi %ne3A, %ne3A_1463 : i1
    %sub3A = arith.constant 1 : i32
    %sub3A_1464 = arith.subi %div3A, %sub3A : i32
    %select_n3A = arith.select %and3A, %sub3A_1464, %div3A : i32
    %add3A_1465 = arith.constant 0 : i32
    %add3A_1466 = arith.addi %select_n3A, %add3A_1465 : i32
    %get3A = arith.index_cast %add3A_1466 : i32 to index
    %get3A_1467 = arith.constant 0 : index
    %get3A_1468 = tpu.vector_load %arg8[%get3A, %get3A_1467] {strides = array<i32>} : memref<256x16xf32, #tpu.memory_space<vmem>>, vector<16xf32>,
    %get3A_1469 = arith.constant 0 : i32
    %get3A_1470 = arith.index_cast %get3A_1469 : i32 to index
    %get3A_1471 = arith.constant 0 : index
    %get3A_1472 = tpu.vector_load %arg9[%get3A_1470, %get3A_1471] {strides = array<i32>} : memref<26x128xi32, #tpu.memory_space<vmem>>, vector<16xi32>,
    %gather3A = tpu.vector_load_idx %arg10[%get3A_1472] : memref<26000xf32, #tpu.memory_space<vmem>>[vector<16xi32>], vector<16xf32>,
    %add3A_1473 = arith.addf %get3A_1468, %gather3A : vector<16xf32>
    %get3A_1474 = arith.constant 1 : i32
    %get3A_1475 = arith.index_cast %get3A_1474 : i32 to index
    %get3A_1476 = arith.constant 0 : index
    %get3A_1477 = tpu.vector_load %arg9[%get3A_1475, %get3A_1476] {strides = array<i32>} : memref<26x128xi32, #tpu.memory_space<vmem>>, vector<16xi32>,
    %gather3A_1478 = tpu.vector_load_idx %arg10[%get3A_1477] : memref<26000xf32, #tpu.memory_space<vmem>>[vector<16xi32>], vector<16xf32>,
    %add3A_1479 = arith.addf %add3A_1473, %gather3A_1478 : vector<16xf32>
    %get3A_1480 = arith.constant 2 : i32
    %get3A_1481 = arith.index_cast %get3A_1480 : i32 to index
    %get3A_1482 = arith.constant 0 : index
    %get3A_1483 = tpu.vector_load %arg9[%get3A_1481, %get3A_1482] {strides = array<i32>} : memref<26x128xi32, #tpu.memory_space<vmem>>, vector<16xi32>,
    %gather3A_1484 = tpu.vector_load_idx %arg10[%get3A_1483] : memref<26000xf32, #tpu.memory_space<vmem>>[vector<16xi32>], vector<16xf32>,
    %add3A_1485 = arith.addf %add3A_1479, %gather3A_1484 : vector<16xf32>
    %get3A_1486 = arith.constant 3 : i32
    %get3A_1487 = arith.index_cast %get3A_1486 : i32 to index
    %get3A_1488 = arith.constant 0 : index
    %get3A_1489 = tpu.vector_load %arg9[%get3A_1487, %get3A_1488] {strides = array<i32>} : memref<26x128xi32, #tpu.memory_space<vmem>>, vector<16xi32>,
    %gather3A_1490 = tpu.vector_load_idx %arg10[%get3A_1489] : memref<26000xf32, #tpu.memory_space<vmem>>[vector<16xi32>], vector<16xf32>,
    %add3A_1491 = arith.addf %add3A_1485, %gather3A_1490 : vector<16xf32>
    %get3A_1492 = arith.constant 4 : i32
    %get3A_1493 = arith.index_cast %get3A_1492 : i32 to index
    %get3A_1494 = arith.constant 0 : index
    %get3A_1495 = tpu.vector_load %arg9[%get3A_1493, %get3A_1494] {strides = array<i32>} : memref<26x128xi32, #tpu.memory_space<vmem>>, vector<16xi32>,
    %gather3A_1496 = tpu.vector_load_idx %arg10[%get3A_1495] : memref<26000xf32, #tpu.memory_space<vmem>>[vector<16xi32>], vector<16xf32>,
    %add3A_1497 = arith.addf %add3A_1491, %gather3A_1496 : vector<16xf32>
    %get3A_1498 = arith.constant 5 : i32
    %get3A_1499 = arith.index_cast %get3A_1498 : i32 to index
    %get3A_1500 = arith.constant 0 : index
    %get3A_1501 = tpu.vector_load %arg9[%get3A_1499, %get3A_1500] {strides = array<i32>} : memref<26x128xi32, #tpu.memory_space<vmem>>, vector<16xi32>,
    %gather3A_1502 = tpu.vector_load_idx %arg10[%get3A_1501] : memref<26000xf32, #tpu.memory_space<vmem>>[vector<16xi32>], vector<16xf32>,
    %add3A_1503 = arith.addf %add3A_1497, %gather3A_1502 : vector<16xf32>
    %get3A_1504 = arith.constant 6 : i32
    %get3A_1505 = arith.index_cast %get3A_1504 : i32 to index
    %get3A_1506 = arith.constant 0 : index
    %get3A_1507 = tpu.vector_load %arg9[%get3A_1505, %get3A_1506] {strides = array<i32>} : memref<26x128xi32, #tpu.memory_space<vmem>>, vector<16xi32>,
    %gather3A_1508 = tpu.vector_load_idx %arg10[%get3A_1507] : memref<26000xf32, #tpu.memory_space<vmem>>[vector<16xi32>], vector<16xf32>,
    %add3A_1509 = arith.addf %add3A_1503, %gather3A_1508 : vector<16xf32>
    %get3A_1510 = arith.constant 7 : i32
    %get3A_1511 = arith.index_cast %get3A_1510 : i32 to index
    %get3A_1512 = arith.constant 0 : index
    %get3A_1513 = tpu.vector_load %arg9[%get3A_1511, %get3A_1512] {strides = array<i32>} : memref<26x128xi32, #tpu.memory_space<vmem>>, vector<16xi32>,
    %gather3A_1514 = tpu.vector_load_idx %arg10[%get3A_1513] : memref<26000xf32, #tpu.memory_space<vmem>>[vector<16xi32>], vector<16xf32>,
    %add3A_1515 = arith.addf %add3A_1509, %gather3A_1514 : vector<16xf32>
    %get3A_1516 = arith.constant 8 : i32
    %get3A_1517 = arith.index_cast %get3A_1516 : i32 to index
    %get3A_1518 = arith.constant 0 : index
    %get3A_1519 = tpu.vector_load %arg9[%get3A_1517, %get3A_1518] {strides = array<i32>} : memref<26x128xi32, #tpu.memory_space<vmem>>, vector<16xi32>,
    %gather3A_1520 = tpu.vector_load_idx %arg10[%get3A_1519] : memref<26000xf32, #tpu.memory_space<vmem>>[vector<16xi32>], vector<16xf32>,
    %add3A_1521 = arith.addf %add3A_1515, %gather3A_1520 : vector<16xf32>
    %get3A_1522 = arith.constant 9 : i32
    %get3A_1523 = arith.index_cast %get3A_1522 : i32 to index
    %get3A_1524 = arith.constant 0 : index
    %get3A_1525 = tpu.vector_load %arg9[%get3A_1523, %get3A_1524] {strides = array<i32>} : memref<26x128xi32, #tpu.memory_space<vmem>>, vector<16xi32>,
    %gather3A_1526 = tpu.vector_load_idx %arg10[%get3A_1525] : memref<26000xf32, #tpu.memory_space<vmem>>[vector<16xi32>], vector<16xf32>,
    %add3A_1527 = arith.addf %add3A_1521, %gather3A_1526 : vector<16xf32>
    %get3A_1528 = arith.constant 10 : i32
    %get3A_1529 = arith.index_cast %get3A_1528 : i32 to index
    %get3A_1530 = arith.constant 0 : index
    %get3A_1531 = tpu.vector_load %arg9[%get3A_1529, %get3A_1530] {strides = array<i32>} : memref<26x128xi32, #tpu.memory_space<vmem>>, vector<16xi32>,
    %gather3A_1532 = tpu.vector_load_idx %arg10[%get3A_1531] : memref<26000xf32, #tpu.memory_space<vmem>>[vector<16xi32>], vector<16xf32>,
    %add3A_1533 = arith.addf %add3A_1527, %gather3A_1532 : vector<16xf32>
    %get3A_1534 = arith.constant 11 : i32
    %get3A_1535 = arith.index_cast %get3A_1534 : i32 to index
    %get3A_1536 = arith.constant 0 : index
    %get3A_1537 = tpu.vector_load %arg9[%get3A_1535, %get3A_1536] {strides = array<i32>} : memref<26x128xi32, #tpu.memory_space<vmem>>, vector<16xi32>,
    %gather3A_1538 = tpu.vector_load_idx %arg10[%get3A_1537] : memref<26000xf32, #tpu.memory_space<vmem>>[vector<16xi32>], vector<16xf32>,
    %add3A_1539 = arith.addf %add3A_1533, %gather3A_1538 : vector<16xf32>
    %get3A_1540 = arith.constant 12 : i32
    %get3A_1541 = arith.index_cast %get3A_1540 : i32 to index
    %get3A_1542 = arith.constant 0 : index
    %get3A_1543 = tpu.vector_load %arg9[%get3A_1541, %get3A_1542] {strides = array<i32>} : memref<26x128xi32, #tpu.memory_space<vmem>>, vector<16xi32>,
    %gather3A_1544 = tpu.vector_load_idx %arg10[%get3A_1543] : memref<26000xf32, #tpu.memory_space<vmem>>[vector<16xi32>], vector<16xf32>,
    %add3A_1545 = arith.addf %add3A_1539, %gather3A_1544 : vector<16xf32>
    %get3A_1546 = arith.constant 13 : i32
    %get3A_1547 = arith.index_cast %get3A_1546 : i32 to index
    %get3A_1548 = arith.constant 0 : index
    %get3A_1549 = tpu.vector_load %arg9[%get3A_1547, %get3A_1548] {strides = array<i32>} : memref<26x128xi32, #tpu.memory_space<vmem>>, vector<16xi32>,
    %gather3A_1550 = tpu.vector_load_idx %arg10[%get3A_1549] : memref<26000xf32, #tpu.memory_space<vmem>>[vector<16xi32>], vector<16xf32>,
    %add3A_1551 = arith.addf %add3A_1545, %gather3A_1550 : vector<16xf32>
    %get3A_1552 = arith.constant 14 : i32
    %get3A_1553 = arith.index_cast %get3A_1552 : i32 to index
    %get3A_1554 = arith.constant 0 : index
    %get3A_1555 = tpu.vector_load %arg9[%get3A_1553, %get3A_1554] {strides = array<i32>} : memref<26x128xi32, #tpu.memory_space<vmem>>, vector<16xi32>,
    %gather3A_1556 = tpu.vector_load_idx %arg10[%get3A_1555] : memref<26000xf32, #tpu.memory_space<vmem>>[vector<16xi32>], vector<16xf32>,
    %add3A_1557 = arith.addf %add3A_1551, %gather3A_1556 : vector<16xf32>
    %get3A_1558 = arith.constant 15 : i32
    %get3A_1559 = arith.index_cast %get3A_1558 : i32 to index
    %get3A_1560 = arith.constant 0 : index
    %get3A_1561 = tpu.vector_load %arg9[%get3A_1559, %get3A_1560] {strides = array<i32>} : memref<26x128xi32, #tpu.memory_space<vmem>>, vector<16xi32>,
    %gather3A_1562 = tpu.vector_load_idx %arg10[%get3A_1561] : memref<26000xf32, #tpu.memory_space<vmem>>[vector<16xi32>], vector<16xf32>,
    %add3A_1563 = arith.addf %add3A_1557, %gather3A_1562 : vector<16xf32>
    %get3A_1564 = arith.constant 16 : i32
    %get3A_1565 = arith.index_cast %get3A_1564 : i32 to index
    %get3A_1566 = arith.constant 0 : index
    %get3A_1567 = tpu.vector_load %arg9[%get3A_1565, %get3A_1566] {strides = array<i32>} : memref<26x128xi32, #tpu.memory_space<vmem>>, vector<16xi32>,
    %gather3A_1568 = tpu.vector_load_idx %arg10[%get3A_1567] : memref<26000xf32, #tpu.memory_space<vmem>>[vector<16xi32>], vector<16xf32>,
    %add3A_1569 = arith.addf %add3A_1563, %gather3A_1568 : vector<16xf32>
    %get3A_1570 = arith.constant 17 : i32
    %get3A_1571 = arith.index_cast %get3A_1570 : i32 to index
    %get3A_1572 = arith.constant 0 : index
    %get3A_1573 = tpu.vector_load %arg9[%get3A_1571, %get3A_1572] {strides = array<i32>} : memref<26x128xi32, #tpu.memory_space<vmem>>, vector<16xi32>,
    %gather3A_1574 = tpu.vector_load_idx %arg10[%get3A_1573] : memref<26000xf32, #tpu.memory_space<vmem>>[vector<16xi32>], vector<16xf32>,
    %add3A_1575 = arith.addf %add3A_1569, %gather3A_1574 : vector<16xf32>
    %get3A_1576 = arith.constant 18 : i32
    %get3A_1577 = arith.index_cast %get3A_1576 : i32 to index
    %get3A_1578 = arith.constant 0 : index
    %get3A_1579 = tpu.vector_load %arg9[%get3A_1577, %get3A_1578] {strides = array<i32>} : memref<26x128xi32, #tpu.memory_space<vmem>>, vector<16xi32>,
    %gather3A_1580 = tpu.vector_load_idx %arg10[%get3A_1579] : memref<26000xf32, #tpu.memory_space<vmem>>[vector<16xi32>], vector<16xf32>,
    %add3A_1581 = arith.addf %add3A_1575, %gather3A_1580 : vector<16xf32>
    %get3A_1582 = arith.constant 19 : i32
    %get3A_1583 = arith.index_cast %get3A_1582 : i32 to index
    %get3A_1584 = arith.constant 0 : index
    %get3A_1585 = tpu.vector_load %arg9[%get3A_1583, %get3A_1584] {strides = array<i32>} : memref<26x128xi32, #tpu.memory_space<vmem>>, vector<16xi32>,
    %gather3A_1586 = tpu.vector_load_idx %arg10[%get3A_1585] : memref<26000xf32, #tpu.memory_space<vmem>>[vector<16xi32>], vector<16xf32>,
    %add3A_1587 = arith.addf %add3A_1581, %gather3A_1586 : vector<16xf32>
    %get3A_1588 = arith.constant 20 : i32
    %get3A_1589 = arith.index_cast %get3A_1588 : i32 to index
    %get3A_1590 = arith.constant 0 : index
    %get3A_1591 = tpu.vector_load %arg9[%get3A_1589, %get3A_1590] {strides = array<i32>} : memref<26x128xi32, #tpu.memory_space<vmem>>, vector<16xi32>,
    %gather3A_1592 = tpu.vector_load_idx %arg10[%get3A_1591] : memref<26000xf32, #tpu.memory_space<vmem>>[vector<16xi32>], vector<16xf32>,
    %add3A_1593 = arith.addf %add3A_1587, %gather3A_1592 : vector<16xf32>
    %get3A_1594 = arith.constant 21 : i32
    %get3A_1595 = arith.index_cast %get3A_1594 : i32 to index
    %get3A_1596 = arith.constant 0 : index
    %get3A_1597 = tpu.vector_load %arg9[%get3A_1595, %get3A_1596] {strides = array<i32>} : memref<26x128xi32, #tpu.memory_space<vmem>>, vector<16xi32>,
    %gather3A_1598 = tpu.vector_load_idx %arg10[%get3A_1597] : memref<26000xf32, #tpu.memory_space<vmem>>[vector<16xi32>], vector<16xf32>,
    %add3A_1599 = arith.addf %add3A_1593, %gather3A_1598 : vector<16xf32>
    %get3A_1600 = arith.constant 22 : i32
    %get3A_1601 = arith.index_cast %get3A_1600 : i32 to index
    %get3A_1602 = arith.constant 0 : index
    %get3A_1603 = tpu.vector_load %arg9[%get3A_1601, %get3A_1602] {strides = array<i32>} : memref<26x128xi32, #tpu.memory_space<vmem>>, vector<16xi32>,
    %gather3A_1604 = tpu.vector_load_idx %arg10[%get3A_1603] : memref<26000xf32, #tpu.memory_space<vmem>>[vector<16xi32>], vector<16xf32>,
    %add3A_1605 = arith.addf %add3A_1599, %gather3A_1604 : vector<16xf32>
    %get3A_1606 = arith.constant 23 : i32
    %get3A_1607 = arith.index_cast %get3A_1606 : i32 to index
    %get3A_1608 = arith.constant 0 : index
    %get3A_1609 = tpu.vector_load %arg9[%get3A_1607, %get3A_1608] {strides = array<i32>} : memref<26x128xi32, #tpu.memory_space<vmem>>, vector<16xi32>,
    %gather3A_1610 = tpu.vector_load_idx %arg10[%get3A_1609] : memref<26000xf32, #tpu.memory_space<vmem>>[vector<16xi32>], vector<16xf32>,
    %add3A_1611 = arith.addf %add3A_1605, %gather3A_1610 : vector<16xf32>
    %get3A_1612 = arith.constant 24 : i32
    %get3A_1613 = arith.index_cast %get3A_1612 : i32 to index
    %get3A_1614 = arith.constant 0 : index
    %get3A_1615 = tpu.vector_load %arg9[%get3A_1613, %get3A_1614] {strides = array<i32>} : memref<26x128xi32, #tpu.memory_space<vmem>>, vector<16xi32>,
    %gather3A_1616 = tpu.vector_load_idx %arg10[%get3A_1615] : memref<26000xf32, #tpu.memory_space<vmem>>[vector<16xi32>], vector<16xf32>,
    %add3A_1617 = arith.addf %add3A_1611, %gather3A_1616 : vector<16xf32>
    %get3A_1618 = arith.constant 25 : i32
    %get3A_1619 = arith.index_cast %get3A_1618 : i32 to index
    %get3A_1620 = arith.constant 0 : index
    %get3A_1621 = tpu.vector_load %arg9[%get3A_1619, %get3A_1620] {strides = array<i32>} : memref<26x128xi32, #tpu.memory_space<vmem>>, vector<16xi32>,
    %gather3A_1622 = tpu.vector_load_idx %arg10[%get3A_1621] : memref<26000xf32, #tpu.memory_space<vmem>>[vector<16xi32>], vector<16xf32>,
    %add3A_1623 = arith.addf %add3A_1617, %gather3A_1622 : vector<16xf32>
    %add3A_1624 = arith.constant 0 : i32
    %add3A_1625 = arith.addi %select_n3A, %add3A_1624 : i32
    %swap3A_1626 = arith.index_cast %add3A_1625 : i32 to index
    %swap3A_1627 = arith.constant 0 : index
    %swap3A_1628 = tpu.vector_load %arg8[%swap3A_1626, %swap3A_1627] {strides = array<i32>} : memref<256x16xf32, #tpu.memory_space<vmem>>, vector<16xf32>,
    tpu.vector_store %arg8[%swap3A_1626, %swap3A_1627], %add3A_1623 {strides = array<i32>} : memref<256x16xf32, #tpu.memory_space<vmem>>, vector<16xf32>,
    %add3A_1629 = arith.constant 1 : i32
    %add3A_1630 = arith.addi %select_n3A, %add3A_1629 : i32
    %get3A_1631 = arith.index_cast %add3A_1630 : i32 to index
    %get3A_1632 = arith.constant 0 : index
    %get3A_1633 = tpu.vector_load %arg8[%get3A_1631, %get3A_1632] {strides = array<i32>} : memref<256x16xf32, #tpu.memory_space<vmem>>, vector<16xf32>,
    %get3A_1634 = arith.constant 0 : i32
    %get3A_1635 = arith.index_cast %get3A_1634 : i32 to index
    %get3A_1636 = arith.constant 16 : index
    %get3A_1637 = tpu.vector_load %arg9[%get3A_1635, %get3A_1636] {strides = array<i32>} : memref<26x128xi32, #tpu.memory_space<vmem>>, vector<16xi32>,
    %gather3A_1638 = tpu.vector_load_idx %arg10[%get3A_1637] : memref<26000xf32, #tpu.memory_space<vmem>>[vector<16xi32>], vector<16xf32>,
    %add3A_1639 = arith.addf %get3A_1633, %gather3A_1638 : vector<16xf32>
    %get3A_1640 = arith.constant 1 : i32
    %get3A_1641 = arith.index_cast %get3A_1640 : i32 to index
    %get3A_1642 = arith.constant 16 : index
    %get3A_1643 = tpu.vector_load %arg9[%get3A_1641, %get3A_1642] {strides = array<i32>} : memref<26x128xi32, #tpu.memory_space<vmem>>, vector<16xi32>,
    %gather3A_1644 = tpu.vector_load_idx %arg10[%get3A_1643] : memref<26000xf32, #tpu.memory_space<vmem>>[vector<16xi32>], vector<16xf32>,
    %add3A_1645 = arith.addf %add3A_1639, %gather3A_1644 : vector<16xf32>
    %get3A_1646 = arith.constant 2 : i32
    %get3A_1647 = arith.index_cast %get3A_1646 : i32 to index
    %get3A_1648 = arith.constant 16 : index
    %get3A_1649 = tpu.vector_load %arg9[%get3A_1647, %get3A_1648] {strides = array<i32>} : memref<26x128xi32, #tpu.memory_space<vmem>>, vector<16xi32>,
    %gather3A_1650 = tpu.vector_load_idx %arg10[%get3A_1649] : memref<26000xf32, #tpu.memory_space<vmem>>[vector<16xi32>], vector<16xf32>,
    %add3A_1651 = arith.addf %add3A_1645, %gather3A_1650 : vector<16xf32>
    %get3A_1652 = arith.constant 3 : i32
    %get3A_1653 = arith.index_cast %get3A_1652 : i32 to index
    %get3A_1654 = arith.constant 16 : index
    %get3A_1655 = tpu.vector_load %arg9[%get3A_1653, %get3A_1654] {strides = array<i32>} : memref<26x128xi32, #tpu.memory_space<vmem>>, vector<16xi32>,
    %gather3A_1656 = tpu.vector_load_idx %arg10[%get3A_1655] : memref<26000xf32, #tpu.memory_space<vmem>>[vector<16xi32>], vector<16xf32>,
    %add3A_1657 = arith.addf %add3A_1651, %gather3A_1656 : vector<16xf32>
    %get3A_1658 = arith.constant 4 : i32
    %get3A_1659 = arith.index_cast %get3A_1658 : i32 to index
    %get3A_1660 = arith.constant 16 : index
    %get3A_1661 = tpu.vector_load %arg9[%get3A_1659, %get3A_1660] {strides = array<i32>} : memref<26x128xi32, #tpu.memory_space<vmem>>, vector<16xi32>,
    %gather3A_1662 = tpu.vector_load_idx %arg10[%get3A_1661] : memref<26000xf32, #tpu.memory_space<vmem>>[vector<16xi32>], vector<16xf32>,
    %add3A_1663 = arith.addf %add3A_1657, %gather3A_1662 : vector<16xf32>
    %get3A_1664 = arith.constant 5 : i32
    %get3A_1665 = arith.index_cast %get3A_1664 : i32 to index
    %get3A_1666 = arith.constant 16 : index
    %get3A_1667 = tpu.vector_load %arg9[%get3A_1665, %get3A_1666] {strides = array<i32>} : memref<26x128xi32, #tpu.memory_space<vmem>>, vector<16xi32>,
    %gather3A_1668 = tpu.vector_load_idx %arg10[%get3A_1667] : memref<26000xf32, #tpu.memory_space<vmem>>[vector<16xi32>], vector<16xf32>,
    %add3A_1669 = arith.addf %add3A_1663, %gather3A_1668 : vector<16xf32>
    %get3A_1670 = arith.constant 6 : i32
    %get3A_1671 = arith.index_cast %get3A_1670 : i32 to index
    %get3A_1672 = arith.constant 16 : index
    %get3A_1673 = tpu.vector_load %arg9[%get3A_1671, %get3A_1672] {strides = array<i32>} : memref<26x128xi32, #tpu.memory_space<vmem>>, vector<16xi32>,
    %gather3A_1674 = tpu.vector_load_idx %arg10[%get3A_1673] : memref<26000xf32, #tpu.memory_space<vmem>>[vector<16xi32>], vector<16xf32>,
    %add3A_1675 = arith.addf %add3A_1669, %gather3A_1674 : vector<16xf32>
    %get3A_1676 = arith.constant 7 : i32
    %get3A_1677 = arith.index_cast %get3A_1676 : i32 to index
    %get3A_1678 = arith.constant 16 : index
    %get3A_1679 = tpu.vector_load %arg9[%get3A_1677, %get3A_1678] {strides = array<i32>} : memref<26x128xi32, #tpu.memory_space<vmem>>, vector<16xi32>,
    %gather3A_1680 = tpu.vector_load_idx %arg10[%get3A_1679] : memref<26000xf32, #tpu.memory_space<vmem>>[vector<16xi32>], vector<16xf32>,
    %add3A_1681 = arith.addf %add3A_1675, %gather3A_1680 : vector<16xf32>
    %get3A_1682 = arith.constant 8 : i32
    %get3A_1683 = arith.index_cast %get3A_1682 : i32 to index
    %get3A_1684 = arith.constant 16 : index
    %get3A_1685 = tpu.vector_load %arg9[%get3A_1683, %get3A_1684] {strides = array<i32>} : memref<26x128xi32, #tpu.memory_space<vmem>>, vector<16xi32>,
    %gather3A_1686 = tpu.vector_load_idx %arg10[%get3A_1685] : memref<26000xf32, #tpu.memory_space<vmem>>[vector<16xi32>], vector<16xf32>,
    %add3A_1687 = arith.addf %add3A_1681, %gather3A_1686 : vector<16xf32>
    %get3A_1688 = arith.constant 9 : i32
    %get3A_1689 = arith.index_cast %get3A_1688 : i32 to index
    %get3A_1690 = arith.constant 16 : index
    %get3A_1691 = tpu.vector_load %arg9[%get3A_1689, %get3A_1690] {strides = array<i32>} : memref<26x128xi32, #tpu.memory_space<vmem>>, vector<16xi32>,
    %gather3A_1692 = tpu.vector_load_idx %arg10[%get3A_1691] : memref<26000xf32, #tpu.memory_space<vmem>>[vector<16xi32>], vector<16xf32>,
    %add3A_1693 = arith.addf %add3A_1687, %gather3A_1692 : vector<16xf32>
    %get3A_1694 = arith.constant 10 : i32
    %get3A_1695 = arith.index_cast %get3A_1694 : i32 to index
    %get3A_1696 = arith.constant 16 : index
    %get3A_1697 = tpu.vector_load %arg9[%get3A_1695, %get3A_1696] {strides = array<i32>} : memref<26x128xi32, #tpu.memory_space<vmem>>, vector<16xi32>,
    %gather3A_1698 = tpu.vector_load_idx %arg10[%get3A_1697] : memref<26000xf32, #tpu.memory_space<vmem>>[vector<16xi32>], vector<16xf32>,
    %add3A_1699 = arith.addf %add3A_1693, %gather3A_1698 : vector<16xf32>
    %get3A_1700 = arith.constant 11 : i32
    %get3A_1701 = arith.index_cast %get3A_1700 : i32 to index
    %get3A_1702 = arith.constant 16 : index
    %get3A_1703 = tpu.vector_load %arg9[%get3A_1701, %get3A_1702] {strides = array<i32>} : memref<26x128xi32, #tpu.memory_space<vmem>>, vector<16xi32>,
    %gather3A_1704 = tpu.vector_load_idx %arg10[%get3A_1703] : memref<26000xf32, #tpu.memory_space<vmem>>[vector<16xi32>], vector<16xf32>,
    %add3A_1705 = arith.addf %add3A_1699, %gather3A_1704 : vector<16xf32>
    %get3A_1706 = arith.constant 12 : i32
    %get3A_1707 = arith.index_cast %get3A_1706 : i32 to index
    %get3A_1708 = arith.constant 16 : index
    %get3A_1709 = tpu.vector_load %arg9[%get3A_1707, %get3A_1708] {strides = array<i32>} : memref<26x128xi32, #tpu.memory_space<vmem>>, vector<16xi32>,
    %gather3A_1710 = tpu.vector_load_idx %arg10[%get3A_1709] : memref<26000xf32, #tpu.memory_space<vmem>>[vector<16xi32>], vector<16xf32>,
    %add3A_1711 = arith.addf %add3A_1705, %gather3A_1710 : vector<16xf32>
    %get3A_1712 = arith.constant 13 : i32
    %get3A_1713 = arith.index_cast %get3A_1712 : i32 to index
    %get3A_1714 = arith.constant 16 : index
    %get3A_1715 = tpu.vector_load %arg9[%get3A_1713, %get3A_1714] {strides = array<i32>} : memref<26x128xi32, #tpu.memory_space<vmem>>, vector<16xi32>,
    %gather3A_1716 = tpu.vector_load_idx %arg10[%get3A_1715] : memref<26000xf32, #tpu.memory_space<vmem>>[vector<16xi32>], vector<16xf32>,
    %add3A_1717 = arith.addf %add3A_1711, %gather3A_1716 : vector<16xf32>
    %get3A_1718 = arith.constant 14 : i32
    %get3A_1719 = arith.index_cast %get3A_1718 : i32 to index
    %get3A_1720 = arith.constant 16 : index
    %get3A_1721 = tpu.vector_load %arg9[%get3A_1719, %get3A_1720] {strides = array<i32>} : memref<26x128xi32, #tpu.memory_space<vmem>>, vector<16xi32>,
    %gather3A_1722 = tpu.vector_load_idx %arg10[%get3A_1721] : memref<26000xf32, #tpu.memory_space<vmem>>[vector<16xi32>], vector<16xf32>,
    %add3A_1723 = arith.addf %add3A_1717, %gather3A_1722 : vector<16xf32>
    %get3A_1724 = arith.constant 15 : i32
    %get3A_1725 = arith.index_cast %get3A_1724 : i32 to index
    %get3A_1726 = arith.constant 16 : index
    %get3A_1727 = tpu.vector_load %arg9[%get3A_1725, %get3A_1726] {strides = array<i32>} : memref<26x128xi32, #tpu.memory_space<vmem>>, vector<16xi32>,
    %gather3A_1728 = tpu.vector_load_idx %arg10[%get3A_1727] : memref<26000xf32, #tpu.memory_space<vmem>>[vector<16xi32>], vector<16xf32>,
    %add3A_1729 = arith.addf %add3A_1723, %gather3A_1728 : vector<16xf32>
    %get3A_1730 = arith.constant 16 : i32
    %get3A_1731 = arith.index_cast %get3A_1730 : i32 to index
    %get3A_1732 = arith.constant 16 : index
    %get3A_1733 = tpu.vector_load %arg9[%get3A_1731, %get3A_1732] {strides = array<i32>} : memref<26x128xi32, #tpu.memory_space<vmem>>, vector<16xi32>,
    %gather3A_1734 = tpu.vector_load_idx %arg10[%get3A_1733] : memref<26000xf32, #tpu.memory_space<vmem>>[vector<16xi32>], vector<16xf32>,
    %add3A_1735 = arith.addf %add3A_1729, %gather3A_1734 : vector<16xf32>
    %get3A_1736 = arith.constant 17 : i32
    %get3A_1737 = arith.index_cast %get3A_1736 : i32 to index
    %get3A_1738 = arith.constant 16 : index
    %get3A_1739 = tpu.vector_load %arg9[%get3A_1737, %get3A_1738] {strides = array<i32>} : memref<26x128xi32, #tpu.memory_space<vmem>>, vector<16xi32>,
    %gather3A_1740 = tpu.vector_load_idx %arg10[%get3A_1739] : memref<26000xf32, #tpu.memory_space<vmem>>[vector<16xi32>], vector<16xf32>,
    %add3A_1741 = arith.addf %add3A_1735, %gather3A_1740 : vector<16xf32>
    %get3A_1742 = arith.constant 18 : i32
    %get3A_1743 = arith.index_cast %get3A_1742 : i32 to index
    %get3A_1744 = arith.constant 16 : index
    %get3A_1745 = tpu.vector_load %arg9[%get3A_1743, %get3A_1744] {strides = array<i32>} : memref<26x128xi32, #tpu.memory_space<vmem>>, vector<16xi32>,
    %gather3A_1746 = tpu.vector_load_idx %arg10[%get3A_1745] : memref<26000xf32, #tpu.memory_space<vmem>>[vector<16xi32>], vector<16xf32>,
    %add3A_1747 = arith.addf %add3A_1741, %gather3A_1746 : vector<16xf32>
    %get3A_1748 = arith.constant 19 : i32
    %get3A_1749 = arith.index_cast %get3A_1748 : i32 to index
    %get3A_1750 = arith.constant 16 : index
    %get3A_1751 = tpu.vector_load %arg9[%get3A_1749, %get3A_1750] {strides = array<i32>} : memref<26x128xi32, #tpu.memory_space<vmem>>, vector<16xi32>,
    %gather3A_1752 = tpu.vector_load_idx %arg10[%get3A_1751] : memref<26000xf32, #tpu.memory_space<vmem>>[vector<16xi32>], vector<16xf32>,
    %add3A_1753 = arith.addf %add3A_1747, %gather3A_1752 : vector<16xf32>
    %get3A_1754 = arith.constant 20 : i32
    %get3A_1755 = arith.index_cast %get3A_1754 : i32 to index
    %get3A_1756 = arith.constant 16 : index
    %get3A_1757 = tpu.vector_load %arg9[%get3A_1755, %get3A_1756] {strides = array<i32>} : memref<26x128xi32, #tpu.memory_space<vmem>>, vector<16xi32>,
    %gather3A_1758 = tpu.vector_load_idx %arg10[%get3A_1757] : memref<26000xf32, #tpu.memory_space<vmem>>[vector<16xi32>], vector<16xf32>,
    %add3A_1759 = arith.addf %add3A_1753, %gather3A_1758 : vector<16xf32>
    %get3A_1760 = arith.constant 21 : i32
    %get3A_1761 = arith.index_cast %get3A_1760 : i32 to index
    %get3A_1762 = arith.constant 16 : index
    %get3A_1763 = tpu.vector_load %arg9[%get3A_1761, %get3A_1762] {strides = array<i32>} : memref<26x128xi32, #tpu.memory_space<vmem>>, vector<16xi32>,
    %gather3A_1764 = tpu.vector_load_idx %arg10[%get3A_1763] : memref<26000xf32, #tpu.memory_space<vmem>>[vector<16xi32>], vector<16xf32>,
    %add3A_1765 = arith.addf %add3A_1759, %gather3A_1764 : vector<16xf32>
    %get3A_1766 = arith.constant 22 : i32
    %get3A_1767 = arith.index_cast %get3A_1766 : i32 to index
    %get3A_1768 = arith.constant 16 : index
    %get3A_1769 = tpu.vector_load %arg9[%get3A_1767, %get3A_1768] {strides = array<i32>} : memref<26x128xi32, #tpu.memory_space<vmem>>, vector<16xi32>,
    %gather3A_1770 = tpu.vector_load_idx %arg10[%get3A_1769] : memref<26000xf32, #tpu.memory_space<vmem>>[vector<16xi32>], vector<16xf32>,
    %add3A_1771 = arith.addf %add3A_1765, %gather3A_1770 : vector<16xf32>
    %get3A_1772 = arith.constant 23 : i32
    %get3A_1773 = arith.index_cast %get3A_1772 : i32 to index
    %get3A_1774 = arith.constant 16 : index
    %get3A_1775 = tpu.vector_load %arg9[%get3A_1773, %get3A_1774] {strides = array<i32>} : memref<26x128xi32, #tpu.memory_space<vmem>>, vector<16xi32>,
    %gather3A_1776 = tpu.vector_load_idx %arg10[%get3A_1775] : memref<26000xf32, #tpu.memory_space<vmem>>[vector<16xi32>], vector<16xf32>,
    %add3A_1777 = arith.addf %add3A_1771, %gather3A_1776 : vector<16xf32>
    %get3A_1778 = arith.constant 24 : i32
    %get3A_1779 = arith.index_cast %get3A_1778 : i32 to index
    %get3A_1780 = arith.constant 16 : index
    %get3A_1781 = tpu.vector_load %arg9[%get3A_1779, %get3A_1780] {strides = array<i32>} : memref<26x128xi32, #tpu.memory_space<vmem>>, vector<16xi32>,
    %gather3A_1782 = tpu.vector_load_idx %arg10[%get3A_1781] : memref<26000xf32, #tpu.memory_space<vmem>>[vector<16xi32>], vector<16xf32>,
    %add3A_1783 = arith.addf %add3A_1777, %gather3A_1782 : vector<16xf32>
    %get3A_1784 = arith.constant 25 : i32
    %get3A_1785 = arith.index_cast %get3A_1784 : i32 to index
    %get3A_1786 = arith.constant 16 : index
    %get3A_1787 = tpu.vector_load %arg9[%get3A_1785, %get3A_1786] {strides = array<i32>} : memref<26x128xi32, #tpu.memory_space<vmem>>, vector<16xi32>,
    %gather3A_1788 = tpu.vector_load_idx %arg10[%get3A_1787] : memref<26000xf32, #tpu.memory_space<vmem>>[vector<16xi32>], vector<16xf32>,
    %add3A_1789 = arith.addf %add3A_1783, %gather3A_1788 : vector<16xf32>
    %add3A_1790 = arith.constant 1 : i32
    %add3A_1791 = arith.addi %select_n3A, %add3A_1790 : i32
    %swap3A_1792 = arith.index_cast %add3A_1791 : i32 to index
    %swap3A_1793 = arith.constant 0 : index
    %swap3A_1794 = tpu.vector_load %arg8[%swap3A_1792, %swap3A_1793] {strides = array<i32>} : memref<256x16xf32, #tpu.memory_space<vmem>>, vector<16xf32>,
    tpu.vector_store %arg8[%swap3A_1792, %swap3A_1793], %add3A_1789 {strides = array<i32>} : memref<256x16xf32, #tpu.memory_space<vmem>>, vector<16xf32>,
    %add3A_1795 = arith.constant 2 : i32
    %add3A_1796 = arith.addi %select_n3A, %add3A_1795 : i32
    %get3A_1797 = arith.index_cast %add3A_1796 : i32 to index
    %get3A_1798 = arith.constant 0 : index
    %get3A_1799 = tpu.vector_load %arg8[%get3A_1797, %get3A_1798] {strides = array<i32>} : memref<256x16xf32, #tpu.memory_space<vmem>>, vector<16xf32>,
    %get3A_1800 = arith.constant 0 : i32
    %get3A_1801 = arith.index_cast %get3A_1800 : i32 to index
    %get3A_1802 = arith.constant 32 : index
    %get3A_1803 = tpu.vector_load %arg9[%get3A_1801, %get3A_1802] {strides = array<i32>} : memref<26x128xi32, #tpu.memory_space<vmem>>, vector<16xi32>,
    %gather3A_1804 = tpu.vector_load_idx %arg10[%get3A_1803] : memref<26000xf32, #tpu.memory_space<vmem>>[vector<16xi32>], vector<16xf32>,
    %add3A_1805 = arith.addf %get3A_1799, %gather3A_1804 : vector<16xf32>
    %get3A_1806 = arith.constant 1 : i32
    %get3A_1807 = arith.index_cast %get3A_1806 : i32 to index
    %get3A_1808 = arith.constant 32 : index
    %get3A_1809 = tpu.vector_load %arg9[%get3A_1807, %get3A_1808] {strides = array<i32>} : memref<26x128xi32, #tpu.memory_space<vmem>>, vector<16xi32>,
    %gather3A_1810 = tpu.vector_load_idx %arg10[%get3A_1809] : memref<26000xf32, #tpu.memory_space<vmem>>[vector<16xi32>], vector<16xf32>,
    %add3A_1811 = arith.addf %add3A_1805, %gather3A_1810 : vector<16xf32>
    %get3A_1812 = arith.constant 2 : i32
    %get3A_1813 = arith.index_cast %get3A_1812 : i32 to index
    %get3A_1814 = arith.constant 32 : index
    %get3A_1815 = tpu.vector_load %arg9[%get3A_1813, %get3A_1814] {strides = array<i32>} : memref<26x128xi32, #tpu.memory_space<vmem>>, vector<16xi32>,
    %gather3A_1816 = tpu.vector_load_idx %arg10[%get3A_1815] : memref<26000xf32, #tpu.memory_space<vmem>>[vector<16xi32>], vector<16xf32>,
    %add3A_1817 = arith.addf %add3A_1811, %gather3A_1816 : vector<16xf32>
    %get3A_1818 = arith.constant 3 : i32
    %get3A_1819 = arith.index_cast %get3A_1818 : i32 to index
    %get3A_1820 = arith.constant 32 : index
    %get3A_1821 = tpu.vector_load %arg9[%get3A_1819, %get3A_1820] {strides = array<i32>} : memref<26x128xi32, #tpu.memory_space<vmem>>, vector<16xi32>,
    %gather3A_1822 = tpu.vector_load_idx %arg10[%get3A_1821] : memref<26000xf32, #tpu.memory_space<vmem>>[vector<16xi32>], vector<16xf32>,
    %add3A_1823 = arith.addf %add3A_1817, %gather3A_1822 : vector<16xf32>
    %get3A_1824 = arith.constant 4 : i32
    %get3A_1825 = arith.index_cast %get3A_1824 : i32 to index
    %get3A_1826 = arith.constant 32 : index
    %get3A_1827 = tpu.vector_load %arg9[%get3A_1825, %get3A_1826] {strides = array<i32>} : memref<26x128xi32, #tpu.memory_space<vmem>>, vector<16xi32>,
    %gather3A_1828 = tpu.vector_load_idx %arg10[%get3A_1827] : memref<26000xf32, #tpu.memory_space<vmem>>[vector<16xi32>], vector<16xf32>,
    %add3A_1829 = arith.addf %add3A_1823, %gather3A_1828 : vector<16xf32>
    %get3A_1830 = arith.constant 5 : i32
    %get3A_1831 = arith.index_cast %get3A_1830 : i32 to index
    %get3A_1832 = arith.constant 32 : index
    %get3A_1833 = tpu.vector_load %arg9[%get3A_1831, %get3A_1832] {strides = array<i32>} : memref<26x128xi32, #tpu.memory_space<vmem>>, vector<16xi32>,
    %gather3A_1834 = tpu.vector_load_idx %arg10[%get3A_1833] : memref<26000xf32, #tpu.memory_space<vmem>>[vector<16xi32>], vector<16xf32>,
    %add3A_1835 = arith.addf %add3A_1829, %gather3A_1834 : vector<16xf32>
    %get3A_1836 = arith.constant 6 : i32
    %get3A_1837 = arith.index_cast %get3A_1836 : i32 to index
    %get3A_1838 = arith.constant 32 : index
    %get3A_1839 = tpu.vector_load %arg9[%get3A_1837, %get3A_1838] {strides = array<i32>} : memref<26x128xi32, #tpu.memory_space<vmem>>, vector<16xi32>,
    %gather3A_1840 = tpu.vector_load_idx %arg10[%get3A_1839] : memref<26000xf32, #tpu.memory_space<vmem>>[vector<16xi32>], vector<16xf32>,
    %add3A_1841 = arith.addf %add3A_1835, %gather3A_1840 : vector<16xf32>
    %get3A_1842 = arith.constant 7 : i32
    %get3A_1843 = arith.index_cast %get3A_1842 : i32 to index
    %get3A_1844 = arith.constant 32 : index
    %get3A_1845 = tpu.vector_load %arg9[%get3A_1843, %get3A_1844] {strides = array<i32>} : memref<26x128xi32, #tpu.memory_space<vmem>>, vector<16xi32>,
    %gather3A_1846 = tpu.vector_load_idx %arg10[%get3A_1845] : memref<26000xf32, #tpu.memory_space<vmem>>[vector<16xi32>], vector<16xf32>,
    %add3A_1847 = arith.addf %add3A_1841, %gather3A_1846 : vector<16xf32>
    %get3A_1848 = arith.constant 8 : i32
    %get3A_1849 = arith.index_cast %get3A_1848 : i32 to index
    %get3A_1850 = arith.constant 32 : index
    %get3A_1851 = tpu.vector_load %arg9[%get3A_1849, %get3A_1850] {strides = array<i32>} : memref<26x128xi32, #tpu.memory_space<vmem>>, vector<16xi32>,
    %gather3A_1852 = tpu.vector_load_idx %arg10[%get3A_1851] : memref<26000xf32, #tpu.memory_space<vmem>>[vector<16xi32>], vector<16xf32>,
    %add3A_1853 = arith.addf %add3A_1847, %gather3A_1852 : vector<16xf32>
    %get3A_1854 = arith.constant 9 : i32
    %get3A_1855 = arith.index_cast %get3A_1854 : i32 to index
    %get3A_1856 = arith.constant 32 : index
    %get3A_1857 = tpu.vector_load %arg9[%get3A_1855, %get3A_1856] {strides = array<i32>} : memref<26x128xi32, #tpu.memory_space<vmem>>, vector<16xi32>,
    %gather3A_1858 = tpu.vector_load_idx %arg10[%get3A_1857] : memref<26000xf32, #tpu.memory_space<vmem>>[vector<16xi32>], vector<16xf32>,
    %add3A_1859 = arith.addf %add3A_1853, %gather3A_1858 : vector<16xf32>
    %get3A_1860 = arith.constant 10 : i32
    %get3A_1861 = arith.index_cast %get3A_1860 : i32 to index
    %get3A_1862 = arith.constant 32 : index
    %get3A_1863 = tpu.vector_load %arg9[%get3A_1861, %get3A_1862] {strides = array<i32>} : memref<26x128xi32, #tpu.memory_space<vmem>>, vector<16xi32>,
    %gather3A_1864 = tpu.vector_load_idx %arg10[%get3A_1863] : memref<26000xf32, #tpu.memory_space<vmem>>[vector<16xi32>], vector<16xf32>,
    %add3A_1865 = arith.addf %add3A_1859, %gather3A_1864 : vector<16xf32>
    %get3A_1866 = arith.constant 11 : i32
    %get3A_1867 = arith.index_cast %get3A_1866 : i32 to index
    %get3A_1868 = arith.constant 32 : index
    %get3A_1869 = tpu.vector_load %arg9[%get3A_1867, %get3A_1868] {strides = array<i32>} : memref<26x128xi32, #tpu.memory_space<vmem>>, vector<16xi32>,
    %gather3A_1870 = tpu.vector_load_idx %arg10[%get3A_1869] : memref<26000xf32, #tpu.memory_space<vmem>>[vector<16xi32>], vector<16xf32>,
    %add3A_1871 = arith.addf %add3A_1865, %gather3A_1870 : vector<16xf32>
    %get3A_1872 = arith.constant 12 : i32
    %get3A_1873 = arith.index_cast %get3A_1872 : i32 to index
    %get3A_1874 = arith.constant 32 : index
    %get3A_1875 = tpu.vector_load %arg9[%get3A_1873, %get3A_1874] {strides = array<i32>} : memref<26x128xi32, #tpu.memory_space<vmem>>, vector<16xi32>,
    %gather3A_1876 = tpu.vector_load_idx %arg10[%get3A_1875] : memref<26000xf32, #tpu.memory_space<vmem>>[vector<16xi32>], vector<16xf32>,
    %add3A_1877 = arith.addf %add3A_1871, %gather3A_1876 : vector<16xf32>
    %get3A_1878 = arith.constant 13 : i32
    %get3A_1879 = arith.index_cast %get3A_1878 : i32 to index
    %get3A_1880 = arith.constant 32 : index
    %get3A_1881 = tpu.vector_load %arg9[%get3A_1879, %get3A_1880] {strides = array<i32>} : memref<26x128xi32, #tpu.memory_space<vmem>>, vector<16xi32>,
    %gather3A_1882 = tpu.vector_load_idx %arg10[%get3A_1881] : memref<26000xf32, #tpu.memory_space<vmem>>[vector<16xi32>], vector<16xf32>,
    %add3A_1883 = arith.addf %add3A_1877, %gather3A_1882 : vector<16xf32>
    %get3A_1884 = arith.constant 14 : i32
    %get3A_1885 = arith.index_cast %get3A_1884 : i32 to index
    %get3A_1886 = arith.constant 32 : index
    %get3A_1887 = tpu.vector_load %arg9[%get3A_1885, %get3A_1886] {strides = array<i32>} : memref<26x128xi32, #tpu.memory_space<vmem>>, vector<16xi32>,
    %gather3A_1888 = tpu.vector_load_idx %arg10[%get3A_1887] : memref<26000xf32, #tpu.memory_space<vmem>>[vector<16xi32>], vector<16xf32>,
    %add3A_1889 = arith.addf %add3A_1883, %gather3A_1888 : vector<16xf32>
    %get3A_1890 = arith.constant 15 : i32
    %get3A_1891 = arith.index_cast %get3A_1890 : i32 to index
    %get3A_1892 = arith.constant 32 : index
    %get3A_1893 = tpu.vector_load %arg9[%get3A_1891, %get3A_1892] {strides = array<i32>} : memref<26x128xi32, #tpu.memory_space<vmem>>, vector<16xi32>,
    %gather3A_1894 = tpu.vector_load_idx %arg10[%get3A_1893] : memref<26000xf32, #tpu.memory_space<vmem>>[vector<16xi32>], vector<16xf32>,
    %add3A_1895 = arith.addf %add3A_1889, %gather3A_1894 : vector<16xf32>
    %get3A_1896 = arith.constant 16 : i32
    %get3A_1897 = arith.index_cast %get3A_1896 : i32 to index
    %get3A_1898 = arith.constant 32 : index
    %get3A_1899 = tpu.vector_load %arg9[%get3A_1897, %get3A_1898] {strides = array<i32>} : memref<26x128xi32, #tpu.memory_space<vmem>>, vector<16xi32>,
    %gather3A_1900 = tpu.vector_load_idx %arg10[%get3A_1899] : memref<26000xf32, #tpu.memory_space<vmem>>[vector<16xi32>], vector<16xf32>,
    %add3A_1901 = arith.addf %add3A_1895, %gather3A_1900 : vector<16xf32>
    %get3A_1902 = arith.constant 17 : i32
    %get3A_1903 = arith.index_cast %get3A_1902 : i32 to index
    %get3A_1904 = arith.constant 32 : index
    %get3A_1905 = tpu.vector_load %arg9[%get3A_1903, %get3A_1904] {strides = array<i32>} : memref<26x128xi32, #tpu.memory_space<vmem>>, vector<16xi32>,
    %gather3A_1906 = tpu.vector_load_idx %arg10[%get3A_1905] : memref<26000xf32, #tpu.memory_space<vmem>>[vector<16xi32>], vector<16xf32>,
    %add3A_1907 = arith.addf %add3A_1901, %gather3A_1906 : vector<16xf32>
    %get3A_1908 = arith.constant 18 : i32
    %get3A_1909 = arith.index_cast %get3A_1908 : i32 to index
    %get3A_1910 = arith.constant 32 : index
    %get3A_1911 = tpu.vector_load %arg9[%get3A_1909, %get3A_1910] {strides = array<i32>} : memref<26x128xi32, #tpu.memory_space<vmem>>, vector<16xi32>,
    %gather3A_1912 = tpu.vector_load_idx %arg10[%get3A_1911] : memref<26000xf32, #tpu.memory_space<vmem>>[vector<16xi32>], vector<16xf32>,
    %add3A_1913 = arith.addf %add3A_1907, %gather3A_1912 : vector<16xf32>
    %get3A_1914 = arith.constant 19 : i32
    %get3A_1915 = arith.index_cast %get3A_1914 : i32 to index
    %get3A_1916 = arith.constant 32 : index
    %get3A_1917 = tpu.vector_load %arg9[%get3A_1915, %get3A_1916] {strides = array<i32>} : memref<26x128xi32, #tpu.memory_space<vmem>>, vector<16xi32>,
    %gather3A_1918 = tpu.vector_load_idx %arg10[%get3A_1917] : memref<26000xf32, #tpu.memory_space<vmem>>[vector<16xi32>], vector<16xf32>,
    %add3A_1919 = arith.addf %add3A_1913, %gather3A_1918 : vector<16xf32>
    %get3A_1920 = arith.constant 20 : i32
    %get3A_1921 = arith.index_cast %get3A_1920 : i32 to index
    %get3A_1922 = arith.constant 32 : index
    %get3A_1923 = tpu.vector_load %arg9[%get3A_1921, %get3A_1922] {strides = array<i32>} : memref<26x128xi32, #tpu.memory_space<vmem>>, vector<16xi32>,
    %gather3A_1924 = tpu.vector_load_idx %arg10[%get3A_1923] : memref<26000xf32, #tpu.memory_space<vmem>>[vector<16xi32>], vector<16xf32>,
    %add3A_1925 = arith.addf %add3A_1919, %gather3A_1924 : vector<16xf32>
    %get3A_1926 = arith.constant 21 : i32
    %get3A_1927 = arith.index_cast %get3A_1926 : i32 to index
    %get3A_1928 = arith.constant 32 : index
    %get3A_1929 = tpu.vector_load %arg9[%get3A_1927, %get3A_1928] {strides = array<i32>} : memref<26x128xi32, #tpu.memory_space<vmem>>, vector<16xi32>,
    %gather3A_1930 = tpu.vector_load_idx %arg10[%get3A_1929] : memref<26000xf32, #tpu.memory_space<vmem>>[vector<16xi32>], vector<16xf32>,
    %add3A_1931 = arith.addf %add3A_1925, %gather3A_1930 : vector<16xf32>
    %get3A_1932 = arith.constant 22 : i32
    %get3A_1933 = arith.index_cast %get3A_1932 : i32 to index
    %get3A_1934 = arith.constant 32 : index
    %get3A_1935 = tpu.vector_load %arg9[%get3A_1933, %get3A_1934] {strides = array<i32>} : memref<26x128xi32, #tpu.memory_space<vmem>>, vector<16xi32>,
    %gather3A_1936 = tpu.vector_load_idx %arg10[%get3A_1935] : memref<26000xf32, #tpu.memory_space<vmem>>[vector<16xi32>], vector<16xf32>,
    %add3A_1937 = arith.addf %add3A_1931, %gather3A_1936 : vector<16xf32>
    %get3A_1938 = arith.constant 23 : i32
    %get3A_1939 = arith.index_cast %get3A_1938 : i32 to index
    %get3A_1940 = arith.constant 32 : index
    %get3A_1941 = tpu.vector_load %arg9[%get3A_1939, %get3A_1940] {strides = array<i32>} : memref<26x128xi32, #tpu.memory_space<vmem>>, vector<16xi32>,
    %gather3A_1942 = tpu.vector_load_idx %arg10[%get3A_1941] : memref<26000xf32, #tpu.memory_space<vmem>>[vector<16xi32>], vector<16xf32>,
    %add3A_1943 = arith.addf %add3A_1937, %gather3A_1942 : vector<16xf32>
    %get3A_1944 = arith.constant 24 : i32
    %get3A_1945 = arith.index_cast %get3A_1944 : i32 to index
    %get3A_1946 = arith.constant 32 : index
    %get3A_1947 = tpu.vector_load %arg9[%get3A_1945, %get3A_1946] {strides = array<i32>} : memref<26x128xi32, #tpu.memory_space<vmem>>, vector<16xi32>,
    %gather3A_1948 = tpu.vector_load_idx %arg10[%get3A_1947] : memref<26000xf32, #tpu.memory_space<vmem>>[vector<16xi32>], vector<16xf32>,
    %add3A_1949 = arith.addf %add3A_1943, %gather3A_1948 : vector<16xf32>
    %get3A_1950 = arith.constant 25 : i32
    %get3A_1951 = arith.index_cast %get3A_1950 : i32 to index
    %get3A_1952 = arith.constant 32 : index
    %get3A_1953 = tpu.vector_load %arg9[%get3A_1951, %get3A_1952] {strides = array<i32>} : memref<26x128xi32, #tpu.memory_space<vmem>>, vector<16xi32>,
    %gather3A_1954 = tpu.vector_load_idx %arg10[%get3A_1953] : memref<26000xf32, #tpu.memory_space<vmem>>[vector<16xi32>], vector<16xf32>,
    %add3A_1955 = arith.addf %add3A_1949, %gather3A_1954 : vector<16xf32>
    %add3A_1956 = arith.constant 2 : i32
    %add3A_1957 = arith.addi %select_n3A, %add3A_1956 : i32
    %swap3A_1958 = arith.index_cast %add3A_1957 : i32 to index
    %swap3A_1959 = arith.constant 0 : index
    %swap3A_1960 = tpu.vector_load %arg8[%swap3A_1958, %swap3A_1959] {strides = array<i32>} : memref<256x16xf32, #tpu.memory_space<vmem>>, vector<16xf32>,
    tpu.vector_store %arg8[%swap3A_1958, %swap3A_1959], %add3A_1955 {strides = array<i32>} : memref<256x16xf32, #tpu.memory_space<vmem>>, vector<16xf32>,
    %add3A_1961 = arith.constant 3 : i32
    %add3A_1962 = arith.addi %select_n3A, %add3A_1961 : i32
    %get3A_1963 = arith.index_cast %add3A_1962 : i32 to index
    %get3A_1964 = arith.constant 0 : index
    %get3A_1965 = tpu.vector_load %arg8[%get3A_1963, %get3A_1964] {strides = array<i32>} : memref<256x16xf32, #tpu.memory_space<vmem>>, vector<16xf32>,
    %get3A_1966 = arith.constant 0 : i32
    %get3A_1967 = arith.index_cast %get3A_1966 : i32 to index
    %get3A_1968 = arith.constant 48 : index
    %get3A_1969 = tpu.vector_load %arg9[%get3A_1967, %get3A_1968] {strides = array<i32>} : memref<26x128xi32, #tpu.memory_space<vmem>>, vector<16xi32>,
    %gather3A_1970 = tpu.vector_load_idx %arg10[%get3A_1969] : memref<26000xf32, #tpu.memory_space<vmem>>[vector<16xi32>], vector<16xf32>,
    %add3A_1971 = arith.addf %get3A_1965, %gather3A_1970 : vector<16xf32>
    %get3A_1972 = arith.constant 1 : i32
    %get3A_1973 = arith.index_cast %get3A_1972 : i32 to index
    %get3A_1974 = arith.constant 48 : index
    %get3A_1975 = tpu.vector_load %arg9[%get3A_1973, %get3A_1974] {strides = array<i32>} : memref<26x128xi32, #tpu.memory_space<vmem>>, vector<16xi32>,
    %gather3A_1976 = tpu.vector_load_idx %arg10[%get3A_1975] : memref<26000xf32, #tpu.memory_space<vmem>>[vector<16xi32>], vector<16xf32>,
    %add3A_1977 = arith.addf %add3A_1971, %gather3A_1976 : vector<16xf32>
    %get3A_1978 = arith.constant 2 : i32
    %get3A_1979 = arith.index_cast %get3A_1978 : i32 to index
    %get3A_1980 = arith.constant 48 : index
    %get3A_1981 = tpu.vector_load %arg9[%get3A_1979, %get3A_1980] {strides = array<i32>} : memref<26x128xi32, #tpu.memory_space<vmem>>, vector<16xi32>,
    %gather3A_1982 = tpu.vector_load_idx %arg10[%get3A_1981] : memref<26000xf32, #tpu.memory_space<vmem>>[vector<16xi32>], vector<16xf32>,
    %add3A_1983 = arith.addf %add3A_1977, %gather3A_1982 : vector<16xf32>
    %get3A_1984 = arith.constant 3 : i32
    %get3A_1985 = arith.index_cast %get3A_1984 : i32 to index
    %get3A_1986 = arith.constant 48 : index
    %get3A_1987 = tpu.vector_load %arg9[%get3A_1985, %get3A_1986] {strides = array<i32>} : memref<26x128xi32, #tpu.memory_space<vmem>>, vector<16xi32>,
    %gather3A_1988 = tpu.vector_load_idx %arg10[%get3A_1987] : memref<26000xf32, #tpu.memory_space<vmem>>[vector<16xi32>], vector<16xf32>,
    %add3A_1989 = arith.addf %add3A_1983, %gather3A_1988 : vector<16xf32>
    %get3A_1990 = arith.constant 4 : i32
    %get3A_1991 = arith.index_cast %get3A_1990 : i32 to index
    %get3A_1992 = arith.constant 48 : index
    %get3A_1993 = tpu.vector_load %arg9[%get3A_1991, %get3A_1992] {strides = array<i32>} : memref<26x128xi32, #tpu.memory_space<vmem>>, vector<16xi32>,
    %gather3A_1994 = tpu.vector_load_idx %arg10[%get3A_1993] : memref<26000xf32, #tpu.memory_space<vmem>>[vector<16xi32>], vector<16xf32>,
    %add3A_1995 = arith.addf %add3A_1989, %gather3A_1994 : vector<16xf32>
    %get3A_1996 = arith.constant 5 : i32
    %get3A_1997 = arith.index_cast %get3A_1996 : i32 to index
    %get3A_1998 = arith.constant 48 : index
    %get3A_1999 = tpu.vector_load %arg9[%get3A_1997, %get3A_1998] {strides = array<i32>} : memref<26x128xi32, #tpu.memory_space<vmem>>, vector<16xi32>,
    %gather3A_2000 = tpu.vector_load_idx %arg10[%get3A_1999] : memref<26000xf32, #tpu.memory_space<vmem>>[vector<16xi32>], vector<16xf32>,
    %add3A_2001 = arith.addf %add3A_1995, %gather3A_2000 : vector<16xf32>
    %get3A_2002 = arith.constant 6 : i32
    %get3A_2003 = arith.index_cast %get3A_2002 : i32 to index
    %get3A_2004 = arith.constant 48 : index
    %get3A_2005 = tpu.vector_load %arg9[%get3A_2003, %get3A_2004] {strides = array<i32>} : memref<26x128xi32, #tpu.memory_space<vmem>>, vector<16xi32>,
    %gather3A_2006 = tpu.vector_load_idx %arg10[%get3A_2005] : memref<26000xf32, #tpu.memory_space<vmem>>[vector<16xi32>], vector<16xf32>,
    %add3A_2007 = arith.addf %add3A_2001, %gather3A_2006 : vector<16xf32>
    %get3A_2008 = arith.constant 7 : i32
    %get3A_2009 = arith.index_cast %get3A_2008 : i32 to index
    %get3A_2010 = arith.constant 48 : index
    %get3A_2011 = tpu.vector_load %arg9[%get3A_2009, %get3A_2010] {strides = array<i32>} : memref<26x128xi32, #tpu.memory_space<vmem>>, vector<16xi32>,
    %gather3A_2012 = tpu.vector_load_idx %arg10[%get3A_2011] : memref<26000xf32, #tpu.memory_space<vmem>>[vector<16xi32>], vector<16xf32>,
    %add3A_2013 = arith.addf %add3A_2007, %gather3A_2012 : vector<16xf32>
    %get3A_2014 = arith.constant 8 : i32
    %get3A_2015 = arith.index_cast %get3A_2014 : i32 to index
    %get3A_2016 = arith.constant 48 : index
    %get3A_2017 = tpu.vector_load %arg9[%get3A_2015, %get3A_2016] {strides = array<i32>} : memref<26x128xi32, #tpu.memory_space<vmem>>, vector<16xi32>,
    %gather3A_2018 = tpu.vector_load_idx %arg10[%get3A_2017] : memref<26000xf32, #tpu.memory_space<vmem>>[vector<16xi32>], vector<16xf32>,
    %add3A_2019 = arith.addf %add3A_2013, %gather3A_2018 : vector<16xf32>
    %get3A_2020 = arith.constant 9 : i32
    %get3A_2021 = arith.index_cast %get3A_2020 : i32 to index
    %get3A_2022 = arith.constant 48 : index
    %get3A_2023 = tpu.vector_load %arg9[%get3A_2021, %get3A_2022] {strides = array<i32>} : memref<26x128xi32, #tpu.memory_space<vmem>>, vector<16xi32>,
    %gather3A_2024 = tpu.vector_load_idx %arg10[%get3A_2023] : memref<26000xf32, #tpu.memory_space<vmem>>[vector<16xi32>], vector<16xf32>,
    %add3A_2025 = arith.addf %add3A_2019, %gather3A_2024 : vector<16xf32>
    %get3A_2026 = arith.constant 10 : i32
    %get3A_2027 = arith.index_cast %get3A_2026 : i32 to index
    %get3A_2028 = arith.constant 48 : index
    %get3A_2029 = tpu.vector_load %arg9[%get3A_2027, %get3A_2028] {strides = array<i32>} : memref<26x128xi32, #tpu.memory_space<vmem>>, vector<16xi32>,
    %gather3A_2030 = tpu.vector_load_idx %arg10[%get3A_2029] : memref<26000xf32, #tpu.memory_space<vmem>>[vector<16xi32>], vector<16xf32>,
    %add3A_2031 = arith.addf %add3A_2025, %gather3A_2030 : vector<16xf32>
    %get3A_2032 = arith.constant 11 : i32
    %get3A_2033 = arith.index_cast %get3A_2032 : i32 to index
    %get3A_2034 = arith.constant 48 : index
    %get3A_2035 = tpu.vector_load %arg9[%get3A_2033, %get3A_2034] {strides = array<i32>} : memref<26x128xi32, #tpu.memory_space<vmem>>, vector<16xi32>,
    %gather3A_2036 = tpu.vector_load_idx %arg10[%get3A_2035] : memref<26000xf32, #tpu.memory_space<vmem>>[vector<16xi32>], vector<16xf32>,
    %add3A_2037 = arith.addf %add3A_2031, %gather3A_2036 : vector<16xf32>
    %get3A_2038 = arith.constant 12 : i32
    %get3A_2039 = arith.index_cast %get3A_2038 : i32 to index
    %get3A_2040 = arith.constant 48 : index
    %get3A_2041 = tpu.vector_load %arg9[%get3A_2039, %get3A_2040] {strides = array<i32>} : memref<26x128xi32, #tpu.memory_space<vmem>>, vector<16xi32>,
    %gather3A_2042 = tpu.vector_load_idx %arg10[%get3A_2041] : memref<26000xf32, #tpu.memory_space<vmem>>[vector<16xi32>], vector<16xf32>,
    %add3A_2043 = arith.addf %add3A_2037, %gather3A_2042 : vector<16xf32>
    %get3A_2044 = arith.constant 13 : i32
    %get3A_2045 = arith.index_cast %get3A_2044 : i32 to index
    %get3A_2046 = arith.constant 48 : index
    %get3A_2047 = tpu.vector_load %arg9[%get3A_2045, %get3A_2046] {strides = array<i32>} : memref<26x128xi32, #tpu.memory_space<vmem>>, vector<16xi32>,
    %gather3A_2048 = tpu.vector_load_idx %arg10[%get3A_2047] : memref<26000xf32, #tpu.memory_space<vmem>>[vector<16xi32>], vector<16xf32>,
    %add3A_2049 = arith.addf %add3A_2043, %gather3A_2048 : vector<16xf32>
    %get3A_2050 = arith.constant 14 : i32
    %get3A_2051 = arith.index_cast %get3A_2050 : i32 to index
    %get3A_2052 = arith.constant 48 : index
    %get3A_2053 = tpu.vector_load %arg9[%get3A_2051, %get3A_2052] {strides = array<i32>} : memref<26x128xi32, #tpu.memory_space<vmem>>, vector<16xi32>,
    %gather3A_2054 = tpu.vector_load_idx %arg10[%get3A_2053] : memref<26000xf32, #tpu.memory_space<vmem>>[vector<16xi32>], vector<16xf32>,
    %add3A_2055 = arith.addf %add3A_2049, %gather3A_2054 : vector<16xf32>
    %get3A_2056 = arith.constant 15 : i32
    %get3A_2057 = arith.index_cast %get3A_2056 : i32 to index
    %get3A_2058 = arith.constant 48 : index
    %get3A_2059 = tpu.vector_load %arg9[%get3A_2057, %get3A_2058] {strides = array<i32>} : memref<26x128xi32, #tpu.memory_space<vmem>>, vector<16xi32>,
    %gather3A_2060 = tpu.vector_load_idx %arg10[%get3A_2059] : memref<26000xf32, #tpu.memory_space<vmem>>[vector<16xi32>], vector<16xf32>,
    %add3A_2061 = arith.addf %add3A_2055, %gather3A_2060 : vector<16xf32>
    %get3A_2062 = arith.constant 16 : i32
    %get3A_2063 = arith.index_cast %get3A_2062 : i32 to index
    %get3A_2064 = arith.constant 48 : index
    %get3A_2065 = tpu.vector_load %arg9[%get3A_2063, %get3A_2064] {strides = array<i32>} : memref<26x128xi32, #tpu.memory_space<vmem>>, vector<16xi32>,
    %gather3A_2066 = tpu.vector_load_idx %arg10[%get3A_2065] : memref<26000xf32, #tpu.memory_space<vmem>>[vector<16xi32>], vector<16xf32>,
    %add3A_2067 = arith.addf %add3A_2061, %gather3A_2066 : vector<16xf32>
    %get3A_2068 = arith.constant 17 : i32
    %get3A_2069 = arith.index_cast %get3A_2068 : i32 to index
    %get3A_2070 = arith.constant 48 : index
    %get3A_2071 = tpu.vector_load %arg9[%get3A_2069, %get3A_2070] {strides = array<i32>} : memref<26x128xi32, #tpu.memory_space<vmem>>, vector<16xi32>,
    %gather3A_2072 = tpu.vector_load_idx %arg10[%get3A_2071] : memref<26000xf32, #tpu.memory_space<vmem>>[vector<16xi32>], vector<16xf32>,
    %add3A_2073 = arith.addf %add3A_2067, %gather3A_2072 : vector<16xf32>
    %get3A_2074 = arith.constant 18 : i32
    %get3A_2075 = arith.index_cast %get3A_2074 : i32 to index
    %get3A_2076 = arith.constant 48 : index
    %get3A_2077 = tpu.vector_load %arg9[%get3A_2075, %get3A_2076] {strides = array<i32>} : memref<26x128xi32, #tpu.memory_space<vmem>>, vector<16xi32>,
    %gather3A_2078 = tpu.vector_load_idx %arg10[%get3A_2077] : memref<26000xf32, #tpu.memory_space<vmem>>[vector<16xi32>], vector<16xf32>,
    %add3A_2079 = arith.addf %add3A_2073, %gather3A_2078 : vector<16xf32>
    %get3A_2080 = arith.constant 19 : i32
    %get3A_2081 = arith.index_cast %get3A_2080 : i32 to index
    %get3A_2082 = arith.constant 48 : index
    %get3A_2083 = tpu.vector_load %arg9[%get3A_2081, %get3A_2082] {strides = array<i32>} : memref<26x128xi32, #tpu.memory_space<vmem>>, vector<16xi32>,
    %gather3A_2084 = tpu.vector_load_idx %arg10[%get3A_2083] : memref<26000xf32, #tpu.memory_space<vmem>>[vector<16xi32>], vector<16xf32>,
    %add3A_2085 = arith.addf %add3A_2079, %gather3A_2084 : vector<16xf32>
    %get3A_2086 = arith.constant 20 : i32
    %get3A_2087 = arith.index_cast %get3A_2086 : i32 to index
    %get3A_2088 = arith.constant 48 : index
    %get3A_2089 = tpu.vector_load %arg9[%get3A_2087, %get3A_2088] {strides = array<i32>} : memref<26x128xi32, #tpu.memory_space<vmem>>, vector<16xi32>,
    %gather3A_2090 = tpu.vector_load_idx %arg10[%get3A_2089] : memref<26000xf32, #tpu.memory_space<vmem>>[vector<16xi32>], vector<16xf32>,
    %add3A_2091 = arith.addf %add3A_2085, %gather3A_2090 : vector<16xf32>
    %get3A_2092 = arith.constant 21 : i32
    %get3A_2093 = arith.index_cast %get3A_2092 : i32 to index
    %get3A_2094 = arith.constant 48 : index
    %get3A_2095 = tpu.vector_load %arg9[%get3A_2093, %get3A_2094] {strides = array<i32>} : memref<26x128xi32, #tpu.memory_space<vmem>>, vector<16xi32>,
    %gather3A_2096 = tpu.vector_load_idx %arg10[%get3A_2095] : memref<26000xf32, #tpu.memory_space<vmem>>[vector<16xi32>], vector<16xf32>,
    %add3A_2097 = arith.addf %add3A_2091, %gather3A_2096 : vector<16xf32>
    %get3A_2098 = arith.constant 22 : i32
    %get3A_2099 = arith.index_cast %get3A_2098 : i32 to index
    %get3A_2100 = arith.constant 48 : index
    %get3A_2101 = tpu.vector_load %arg9[%get3A_2099, %get3A_2100] {strides = array<i32>} : memref<26x128xi32, #tpu.memory_space<vmem>>, vector<16xi32>,
    %gather3A_2102 = tpu.vector_load_idx %arg10[%get3A_2101] : memref<26000xf32, #tpu.memory_space<vmem>>[vector<16xi32>], vector<16xf32>,
    %add3A_2103 = arith.addf %add3A_2097, %gather3A_2102 : vector<16xf32>
    %get3A_2104 = arith.constant 23 : i32
    %get3A_2105 = arith.index_cast %get3A_2104 : i32 to index
    %get3A_2106 = arith.constant 48 : index
    %get3A_2107 = tpu.vector_load %arg9[%get3A_2105, %get3A_2106] {strides = array<i32>} : memref<26x128xi32, #tpu.memory_space<vmem>>, vector<16xi32>,
    %gather3A_2108 = tpu.vector_load_idx %arg10[%get3A_2107] : memref<26000xf32, #tpu.memory_space<vmem>>[vector<16xi32>], vector<16xf32>,
    %add3A_2109 = arith.addf %add3A_2103, %gather3A_2108 : vector<16xf32>
    %get3A_2110 = arith.constant 24 : i32
    %get3A_2111 = arith.index_cast %get3A_2110 : i32 to index
    %get3A_2112 = arith.constant 48 : index
    %get3A_2113 = tpu.vector_load %arg9[%get3A_2111, %get3A_2112] {strides = array<i32>} : memref<26x128xi32, #tpu.memory_space<vmem>>, vector<16xi32>,
    %gather3A_2114 = tpu.vector_load_idx %arg10[%get3A_2113] : memref<26000xf32, #tpu.memory_space<vmem>>[vector<16xi32>], vector<16xf32>,
    %add3A_2115 = arith.addf %add3A_2109, %gather3A_2114 : vector<16xf32>
    %get3A_2116 = arith.constant 25 : i32
    %get3A_2117 = arith.index_cast %get3A_2116 : i32 to index
    %get3A_2118 = arith.constant 48 : index
    %get3A_2119 = tpu.vector_load %arg9[%get3A_2117, %get3A_2118] {strides = array<i32>} : memref<26x128xi32, #tpu.memory_space<vmem>>, vector<16xi32>,
    %gather3A_2120 = tpu.vector_load_idx %arg10[%get3A_2119] : memref<26000xf32, #tpu.memory_space<vmem>>[vector<16xi32>], vector<16xf32>,
    %add3A_2121 = arith.addf %add3A_2115, %gather3A_2120 : vector<16xf32>
    %add3A_2122 = arith.constant 3 : i32
    %add3A_2123 = arith.addi %select_n3A, %add3A_2122 : i32
    %swap3A_2124 = arith.index_cast %add3A_2123 : i32 to index
    %swap3A_2125 = arith.constant 0 : index
    %swap3A_2126 = tpu.vector_load %arg8[%swap3A_2124, %swap3A_2125] {strides = array<i32>} : memref<256x16xf32, #tpu.memory_space<vmem>>, vector<16xf32>,
    tpu.vector_store %arg8[%swap3A_2124, %swap3A_2125], %add3A_2121 {strides = array<i32>} : memref<256x16xf32, #tpu.memory_space<vmem>>, vector<16xf32>,
    %add3A_2127 = arith.constant 4 : i32
    %add3A_2128 = arith.addi %select_n3A, %add3A_2127 : i32
    %get3A_2129 = arith.index_cast %add3A_2128 : i32 to index
    %get3A_2130 = arith.constant 0 : index
    %get3A_2131 = tpu.vector_load %arg8[%get3A_2129, %get3A_2130] {strides = array<i32>} : memref<256x16xf32, #tpu.memory_space<vmem>>, vector<16xf32>,
    %get3A_2132 = arith.constant 0 : i32
    %get3A_2133 = arith.index_cast %get3A_2132 : i32 to index
    %get3A_2134 = arith.constant 64 : index
    %get3A_2135 = tpu.vector_load %arg9[%get3A_2133, %get3A_2134] {strides = array<i32>} : memref<26x128xi32, #tpu.memory_space<vmem>>, vector<16xi32>,
    %gather3A_2136 = tpu.vector_load_idx %arg10[%get3A_2135] : memref<26000xf32, #tpu.memory_space<vmem>>[vector<16xi32>], vector<16xf32>,
    %add3A_2137 = arith.addf %get3A_2131, %gather3A_2136 : vector<16xf32>
    %get3A_2138 = arith.constant 1 : i32
    %get3A_2139 = arith.index_cast %get3A_2138 : i32 to index
    %get3A_2140 = arith.constant 64 : index
    %get3A_2141 = tpu.vector_load %arg9[%get3A_2139, %get3A_2140] {strides = array<i32>} : memref<26x128xi32, #tpu.memory_space<vmem>>, vector<16xi32>,
    %gather3A_2142 = tpu.vector_load_idx %arg10[%get3A_2141] : memref<26000xf32, #tpu.memory_space<vmem>>[vector<16xi32>], vector<16xf32>,
    %add3A_2143 = arith.addf %add3A_2137, %gather3A_2142 : vector<16xf32>
    %get3A_2144 = arith.constant 2 : i32
    %get3A_2145 = arith.index_cast %get3A_2144 : i32 to index
    %get3A_2146 = arith.constant 64 : index
    %get3A_2147 = tpu.vector_load %arg9[%get3A_2145, %get3A_2146] {strides = array<i32>} : memref<26x128xi32, #tpu.memory_space<vmem>>, vector<16xi32>,
    %gather3A_2148 = tpu.vector_load_idx %arg10[%get3A_2147] : memref<26000xf32, #tpu.memory_space<vmem>>[vector<16xi32>], vector<16xf32>,
    %add3A_2149 = arith.addf %add3A_2143, %gather3A_2148 : vector<16xf32>
    %get3A_2150 = arith.constant 3 : i32
    %get3A_2151 = arith.index_cast %get3A_2150 : i32 to index
    %get3A_2152 = arith.constant 64 : index
    %get3A_2153 = tpu.vector_load %arg9[%get3A_2151, %get3A_2152] {strides = array<i32>} : memref<26x128xi32, #tpu.memory_space<vmem>>, vector<16xi32>,
    %gather3A_2154 = tpu.vector_load_idx %arg10[%get3A_2153] : memref<26000xf32, #tpu.memory_space<vmem>>[vector<16xi32>], vector<16xf32>,
    %add3A_2155 = arith.addf %add3A_2149, %gather3A_2154 : vector<16xf32>
    %get3A_2156 = arith.constant 4 : i32
    %get3A_2157 = arith.index_cast %get3A_2156 : i32 to index
    %get3A_2158 = arith.constant 64 : index
    %get3A_2159 = tpu.vector_load %arg9[%get3A_2157, %get3A_2158] {strides = array<i32>} : memref<26x128xi32, #tpu.memory_space<vmem>>, vector<16xi32>,
    %gather3A_2160 = tpu.vector_load_idx %arg10[%get3A_2159] : memref<26000xf32, #tpu.memory_space<vmem>>[vector<16xi32>], vector<16xf32>,
    %add3A_2161 = arith.addf %add3A_2155, %gather3A_2160 : vector<16xf32>
    %get3A_2162 = arith.constant 5 : i32
    %get3A_2163 = arith.index_cast %get3A_2162 : i32 to index
    %get3A_2164 = arith.constant 64 : index
    %get3A_2165 = tpu.vector_load %arg9[%get3A_2163, %get3A_2164] {strides = array<i32>} : memref<26x128xi32, #tpu.memory_space<vmem>>, vector<16xi32>,
    %gather3A_2166 = tpu.vector_load_idx %arg10[%get3A_2165] : memref<26000xf32, #tpu.memory_space<vmem>>[vector<16xi32>], vector<16xf32>,
    %add3A_2167 = arith.addf %add3A_2161, %gather3A_2166 : vector<16xf32>
    %get3A_2168 = arith.constant 6 : i32
    %get3A_2169 = arith.index_cast %get3A_2168 : i32 to index
    %get3A_2170 = arith.constant 64 : index
    %get3A_2171 = tpu.vector_load %arg9[%get3A_2169, %get3A_2170] {strides = array<i32>} : memref<26x128xi32, #tpu.memory_space<vmem>>, vector<16xi32>,
    %gather3A_2172 = tpu.vector_load_idx %arg10[%get3A_2171] : memref<26000xf32, #tpu.memory_space<vmem>>[vector<16xi32>], vector<16xf32>,
    %add3A_2173 = arith.addf %add3A_2167, %gather3A_2172 : vector<16xf32>
    %get3A_2174 = arith.constant 7 : i32
    %get3A_2175 = arith.index_cast %get3A_2174 : i32 to index
    %get3A_2176 = arith.constant 64 : index
    %get3A_2177 = tpu.vector_load %arg9[%get3A_2175, %get3A_2176] {strides = array<i32>} : memref<26x128xi32, #tpu.memory_space<vmem>>, vector<16xi32>,
    %gather3A_2178 = tpu.vector_load_idx %arg10[%get3A_2177] : memref<26000xf32, #tpu.memory_space<vmem>>[vector<16xi32>], vector<16xf32>,
    %add3A_2179 = arith.addf %add3A_2173, %gather3A_2178 : vector<16xf32>
    %get3A_2180 = arith.constant 8 : i32
    %get3A_2181 = arith.index_cast %get3A_2180 : i32 to index
    %get3A_2182 = arith.constant 64 : index
    %get3A_2183 = tpu.vector_load %arg9[%get3A_2181, %get3A_2182] {strides = array<i32>} : memref<26x128xi32, #tpu.memory_space<vmem>>, vector<16xi32>,
    %gather3A_2184 = tpu.vector_load_idx %arg10[%get3A_2183] : memref<26000xf32, #tpu.memory_space<vmem>>[vector<16xi32>], vector<16xf32>,
    %add3A_2185 = arith.addf %add3A_2179, %gather3A_2184 : vector<16xf32>
    %get3A_2186 = arith.constant 9 : i32
    %get3A_2187 = arith.index_cast %get3A_2186 : i32 to index
    %get3A_2188 = arith.constant 64 : index
    %get3A_2189 = tpu.vector_load %arg9[%get3A_2187, %get3A_2188] {strides = array<i32>} : memref<26x128xi32, #tpu.memory_space<vmem>>, vector<16xi32>,
    %gather3A_2190 = tpu.vector_load_idx %arg10[%get3A_2189] : memref<26000xf32, #tpu.memory_space<vmem>>[vector<16xi32>], vector<16xf32>,
    %add3A_2191 = arith.addf %add3A_2185, %gather3A_2190 : vector<16xf32>
    %get3A_2192 = arith.constant 10 : i32
    %get3A_2193 = arith.index_cast %get3A_2192 : i32 to index
    %get3A_2194 = arith.constant 64 : index
    %get3A_2195 = tpu.vector_load %arg9[%get3A_2193, %get3A_2194] {strides = array<i32>} : memref<26x128xi32, #tpu.memory_space<vmem>>, vector<16xi32>,
    %gather3A_2196 = tpu.vector_load_idx %arg10[%get3A_2195] : memref<26000xf32, #tpu.memory_space<vmem>>[vector<16xi32>], vector<16xf32>,
    %add3A_2197 = arith.addf %add3A_2191, %gather3A_2196 : vector<16xf32>
    %get3A_2198 = arith.constant 11 : i32
    %get3A_2199 = arith.index_cast %get3A_2198 : i32 to index
    %get3A_2200 = arith.constant 64 : index
    %get3A_2201 = tpu.vector_load %arg9[%get3A_2199, %get3A_2200] {strides = array<i32>} : memref<26x128xi32, #tpu.memory_space<vmem>>, vector<16xi32>,
    %gather3A_2202 = tpu.vector_load_idx %arg10[%get3A_2201] : memref<26000xf32, #tpu.memory_space<vmem>>[vector<16xi32>], vector<16xf32>,
    %add3A_2203 = arith.addf %add3A_2197, %gather3A_2202 : vector<16xf32>
    %get3A_2204 = arith.constant 12 : i32
    %get3A_2205 = arith.index_cast %get3A_2204 : i32 to index
    %get3A_2206 = arith.constant 64 : index
    %get3A_2207 = tpu.vector_load %arg9[%get3A_2205, %get3A_2206] {strides = array<i32>} : memref<26x128xi32, #tpu.memory_space<vmem>>, vector<16xi32>,
    %gather3A_2208 = tpu.vector_load_idx %arg10[%get3A_2207] : memref<26000xf32, #tpu.memory_space<vmem>>[vector<16xi32>], vector<16xf32>,
    %add3A_2209 = arith.addf %add3A_2203, %gather3A_2208 : vector<16xf32>
    %get3A_2210 = arith.constant 13 : i32
    %get3A_2211 = arith.index_cast %get3A_2210 : i32 to index
    %get3A_2212 = arith.constant 64 : index
    %get3A_2213 = tpu.vector_load %arg9[%get3A_2211, %get3A_2212] {strides = array<i32>} : memref<26x128xi32, #tpu.memory_space<vmem>>, vector<16xi32>,
    %gather3A_2214 = tpu.vector_load_idx %arg10[%get3A_2213] : memref<26000xf32, #tpu.memory_space<vmem>>[vector<16xi32>], vector<16xf32>,
    %add3A_2215 = arith.addf %add3A_2209, %gather3A_2214 : vector<16xf32>
    %get3A_2216 = arith.constant 14 : i32
    %get3A_2217 = arith.index_cast %get3A_2216 : i32 to index
    %get3A_2218 = arith.constant 64 : index
    %get3A_2219 = tpu.vector_load %arg9[%get3A_2217, %get3A_2218] {strides = array<i32>} : memref<26x128xi32, #tpu.memory_space<vmem>>, vector<16xi32>,
    %gather3A_2220 = tpu.vector_load_idx %arg10[%get3A_2219] : memref<26000xf32, #tpu.memory_space<vmem>>[vector<16xi32>], vector<16xf32>,
    %add3A_2221 = arith.addf %add3A_2215, %gather3A_2220 : vector<16xf32>
    %get3A_2222 = arith.constant 15 : i32
    %get3A_2223 = arith.index_cast %get3A_2222 : i32 to index
    %get3A_2224 = arith.constant 64 : index
    %get3A_2225 = tpu.vector_load %arg9[%get3A_2223, %get3A_2224] {strides = array<i32>} : memref<26x128xi32, #tpu.memory_space<vmem>>, vector<16xi32>,
    %gather3A_2226 = tpu.vector_load_idx %arg10[%get3A_2225] : memref<26000xf32, #tpu.memory_space<vmem>>[vector<16xi32>], vector<16xf32>,
    %add3A_2227 = arith.addf %add3A_2221, %gather3A_2226 : vector<16xf32>
    %get3A_2228 = arith.constant 16 : i32
    %get3A_2229 = arith.index_cast %get3A_2228 : i32 to index
    %get3A_2230 = arith.constant 64 : index
    %get3A_2231 = tpu.vector_load %arg9[%get3A_2229, %get3A_2230] {strides = array<i32>} : memref<26x128xi32, #tpu.memory_space<vmem>>, vector<16xi32>,
    %gather3A_2232 = tpu.vector_load_idx %arg10[%get3A_2231] : memref<26000xf32, #tpu.memory_space<vmem>>[vector<16xi32>], vector<16xf32>,
    %add3A_2233 = arith.addf %add3A_2227, %gather3A_2232 : vector<16xf32>
    %get3A_2234 = arith.constant 17 : i32
    %get3A_2235 = arith.index_cast %get3A_2234 : i32 to index
    %get3A_2236 = arith.constant 64 : index
    %get3A_2237 = tpu.vector_load %arg9[%get3A_2235, %get3A_2236] {strides = array<i32>} : memref<26x128xi32, #tpu.memory_space<vmem>>, vector<16xi32>,
    %gather3A_2238 = tpu.vector_load_idx %arg10[%get3A_2237] : memref<26000xf32, #tpu.memory_space<vmem>>[vector<16xi32>], vector<16xf32>,
    %add3A_2239 = arith.addf %add3A_2233, %gather3A_2238 : vector<16xf32>
    %get3A_2240 = arith.constant 18 : i32
    %get3A_2241 = arith.index_cast %get3A_2240 : i32 to index
    %get3A_2242 = arith.constant 64 : index
    %get3A_2243 = tpu.vector_load %arg9[%get3A_2241, %get3A_2242] {strides = array<i32>} : memref<26x128xi32, #tpu.memory_space<vmem>>, vector<16xi32>,
    %gather3A_2244 = tpu.vector_load_idx %arg10[%get3A_2243] : memref<26000xf32, #tpu.memory_space<vmem>>[vector<16xi32>], vector<16xf32>,
    %add3A_2245 = arith.addf %add3A_2239, %gather3A_2244 : vector<16xf32>
    %get3A_2246 = arith.constant 19 : i32
    %get3A_2247 = arith.index_cast %get3A_2246 : i32 to index
    %get3A_2248 = arith.constant 64 : index
    %get3A_2249 = tpu.vector_load %arg9[%get3A_2247, %get3A_2248] {strides = array<i32>} : memref<26x128xi32, #tpu.memory_space<vmem>>, vector<16xi32>,
    %gather3A_2250 = tpu.vector_load_idx %arg10[%get3A_2249] : memref<26000xf32, #tpu.memory_space<vmem>>[vector<16xi32>], vector<16xf32>,
    %add3A_2251 = arith.addf %add3A_2245, %gather3A_2250 : vector<16xf32>
    %get3A_2252 = arith.constant 20 : i32
    %get3A_2253 = arith.index_cast %get3A_2252 : i32 to index
    %get3A_2254 = arith.constant 64 : index
    %get3A_2255 = tpu.vector_load %arg9[%get3A_2253, %get3A_2254] {strides = array<i32>} : memref<26x128xi32, #tpu.memory_space<vmem>>, vector<16xi32>,
    %gather3A_2256 = tpu.vector_load_idx %arg10[%get3A_2255] : memref<26000xf32, #tpu.memory_space<vmem>>[vector<16xi32>], vector<16xf32>,
    %add3A_2257 = arith.addf %add3A_2251, %gather3A_2256 : vector<16xf32>
    %get3A_2258 = arith.constant 21 : i32
    %get3A_2259 = arith.index_cast %get3A_2258 : i32 to index
    %get3A_2260 = arith.constant 64 : index
    %get3A_2261 = tpu.vector_load %arg9[%get3A_2259, %get3A_2260] {strides = array<i32>} : memref<26x128xi32, #tpu.memory_space<vmem>>, vector<16xi32>,
    %gather3A_2262 = tpu.vector_load_idx %arg10[%get3A_2261] : memref<26000xf32, #tpu.memory_space<vmem>>[vector<16xi32>], vector<16xf32>,
    %add3A_2263 = arith.addf %add3A_2257, %gather3A_2262 : vector<16xf32>
    %get3A_2264 = arith.constant 22 : i32
    %get3A_2265 = arith.index_cast %get3A_2264 : i32 to index
    %get3A_2266 = arith.constant 64 : index
    %get3A_2267 = tpu.vector_load %arg9[%get3A_2265, %get3A_2266] {strides = array<i32>} : memref<26x128xi32, #tpu.memory_space<vmem>>, vector<16xi32>,
    %gather3A_2268 = tpu.vector_load_idx %arg10[%get3A_2267] : memref<26000xf32, #tpu.memory_space<vmem>>[vector<16xi32>], vector<16xf32>,
    %add3A_2269 = arith.addf %add3A_2263, %gather3A_2268 : vector<16xf32>
    %get3A_2270 = arith.constant 23 : i32
    %get3A_2271 = arith.index_cast %get3A_2270 : i32 to index
    %get3A_2272 = arith.constant 64 : index
    %get3A_2273 = tpu.vector_load %arg9[%get3A_2271, %get3A_2272] {strides = array<i32>} : memref<26x128xi32, #tpu.memory_space<vmem>>, vector<16xi32>,
    %gather3A_2274 = tpu.vector_load_idx %arg10[%get3A_2273] : memref<26000xf32, #tpu.memory_space<vmem>>[vector<16xi32>], vector<16xf32>,
    %add3A_2275 = arith.addf %add3A_2269, %gather3A_2274 : vector<16xf32>
    %get3A_2276 = arith.constant 24 : i32
    %get3A_2277 = arith.index_cast %get3A_2276 : i32 to index
    %get3A_2278 = arith.constant 64 : index
    %get3A_2279 = tpu.vector_load %arg9[%get3A_2277, %get3A_2278] {strides = array<i32>} : memref<26x128xi32, #tpu.memory_space<vmem>>, vector<16xi32>,
    %gather3A_2280 = tpu.vector_load_idx %arg10[%get3A_2279] : memref<26000xf32, #tpu.memory_space<vmem>>[vector<16xi32>], vector<16xf32>,
    %add3A_2281 = arith.addf %add3A_2275, %gather3A_2280 : vector<16xf32>
    %get3A_2282 = arith.constant 25 : i32
    %get3A_2283 = arith.index_cast %get3A_2282 : i32 to index
    %get3A_2284 = arith.constant 64 : index
    %get3A_2285 = tpu.vector_load %arg9[%get3A_2283, %get3A_2284] {strides = array<i32>} : memref<26x128xi32, #tpu.memory_space<vmem>>, vector<16xi32>,
    %gather3A_2286 = tpu.vector_load_idx %arg10[%get3A_2285] : memref<26000xf32, #tpu.memory_space<vmem>>[vector<16xi32>], vector<16xf32>,
    %add3A_2287 = arith.addf %add3A_2281, %gather3A_2286 : vector<16xf32>
    %add3A_2288 = arith.constant 4 : i32
    %add3A_2289 = arith.addi %select_n3A, %add3A_2288 : i32
    %swap3A_2290 = arith.index_cast %add3A_2289 : i32 to index
    %swap3A_2291 = arith.constant 0 : index
    %swap3A_2292 = tpu.vector_load %arg8[%swap3A_2290, %swap3A_2291] {strides = array<i32>} : memref<256x16xf32, #tpu.memory_space<vmem>>, vector<16xf32>,
    tpu.vector_store %arg8[%swap3A_2290, %swap3A_2291], %add3A_2287 {strides = array<i32>} : memref<256x16xf32, #tpu.memory_space<vmem>>, vector<16xf32>,
    %add3A_2293 = arith.constant 5 : i32
    %add3A_2294 = arith.addi %select_n3A, %add3A_2293 : i32
    %get3A_2295 = arith.index_cast %add3A_2294 : i32 to index
    %get3A_2296 = arith.constant 0 : index
    %get3A_2297 = tpu.vector_load %arg8[%get3A_2295, %get3A_2296] {strides = array<i32>} : memref<256x16xf32, #tpu.memory_space<vmem>>, vector<16xf32>,
    %get3A_2298 = arith.constant 0 : i32
    %get3A_2299 = arith.index_cast %get3A_2298 : i32 to index
    %get3A_2300 = arith.constant 80 : index
    %get3A_2301 = tpu.vector_load %arg9[%get3A_2299, %get3A_2300] {strides = array<i32>} : memref<26x128xi32, #tpu.memory_space<vmem>>, vector<16xi32>,
    %gather3A_2302 = tpu.vector_load_idx %arg10[%get3A_2301] : memref<26000xf32, #tpu.memory_space<vmem>>[vector<16xi32>], vector<16xf32>,
    %add3A_2303 = arith.addf %get3A_2297, %gather3A_2302 : vector<16xf32>
    %get3A_2304 = arith.constant 1 : i32
    %get3A_2305 = arith.index_cast %get3A_2304 : i32 to index
    %get3A_2306 = arith.constant 80 : index
    %get3A_2307 = tpu.vector_load %arg9[%get3A_2305, %get3A_2306] {strides = array<i32>} : memref<26x128xi32, #tpu.memory_space<vmem>>, vector<16xi32>,
    %gather3A_2308 = tpu.vector_load_idx %arg10[%get3A_2307] : memref<26000xf32, #tpu.memory_space<vmem>>[vector<16xi32>], vector<16xf32>,
    %add3A_2309 = arith.addf %add3A_2303, %gather3A_2308 : vector<16xf32>
    %get3A_2310 = arith.constant 2 : i32
    %get3A_2311 = arith.index_cast %get3A_2310 : i32 to index
    %get3A_2312 = arith.constant 80 : index
    %get3A_2313 = tpu.vector_load %arg9[%get3A_2311, %get3A_2312] {strides = array<i32>} : memref<26x128xi32, #tpu.memory_space<vmem>>, vector<16xi32>,
    %gather3A_2314 = tpu.vector_load_idx %arg10[%get3A_2313] : memref<26000xf32, #tpu.memory_space<vmem>>[vector<16xi32>], vector<16xf32>,
    %add3A_2315 = arith.addf %add3A_2309, %gather3A_2314 : vector<16xf32>
    %get3A_2316 = arith.constant 3 : i32
    %get3A_2317 = arith.index_cast %get3A_2316 : i32 to index
    %get3A_2318 = arith.constant 80 : index
    %get3A_2319 = tpu.vector_load %arg9[%get3A_2317, %get3A_2318] {strides = array<i32>} : memref<26x128xi32, #tpu.memory_space<vmem>>, vector<16xi32>,
    %gather3A_2320 = tpu.vector_load_idx %arg10[%get3A_2319] : memref<26000xf32, #tpu.memory_space<vmem>>[vector<16xi32>], vector<16xf32>,
    %add3A_2321 = arith.addf %add3A_2315, %gather3A_2320 : vector<16xf32>
    %get3A_2322 = arith.constant 4 : i32
    %get3A_2323 = arith.index_cast %get3A_2322 : i32 to index
    %get3A_2324 = arith.constant 80 : index
    %get3A_2325 = tpu.vector_load %arg9[%get3A_2323, %get3A_2324] {strides = array<i32>} : memref<26x128xi32, #tpu.memory_space<vmem>>, vector<16xi32>,
    %gather3A_2326 = tpu.vector_load_idx %arg10[%get3A_2325] : memref<26000xf32, #tpu.memory_space<vmem>>[vector<16xi32>], vector<16xf32>,
    %add3A_2327 = arith.addf %add3A_2321, %gather3A_2326 : vector<16xf32>
    %get3A_2328 = arith.constant 5 : i32
    %get3A_2329 = arith.index_cast %get3A_2328 : i32 to index
    %get3A_2330 = arith.constant 80 : index
    %get3A_2331 = tpu.vector_load %arg9[%get3A_2329, %get3A_2330] {strides = array<i32>} : memref<26x128xi32, #tpu.memory_space<vmem>>, vector<16xi32>,
    %gather3A_2332 = tpu.vector_load_idx %arg10[%get3A_2331] : memref<26000xf32, #tpu.memory_space<vmem>>[vector<16xi32>], vector<16xf32>,
    %add3A_2333 = arith.addf %add3A_2327, %gather3A_2332 : vector<16xf32>
    %get3A_2334 = arith.constant 6 : i32
    %get3A_2335 = arith.index_cast %get3A_2334 : i32 to index
    %get3A_2336 = arith.constant 80 : index
    %get3A_2337 = tpu.vector_load %arg9[%get3A_2335, %get3A_2336] {strides = array<i32>} : memref<26x128xi32, #tpu.memory_space<vmem>>, vector<16xi32>,
    %gather3A_2338 = tpu.vector_load_idx %arg10[%get3A_2337] : memref<26000xf32, #tpu.memory_space<vmem>>[vector<16xi32>], vector<16xf32>,
    %add3A_2339 = arith.addf %add3A_2333, %gather3A_2338 : vector<16xf32>
    %get3A_2340 = arith.constant 7 : i32
    %get3A_2341 = arith.index_cast %get3A_2340 : i32 to index
    %get3A_2342 = arith.constant 80 : index
    %get3A_2343 = tpu.vector_load %arg9[%get3A_2341, %get3A_2342] {strides = array<i32>} : memref<26x128xi32, #tpu.memory_space<vmem>>, vector<16xi32>,
    %gather3A_2344 = tpu.vector_load_idx %arg10[%get3A_2343] : memref<26000xf32, #tpu.memory_space<vmem>>[vector<16xi32>], vector<16xf32>,
    %add3A_2345 = arith.addf %add3A_2339, %gather3A_2344 : vector<16xf32>
    %get3A_2346 = arith.constant 8 : i32
    %get3A_2347 = arith.index_cast %get3A_2346 : i32 to index
    %get3A_2348 = arith.constant 80 : index
    %get3A_2349 = tpu.vector_load %arg9[%get3A_2347, %get3A_2348] {strides = array<i32>} : memref<26x128xi32, #tpu.memory_space<vmem>>, vector<16xi32>,
    %gather3A_2350 = tpu.vector_load_idx %arg10[%get3A_2349] : memref<26000xf32, #tpu.memory_space<vmem>>[vector<16xi32>], vector<16xf32>,
    %add3A_2351 = arith.addf %add3A_2345, %gather3A_2350 : vector<16xf32>
    %get3A_2352 = arith.constant 9 : i32
    %get3A_2353 = arith.index_cast %get3A_2352 : i32 to index
    %get3A_2354 = arith.constant 80 : index
    %get3A_2355 = tpu.vector_load %arg9[%get3A_2353, %get3A_2354] {strides = array<i32>} : memref<26x128xi32, #tpu.memory_space<vmem>>, vector<16xi32>,
    %gather3A_2356 = tpu.vector_load_idx %arg10[%get3A_2355] : memref<26000xf32, #tpu.memory_space<vmem>>[vector<16xi32>], vector<16xf32>,
    %add3A_2357 = arith.addf %add3A_2351, %gather3A_2356 : vector<16xf32>
    %get3A_2358 = arith.constant 10 : i32
    %get3A_2359 = arith.index_cast %get3A_2358 : i32 to index
    %get3A_2360 = arith.constant 80 : index
    %get3A_2361 = tpu.vector_load %arg9[%get3A_2359, %get3A_2360] {strides = array<i32>} : memref<26x128xi32, #tpu.memory_space<vmem>>, vector<16xi32>,
    %gather3A_2362 = tpu.vector_load_idx %arg10[%get3A_2361] : memref<26000xf32, #tpu.memory_space<vmem>>[vector<16xi32>], vector<16xf32>,
    %add3A_2363 = arith.addf %add3A_2357, %gather3A_2362 : vector<16xf32>
    %get3A_2364 = arith.constant 11 : i32
    %get3A_2365 = arith.index_cast %get3A_2364 : i32 to index
    %get3A_2366 = arith.constant 80 : index
    %get3A_2367 = tpu.vector_load %arg9[%get3A_2365, %get3A_2366] {strides = array<i32>} : memref<26x128xi32, #tpu.memory_space<vmem>>, vector<16xi32>,
    %gather3A_2368 = tpu.vector_load_idx %arg10[%get3A_2367] : memref<26000xf32, #tpu.memory_space<vmem>>[vector<16xi32>], vector<16xf32>,
    %add3A_2369 = arith.addf %add3A_2363, %gather3A_2368 : vector<16xf32>
    %get3A_2370 = arith.constant 12 : i32
    %get3A_2371 = arith.index_cast %get3A_2370 : i32 to index
    %get3A_2372 = arith.constant 80 : index
    %get3A_2373 = tpu.vector_load %arg9[%get3A_2371, %get3A_2372] {strides = array<i32>} : memref<26x128xi32, #tpu.memory_space<vmem>>, vector<16xi32>,
    %gather3A_2374 = tpu.vector_load_idx %arg10[%get3A_2373] : memref<26000xf32, #tpu.memory_space<vmem>>[vector<16xi32>], vector<16xf32>,
    %add3A_2375 = arith.addf %add3A_2369, %gather3A_2374 : vector<16xf32>
    %get3A_2376 = arith.constant 13 : i32
    %get3A_2377 = arith.index_cast %get3A_2376 : i32 to index
    %get3A_2378 = arith.constant 80 : index
    %get3A_2379 = tpu.vector_load %arg9[%get3A_2377, %get3A_2378] {strides = array<i32>} : memref<26x128xi32, #tpu.memory_space<vmem>>, vector<16xi32>,
    %gather3A_2380 = tpu.vector_load_idx %arg10[%get3A_2379] : memref<26000xf32, #tpu.memory_space<vmem>>[vector<16xi32>], vector<16xf32>,
    %add3A_2381 = arith.addf %add3A_2375, %gather3A_2380 : vector<16xf32>
    %get3A_2382 = arith.constant 14 : i32
    %get3A_2383 = arith.index_cast %get3A_2382 : i32 to index
    %get3A_2384 = arith.constant 80 : index
    %get3A_2385 = tpu.vector_load %arg9[%get3A_2383, %get3A_2384] {strides = array<i32>} : memref<26x128xi32, #tpu.memory_space<vmem>>, vector<16xi32>,
    %gather3A_2386 = tpu.vector_load_idx %arg10[%get3A_2385] : memref<26000xf32, #tpu.memory_space<vmem>>[vector<16xi32>], vector<16xf32>,
    %add3A_2387 = arith.addf %add3A_2381, %gather3A_2386 : vector<16xf32>
    %get3A_2388 = arith.constant 15 : i32
    %get3A_2389 = arith.index_cast %get3A_2388 : i32 to index
    %get3A_2390 = arith.constant 80 : index
    %get3A_2391 = tpu.vector_load %arg9[%get3A_2389, %get3A_2390] {strides = array<i32>} : memref<26x128xi32, #tpu.memory_space<vmem>>, vector<16xi32>,
    %gather3A_2392 = tpu.vector_load_idx %arg10[%get3A_2391] : memref<26000xf32, #tpu.memory_space<vmem>>[vector<16xi32>], vector<16xf32>,
    %add3A_2393 = arith.addf %add3A_2387, %gather3A_2392 : vector<16xf32>
    %get3A_2394 = arith.constant 16 : i32
    %get3A_2395 = arith.index_cast %get3A_2394 : i32 to index
    %get3A_2396 = arith.constant 80 : index
    %get3A_2397 = tpu.vector_load %arg9[%get3A_2395, %get3A_2396] {strides = array<i32>} : memref<26x128xi32, #tpu.memory_space<vmem>>, vector<16xi32>,
    %gather3A_2398 = tpu.vector_load_idx %arg10[%get3A_2397] : memref<26000xf32, #tpu.memory_space<vmem>>[vector<16xi32>], vector<16xf32>,
    %add3A_2399 = arith.addf %add3A_2393, %gather3A_2398 : vector<16xf32>
    %get3A_2400 = arith.constant 17 : i32
    %get3A_2401 = arith.index_cast %get3A_2400 : i32 to index
    %get3A_2402 = arith.constant 80 : index
    %get3A_2403 = tpu.vector_load %arg9[%get3A_2401, %get3A_2402] {strides = array<i32>} : memref<26x128xi32, #tpu.memory_space<vmem>>, vector<16xi32>,
    %gather3A_2404 = tpu.vector_load_idx %arg10[%get3A_2403] : memref<26000xf32, #tpu.memory_space<vmem>>[vector<16xi32>], vector<16xf32>,
    %add3A_2405 = arith.addf %add3A_2399, %gather3A_2404 : vector<16xf32>
    %get3A_2406 = arith.constant 18 : i32
    %get3A_2407 = arith.index_cast %get3A_2406 : i32 to index
    %get3A_2408 = arith.constant 80 : index
    %get3A_2409 = tpu.vector_load %arg9[%get3A_2407, %get3A_2408] {strides = array<i32>} : memref<26x128xi32, #tpu.memory_space<vmem>>, vector<16xi32>,
    %gather3A_2410 = tpu.vector_load_idx %arg10[%get3A_2409] : memref<26000xf32, #tpu.memory_space<vmem>>[vector<16xi32>], vector<16xf32>,
    %add3A_2411 = arith.addf %add3A_2405, %gather3A_2410 : vector<16xf32>
    %get3A_2412 = arith.constant 19 : i32
    %get3A_2413 = arith.index_cast %get3A_2412 : i32 to index
    %get3A_2414 = arith.constant 80 : index
    %get3A_2415 = tpu.vector_load %arg9[%get3A_2413, %get3A_2414] {strides = array<i32>} : memref<26x128xi32, #tpu.memory_space<vmem>>, vector<16xi32>,
    %gather3A_2416 = tpu.vector_load_idx %arg10[%get3A_2415] : memref<26000xf32, #tpu.memory_space<vmem>>[vector<16xi32>], vector<16xf32>,
    %add3A_2417 = arith.addf %add3A_2411, %gather3A_2416 : vector<16xf32>
    %get3A_2418 = arith.constant 20 : i32
    %get3A_2419 = arith.index_cast %get3A_2418 : i32 to index
    %get3A_2420 = arith.constant 80 : index
    %get3A_2421 = tpu.vector_load %arg9[%get3A_2419, %get3A_2420] {strides = array<i32>} : memref<26x128xi32, #tpu.memory_space<vmem>>, vector<16xi32>,
    %gather3A_2422 = tpu.vector_load_idx %arg10[%get3A_2421] : memref<26000xf32, #tpu.memory_space<vmem>>[vector<16xi32>], vector<16xf32>,
    %add3A_2423 = arith.addf %add3A_2417, %gather3A_2422 : vector<16xf32>
    %get3A_2424 = arith.constant 21 : i32
    %get3A_2425 = arith.index_cast %get3A_2424 : i32 to index
    %get3A_2426 = arith.constant 80 : index
    %get3A_2427 = tpu.vector_load %arg9[%get3A_2425, %get3A_2426] {strides = array<i32>} : memref<26x128xi32, #tpu.memory_space<vmem>>, vector<16xi32>,
    %gather3A_2428 = tpu.vector_load_idx %arg10[%get3A_2427] : memref<26000xf32, #tpu.memory_space<vmem>>[vector<16xi32>], vector<16xf32>,
    %add3A_2429 = arith.addf %add3A_2423, %gather3A_2428 : vector<16xf32>
    %get3A_2430 = arith.constant 22 : i32
    %get3A_2431 = arith.index_cast %get3A_2430 : i32 to index
    %get3A_2432 = arith.constant 80 : index
    %get3A_2433 = tpu.vector_load %arg9[%get3A_2431, %get3A_2432] {strides = array<i32>} : memref<26x128xi32, #tpu.memory_space<vmem>>, vector<16xi32>,
    %gather3A_2434 = tpu.vector_load_idx %arg10[%get3A_2433] : memref<26000xf32, #tpu.memory_space<vmem>>[vector<16xi32>], vector<16xf32>,
    %add3A_2435 = arith.addf %add3A_2429, %gather3A_2434 : vector<16xf32>
    %get3A_2436 = arith.constant 23 : i32
    %get3A_2437 = arith.index_cast %get3A_2436 : i32 to index
    %get3A_2438 = arith.constant 80 : index
    %get3A_2439 = tpu.vector_load %arg9[%get3A_2437, %get3A_2438] {strides = array<i32>} : memref<26x128xi32, #tpu.memory_space<vmem>>, vector<16xi32>,
    %gather3A_2440 = tpu.vector_load_idx %arg10[%get3A_2439] : memref<26000xf32, #tpu.memory_space<vmem>>[vector<16xi32>], vector<16xf32>,
    %add3A_2441 = arith.addf %add3A_2435, %gather3A_2440 : vector<16xf32>
    %get3A_2442 = arith.constant 24 : i32
    %get3A_2443 = arith.index_cast %get3A_2442 : i32 to index
    %get3A_2444 = arith.constant 80 : index
    %get3A_2445 = tpu.vector_load %arg9[%get3A_2443, %get3A_2444] {strides = array<i32>} : memref<26x128xi32, #tpu.memory_space<vmem>>, vector<16xi32>,
    %gather3A_2446 = tpu.vector_load_idx %arg10[%get3A_2445] : memref<26000xf32, #tpu.memory_space<vmem>>[vector<16xi32>], vector<16xf32>,
    %add3A_2447 = arith.addf %add3A_2441, %gather3A_2446 : vector<16xf32>
    %get3A_2448 = arith.constant 25 : i32
    %get3A_2449 = arith.index_cast %get3A_2448 : i32 to index
    %get3A_2450 = arith.constant 80 : index
    %get3A_2451 = tpu.vector_load %arg9[%get3A_2449, %get3A_2450] {strides = array<i32>} : memref<26x128xi32, #tpu.memory_space<vmem>>, vector<16xi32>,
    %gather3A_2452 = tpu.vector_load_idx %arg10[%get3A_2451] : memref<26000xf32, #tpu.memory_space<vmem>>[vector<16xi32>], vector<16xf32>,
    %add3A_2453 = arith.addf %add3A_2447, %gather3A_2452 : vector<16xf32>
    %add3A_2454 = arith.constant 5 : i32
    %add3A_2455 = arith.addi %select_n3A, %add3A_2454 : i32
    %swap3A_2456 = arith.index_cast %add3A_2455 : i32 to index
    %swap3A_2457 = arith.constant 0 : index
    %swap3A_2458 = tpu.vector_load %arg8[%swap3A_2456, %swap3A_2457] {strides = array<i32>} : memref<256x16xf32, #tpu.memory_space<vmem>>, vector<16xf32>,
    tpu.vector_store %arg8[%swap3A_2456, %swap3A_2457], %add3A_2453 {strides = array<i32>} : memref<256x16xf32, #tpu.memory_space<vmem>>, vector<16xf32>,
    %add3A_2459 = arith.constant 6 : i32
    %add3A_2460 = arith.addi %select_n3A, %add3A_2459 : i32
    %get3A_2461 = arith.index_cast %add3A_2460 : i32 to index
    %get3A_2462 = arith.constant 0 : index
    %get3A_2463 = tpu.vector_load %arg8[%get3A_2461, %get3A_2462] {strides = array<i32>} : memref<256x16xf32, #tpu.memory_space<vmem>>, vector<16xf32>,
    %get3A_2464 = arith.constant 0 : i32
    %get3A_2465 = arith.index_cast %get3A_2464 : i32 to index
    %get3A_2466 = arith.constant 96 : index
    %get3A_2467 = tpu.vector_load %arg9[%get3A_2465, %get3A_2466] {strides = array<i32>} : memref<26x128xi32, #tpu.memory_space<vmem>>, vector<16xi32>,
    %gather3A_2468 = tpu.vector_load_idx %arg10[%get3A_2467] : memref<26000xf32, #tpu.memory_space<vmem>>[vector<16xi32>], vector<16xf32>,
    %add3A_2469 = arith.addf %get3A_2463, %gather3A_2468 : vector<16xf32>
    %get3A_2470 = arith.constant 1 : i32
    %get3A_2471 = arith.index_cast %get3A_2470 : i32 to index
    %get3A_2472 = arith.constant 96 : index
    %get3A_2473 = tpu.vector_load %arg9[%get3A_2471, %get3A_2472] {strides = array<i32>} : memref<26x128xi32, #tpu.memory_space<vmem>>, vector<16xi32>,
    %gather3A_2474 = tpu.vector_load_idx %arg10[%get3A_2473] : memref<26000xf32, #tpu.memory_space<vmem>>[vector<16xi32>], vector<16xf32>,
    %add3A_2475 = arith.addf %add3A_2469, %gather3A_2474 : vector<16xf32>
    %get3A_2476 = arith.constant 2 : i32
    %get3A_2477 = arith.index_cast %get3A_2476 : i32 to index
    %get3A_2478 = arith.constant 96 : index
    %get3A_2479 = tpu.vector_load %arg9[%get3A_2477, %get3A_2478] {strides = array<i32>} : memref<26x128xi32, #tpu.memory_space<vmem>>, vector<16xi32>,
    %gather3A_2480 = tpu.vector_load_idx %arg10[%get3A_2479] : memref<26000xf32, #tpu.memory_space<vmem>>[vector<16xi32>], vector<16xf32>,
    %add3A_2481 = arith.addf %add3A_2475, %gather3A_2480 : vector<16xf32>
    %get3A_2482 = arith.constant 3 : i32
    %get3A_2483 = arith.index_cast %get3A_2482 : i32 to index
    %get3A_2484 = arith.constant 96 : index
    %get3A_2485 = tpu.vector_load %arg9[%get3A_2483, %get3A_2484] {strides = array<i32>} : memref<26x128xi32, #tpu.memory_space<vmem>>, vector<16xi32>,
    %gather3A_2486 = tpu.vector_load_idx %arg10[%get3A_2485] : memref<26000xf32, #tpu.memory_space<vmem>>[vector<16xi32>], vector<16xf32>,
    %add3A_2487 = arith.addf %add3A_2481, %gather3A_2486 : vector<16xf32>
    %get3A_2488 = arith.constant 4 : i32
    %get3A_2489 = arith.index_cast %get3A_2488 : i32 to index
    %get3A_2490 = arith.constant 96 : index
    %get3A_2491 = tpu.vector_load %arg9[%get3A_2489, %get3A_2490] {strides = array<i32>} : memref<26x128xi32, #tpu.memory_space<vmem>>, vector<16xi32>,
    %gather3A_2492 = tpu.vector_load_idx %arg10[%get3A_2491] : memref<26000xf32, #tpu.memory_space<vmem>>[vector<16xi32>], vector<16xf32>,
    %add3A_2493 = arith.addf %add3A_2487, %gather3A_2492 : vector<16xf32>
    %get3A_2494 = arith.constant 5 : i32
    %get3A_2495 = arith.index_cast %get3A_2494 : i32 to index
    %get3A_2496 = arith.constant 96 : index
    %get3A_2497 = tpu.vector_load %arg9[%get3A_2495, %get3A_2496] {strides = array<i32>} : memref<26x128xi32, #tpu.memory_space<vmem>>, vector<16xi32>,
    %gather3A_2498 = tpu.vector_load_idx %arg10[%get3A_2497] : memref<26000xf32, #tpu.memory_space<vmem>>[vector<16xi32>], vector<16xf32>,
    %add3A_2499 = arith.addf %add3A_2493, %gather3A_2498 : vector<16xf32>
    %get3A_2500 = arith.constant 6 : i32
    %get3A_2501 = arith.index_cast %get3A_2500 : i32 to index
    %get3A_2502 = arith.constant 96 : index
    %get3A_2503 = tpu.vector_load %arg9[%get3A_2501, %get3A_2502] {strides = array<i32>} : memref<26x128xi32, #tpu.memory_space<vmem>>, vector<16xi32>,
    %gather3A_2504 = tpu.vector_load_idx %arg10[%get3A_2503] : memref<26000xf32, #tpu.memory_space<vmem>>[vector<16xi32>], vector<16xf32>,
    %add3A_2505 = arith.addf %add3A_2499, %gather3A_2504 : vector<16xf32>
    %get3A_2506 = arith.constant 7 : i32
    %get3A_2507 = arith.index_cast %get3A_2506 : i32 to index
    %get3A_2508 = arith.constant 96 : index
    %get3A_2509 = tpu.vector_load %arg9[%get3A_2507, %get3A_2508] {strides = array<i32>} : memref<26x128xi32, #tpu.memory_space<vmem>>, vector<16xi32>,
    %gather3A_2510 = tpu.vector_load_idx %arg10[%get3A_2509] : memref<26000xf32, #tpu.memory_space<vmem>>[vector<16xi32>], vector<16xf32>,
    %add3A_2511 = arith.addf %add3A_2505, %gather3A_2510 : vector<16xf32>
    %get3A_2512 = arith.constant 8 : i32
    %get3A_2513 = arith.index_cast %get3A_2512 : i32 to index
    %get3A_2514 = arith.constant 96 : index
    %get3A_2515 = tpu.vector_load %arg9[%get3A_2513, %get3A_2514] {strides = array<i32>} : memref<26x128xi32, #tpu.memory_space<vmem>>, vector<16xi32>,
    %gather3A_2516 = tpu.vector_load_idx %arg10[%get3A_2515] : memref<26000xf32, #tpu.memory_space<vmem>>[vector<16xi32>], vector<16xf32>,
    %add3A_2517 = arith.addf %add3A_2511, %gather3A_2516 : vector<16xf32>
    %get3A_2518 = arith.constant 9 : i32
    %get3A_2519 = arith.index_cast %get3A_2518 : i32 to index
    %get3A_2520 = arith.constant 96 : index
    %get3A_2521 = tpu.vector_load %arg9[%get3A_2519, %get3A_2520] {strides = array<i32>} : memref<26x128xi32, #tpu.memory_space<vmem>>, vector<16xi32>,
    %gather3A_2522 = tpu.vector_load_idx %arg10[%get3A_2521] : memref<26000xf32, #tpu.memory_space<vmem>>[vector<16xi32>], vector<16xf32>,
    %add3A_2523 = arith.addf %add3A_2517, %gather3A_2522 : vector<16xf32>
    %get3A_2524 = arith.constant 10 : i32
    %get3A_2525 = arith.index_cast %get3A_2524 : i32 to index
    %get3A_2526 = arith.constant 96 : index
    %get3A_2527 = tpu.vector_load %arg9[%get3A_2525, %get3A_2526] {strides = array<i32>} : memref<26x128xi32, #tpu.memory_space<vmem>>, vector<16xi32>,
    %gather3A_2528 = tpu.vector_load_idx %arg10[%get3A_2527] : memref<26000xf32, #tpu.memory_space<vmem>>[vector<16xi32>], vector<16xf32>,
    %add3A_2529 = arith.addf %add3A_2523, %gather3A_2528 : vector<16xf32>
    %get3A_2530 = arith.constant 11 : i32
    %get3A_2531 = arith.index_cast %get3A_2530 : i32 to index
    %get3A_2532 = arith.constant 96 : index
    %get3A_2533 = tpu.vector_load %arg9[%get3A_2531, %get3A_2532] {strides = array<i32>} : memref<26x128xi32, #tpu.memory_space<vmem>>, vector<16xi32>,
    %gather3A_2534 = tpu.vector_load_idx %arg10[%get3A_2533] : memref<26000xf32, #tpu.memory_space<vmem>>[vector<16xi32>], vector<16xf32>,
    %add3A_2535 = arith.addf %add3A_2529, %gather3A_2534 : vector<16xf32>
    %get3A_2536 = arith.constant 12 : i32
    %get3A_2537 = arith.index_cast %get3A_2536 : i32 to index
    %get3A_2538 = arith.constant 96 : index
    %get3A_2539 = tpu.vector_load %arg9[%get3A_2537, %get3A_2538] {strides = array<i32>} : memref<26x128xi32, #tpu.memory_space<vmem>>, vector<16xi32>,
    %gather3A_2540 = tpu.vector_load_idx %arg10[%get3A_2539] : memref<26000xf32, #tpu.memory_space<vmem>>[vector<16xi32>], vector<16xf32>,
    %add3A_2541 = arith.addf %add3A_2535, %gather3A_2540 : vector<16xf32>
    %get3A_2542 = arith.constant 13 : i32
    %get3A_2543 = arith.index_cast %get3A_2542 : i32 to index
    %get3A_2544 = arith.constant 96 : index
    %get3A_2545 = tpu.vector_load %arg9[%get3A_2543, %get3A_2544] {strides = array<i32>} : memref<26x128xi32, #tpu.memory_space<vmem>>, vector<16xi32>,
    %gather3A_2546 = tpu.vector_load_idx %arg10[%get3A_2545] : memref<26000xf32, #tpu.memory_space<vmem>>[vector<16xi32>], vector<16xf32>,
    %add3A_2547 = arith.addf %add3A_2541, %gather3A_2546 : vector<16xf32>
    %get3A_2548 = arith.constant 14 : i32
    %get3A_2549 = arith.index_cast %get3A_2548 : i32 to index
    %get3A_2550 = arith.constant 96 : index
    %get3A_2551 = tpu.vector_load %arg9[%get3A_2549, %get3A_2550] {strides = array<i32>} : memref<26x128xi32, #tpu.memory_space<vmem>>, vector<16xi32>,
    %gather3A_2552 = tpu.vector_load_idx %arg10[%get3A_2551] : memref<26000xf32, #tpu.memory_space<vmem>>[vector<16xi32>], vector<16xf32>,
    %add3A_2553 = arith.addf %add3A_2547, %gather3A_2552 : vector<16xf32>
    %get3A_2554 = arith.constant 15 : i32
    %get3A_2555 = arith.index_cast %get3A_2554 : i32 to index
    %get3A_2556 = arith.constant 96 : index
    %get3A_2557 = tpu.vector_load %arg9[%get3A_2555, %get3A_2556] {strides = array<i32>} : memref<26x128xi32, #tpu.memory_space<vmem>>, vector<16xi32>,
    %gather3A_2558 = tpu.vector_load_idx %arg10[%get3A_2557] : memref<26000xf32, #tpu.memory_space<vmem>>[vector<16xi32>], vector<16xf32>,
    %add3A_2559 = arith.addf %add3A_2553, %gather3A_2558 : vector<16xf32>
    %get3A_2560 = arith.constant 16 : i32
    %get3A_2561 = arith.index_cast %get3A_2560 : i32 to index
    %get3A_2562 = arith.constant 96 : index
    %get3A_2563 = tpu.vector_load %arg9[%get3A_2561, %get3A_2562] {strides = array<i32>} : memref<26x128xi32, #tpu.memory_space<vmem>>, vector<16xi32>,
    %gather3A_2564 = tpu.vector_load_idx %arg10[%get3A_2563] : memref<26000xf32, #tpu.memory_space<vmem>>[vector<16xi32>], vector<16xf32>,
    %add3A_2565 = arith.addf %add3A_2559, %gather3A_2564 : vector<16xf32>
    %get3A_2566 = arith.constant 17 : i32
    %get3A_2567 = arith.index_cast %get3A_2566 : i32 to index
    %get3A_2568 = arith.constant 96 : index
    %get3A_2569 = tpu.vector_load %arg9[%get3A_2567, %get3A_2568] {strides = array<i32>} : memref<26x128xi32, #tpu.memory_space<vmem>>, vector<16xi32>,
    %gather3A_2570 = tpu.vector_load_idx %arg10[%get3A_2569] : memref<26000xf32, #tpu.memory_space<vmem>>[vector<16xi32>], vector<16xf32>,
    %add3A_2571 = arith.addf %add3A_2565, %gather3A_2570 : vector<16xf32>
    %get3A_2572 = arith.constant 18 : i32
    %get3A_2573 = arith.index_cast %get3A_2572 : i32 to index
    %get3A_2574 = arith.constant 96 : index
    %get3A_2575 = tpu.vector_load %arg9[%get3A_2573, %get3A_2574] {strides = array<i32>} : memref<26x128xi32, #tpu.memory_space<vmem>>, vector<16xi32>,
    %gather3A_2576 = tpu.vector_load_idx %arg10[%get3A_2575] : memref<26000xf32, #tpu.memory_space<vmem>>[vector<16xi32>], vector<16xf32>,
    %add3A_2577 = arith.addf %add3A_2571, %gather3A_2576 : vector<16xf32>
    %get3A_2578 = arith.constant 19 : i32
    %get3A_2579 = arith.index_cast %get3A_2578 : i32 to index
    %get3A_2580 = arith.constant 96 : index
    %get3A_2581 = tpu.vector_load %arg9[%get3A_2579, %get3A_2580] {strides = array<i32>} : memref<26x128xi32, #tpu.memory_space<vmem>>, vector<16xi32>,
    %gather3A_2582 = tpu.vector_load_idx %arg10[%get3A_2581] : memref<26000xf32, #tpu.memory_space<vmem>>[vector<16xi32>], vector<16xf32>,
    %add3A_2583 = arith.addf %add3A_2577, %gather3A_2582 : vector<16xf32>
    %get3A_2584 = arith.constant 20 : i32
    %get3A_2585 = arith.index_cast %get3A_2584 : i32 to index
    %get3A_2586 = arith.constant 96 : index
    %get3A_2587 = tpu.vector_load %arg9[%get3A_2585, %get3A_2586] {strides = array<i32>} : memref<26x128xi32, #tpu.memory_space<vmem>>, vector<16xi32>,
    %gather3A_2588 = tpu.vector_load_idx %arg10[%get3A_2587] : memref<26000xf32, #tpu.memory_space<vmem>>[vector<16xi32>], vector<16xf32>,
    %add3A_2589 = arith.addf %add3A_2583, %gather3A_2588 : vector<16xf32>
    %get3A_2590 = arith.constant 21 : i32
    %get3A_2591 = arith.index_cast %get3A_2590 : i32 to index
    %get3A_2592 = arith.constant 96 : index
    %get3A_2593 = tpu.vector_load %arg9[%get3A_2591, %get3A_2592] {strides = array<i32>} : memref<26x128xi32, #tpu.memory_space<vmem>>, vector<16xi32>,
    %gather3A_2594 = tpu.vector_load_idx %arg10[%get3A_2593] : memref<26000xf32, #tpu.memory_space<vmem>>[vector<16xi32>], vector<16xf32>,
    %add3A_2595 = arith.addf %add3A_2589, %gather3A_2594 : vector<16xf32>
    %get3A_2596 = arith.constant 22 : i32
    %get3A_2597 = arith.index_cast %get3A_2596 : i32 to index
    %get3A_2598 = arith.constant 96 : index
    %get3A_2599 = tpu.vector_load %arg9[%get3A_2597, %get3A_2598] {strides = array<i32>} : memref<26x128xi32, #tpu.memory_space<vmem>>, vector<16xi32>,
    %gather3A_2600 = tpu.vector_load_idx %arg10[%get3A_2599] : memref<26000xf32, #tpu.memory_space<vmem>>[vector<16xi32>], vector<16xf32>,
    %add3A_2601 = arith.addf %add3A_2595, %gather3A_2600 : vector<16xf32>
    %get3A_2602 = arith.constant 23 : i32
    %get3A_2603 = arith.index_cast %get3A_2602 : i32 to index
    %get3A_2604 = arith.constant 96 : index
    %get3A_2605 = tpu.vector_load %arg9[%get3A_2603, %get3A_2604] {strides = array<i32>} : memref<26x128xi32, #tpu.memory_space<vmem>>, vector<16xi32>,
    %gather3A_2606 = tpu.vector_load_idx %arg10[%get3A_2605] : memref<26000xf32, #tpu.memory_space<vmem>>[vector<16xi32>], vector<16xf32>,
    %add3A_2607 = arith.addf %add3A_2601, %gather3A_2606 : vector<16xf32>
    %get3A_2608 = arith.constant 24 : i32
    %get3A_2609 = arith.index_cast %get3A_2608 : i32 to index
    %get3A_2610 = arith.constant 96 : index
    %get3A_2611 = tpu.vector_load %arg9[%get3A_2609, %get3A_2610] {strides = array<i32>} : memref<26x128xi32, #tpu.memory_space<vmem>>, vector<16xi32>,
    %gather3A_2612 = tpu.vector_load_idx %arg10[%get3A_2611] : memref<26000xf32, #tpu.memory_space<vmem>>[vector<16xi32>], vector<16xf32>,
    %add3A_2613 = arith.addf %add3A_2607, %gather3A_2612 : vector<16xf32>
    %get3A_2614 = arith.constant 25 : i32
    %get3A_2615 = arith.index_cast %get3A_2614 : i32 to index
    %get3A_2616 = arith.constant 96 : index
    %get3A_2617 = tpu.vector_load %arg9[%get3A_2615, %get3A_2616] {strides = array<i32>} : memref<26x128xi32, #tpu.memory_space<vmem>>, vector<16xi32>,
    %gather3A_2618 = tpu.vector_load_idx %arg10[%get3A_2617] : memref<26000xf32, #tpu.memory_space<vmem>>[vector<16xi32>], vector<16xf32>,
    %add3A_2619 = arith.addf %add3A_2613, %gather3A_2618 : vector<16xf32>
    %add3A_2620 = arith.constant 6 : i32
    %add3A_2621 = arith.addi %select_n3A, %add3A_2620 : i32
    %swap3A_2622 = arith.index_cast %add3A_2621 : i32 to index
    %swap3A_2623 = arith.constant 0 : index
    %swap3A_2624 = tpu.vector_load %arg8[%swap3A_2622, %swap3A_2623] {strides = array<i32>} : memref<256x16xf32, #tpu.memory_space<vmem>>, vector<16xf32>,
    tpu.vector_store %arg8[%swap3A_2622, %swap3A_2623], %add3A_2619 {strides = array<i32>} : memref<256x16xf32, #tpu.memory_space<vmem>>, vector<16xf32>,
    %add3A_2625 = arith.constant 7 : i32
    %add3A_2626 = arith.addi %select_n3A, %add3A_2625 : i32
    %get3A_2627 = arith.index_cast %add3A_2626 : i32 to index
    %get3A_2628 = arith.constant 0 : index
    %get3A_2629 = tpu.vector_load %arg8[%get3A_2627, %get3A_2628] {strides = array<i32>} : memref<256x16xf32, #tpu.memory_space<vmem>>, vector<16xf32>,
    %get3A_2630 = arith.constant 0 : i32
    %get3A_2631 = arith.index_cast %get3A_2630 : i32 to index
    %get3A_2632 = arith.constant 112 : index
    %get3A_2633 = tpu.vector_load %arg9[%get3A_2631, %get3A_2632] {strides = array<i32>} : memref<26x128xi32, #tpu.memory_space<vmem>>, vector<16xi32>,
    %gather3A_2634 = tpu.vector_load_idx %arg10[%get3A_2633] : memref<26000xf32, #tpu.memory_space<vmem>>[vector<16xi32>], vector<16xf32>,
    %add3A_2635 = arith.addf %get3A_2629, %gather3A_2634 : vector<16xf32>
    %get3A_2636 = arith.constant 1 : i32
    %get3A_2637 = arith.index_cast %get3A_2636 : i32 to index
    %get3A_2638 = arith.constant 112 : index
    %get3A_2639 = tpu.vector_load %arg9[%get3A_2637, %get3A_2638] {strides = array<i32>} : memref<26x128xi32, #tpu.memory_space<vmem>>, vector<16xi32>,
    %gather3A_2640 = tpu.vector_load_idx %arg10[%get3A_2639] : memref<26000xf32, #tpu.memory_space<vmem>>[vector<16xi32>], vector<16xf32>,
    %add3A_2641 = arith.addf %add3A_2635, %gather3A_2640 : vector<16xf32>
    %get3A_2642 = arith.constant 2 : i32
    %get3A_2643 = arith.index_cast %get3A_2642 : i32 to index
    %get3A_2644 = arith.constant 112 : index
    %get3A_2645 = tpu.vector_load %arg9[%get3A_2643, %get3A_2644] {strides = array<i32>} : memref<26x128xi32, #tpu.memory_space<vmem>>, vector<16xi32>,
    %gather3A_2646 = tpu.vector_load_idx %arg10[%get3A_2645] : memref<26000xf32, #tpu.memory_space<vmem>>[vector<16xi32>], vector<16xf32>,
    %add3A_2647 = arith.addf %add3A_2641, %gather3A_2646 : vector<16xf32>
    %get3A_2648 = arith.constant 3 : i32
    %get3A_2649 = arith.index_cast %get3A_2648 : i32 to index
    %get3A_2650 = arith.constant 112 : index
    %get3A_2651 = tpu.vector_load %arg9[%get3A_2649, %get3A_2650] {strides = array<i32>} : memref<26x128xi32, #tpu.memory_space<vmem>>, vector<16xi32>,
    %gather3A_2652 = tpu.vector_load_idx %arg10[%get3A_2651] : memref<26000xf32, #tpu.memory_space<vmem>>[vector<16xi32>], vector<16xf32>,
    %add3A_2653 = arith.addf %add3A_2647, %gather3A_2652 : vector<16xf32>
    %get3A_2654 = arith.constant 4 : i32
    %get3A_2655 = arith.index_cast %get3A_2654 : i32 to index
    %get3A_2656 = arith.constant 112 : index
    %get3A_2657 = tpu.vector_load %arg9[%get3A_2655, %get3A_2656] {strides = array<i32>} : memref<26x128xi32, #tpu.memory_space<vmem>>, vector<16xi32>,
    %gather3A_2658 = tpu.vector_load_idx %arg10[%get3A_2657] : memref<26000xf32, #tpu.memory_space<vmem>>[vector<16xi32>], vector<16xf32>,
    %add3A_2659 = arith.addf %add3A_2653, %gather3A_2658 : vector<16xf32>
    %get3A_2660 = arith.constant 5 : i32
    %get3A_2661 = arith.index_cast %get3A_2660 : i32 to index
    %get3A_2662 = arith.constant 112 : index
    %get3A_2663 = tpu.vector_load %arg9[%get3A_2661, %get3A_2662] {strides = array<i32>} : memref<26x128xi32, #tpu.memory_space<vmem>>, vector<16xi32>,
    %gather3A_2664 = tpu.vector_load_idx %arg10[%get3A_2663] : memref<26000xf32, #tpu.memory_space<vmem>>[vector<16xi32>], vector<16xf32>,
    %add3A_2665 = arith.addf %add3A_2659, %gather3A_2664 : vector<16xf32>
    %get3A_2666 = arith.constant 6 : i32
    %get3A_2667 = arith.index_cast %get3A_2666 : i32 to index
    %get3A_2668 = arith.constant 112 : index
    %get3A_2669 = tpu.vector_load %arg9[%get3A_2667, %get3A_2668] {strides = array<i32>} : memref<26x128xi32, #tpu.memory_space<vmem>>, vector<16xi32>,
    %gather3A_2670 = tpu.vector_load_idx %arg10[%get3A_2669] : memref<26000xf32, #tpu.memory_space<vmem>>[vector<16xi32>], vector<16xf32>,
    %add3A_2671 = arith.addf %add3A_2665, %gather3A_2670 : vector<16xf32>
    %get3A_2672 = arith.constant 7 : i32
    %get3A_2673 = arith.index_cast %get3A_2672 : i32 to index
    %get3A_2674 = arith.constant 112 : index
    %get3A_2675 = tpu.vector_load %arg9[%get3A_2673, %get3A_2674] {strides = array<i32>} : memref<26x128xi32, #tpu.memory_space<vmem>>, vector<16xi32>,
    %gather3A_2676 = tpu.vector_load_idx %arg10[%get3A_2675] : memref<26000xf32, #tpu.memory_space<vmem>>[vector<16xi32>], vector<16xf32>,
    %add3A_2677 = arith.addf %add3A_2671, %gather3A_2676 : vector<16xf32>
    %get3A_2678 = arith.constant 8 : i32
    %get3A_2679 = arith.index_cast %get3A_2678 : i32 to index
    %get3A_2680 = arith.constant 112 : index
    %get3A_2681 = tpu.vector_load %arg9[%get3A_2679, %get3A_2680] {strides = array<i32>} : memref<26x128xi32, #tpu.memory_space<vmem>>, vector<16xi32>,
    %gather3A_2682 = tpu.vector_load_idx %arg10[%get3A_2681] : memref<26000xf32, #tpu.memory_space<vmem>>[vector<16xi32>], vector<16xf32>,
    %add3A_2683 = arith.addf %add3A_2677, %gather3A_2682 : vector<16xf32>
    %get3A_2684 = arith.constant 9 : i32
    %get3A_2685 = arith.index_cast %get3A_2684 : i32 to index
    %get3A_2686 = arith.constant 112 : index
    %get3A_2687 = tpu.vector_load %arg9[%get3A_2685, %get3A_2686] {strides = array<i32>} : memref<26x128xi32, #tpu.memory_space<vmem>>, vector<16xi32>,
    %gather3A_2688 = tpu.vector_load_idx %arg10[%get3A_2687] : memref<26000xf32, #tpu.memory_space<vmem>>[vector<16xi32>], vector<16xf32>,
    %add3A_2689 = arith.addf %add3A_2683, %gather3A_2688 : vector<16xf32>
    %get3A_2690 = arith.constant 10 : i32
    %get3A_2691 = arith.index_cast %get3A_2690 : i32 to index
    %get3A_2692 = arith.constant 112 : index
    %get3A_2693 = tpu.vector_load %arg9[%get3A_2691, %get3A_2692] {strides = array<i32>} : memref<26x128xi32, #tpu.memory_space<vmem>>, vector<16xi32>,
    %gather3A_2694 = tpu.vector_load_idx %arg10[%get3A_2693] : memref<26000xf32, #tpu.memory_space<vmem>>[vector<16xi32>], vector<16xf32>,
    %add3A_2695 = arith.addf %add3A_2689, %gather3A_2694 : vector<16xf32>
    %get3A_2696 = arith.constant 11 : i32
    %get3A_2697 = arith.index_cast %get3A_2696 : i32 to index
    %get3A_2698 = arith.constant 112 : index
    %get3A_2699 = tpu.vector_load %arg9[%get3A_2697, %get3A_2698] {strides = array<i32>} : memref<26x128xi32, #tpu.memory_space<vmem>>, vector<16xi32>,
    %gather3A_2700 = tpu.vector_load_idx %arg10[%get3A_2699] : memref<26000xf32, #tpu.memory_space<vmem>>[vector<16xi32>], vector<16xf32>,
    %add3A_2701 = arith.addf %add3A_2695, %gather3A_2700 : vector<16xf32>
    %get3A_2702 = arith.constant 12 : i32
    %get3A_2703 = arith.index_cast %get3A_2702 : i32 to index
    %get3A_2704 = arith.constant 112 : index
    %get3A_2705 = tpu.vector_load %arg9[%get3A_2703, %get3A_2704] {strides = array<i32>} : memref<26x128xi32, #tpu.memory_space<vmem>>, vector<16xi32>,
    %gather3A_2706 = tpu.vector_load_idx %arg10[%get3A_2705] : memref<26000xf32, #tpu.memory_space<vmem>>[vector<16xi32>], vector<16xf32>,
    %add3A_2707 = arith.addf %add3A_2701, %gather3A_2706 : vector<16xf32>
    %get3A_2708 = arith.constant 13 : i32
    %get3A_2709 = arith.index_cast %get3A_2708 : i32 to index
    %get3A_2710 = arith.constant 112 : index
    %get3A_2711 = tpu.vector_load %arg9[%get3A_2709, %get3A_2710] {strides = array<i32>} : memref<26x128xi32, #tpu.memory_space<vmem>>, vector<16xi32>,
    %gather3A_2712 = tpu.vector_load_idx %arg10[%get3A_2711] : memref<26000xf32, #tpu.memory_space<vmem>>[vector<16xi32>], vector<16xf32>,
    %add3A_2713 = arith.addf %add3A_2707, %gather3A_2712 : vector<16xf32>
    %get3A_2714 = arith.constant 14 : i32
    %get3A_2715 = arith.index_cast %get3A_2714 : i32 to index
    %get3A_2716 = arith.constant 112 : index
    %get3A_2717 = tpu.vector_load %arg9[%get3A_2715, %get3A_2716] {strides = array<i32>} : memref<26x128xi32, #tpu.memory_space<vmem>>, vector<16xi32>,
    %gather3A_2718 = tpu.vector_load_idx %arg10[%get3A_2717] : memref<26000xf32, #tpu.memory_space<vmem>>[vector<16xi32>], vector<16xf32>,
    %add3A_2719 = arith.addf %add3A_2713, %gather3A_2718 : vector<16xf32>
    %get3A_2720 = arith.constant 15 : i32
    %get3A_2721 = arith.index_cast %get3A_2720 : i32 to index
    %get3A_2722 = arith.constant 112 : index
    %get3A_2723 = tpu.vector_load %arg9[%get3A_2721, %get3A_2722] {strides = array<i32>} : memref<26x128xi32, #tpu.memory_space<vmem>>, vector<16xi32>,
    %gather3A_2724 = tpu.vector_load_idx %arg10[%get3A_2723] : memref<26000xf32, #tpu.memory_space<vmem>>[vector<16xi32>], vector<16xf32>,
    %add3A_2725 = arith.addf %add3A_2719, %gather3A_2724 : vector<16xf32>
    %get3A_2726 = arith.constant 16 : i32
    %get3A_2727 = arith.index_cast %get3A_2726 : i32 to index
    %get3A_2728 = arith.constant 112 : index
    %get3A_2729 = tpu.vector_load %arg9[%get3A_2727, %get3A_2728] {strides = array<i32>} : memref<26x128xi32, #tpu.memory_space<vmem>>, vector<16xi32>,
    %gather3A_2730 = tpu.vector_load_idx %arg10[%get3A_2729] : memref<26000xf32, #tpu.memory_space<vmem>>[vector<16xi32>], vector<16xf32>,
    %add3A_2731 = arith.addf %add3A_2725, %gather3A_2730 : vector<16xf32>
    %get3A_2732 = arith.constant 17 : i32
    %get3A_2733 = arith.index_cast %get3A_2732 : i32 to index
    %get3A_2734 = arith.constant 112 : index
    %get3A_2735 = tpu.vector_load %arg9[%get3A_2733, %get3A_2734] {strides = array<i32>} : memref<26x128xi32, #tpu.memory_space<vmem>>, vector<16xi32>,
    %gather3A_2736 = tpu.vector_load_idx %arg10[%get3A_2735] : memref<26000xf32, #tpu.memory_space<vmem>>[vector<16xi32>], vector<16xf32>,
    %add3A_2737 = arith.addf %add3A_2731, %gather3A_2736 : vector<16xf32>
    %get3A_2738 = arith.constant 18 : i32
    %get3A_2739 = arith.index_cast %get3A_2738 : i32 to index
    %get3A_2740 = arith.constant 112 : index
    %get3A_2741 = tpu.vector_load %arg9[%get3A_2739, %get3A_2740] {strides = array<i32>} : memref<26x128xi32, #tpu.memory_space<vmem>>, vector<16xi32>,
    %gather3A_2742 = tpu.vector_load_idx %arg10[%get3A_2741] : memref<26000xf32, #tpu.memory_space<vmem>>[vector<16xi32>], vector<16xf32>,
    %add3A_2743 = arith.addf %add3A_2737, %gather3A_2742 : vector<16xf32>
    %get3A_2744 = arith.constant 19 : i32
    %get3A_2745 = arith.index_cast %get3A_2744 : i32 to index
    %get3A_2746 = arith.constant 112 : index
    %get3A_2747 = tpu.vector_load %arg9[%get3A_2745, %get3A_2746] {strides = array<i32>} : memref<26x128xi32, #tpu.memory_space<vmem>>, vector<16xi32>,
    %gather3A_2748 = tpu.vector_load_idx %arg10[%get3A_2747] : memref<26000xf32, #tpu.memory_space<vmem>>[vector<16xi32>], vector<16xf32>,
    %add3A_2749 = arith.addf %add3A_2743, %gather3A_2748 : vector<16xf32>
    %get3A_2750 = arith.constant 20 : i32
    %get3A_2751 = arith.index_cast %get3A_2750 : i32 to index
    %get3A_2752 = arith.constant 112 : index
    %get3A_2753 = tpu.vector_load %arg9[%get3A_2751, %get3A_2752] {strides = array<i32>} : memref<26x128xi32, #tpu.memory_space<vmem>>, vector<16xi32>,
    %gather3A_2754 = tpu.vector_load_idx %arg10[%get3A_2753] : memref<26000xf32, #tpu.memory_space<vmem>>[vector<16xi32>], vector<16xf32>,
    %add3A_2755 = arith.addf %add3A_2749, %gather3A_2754 : vector<16xf32>
    %get3A_2756 = arith.constant 21 : i32
    %get3A_2757 = arith.index_cast %get3A_2756 : i32 to index
    %get3A_2758 = arith.constant 112 : index
    %get3A_2759 = tpu.vector_load %arg9[%get3A_2757, %get3A_2758] {strides = array<i32>} : memref<26x128xi32, #tpu.memory_space<vmem>>, vector<16xi32>,
    %gather3A_2760 = tpu.vector_load_idx %arg10[%get3A_2759] : memref<26000xf32, #tpu.memory_space<vmem>>[vector<16xi32>], vector<16xf32>,
    %add3A_2761 = arith.addf %add3A_2755, %gather3A_2760 : vector<16xf32>
    %get3A_2762 = arith.constant 22 : i32
    %get3A_2763 = arith.index_cast %get3A_2762 : i32 to index
    %get3A_2764 = arith.constant 112 : index
    %get3A_2765 = tpu.vector_load %arg9[%get3A_2763, %get3A_2764] {strides = array<i32>} : memref<26x128xi32, #tpu.memory_space<vmem>>, vector<16xi32>,
    %gather3A_2766 = tpu.vector_load_idx %arg10[%get3A_2765] : memref<26000xf32, #tpu.memory_space<vmem>>[vector<16xi32>], vector<16xf32>,
    %add3A_2767 = arith.addf %add3A_2761, %gather3A_2766 : vector<16xf32>
    %get3A_2768 = arith.constant 23 : i32
    %get3A_2769 = arith.index_cast %get3A_2768 : i32 to index
    %get3A_2770 = arith.constant 112 : index
    %get3A_2771 = tpu.vector_load %arg9[%get3A_2769, %get3A_2770] {strides = array<i32>} : memref<26x128xi32, #tpu.memory_space<vmem>>, vector<16xi32>,
    %gather3A_2772 = tpu.vector_load_idx %arg10[%get3A_2771] : memref<26000xf32, #tpu.memory_space<vmem>>[vector<16xi32>], vector<16xf32>,
    %add3A_2773 = arith.addf %add3A_2767, %gather3A_2772 : vector<16xf32>
    %get3A_2774 = arith.constant 24 : i32
    %get3A_2775 = arith.index_cast %get3A_2774 : i32 to index
    %get3A_2776 = arith.constant 112 : index
    %get3A_2777 = tpu.vector_load %arg9[%get3A_2775, %get3A_2776] {strides = array<i32>} : memref<26x128xi32, #tpu.memory_space<vmem>>, vector<16xi32>,
    %gather3A_2778 = tpu.vector_load_idx %arg10[%get3A_2777] : memref<26000xf32, #tpu.memory_space<vmem>>[vector<16xi32>], vector<16xf32>,
    %add3A_2779 = arith.addf %add3A_2773, %gather3A_2778 : vector<16xf32>
    %get3A_2780 = arith.constant 25 : i32
    %get3A_2781 = arith.index_cast %get3A_2780 : i32 to index
    %get3A_2782 = arith.constant 112 : index
    %get3A_2783 = tpu.vector_load %arg9[%get3A_2781, %get3A_2782] {strides = array<i32>} : memref<26x128xi32, #tpu.memory_space<vmem>>, vector<16xi32>,
    %gather3A_2784 = tpu.vector_load_idx %arg10[%get3A_2783] : memref<26000xf32, #tpu.memory_space<vmem>>[vector<16xi32>], vector<16xf32>,
    %add3A_2785 = arith.addf %add3A_2779, %gather3A_2784 : vector<16xf32>
    %add3A_2786 = arith.constant 7 : i32
    %add3A_2787 = arith.addi %select_n3A, %add3A_2786 : i32
    %swap3A_2788 = arith.index_cast %add3A_2787 : i32 to index
    %swap3A_2789 = arith.constant 0 : index
    %swap3A_2790 = tpu.vector_load %arg8[%swap3A_2788, %swap3A_2789] {strides = array<i32>} : memref<256x16xf32, #tpu.memory_space<vmem>>, vector<16xf32>,
    tpu.vector_store %arg8[%swap3A_2788, %swap3A_2789], %add3A_2785 {strides = array<i32>} : memref<256x16xf32, #tpu.memory_space<vmem>>, vector<16xf32>,
    %barrier3A = arith.constant 0 : index
    tpu.barrier barrier_id(%barrier3A)
    %eq3A = arith.constant 0 : i32
    %eq3A_2791 = arith.cmpi eq, %arg1, %eq3A : i32
    %convert_element_type3A_2792 = arith.extui %eq3A_2791 : i1 to i32
    %cond3A_2793 = arith.constant 0 : i32
    %cond3A_2794 = arith.cmpi ne, %convert_element_type3A_2792, %cond3A_2793 : i32
    scf.if %cond3A_2794 {
      "tpu.region"() ({
        %run_scoped3A = tpu.sem_alloc : memref<!tpu.dma_semaphore, #tpu.memory_space<semaphore_mem>>
        tpu.enqueue_dma source(%arg8 : memref<256x16xf32, #tpu.memory_space<vmem>>) target(%arg12 : memref<256x16xf32, #tpu.memory_space<vmem_shared>>) target_semaphore(%run_scoped3A : memref<!tpu.dma_semaphore, #tpu.memory_space<semaphore_mem>>)
        tpu.wait_dma2 semaphore(%run_scoped3A : memref<!tpu.dma_semaphore, #tpu.memory_space<semaphore_mem>>) src(%arg8 : memref<256x16xf32, #tpu.memory_space<vmem>>) dst(%arg12 : memref<256x16xf32, #tpu.memory_space<vmem_shared>>)
        tpu.yield
      }) : () -> ()
    } else {
    }
    %barrier3A_2795 = arith.constant 0 : index
    tpu.barrier barrier_id(%barrier3A_2795)
    %ne3A_2796 = arith.constant 0 : i32
    %ne3A_2797 = arith.cmpi ne, %arg1, %ne3A_2796 : i32
    %convert_element_type3A_2798 = arith.extui %ne3A_2797 : i1 to i32
    %cond3A_2799 = arith.constant 0 : i32
    %cond3A_2800 = arith.cmpi ne, %convert_element_type3A_2798, %cond3A_2799 : i32
    scf.if %cond3A_2800 {
      "tpu.region"() ({
        %run_scoped3A = tpu.sem_alloc : memref<!tpu.dma_semaphore, #tpu.memory_space<semaphore_mem>>
        %dma_start3A = arith.constant 0 : i32
        %dma_start3A_2807 = arith.constant 0 : i32
        %dma_start3A_2808 = tpu.memref_slice %arg12[%dma_start3A, %dma_start3A_2807] : memref<256x16xf32, #tpu.memory_space<vmem_shared>> -> memref<256x16xf32, #tpu.memory_space<vmem_shared>>
        tpu.enqueue_indirect_dma source(%arg8 : memref<256x16xf32, #tpu.memory_space<vmem>>) target(%dma_start3A_2808 : memref<256x16xf32, #tpu.memory_space<vmem_shared>>) offsets(%arg11 : memref<256xi32, #tpu.memory_space<vmem>>) semaphore(%run_scoped3A : memref<!tpu.dma_semaphore, #tpu.memory_space<semaphore_mem>>) {add = true}
        %dma_wait3A = arith.constant 0 : i32
        %dma_wait3A_2809 = arith.constant 0 : i32
        %dma_wait3A_2810 = tpu.memref_slice %arg12[%dma_wait3A, %dma_wait3A_2809] : memref<256x16xf32, #tpu.memory_space<vmem_shared>> -> memref<256x16xf32, #tpu.memory_space<vmem_shared>>
        tpu.wait_indirect_dma semaphore(%run_scoped3A : memref<!tpu.dma_semaphore, #tpu.memory_space<semaphore_mem>>) src(%arg8 : memref<256x16xf32, #tpu.memory_space<vmem>>) dst(%dma_wait3A_2810 : memref<256x16xf32, #tpu.memory_space<vmem_shared>>)
        tpu.yield
      }) : () -> ()
    } else {
    }
    %barrier3A_2801 = arith.constant 0 : index
    tpu.barrier barrier_id(%barrier3A_2801)
    %eq3A_2802 = arith.constant 0 : i32
    %eq3A_2803 = arith.cmpi eq, %arg1, %eq3A_2802 : i32
    %convert_element_type3A_2804 = arith.extui %eq3A_2803 : i1 to i32
    %cond3A_2805 = arith.constant 0 : i32
    %cond3A_2806 = arith.cmpi ne, %convert_element_type3A_2804, %cond3A_2805 : i32
    scf.if %cond3A_2806 {
      "tpu.region"() ({
        %run_scoped3A = tpu.sem_alloc : memref<!tpu.dma_semaphore, #tpu.memory_space<semaphore_mem>>
        %dma_start3A = arith.constant 0 : i32
        %dma_start3A_2807 = arith.constant 0 : i32
        %dma_start3A_2808 = tpu.memref_slice %arg5[%arg0, %dma_start3A, %dma_start3A_2807] : memref<2x256x16xf32, #tpu.memory_space<hbm>> -> memref<1x256x16xf32, #tpu.memory_space<hbm>>
        %dma_start3A_2809 = tpu.memref_squeeze %dma_start3A_2808 : memref<1x256x16xf32, #tpu.memory_space<hbm>> -> memref<256x16xf32, #tpu.memory_space<hbm>>
        tpu.enqueue_dma source(%arg12 : memref<256x16xf32, #tpu.memory_space<vmem_shared>>) target(%dma_start3A_2809 : memref<256x16xf32, #tpu.memory_space<hbm>>) target_semaphore(%run_scoped3A : memref<!tpu.dma_semaphore, #tpu.memory_space<semaphore_mem>>)
        %dma_wait3A = arith.constant 0 : i32
        %dma_wait3A_2810 = arith.constant 0 : i32
        %dma_wait3A_2811 = tpu.memref_slice %arg5[%arg0, %dma_wait3A, %dma_wait3A_2810] : memref<2x256x16xf32, #tpu.memory_space<hbm>> -> memref<1x256x16xf32, #tpu.memory_space<hbm>>
        %dma_wait3A_2812 = tpu.memref_squeeze %dma_wait3A_2811 : memref<1x256x16xf32, #tpu.memory_space<hbm>> -> memref<256x16xf32, #tpu.memory_space<hbm>>
        tpu.wait_dma2 semaphore(%run_scoped3A : memref<!tpu.dma_semaphore, #tpu.memory_space<semaphore_mem>>) src(%arg12 : memref<256x16xf32, #tpu.memory_space<vmem_shared>>) dst(%dma_wait3A_2812 : memref<256x16xf32, #tpu.memory_space<hbm>>)
        tpu.yield
      }) : () -> ()
    } else {
    }
    return
  }
}

</mosaic_0001>

<sc_bundles>
// kernel: _ffm.3.cloned.1.call-start
scs
__scs_entry_jumppad:
0x0: {  	(pc) =	sbr.rel $0x88, $3  }
0x1: {  	(tag) =	ssettag $0x0;
	lr =	simm.s32 $0x1  }
0x2: {  	[smem:$0x3F9E] =	sst lr;
	_ =	strace $0xD0000000  }
0x3: {  	_ = 	snop  }
0x4: {  	_ = 	snop  }
0x5: {  	_ = 	snop  }
0x6: {  	_ = 	snop  }
0x7: {  	_ = 	snop  }
__scs_overlays_trampoline_lowered:
0x8: {  	[smem:$0x3FAD] =	sst s0  }
0x9: {  	[smem:$0x3FAE] =	sst s1  }
0xa: {  	[smem:$0x3FAF] =	sst s2  }
0xb: {  	[smem:$0x3FB0] =	sst s3  }
0xc: {  	[smem:$0x3FB1] =	sst s4  }
0xd: {  	[smem:$0x3FB2] =	sst s5  }
0xe: {  	[smem:$0x3FB3] =	sst s6  }
0xf: {  	[smem:$0x3FB4] =	sst s7  }
0x10: {  	[smem:$0x3FB5] =	sst s8  }
0x11: {  	[smem:$0x3FB6] =	sst s9;
	s0 =	simm.s32 @!p0 $0x0  }
0x12: {  	s1 =	sld [smem:$0x3F9C];
	s0 =	simm.s32 @p0 $0x1  }
0x13: {  	[smem:$0x3FB7] =	sst s0;
	s0 =	simm.s32 @!p1 $0x0  }
0x14: {  	s2 =	sld [smem:$0x3F9B];
	s0 =	simm.s32 @p1 $0x1  }
0x15: {  	[smem:$0x3FB8] =	sst s0;
	s0 =	simm.s32 @!p2 $0x0  }
0x16: {  	s3 =	sld [smem:$0x3FDB];
	s0 =	simm.s32 @p2 $0x1  }
0x17: {  	s4 =	simm.s32 $0x1BF5;
	[smem:$0x3FBA] =	sst s0  }
0x18: {  	s0 =	sld [smem:$0x3F9D];
	_ =	swait.ge [sflag:s4], $0x0  }
0x19: {  	s7 =	sld [smem:$0x3F9E]  }
0x1a: {  	s8 =	sadd.s32 $0xFFFFE003, lr  }
0x1b: {  	s9 =	sadd.s32 $0xFFFFFEF7, lr;
	s5 =	simm.s32 $0xFFFFFFFF;
	p2 =	slt.u32 s8, $0xFFFFF086  }
0x1c: {  	p1 =	slt.u32 s9, $0xF7A;
	s5 =	simm.s32 @!p2 $0x0  }
0x1d: {  	s5 =	simm.s32 @p1 $0x1;
	p0 =	seq.s32 s7, s2  }
0x1e: {  	s7 =	smul.u32 @!p0 $0xF7A, s2;
	p2 =	seq.s32 @!p0 s5, $0x0  }
0x1f: {  	s9 =	smul.u32 $0xF7A, s1;
	s8 =	simm.s32 @!p0 $0x1BF5;
	p2 =	por !p2, p0  }
0x20: {  	[sflag:s8] =	ssyncset.s32 @!p0 $0xFFFFF086;
	s6 =	sadd.s32 @!p0 s3, s7;
	s7 =	simm.s32 @!p0 $0x108  }
0x21: {  	s3 =	sadd.s32 s3, s9;
	s6 =	sadd.s32 @!p0 $0x88, s6;
	s7 =	simm.s32 @p2 $0x1082  }
0x22: {  	[simem:s7], [sflag:s8] =	dma.local @!p0 [hbm:s6], $0xF7A  }
0x23: {  	s9 =	sor.u32 $0xD0000000, s2;
	s6 =	simm.s32 $0x108;
	_ =	swait.ge @!p0 [sflag:s8], $0x0  }
0x24: {  	s3 =	sadd.s32 $0x88, s3;
	s6 =	simm.s32 @!p1 $0x1082;
	[sflag:s4] =	ssyncset.s32 $0xFFFFF086  }
0x25: {  	[simem:s6], [sflag:s4] =	dma.local [hbm:s3], $0xF7A  }
0x26: {  	[smem:$0x3F9E] =	sst s1;
	(tag) =	ssettag s2;
	_ =	strace s9  }
0x27: {  	s1 =	sld [smem:$0x3FAE]  }
0x28: {  	s2 =	sld [smem:$0x3FAF]  }
0x29: {  	s4 =	sld [smem:$0x3FB1]  }
0x2a: {  	p0 =	seq.s32 s5, $0x0;
	s5 =	sld [smem:$0x3FB2]  }
0x2b: {  	s6 =	sld [smem:$0x3FB3]  }
0x2c: {  	s7 =	sld [smem:$0x3FB4]  }
0x2d: {  	s3 =	simm.s32 $0x108;
	s8 =	sld [smem:$0x3FB5]  }
0x2e: {  	s3 =	simm.s32 @!p0 $0x1082;
	s9 =	sld [smem:$0x3FB6]  }
0x2f: {  	lr =	sadd.s32 s0, s3;
	s0 =	sld [smem:$0x3FAD]  }
0x30: {  	s3 =	sld [smem:$0x3FB0]  }
0x31: {  	[smem:$0x3FB9] =	sst s10  }
0x32: {  	s10 =	sld [smem:$0x3FB7];
	_ =	sdelay $0x3  }
0x33: {  	p0 =	seq.s32 s10, $0x1;
	s10 =	sld [smem:$0x3FB9];
	_ =	sdelay $0x3  }
0x34: {  	[smem:$0x3FB9] =	sst s10  }
0x35: {  	s10 =	sld [smem:$0x3FB8];
	_ =	sdelay $0x3  }
0x36: {  	p1 =	seq.s32 s10, $0x1;
	s10 =	sld [smem:$0x3FB9];
	_ =	sdelay $0x3  }
0x37: {  	[smem:$0x3FB9] =	sst s10  }
0x38: {  	s10 =	sld [smem:$0x3FBA]  }
0x39: {  	_ = 	snop;
	(pc) =	sbr.ind lr, $3  }
0x3a: {  	_ = 	snop  }
0x3b: {  	_ = 	snop  }
0x3c: {  	p2 =	seq.s32 s10, $0x1;
	s10 =	sld [smem:$0x3FB9]  }
0x3d: {  	_ =	shalt  }
0x3e: {  	_ =	shalt  }
0x3f: {  	_ =	shalt  }
0x40: {  	_ =	shalt  }
0x41: {  	_ =	shalt  }
0x42: {  	_ =	shalt  }
0x43: {  	_ =	shalt  }
0x44: {  	_ =	shalt  }
0x45: {  	_ =	shalt  }
0x46: {  	_ =	shalt  }
0x47: {  	_ =	shalt  }
0x48: {  	_ =	shalt  }
0x49: {  	_ =	shalt  }
0x4a: {  	_ =	shalt  }
0x4b: {  	_ =	shalt  }
0x4c: {  	_ =	shalt  }
0x4d: {  	_ =	shalt  }
0x4e: {  	_ =	shalt  }
0x4f: {  	_ =	shalt  }
0x50: {  	_ =	shalt  }
0x51: {  	_ =	shalt  }
0x52: {  	_ =	shalt  }
0x53: {  	_ =	shalt  }
0x54: {  	_ =	shalt  }
0x55: {  	_ =	shalt  }
0x56: {  	_ =	shalt  }
0x57: {  	_ =	shalt  }
0x58: {  	_ =	shalt  }
0x59: {  	_ =	shalt  }
0x5a: {  	_ =	shalt  }
0x5b: {  	_ =	shalt  }
0x5c: {  	_ =	shalt  }
0x5d: {  	_ =	shalt  }
0x5e: {  	_ =	shalt  }
0x5f: {  	_ =	shalt  }
0x60: {  	_ =	shalt  }
0x61: {  	_ =	shalt  }
0x62: {  	_ =	shalt  }
0x63: {  	_ =	shalt  }
0x64: {  	_ =	shalt  }
0x65: {  	_ =	shalt  }
0x66: {  	_ =	shalt  }
0x67: {  	_ =	shalt  }
0x68: {  	_ =	shalt  }
0x69: {  	_ =	shalt  }
0x6a: {  	_ =	shalt  }
0x6b: {  	_ =	shalt  }
0x6c: {  	_ =	shalt  }
0x6d: {  	_ =	shalt  }
0x6e: {  	_ =	shalt  }
0x6f: {  	_ =	shalt  }
0x70: {  	_ =	shalt  }
0x71: {  	_ =	shalt  }
0x72: {  	_ =	shalt  }
0x73: {  	_ =	shalt  }
0x74: {  	_ =	shalt  }
0x75: {  	_ =	shalt  }
0x76: {  	_ =	shalt  }
0x77: {  	_ =	shalt  }
0x78: {  	_ =	shalt  }
0x79: {  	_ =	shalt  }
0x7a: {  	_ =	shalt  }
0x7b: {  	_ =	shalt  }
0x7c: {  	_ =	shalt  }
0x7d: {  	_ =	shalt  }
0x7e: {  	_ =	shalt  }
0x7f: {  	_ =	shalt  }
0x80: {  	_ =	shalt  }
0x81: {  	_ =	shalt  }
0x82: {  	_ =	shalt  }
0x83: {  	_ =	shalt  }
0x84: {  	_ =	shalt  }
0x85: {  	_ =	shalt  }
0x86: {  	_ =	shalt  }
0x87: {  	_ =	shalt  }
.Lfunc_end0:
.L_simem_size_0:
called_computation_lowered:
.L_overlay_start_0:
0x88: {  	s2 =	sld [smem:$0x3FD9]  }
0x89: {  	s3 =	sld [smem:$0x3FFE];
	_ =	sdelay $0x1  }
0x8a: {  	s1 =	srdreg.scid  }
0x8b: {  	s0 =	sand.u32 $0x1, s1  }
0x8c: {  	s17 =	sshll.u32 s0, $0xA;
	s2 =	sadd.s32 s3, s2  }
0x8d: {  	s2 =	sadd.s32 s2, s17  }
0x8e: {  	[smem:$0x3FC5] =	sst s2  }
0x8f: {  	_ = 	snop  }
0x90: {  	s2 =	sld [smem:$0x3FC7]  }
0x91: {  	s18 =	sld [smem:$0x3FD0];
	(tm) =	ssettm $0x1  }
0x92: {  	s4 =	sld [smem:$0x3FFB];
	_ =	sdelay $0x3  }
0x93: {  	_ =	strace s4  }
0x94: {  	s4 =	sld [smem:$0x3FFC];
	_ =	sdelay $0x3  }
0x95: {  	_ =	strace s4  }
0x96: {  	s4 =	sld [smem:$0x3FFD];
	_ =	sdelay $0x3  }
0x97: {  	_ =	strace s4  }
0x98: {  	_ =	strace $0x8FFFFFFF  }
0x99: {  	s19 =	sld [smem:$0x3FDB];
	_ =	sdelay $0x1  }
0x9a: {  	s5 =	simm.s32 $_scs_section_size  }
0x9b: {  	s6 =	simm.s32 $_size__tile_overlayer_lowered;
	s7 =	simm.s32 $_tile_overlayer_lowered  }
0x9c: {  	s22 =	simm.s32 $0x1BFF;
	s21 =	sshll.u32 s7, $0x1;
	s4 =	sadd.s32 s5, s19  }
0x9d: {  	s8 =	simm.s32 $0x0;
	s20 =	sshll.u32 s6, $0x1;
	s6 =	sadd.s32 s21, s4  }
0x9e: {  	[timem:s8], [sflag:s22] =	dma.local [hbm:s6], s20  }
0x9f: {  	_ =	swait.ge [sflag:s22], s20  }
0xa0: {  	s5 =	ssub.s32 $0x0, s20;
	[sflag:s22] =	ssyncset.done $0x0  }
0xa1: {  	[sflag:s22] =	ssyncadd.s32 s5;
	_ =	sdelay $0x1  }
0xa2: {  	s23 =	simm.s32 $0x1B8B  }
0xa3: {  	_ =	swait.ge [sflag:s23], $0x1  }
0xa4: {  	[sflag:s23] =	ssyncset.done $0x0  }
0xa5: {  	s25 =	simm.s32 $0x1B8E;
	s24 =	sld [smem:$0x3FFE];
	[sflag:s23] =	ssyncadd.s32 $0xFFFFFFFF  }
0xa6: {  	s26 =	simm.s32 $execute0_lowered;
	[smem:$0x3FD2] =	sst s25  }
0xa7: {  	s6 =	sshll.u32 s26, $0x1;
	_ =	strace $0x80000046;
	[dreg:$0x1] =	wrdreg $0xFFFFFFFF  }
0xa8: {  	s28 =	simm.s32 $_size_execute0_lowered;
	s4 =	sadd.s32 s4, s6;
	[dreg:$0x0] =	wrdreg $0x0  }
0xa9: {  	s6 =	sshll.u32 s28, $0x1;
	[dreg:$0x2] =	wrdreg s4  }
0xaa: {  	[dreg:$0x3] =	wrdreg s6  }
0xab: {  	[dreg:$0x4] =	wrdreg $0xC0  }
0xac: {  	_ =	task [dreg:s8], $0x5FFFF  }
0xad: {  	[dreg:$0x1] =	wrdreg $0xFFFFFFFF  }
0xae: {  	[dreg:$0x0] =	wrdreg $0x60  }
0xaf: {  	[dreg:$0x2] =	wrdreg s24  }
0xb0: {  	[dreg:$0x3] =	wrdreg s2  }
0xb1: {  	[dreg:$0x4] =	wrdreg s18  }
0xb2: {  	[dreg:$0x5] =	wrdreg $0x1BD900  }
0xb3: {  	[dreg:$0x6] =	wrdreg $0x9  }
0xb4: {  	_ =	task.clear_ibuf [dreg:s8], $0x7FFFF;
	_ =	strace $0x90000046  }
0xb5: {  	s29 =	simm.s32 $0x9;
	_ =	strace $0x80000048  }
0xb6: {  	_ =	swait.ge [sflag:s29], $0x1  }
0xb7: {  	[sflag:s29] =	ssyncadd.s32 $0xFFFFFFFF  }
0xb8: {  	_ =	strace $0x90000048  }
0xb9: {  	_ =	sfence  }
0xba: {  	s30 =	sld [smem:$0x0];
	_ =	sdelay $0x2  }
0xbb: {  	s31 =	sshll.u32 s1, $0xD;
	s1 =	sshrl.u32 s1, $0x2  }
0xbc: {  	s3 =	sand.u32 $0x4000, s31;
	s1 =	sadd.s32 s1, s30  }
0xbd: {  	s0 =	sor.u32 s3, s0;
	s1 =	sshll.u32 s1, $0x11  }
0xbe: {  	s0 =	sor.u32 s1, s0  }
0xbf: {  	s0 =	sadd.s32 $0x8F2B, s0  }
0xc0: {  	[sflag:s0] =	ssyncadd.remote.s32 $0x1  }
0xc1: {  	_ =	sfence.sel $0xFFFF  }
0xc2: {  	[dreg:$0x0] =	wrdreg $0xFFFFFFFF;
	(pc) =	sbr.abs _section_cstart, $3  }
0xc3: {  	[dreg:$0x1] =	wrdreg $0xFFFFFFFF  }
0xc4: {  	_ =	task.clear_ibuf [dreg:s8], $0x2FFFF;
	_ =	strace $0x9FFFFFFF  }
0xc5: {  	(tm) =	ssettm $0x7FFFFFFF  }
tec
execute0_lowered:
.L_overlay_start_1:
0x0: {  	(tag) =	ssettag $0x1  }
0x1: {  	s0 =	rddreg [dreg:$0x0]  }
0x2: {  	s1 =	rddreg [dreg:$0x2]  }
0x3: {  	s2 =	rddreg [dreg:$0x3];
	s4 =	simm.s32 $0x0;
	s3 =	srdreg.scid  }
0x4: {  	s17 =	stileid.u32;
	s14 =	simm.s32 $0x1;
	s15 =	simm.s32 $0x2  }
0x5: {  	s16 =	simm.s32 $0x3;
	s22 =	simm.s32 $0x3E80;
	s24 =	simm.s32 $0x12A00  }
0x6: {  	s25 =	simm.s32 $0x7D00;
	s26 =	simm.s32 $0xBB80;
	s28 =	simm.s32 $0x0  }
0x7: {  	[smem:$0x7FF] =	sst s4;
	s3 =	sand.u32 $0x1, s3;
	s6 =	sshll.u32 s17, $0x1  }
0x8: {  	v0 =	vimm.f32 $0.0e+00;
	v1 =	vlaneseq.u32;
	s5 =	sadd.s32 $0x3800, s0;
	s7 =	sadd.s32 $0x400, s0;
	p0 =	seq.s32 s17, $0x0  }
.Ltmp0:
0x9: {  	v2 =	vor.u32 $0x10, v1;
	v3 =	vor.u32 $0x20, v1;
	v4 =	vor.u32 $0x30, v1;
	_ =	strace $0x80000047;
	s8 =	ssub.s32 $0x2, s3;
	(pc) =	sbr.rel .LBB2_1-.Ltmp0, $4  }
0xa: {  	v5 =	vor.u32 $0x40, v1;
	v6 =	vor.u32 $0x50, v1;
	v7 =	vor.u32 $0x60, v1;
	s6 =	sor.u32 s3, s6;
	s3 =	sshll.u32 s3, $0x9;
	s9 =	sshrl.u32 s8, $0x1  }
0xb: {  	v8 =	vor.u32 $0x70, v1;
	v9 =	vor.u32 $0x80, v1;
	v10 =	vor.u32 $0x90, v1;
	s31 =	sshll.u32 s6, $0x4;
	s10 =	sor.u32 $0x60, s6;
	s11 =	sshll.u32 s6, $0x7  }
0xc: {  	v11 =	vor.u32 $0xA0, v1;
	v12 =	vor.u32 $0xB0, v1;
	v13 =	vor.u32 $0xC0, v1;
	s12 =	sadd.s32 s1, s3;
	s1 =	simm.s32 $0x15700;
	s30 =	ssub.s32 s8, s9  }
0xd: {  	v14 =	vor.u32 $0xD0, v1;
	v15 =	vor.u32 $0xE0, v1;
	v16 =	vor.u32 $0xF0, v1;
	s8 =	sadd.s32 s7, s31;
	s9 =	sor.u32 $0x40, s6;
	s13 =	smax.u32 s30, $0x1  }
.LBB2_13:
0xe: {  	v17 =	vld [tilespmem:$0x14A00];
	_ =	sdelay $0x1  }
0xf: {  	v18 =	vld [tilespmem:$0x14A80];
	_ =	sdelay $0x1  }
0x10: {  	v19 =	vld [tilespmem:$0x14B00]  }
0x11: {  	v20 =	vld [tilespmem:$0x14B80]  }
0x12: {  	v21 =	vld [tilespmem:s11+$0x13A00]  }
0x13: {  	v22 =	vld [tilespmem:$0x14C00]  }
0x14: {  	v17 =	vld.idx.msk [tilespmem:v17+s1+$0x0], $0xffff  }
0x15: {  	v23 =	vld [tilespmem:$0x14C80]  }
0x16: {  	v18 =	vld.idx.msk [tilespmem:v18+s1+$0x0], $0xffff  }
0x17: {  	v24 =	vld [tilespmem:$0x14D00]  }
0x18: {  	v19 =	vld.idx.msk [tilespmem:v19+s1+$0x0], $0xffff  }
0x19: {  	v37 =	vld [tilespmem:$0x14D80];
	v17 =	vadd.f32 v17, v21  }
0x1a: {  	v20 =	vld.idx.msk [tilespmem:v20+s1+$0x0], $0xffff  }
0x1b: {  	v38 =	vld [tilespmem:$0x14E00];
	v17 =	vadd.f32 v18, v17  }
0x1c: {  	v18 =	vld.idx.msk [tilespmem:v22+s1+$0x0], $0xffff  }
0x1d: {  	v39 =	vld [tilespmem:$0x14E80];
	v17 =	vadd.f32 v19, v17  }
0x1e: {  	v19 =	vld.idx.msk [tilespmem:v23+s1+$0x0], $0xffff  }
0x1f: {  	v40 =	vld [tilespmem:$0x14F00];
	v17 =	vadd.f32 v20, v17  }
0x20: {  	v24 =	vld.idx.msk [tilespmem:v24+s1+$0x0], $0xffff  }
0x21: {  	v21 =	vld.idx.msk [tilespmem:v37+s1+$0x0], $0xffff;
	v17 =	vadd.f32 v18, v17  }
0x22: {  	v18 =	vld [tilespmem:$0x14F80]  }
0x23: {  	v22 =	vld.idx.msk [tilespmem:v38+s1+$0x0], $0xffff;
	v17 =	vadd.f32 v19, v17  }
0x24: {  	v19 =	vld [tilespmem:$0x15000]  }
0x25: {  	v41 =	vld [tilespmem:$0x15080];
	v17 =	vadd.f32 v24, v17  }
0x26: {  	v23 =	vld.idx.msk [tilespmem:v39+s1+$0x0], $0xffff  }
0x27: {  	v42 =	vld [tilespmem:$0x15100];
	v17 =	vadd.f32 v21, v17  }
0x28: {  	v20 =	vld.idx.msk [tilespmem:v40+s1+$0x0], $0xffff  }
0x29: {  	v43 =	vld [tilespmem:$0x15180];
	v17 =	vadd.f32 v22, v17  }
0x2a: {  	v18 =	vld.idx.msk [tilespmem:v18+s1+$0x0], $0xffff  }
0x2b: {  	v44 =	vld [tilespmem:$0x15200];
	v17 =	vadd.f32 v23, v17  }
0x2c: {  	v19 =	vld.idx.msk [tilespmem:v19+s1+$0x0], $0xffff  }
0x2d: {  	v46 =	vld [tilespmem:$0x15280];
	v17 =	vadd.f32 v20, v17  }
0x2e: {  	v45 =	vld.idx.msk [tilespmem:v41+s1+$0x0], $0xffff  }
0x2f: {  	v21 =	vld.idx.msk [tilespmem:v42+s1+$0x0], $0xffff;
	v17 =	vadd.f32 v18, v17  }
0x30: {  	v18 =	vld [tilespmem:$0x15300]  }
0x31: {  	v22 =	vld.idx.msk [tilespmem:v43+s1+$0x0], $0xffff;
	v17 =	vadd.f32 v19, v17  }
0x32: {  	v19 =	vld [tilespmem:$0x15380]  }
0x33: {  	v47 =	vld [tilespmem:$0x15400];
	v17 =	vadd.f32 v45, v17  }
0x34: {  	v23 =	vld.idx.msk [tilespmem:v44+s1+$0x0], $0xffff  }
0x35: {  	v48 =	vld [tilespmem:$0x15480];
	v17 =	vadd.f32 v21, v17  }
0x36: {  	v24 =	vld.idx.msk [tilespmem:v46+s1+$0x0], $0xffff  }
0x37: {  	v49 =	vld [tilespmem:$0x15500];
	v17 =	vadd.f32 v22, v17  }
0x38: {  	v18 =	vld.idx.msk [tilespmem:v18+s1+$0x0], $0xffff  }
0x39: {  	v50 =	vld [tilespmem:$0x15580];
	v17 =	vadd.f32 v23, v17  }
0x3a: {  	v19 =	vld.idx.msk [tilespmem:v19+s1+$0x0], $0xffff  }
0x3b: {  	v51 =	vld [tilespmem:$0x15600];
	v17 =	vadd.f32 v24, v17  }
0x3c: {  	v20 =	vld.idx.msk [tilespmem:v47+s1+$0x0], $0xffff  }
0x3d: {  	v52 =	vld [tilespmem:$0x15680];
	v17 =	vadd.f32 v18, v17  }
0x3e: {  	v18 =	vld.idx.msk [tilespmem:v48+s1+$0x0], $0xffff  }
0x3f: {  	v17 =	vadd.f32 v19, v17  }
0x40: {  	v19 =	vld.idx.msk [tilespmem:v49+s1+$0x0], $0xffff  }
0x41: {  	v17 =	vadd.f32 v20, v17  }
0x42: {  	v53 =	vld.idx.msk [tilespmem:v50+s1+$0x0], $0xffff  }
0x43: {  	v17 =	vadd.f32 v18, v17  }
0x44: {  	v18 =	vld.idx.msk [tilespmem:v51+s1+$0x0], $0xffff  }
0x45: {  	v17 =	vadd.f32 v19, v17  }
0x46: {  	v19 =	vld.idx.msk [tilespmem:v52+s1+$0x0], $0xffff  }
0x47: {  	v17 =	vadd.f32 v53, v17;
	_ =	sdelay $0x1  }
0x48: {  	v17 =	vadd.f32 v18, v17;
	_ =	sdelay $0x1  }
0x49: {  	v17 =	vadd.f32 v19, v17;
	_ =	sdelay $0x1  }
0x4a: {  	[tilespmem:s11+$0x13A00] =	vst v17  }
0x4b: {  	v17 =	vld [tilespmem:$0x14A10];
	_ =	sdelay $0x1  }
0x4c: {  	v18 =	vld [tilespmem:$0x14A90];
	_ =	sdelay $0x1  }
0x4d: {  	v19 =	vld [tilespmem:$0x14B10]  }
0x4e: {  	v55 =	vld [tilespmem:s11+$0x13A10]  }
0x4f: {  	v54 =	vld [tilespmem:$0x14B90]  }
0x50: {  	v56 =	vld [tilespmem:$0x14C10]  }
0x51: {  	v17 =	vld.idx.msk [tilespmem:v17+s1+$0x0], $0xffff  }
0x52: {  	v57 =	vld [tilespmem:$0x14C90]  }
0x53: {  	v18 =	vld.idx.msk [tilespmem:v18+s1+$0x0], $0xffff  }
0x54: {  	v58 =	vld [tilespmem:$0x14D10]  }
0x55: {  	v19 =	vld.idx.msk [tilespmem:v19+s1+$0x0], $0xffff  }
0x56: {  	v59 =	vld [tilespmem:$0x14D90];
	v17 =	vadd.f32 v17, v55  }
0x57: {  	v20 =	vld.idx.msk [tilespmem:v54+s1+$0x0], $0xffff  }
0x58: {  	v60 =	vld [tilespmem:$0x14E10];
	v17 =	vadd.f32 v18, v17  }
0x59: {  	v18 =	vld.idx.msk [tilespmem:v56+s1+$0x0], $0xffff  }
0x5a: {  	v61 =	vld [tilespmem:$0x14E90];
	v17 =	vadd.f32 v19, v17  }
0x5b: {  	v19 =	vld.idx.msk [tilespmem:v57+s1+$0x0], $0xffff  }
0x5c: {  	v62 =	vld [tilespmem:$0x14F10];
	v17 =	vadd.f32 v20, v17  }
0x5d: {  	v24 =	vld.idx.msk [tilespmem:v58+s1+$0x0], $0xffff  }
0x5e: {  	v21 =	vld.idx.msk [tilespmem:v59+s1+$0x0], $0xffff;
	v17 =	vadd.f32 v18, v17  }
0x5f: {  	v18 =	vld [tilespmem:$0x14F90]  }
0x60: {  	v22 =	vld.idx.msk [tilespmem:v60+s1+$0x0], $0xffff;
	v17 =	vadd.f32 v19, v17  }
0x61: {  	v19 =	vld [tilespmem:$0x15010]  }
0x62: {  	v63 =	vld [tilespmem:$0x15090];
	v17 =	vadd.f32 v24, v17  }
0x63: {  	v23 =	vld.idx.msk [tilespmem:v61+s1+$0x0], $0xffff  }
0x64: {  	v28 =	vld [tilespmem:$0x15110];
	v17 =	vadd.f32 v21, v17  }
0x65: {  	v20 =	vld.idx.msk [tilespmem:v62+s1+$0x0], $0xffff  }
0x66: {  	v29 =	vld [tilespmem:$0x15190];
	v17 =	vadd.f32 v22, v17  }
0x67: {  	v18 =	vld.idx.msk [tilespmem:v18+s1+$0x0], $0xffff  }
0x68: {  	v30 =	vld [tilespmem:$0x15210];
	v17 =	vadd.f32 v23, v17  }
0x69: {  	v19 =	vld.idx.msk [tilespmem:v19+s1+$0x0], $0xffff  }
0x6a: {  	v32 =	vld [tilespmem:$0x15290];
	v17 =	vadd.f32 v20, v17  }
0x6b: {  	v31 =	vld.idx.msk [tilespmem:v63+s1+$0x0], $0xffff  }
0x6c: {  	v21 =	vld.idx.msk [tilespmem:v28+s1+$0x0], $0xffff;
	v17 =	vadd.f32 v18, v17  }
0x6d: {  	v18 =	vld [tilespmem:$0x15310]  }
0x6e: {  	v22 =	vld.idx.msk [tilespmem:v29+s1+$0x0], $0xffff;
	v17 =	vadd.f32 v19, v17  }
0x6f: {  	v19 =	vld [tilespmem:$0x15390]  }
0x70: {  	v33 =	vld [tilespmem:$0x15410];
	v17 =	vadd.f32 v31, v17  }
0x71: {  	v23 =	vld.idx.msk [tilespmem:v30+s1+$0x0], $0xffff  }
0x72: {  	v34 =	vld [tilespmem:$0x15490];
	v17 =	vadd.f32 v21, v17  }
0x73: {  	v24 =	vld.idx.msk [tilespmem:v32+s1+$0x0], $0xffff  }
0x74: {  	v35 =	vld [tilespmem:$0x15510];
	v17 =	vadd.f32 v22, v17  }
0x75: {  	v18 =	vld.idx.msk [tilespmem:v18+s1+$0x0], $0xffff  }
0x76: {  	v36 =	vld [tilespmem:$0x15590];
	v17 =	vadd.f32 v23, v17  }
0x77: {  	v19 =	vld.idx.msk [tilespmem:v19+s1+$0x0], $0xffff  }
0x78: {  	v37 =	vld [tilespmem:$0x15610];
	v17 =	vadd.f32 v24, v17  }
0x79: {  	v20 =	vld.idx.msk [tilespmem:v33+s1+$0x0], $0xffff  }
0x7a: {  	v38 =	vld [tilespmem:$0x15690];
	v17 =	vadd.f32 v18, v17  }
0x7b: {  	v18 =	vld.idx.msk [tilespmem:v34+s1+$0x0], $0xffff  }
0x7c: {  	v17 =	vadd.f32 v19, v17  }
0x7d: {  	v19 =	vld.idx.msk [tilespmem:v35+s1+$0x0], $0xffff  }
0x7e: {  	v17 =	vadd.f32 v20, v17  }
0x7f: {  	v39 =	vld.idx.msk [tilespmem:v36+s1+$0x0], $0xffff  }
0x80: {  	v17 =	vadd.f32 v18, v17  }
0x81: {  	v18 =	vld.idx.msk [tilespmem:v37+s1+$0x0], $0xffff  }
0x82: {  	v17 =	vadd.f32 v19, v17  }
0x83: {  	v19 =	vld.idx.msk [tilespmem:v38+s1+$0x0], $0xffff  }
0x84: {  	v17 =	vadd.f32 v39, v17;
	_ =	sdelay $0x1  }
0x85: {  	v17 =	vadd.f32 v18, v17;
	_ =	sdelay $0x1  }
0x86: {  	v17 =	vadd.f32 v19, v17;
	_ =	sdelay $0x1  }
0x87: {  	[tilespmem:s11+$0x13A10] =	vst v17  }
0x88: {  	v17 =	vld [tilespmem:$0x14A20];
	_ =	sdelay $0x1  }
0x89: {  	v18 =	vld [tilespmem:$0x14AA0];
	_ =	sdelay $0x1  }
0x8a: {  	v19 =	vld [tilespmem:$0x14B20]  }
0x8b: {  	v41 =	vld [tilespmem:s11+$0x13A20]  }
0x8c: {  	v40 =	vld [tilespmem:$0x14BA0]  }
0x8d: {  	v42 =	vld [tilespmem:$0x14C20]  }
0x8e: {  	v17 =	vld.idx.msk [tilespmem:v17+s1+$0x0], $0xffff  }
0x8f: {  	v43 =	vld [tilespmem:$0x14CA0]  }
0x90: {  	v18 =	vld.idx.msk [tilespmem:v18+s1+$0x0], $0xffff  }
0x91: {  	v44 =	vld [tilespmem:$0x14D20]  }
0x92: {  	v19 =	vld.idx.msk [tilespmem:v19+s1+$0x0], $0xffff  }
0x93: {  	v45 =	vld [tilespmem:$0x14DA0];
	v17 =	vadd.f32 v17, v41  }
0x94: {  	v20 =	vld.idx.msk [tilespmem:v40+s1+$0x0], $0xffff  }
0x95: {  	v46 =	vld [tilespmem:$0x14E20];
	v17 =	vadd.f32 v18, v17  }
0x96: {  	v18 =	vld.idx.msk [tilespmem:v42+s1+$0x0], $0xffff  }
0x97: {  	v47 =	vld [tilespmem:$0x14EA0];
	v17 =	vadd.f32 v19, v17  }
0x98: {  	v19 =	vld.idx.msk [tilespmem:v43+s1+$0x0], $0xffff  }
0x99: {  	v48 =	vld [tilespmem:$0x14F20];
	v17 =	vadd.f32 v20, v17  }
0x9a: {  	v24 =	vld.idx.msk [tilespmem:v44+s1+$0x0], $0xffff  }
0x9b: {  	v21 =	vld.idx.msk [tilespmem:v45+s1+$0x0], $0xffff;
	v17 =	vadd.f32 v18, v17  }
0x9c: {  	v18 =	vld [tilespmem:$0x14FA0]  }
0x9d: {  	v22 =	vld.idx.msk [tilespmem:v46+s1+$0x0], $0xffff;
	v17 =	vadd.f32 v19, v17  }
0x9e: {  	v19 =	vld [tilespmem:$0x15020]  }
0x9f: {  	v49 =	vld [tilespmem:$0x150A0];
	v17 =	vadd.f32 v24, v17  }
0xa0: {  	v23 =	vld.idx.msk [tilespmem:v47+s1+$0x0], $0xffff  }
0xa1: {  	v50 =	vld [tilespmem:$0x15120];
	v17 =	vadd.f32 v21, v17  }
0xa2: {  	v20 =	vld.idx.msk [tilespmem:v48+s1+$0x0], $0xffff  }
0xa3: {  	v51 =	vld [tilespmem:$0x151A0];
	v17 =	vadd.f32 v22, v17  }
0xa4: {  	v18 =	vld.idx.msk [tilespmem:v18+s1+$0x0], $0xffff  }
0xa5: {  	v52 =	vld [tilespmem:$0x15220];
	v17 =	vadd.f32 v23, v17  }
0xa6: {  	v19 =	vld.idx.msk [tilespmem:v19+s1+$0x0], $0xffff  }
0xa7: {  	v54 =	vld [tilespmem:$0x152A0];
	v17 =	vadd.f32 v20, v17  }
0xa8: {  	v53 =	vld.idx.msk [tilespmem:v49+s1+$0x0], $0xffff  }
0xa9: {  	v21 =	vld.idx.msk [tilespmem:v50+s1+$0x0], $0xffff;
	v17 =	vadd.f32 v18, v17  }
0xaa: {  	v18 =	vld [tilespmem:$0x15320]  }
0xab: {  	v22 =	vld.idx.msk [tilespmem:v51+s1+$0x0], $0xffff;
	v17 =	vadd.f32 v19, v17  }
0xac: {  	v19 =	vld [tilespmem:$0x153A0]  }
0xad: {  	v55 =	vld [tilespmem:$0x15420];
	v17 =	vadd.f32 v53, v17  }
0xae: {  	v23 =	vld.idx.msk [tilespmem:v52+s1+$0x0], $0xffff  }
0xaf: {  	v56 =	vld [tilespmem:$0x154A0];
	v17 =	vadd.f32 v21, v17  }
0xb0: {  	v24 =	vld.idx.msk [tilespmem:v54+s1+$0x0], $0xffff  }
0xb1: {  	v57 =	vld [tilespmem:$0x15520];
	v17 =	vadd.f32 v22, v17  }
0xb2: {  	v18 =	vld.idx.msk [tilespmem:v18+s1+$0x0], $0xffff  }
0xb3: {  	v58 =	vld [tilespmem:$0x155A0];
	v17 =	vadd.f32 v23, v17  }
0xb4: {  	v19 =	vld.idx.msk [tilespmem:v19+s1+$0x0], $0xffff  }
0xb5: {  	v59 =	vld [tilespmem:$0x15620];
	v17 =	vadd.f32 v24, v17  }
0xb6: {  	v20 =	vld.idx.msk [tilespmem:v55+s1+$0x0], $0xffff  }
0xb7: {  	v60 =	vld [tilespmem:$0x156A0];
	v17 =	vadd.f32 v18, v17  }
0xb8: {  	v18 =	vld.idx.msk [tilespmem:v56+s1+$0x0], $0xffff  }
0xb9: {  	v17 =	vadd.f32 v19, v17  }
0xba: {  	v19 =	vld.idx.msk [tilespmem:v57+s1+$0x0], $0xffff  }
0xbb: {  	v17 =	vadd.f32 v20, v17  }
0xbc: {  	v61 =	vld.idx.msk [tilespmem:v58+s1+$0x0], $0xffff  }
0xbd: {  	v17 =	vadd.f32 v18, v17  }
0xbe: {  	v18 =	vld.idx.msk [tilespmem:v59+s1+$0x0], $0xffff  }
0xbf: {  	v17 =	vadd.f32 v19, v17  }
0xc0: {  	v19 =	vld.idx.msk [tilespmem:v60+s1+$0x0], $0xffff  }
0xc1: {  	v17 =	vadd.f32 v61, v17;
	_ =	sdelay $0x1  }
0xc2: {  	v17 =	vadd.f32 v18, v17;
	_ =	sdelay $0x1  }
0xc3: {  	v17 =	vadd.f32 v19, v17;
	_ =	sdelay $0x1  }
0xc4: {  	[tilespmem:s11+$0x13A20] =	vst v17  }
0xc5: {  	v17 =	vld [tilespmem:$0x14A30];
	_ =	sdelay $0x1  }
0xc6: {  	v18 =	vld [tilespmem:$0x14AB0];
	_ =	sdelay $0x1  }
0xc7: {  	v19 =	vld [tilespmem:$0x14B30]  }
0xc8: {  	v63 =	vld [tilespmem:s11+$0x13A30]  }
0xc9: {  	v62 =	vld [tilespmem:$0x14BB0]  }
0xca: {  	v28 =	vld [tilespmem:$0x14C30]  }
0xcb: {  	v17 =	vld.idx.msk [tilespmem:v17+s1+$0x0], $0xffff  }
0xcc: {  	v29 =	vld [tilespmem:$0x14CB0]  }
0xcd: {  	v18 =	vld.idx.msk [tilespmem:v18+s1+$0x0], $0xffff  }
0xce: {  	v30 =	vld [tilespmem:$0x14D30]  }
0xcf: {  	v19 =	vld.idx.msk [tilespmem:v19+s1+$0x0], $0xffff  }
0xd0: {  	v31 =	vld [tilespmem:$0x14DB0];
	v17 =	vadd.f32 v17, v63  }
0xd1: {  	v20 =	vld.idx.msk [tilespmem:v62+s1+$0x0], $0xffff  }
0xd2: {  	v32 =	vld [tilespmem:$0x14E30];
	v17 =	vadd.f32 v18, v17  }
0xd3: {  	v18 =	vld.idx.msk [tilespmem:v28+s1+$0x0], $0xffff  }
0xd4: {  	v33 =	vld [tilespmem:$0x14EB0];
	v17 =	vadd.f32 v19, v17  }
0xd5: {  	v19 =	vld.idx.msk [tilespmem:v29+s1+$0x0], $0xffff  }
0xd6: {  	v34 =	vld [tilespmem:$0x14F30];
	v17 =	vadd.f32 v20, v17  }
0xd7: {  	v24 =	vld.idx.msk [tilespmem:v30+s1+$0x0], $0xffff  }
0xd8: {  	v21 =	vld.idx.msk [tilespmem:v31+s1+$0x0], $0xffff;
	v17 =	vadd.f32 v18, v17  }
0xd9: {  	v18 =	vld [tilespmem:$0x14FB0]  }
0xda: {  	v22 =	vld.idx.msk [tilespmem:v32+s1+$0x0], $0xffff;
	v17 =	vadd.f32 v19, v17  }
0xdb: {  	v19 =	vld [tilespmem:$0x15030]  }
0xdc: {  	v35 =	vld [tilespmem:$0x150B0];
	v17 =	vadd.f32 v24, v17  }
0xdd: {  	v23 =	vld.idx.msk [tilespmem:v33+s1+$0x0], $0xffff  }
0xde: {  	v36 =	vld [tilespmem:$0x15130];
	v17 =	vadd.f32 v21, v17  }
0xdf: {  	v20 =	vld.idx.msk [tilespmem:v34+s1+$0x0], $0xffff  }
0xe0: {  	v37 =	vld [tilespmem:$0x151B0];
	v17 =	vadd.f32 v22, v17  }
0xe1: {  	v18 =	vld.idx.msk [tilespmem:v18+s1+$0x0], $0xffff  }
0xe2: {  	v38 =	vld [tilespmem:$0x15230];
	v17 =	vadd.f32 v23, v17  }
0xe3: {  	v19 =	vld.idx.msk [tilespmem:v19+s1+$0x0], $0xffff  }
0xe4: {  	v40 =	vld [tilespmem:$0x152B0];
	v17 =	vadd.f32 v20, v17  }
0xe5: {  	v39 =	vld.idx.msk [tilespmem:v35+s1+$0x0], $0xffff  }
0xe6: {  	v21 =	vld.idx.msk [tilespmem:v36+s1+$0x0], $0xffff;
	v17 =	vadd.f32 v18, v17  }
0xe7: {  	v18 =	vld [tilespmem:$0x15330]  }
0xe8: {  	v22 =	vld.idx.msk [tilespmem:v37+s1+$0x0], $0xffff;
	v17 =	vadd.f32 v19, v17  }
0xe9: {  	v19 =	vld [tilespmem:$0x153B0]  }
0xea: {  	v41 =	vld [tilespmem:$0x15430];
	v17 =	vadd.f32 v39, v17  }
0xeb: {  	v23 =	vld.idx.msk [tilespmem:v38+s1+$0x0], $0xffff  }
0xec: {  	v42 =	vld [tilespmem:$0x154B0];
	v17 =	vadd.f32 v21, v17  }
0xed: {  	v24 =	vld.idx.msk [tilespmem:v40+s1+$0x0], $0xffff  }
0xee: {  	v43 =	vld [tilespmem:$0x15530];
	v17 =	vadd.f32 v22, v17  }
0xef: {  	v18 =	vld.idx.msk [tilespmem:v18+s1+$0x0], $0xffff  }
0xf0: {  	v44 =	vld [tilespmem:$0x155B0];
	v17 =	vadd.f32 v23, v17  }
0xf1: {  	v19 =	vld.idx.msk [tilespmem:v19+s1+$0x0], $0xffff  }
0xf2: {  	v45 =	vld [tilespmem:$0x15630];
	v17 =	vadd.f32 v24, v17  }
0xf3: {  	v20 =	vld.idx.msk [tilespmem:v41+s1+$0x0], $0xffff  }
0xf4: {  	v46 =	vld [tilespmem:$0x156B0];
	v17 =	vadd.f32 v18, v17  }
0xf5: {  	v18 =	vld.idx.msk [tilespmem:v42+s1+$0x0], $0xffff  }
0xf6: {  	v17 =	vadd.f32 v19, v17  }
0xf7: {  	v19 =	vld.idx.msk [tilespmem:v43+s1+$0x0], $0xffff  }
0xf8: {  	v17 =	vadd.f32 v20, v17  }
0xf9: {  	v47 =	vld.idx.msk [tilespmem:v44+s1+$0x0], $0xffff  }
0xfa: {  	v17 =	vadd.f32 v18, v17  }
0xfb: {  	v18 =	vld.idx.msk [tilespmem:v45+s1+$0x0], $0xffff  }
0xfc: {  	v17 =	vadd.f32 v19, v17  }
0xfd: {  	v19 =	vld.idx.msk [tilespmem:v46+s1+$0x0], $0xffff  }
0xfe: {  	v17 =	vadd.f32 v47, v17;
	_ =	sdelay $0x1  }
0xff: {  	v17 =	vadd.f32 v18, v17;
	_ =	sdelay $0x1  }
0x100: {  	v17 =	vadd.f32 v19, v17;
	_ =	sdelay $0x1  }
0x101: {  	[tilespmem:s11+$0x13A30] =	vst v17  }
0x102: {  	v17 =	vld [tilespmem:$0x14A40];
	_ =	sdelay $0x1  }
0x103: {  	v18 =	vld [tilespmem:$0x14AC0];
	_ =	sdelay $0x1  }
0x104: {  	v19 =	vld [tilespmem:$0x14B40]  }
0x105: {  	v49 =	vld [tilespmem:s11+$0x13A40]  }
0x106: {  	v48 =	vld [tilespmem:$0x14BC0]  }
0x107: {  	v50 =	vld [tilespmem:$0x14C40]  }
0x108: {  	v17 =	vld.idx.msk [tilespmem:v17+s1+$0x0], $0xffff  }
0x109: {  	v51 =	vld [tilespmem:$0x14CC0]  }
0x10a: {  	v18 =	vld.idx.msk [tilespmem:v18+s1+$0x0], $0xffff  }
0x10b: {  	v52 =	vld [tilespmem:$0x14D40]  }
0x10c: {  	v19 =	vld.idx.msk [tilespmem:v19+s1+$0x0], $0xffff  }
0x10d: {  	v53 =	vld [tilespmem:$0x14DC0];
	v17 =	vadd.f32 v17, v49  }
0x10e: {  	v20 =	vld.idx.msk [tilespmem:v48+s1+$0x0], $0xffff  }
0x10f: {  	v54 =	vld [tilespmem:$0x14E40];
	v17 =	vadd.f32 v18, v17  }
0x110: {  	v18 =	vld.idx.msk [tilespmem:v50+s1+$0x0], $0xffff  }
0x111: {  	v55 =	vld [tilespmem:$0x14EC0];
	v17 =	vadd.f32 v19, v17  }
0x112: {  	v19 =	vld.idx.msk [tilespmem:v51+s1+$0x0], $0xffff  }
0x113: {  	v56 =	vld [tilespmem:$0x14F40];
	v17 =	vadd.f32 v20, v17  }
0x114: {  	v24 =	vld.idx.msk [tilespmem:v52+s1+$0x0], $0xffff  }
0x115: {  	v21 =	vld.idx.msk [tilespmem:v53+s1+$0x0], $0xffff;
	v17 =	vadd.f32 v18, v17  }
0x116: {  	v18 =	vld [tilespmem:$0x14FC0]  }
0x117: {  	v22 =	vld.idx.msk [tilespmem:v54+s1+$0x0], $0xffff;
	v17 =	vadd.f32 v19, v17  }
0x118: {  	v19 =	vld [tilespmem:$0x15040]  }
0x119: {  	v57 =	vld [tilespmem:$0x150C0];
	v17 =	vadd.f32 v24, v17  }
0x11a: {  	v23 =	vld.idx.msk [tilespmem:v55+s1+$0x0], $0xffff  }
0x11b: {  	v58 =	vld [tilespmem:$0x15140];
	v17 =	vadd.f32 v21, v17  }
0x11c: {  	v20 =	vld.idx.msk [tilespmem:v56+s1+$0x0], $0xffff  }
0x11d: {  	v59 =	vld [tilespmem:$0x151C0];
	v17 =	vadd.f32 v22, v17  }
0x11e: {  	v18 =	vld.idx.msk [tilespmem:v18+s1+$0x0], $0xffff  }
0x11f: {  	v60 =	vld [tilespmem:$0x15240];
	v17 =	vadd.f32 v23, v17  }
0x120: {  	v19 =	vld.idx.msk [tilespmem:v19+s1+$0x0], $0xffff  }
0x121: {  	v62 =	vld [tilespmem:$0x152C0];
	v17 =	vadd.f32 v20, v17  }
0x122: {  	v61 =	vld.idx.msk [tilespmem:v57+s1+$0x0], $0xffff  }
0x123: {  	v21 =	vld.idx.msk [tilespmem:v58+s1+$0x0], $0xffff;
	v17 =	vadd.f32 v18, v17  }
0x124: {  	v18 =	vld [tilespmem:$0x15340]  }
0x125: {  	v22 =	vld.idx.msk [tilespmem:v59+s1+$0x0], $0xffff;
	v17 =	vadd.f32 v19, v17  }
0x126: {  	v19 =	vld [tilespmem:$0x153C0]  }
0x127: {  	v63 =	vld [tilespmem:$0x15440];
	v17 =	vadd.f32 v61, v17  }
0x128: {  	v23 =	vld.idx.msk [tilespmem:v60+s1+$0x0], $0xffff  }
0x129: {  	v28 =	vld [tilespmem:$0x154C0];
	v17 =	vadd.f32 v21, v17  }
0x12a: {  	v24 =	vld.idx.msk [tilespmem:v62+s1+$0x0], $0xffff  }
0x12b: {  	v29 =	vld [tilespmem:$0x15540];
	v17 =	vadd.f32 v22, v17  }
0x12c: {  	v18 =	vld.idx.msk [tilespmem:v18+s1+$0x0], $0xffff  }
0x12d: {  	v30 =	vld [tilespmem:$0x155C0];
	v17 =	vadd.f32 v23, v17  }
0x12e: {  	v19 =	vld.idx.msk [tilespmem:v19+s1+$0x0], $0xffff  }
0x12f: {  	v31 =	vld [tilespmem:$0x15640];
	v17 =	vadd.f32 v24, v17  }
0x130: {  	v20 =	vld.idx.msk [tilespmem:v63+s1+$0x0], $0xffff  }
0x131: {  	v32 =	vld [tilespmem:$0x156C0];
	v17 =	vadd.f32 v18, v17  }
0x132: {  	v18 =	vld.idx.msk [tilespmem:v28+s1+$0x0], $0xffff  }
0x133: {  	v17 =	vadd.f32 v19, v17  }
0x134: {  	v19 =	vld.idx.msk [tilespmem:v29+s1+$0x0], $0xffff  }
0x135: {  	v17 =	vadd.f32 v20, v17  }
0x136: {  	v33 =	vld.idx.msk [tilespmem:v30+s1+$0x0], $0xffff  }
0x137: {  	v17 =	vadd.f32 v18, v17  }
0x138: {  	v18 =	vld.idx.msk [tilespmem:v31+s1+$0x0], $0xffff  }
0x139: {  	v17 =	vadd.f32 v19, v17  }
0x13a: {  	v19 =	vld.idx.msk [tilespmem:v32+s1+$0x0], $0xffff  }
0x13b: {  	v17 =	vadd.f32 v33, v17;
	_ =	sdelay $0x1  }
0x13c: {  	v17 =	vadd.f32 v18, v17;
	_ =	sdelay $0x1  }
0x13d: {  	v17 =	vadd.f32 v19, v17;
	_ =	sdelay $0x1  }
0x13e: {  	[tilespmem:s11+$0x13A40] =	vst v17  }
0x13f: {  	v17 =	vld [tilespmem:$0x14A50];
	_ =	sdelay $0x1  }
0x140: {  	v18 =	vld [tilespmem:$0x14AD0];
	_ =	sdelay $0x1  }
0x141: {  	v19 =	vld [tilespmem:$0x14B50]  }
0x142: {  	v35 =	vld [tilespmem:s11+$0x13A50]  }
0x143: {  	v34 =	vld [tilespmem:$0x14BD0]  }
0x144: {  	v36 =	vld [tilespmem:$0x14C50]  }
0x145: {  	v17 =	vld.idx.msk [tilespmem:v17+s1+$0x0], $0xffff  }
0x146: {  	v37 =	vld [tilespmem:$0x14CD0]  }
0x147: {  	v18 =	vld.idx.msk [tilespmem:v18+s1+$0x0], $0xffff  }
0x148: {  	v38 =	vld [tilespmem:$0x14D50]  }
0x149: {  	v19 =	vld.idx.msk [tilespmem:v19+s1+$0x0], $0xffff  }
0x14a: {  	v39 =	vld [tilespmem:$0x14DD0];
	v17 =	vadd.f32 v17, v35  }
0x14b: {  	v20 =	vld.idx.msk [tilespmem:v34+s1+$0x0], $0xffff  }
0x14c: {  	v40 =	vld [tilespmem:$0x14E50];
	v17 =	vadd.f32 v18, v17  }
0x14d: {  	v18 =	vld.idx.msk [tilespmem:v36+s1+$0x0], $0xffff  }
0x14e: {  	v41 =	vld [tilespmem:$0x14ED0];
	v17 =	vadd.f32 v19, v17  }
0x14f: {  	v19 =	vld.idx.msk [tilespmem:v37+s1+$0x0], $0xffff  }
0x150: {  	v42 =	vld [tilespmem:$0x14F50];
	v17 =	vadd.f32 v20, v17  }
0x151: {  	v24 =	vld.idx.msk [tilespmem:v38+s1+$0x0], $0xffff  }
0x152: {  	v21 =	vld.idx.msk [tilespmem:v39+s1+$0x0], $0xffff;
	v17 =	vadd.f32 v18, v17  }
0x153: {  	v18 =	vld [tilespmem:$0x14FD0]  }
0x154: {  	v22 =	vld.idx.msk [tilespmem:v40+s1+$0x0], $0xffff;
	v17 =	vadd.f32 v19, v17  }
0x155: {  	v19 =	vld [tilespmem:$0x15050]  }
0x156: {  	v43 =	vld [tilespmem:$0x150D0];
	v17 =	vadd.f32 v24, v17  }
0x157: {  	v23 =	vld.idx.msk [tilespmem:v41+s1+$0x0], $0xffff  }
0x158: {  	v44 =	vld [tilespmem:$0x15150];
	v17 =	vadd.f32 v21, v17  }
0x159: {  	v20 =	vld.idx.msk [tilespmem:v42+s1+$0x0], $0xffff  }
0x15a: {  	v45 =	vld [tilespmem:$0x151D0];
	v17 =	vadd.f32 v22, v17  }
0x15b: {  	v18 =	vld.idx.msk [tilespmem:v18+s1+$0x0], $0xffff  }
0x15c: {  	v46 =	vld [tilespmem:$0x15250];
	v17 =	vadd.f32 v23, v17  }
0x15d: {  	v19 =	vld.idx.msk [tilespmem:v19+s1+$0x0], $0xffff  }
0x15e: {  	v48 =	vld [tilespmem:$0x152D0];
	v17 =	vadd.f32 v20, v17  }
0x15f: {  	v47 =	vld.idx.msk [tilespmem:v43+s1+$0x0], $0xffff  }
0x160: {  	v21 =	vld.idx.msk [tilespmem:v44+s1+$0x0], $0xffff;
	v17 =	vadd.f32 v18, v17  }
0x161: {  	v18 =	vld [tilespmem:$0x15350]  }
0x162: {  	v22 =	vld.idx.msk [tilespmem:v45+s1+$0x0], $0xffff;
	v17 =	vadd.f32 v19, v17  }
0x163: {  	v19 =	vld [tilespmem:$0x153D0]  }
0x164: {  	v49 =	vld [tilespmem:$0x15450];
	v17 =	vadd.f32 v47, v17  }
0x165: {  	v23 =	vld.idx.msk [tilespmem:v46+s1+$0x0], $0xffff  }
0x166: {  	v50 =	vld [tilespmem:$0x154D0];
	v17 =	vadd.f32 v21, v17  }
0x167: {  	v24 =	vld.idx.msk [tilespmem:v48+s1+$0x0], $0xffff  }
0x168: {  	v51 =	vld [tilespmem:$0x15550];
	v17 =	vadd.f32 v22, v17  }
0x169: {  	v18 =	vld.idx.msk [tilespmem:v18+s1+$0x0], $0xffff  }
0x16a: {  	v52 =	vld [tilespmem:$0x155D0];
	v17 =	vadd.f32 v23, v17  }
0x16b: {  	v19 =	vld.idx.msk [tilespmem:v19+s1+$0x0], $0xffff  }
0x16c: {  	v53 =	vld [tilespmem:$0x15650];
	v17 =	vadd.f32 v24, v17  }
0x16d: {  	v20 =	vld.idx.msk [tilespmem:v49+s1+$0x0], $0xffff  }
0x16e: {  	v54 =	vld [tilespmem:$0x156D0];
	v17 =	vadd.f32 v18, v17  }
0x16f: {  	v18 =	vld.idx.msk [tilespmem:v50+s1+$0x0], $0xffff  }
0x170: {  	v17 =	vadd.f32 v19, v17  }
0x171: {  	v19 =	vld.idx.msk [tilespmem:v51+s1+$0x0], $0xffff  }
0x172: {  	v17 =	vadd.f32 v20, v17  }
0x173: {  	v55 =	vld.idx.msk [tilespmem:v52+s1+$0x0], $0xffff  }
0x174: {  	v17 =	vadd.f32 v18, v17  }
0x175: {  	v18 =	vld.idx.msk [tilespmem:v53+s1+$0x0], $0xffff  }
0x176: {  	v17 =	vadd.f32 v19, v17  }
0x177: {  	v19 =	vld.idx.msk [tilespmem:v54+s1+$0x0], $0xffff  }
0x178: {  	v17 =	vadd.f32 v55, v17;
	_ =	sdelay $0x1  }
0x179: {  	v17 =	vadd.f32 v18, v17;
	_ =	sdelay $0x1  }
0x17a: {  	v17 =	vadd.f32 v19, v17;
	_ =	sdelay $0x1  }
0x17b: {  	[tilespmem:s11+$0x13A50] =	vst v17  }
0x17c: {  	v17 =	vld [tilespmem:$0x14A60];
	_ =	sdelay $0x1  }
0x17d: {  	v18 =	vld [tilespmem:$0x14AE0];
	_ =	sdelay $0x1  }
0x17e: {  	v19 =	vld [tilespmem:$0x14B60]  }
0x17f: {  	v57 =	vld [tilespmem:s11+$0x13A60]  }
0x180: {  	v56 =	vld [tilespmem:$0x14BE0]  }
0x181: {  	v58 =	vld [tilespmem:$0x14C60]  }
0x182: {  	v17 =	vld.idx.msk [tilespmem:v17+s1+$0x0], $0xffff  }
0x183: {  	v59 =	vld [tilespmem:$0x14CE0]  }
0x184: {  	v18 =	vld.idx.msk [tilespmem:v18+s1+$0x0], $0xffff  }
0x185: {  	v60 =	vld [tilespmem:$0x14D60]  }
0x186: {  	v19 =	vld.idx.msk [tilespmem:v19+s1+$0x0], $0xffff  }
0x187: {  	v61 =	vld [tilespmem:$0x14DE0];
	v17 =	vadd.f32 v17, v57  }
0x188: {  	v20 =	vld.idx.msk [tilespmem:v56+s1+$0x0], $0xffff  }
0x189: {  	v62 =	vld [tilespmem:$0x14E60];
	v17 =	vadd.f32 v18, v17  }
0x18a: {  	v18 =	vld.idx.msk [tilespmem:v58+s1+$0x0], $0xffff  }
0x18b: {  	v63 =	vld [tilespmem:$0x14EE0];
	v17 =	vadd.f32 v19, v17  }
0x18c: {  	v19 =	vld.idx.msk [tilespmem:v59+s1+$0x0], $0xffff  }
0x18d: {  	v28 =	vld [tilespmem:$0x14F60];
	v17 =	vadd.f32 v20, v17  }
0x18e: {  	v24 =	vld.idx.msk [tilespmem:v60+s1+$0x0], $0xffff  }
0x18f: {  	v21 =	vld.idx.msk [tilespmem:v61+s1+$0x0], $0xffff;
	v17 =	vadd.f32 v18, v17  }
0x190: {  	v18 =	vld [tilespmem:$0x14FE0]  }
0x191: {  	v22 =	vld.idx.msk [tilespmem:v62+s1+$0x0], $0xffff;
	v17 =	vadd.f32 v19, v17  }
0x192: {  	v19 =	vld [tilespmem:$0x15060]  }
0x193: {  	v29 =	vld [tilespmem:$0x150E0];
	v17 =	vadd.f32 v24, v17  }
0x194: {  	v23 =	vld.idx.msk [tilespmem:v63+s1+$0x0], $0xffff  }
0x195: {  	v30 =	vld [tilespmem:$0x15160];
	v17 =	vadd.f32 v21, v17  }
0x196: {  	v20 =	vld.idx.msk [tilespmem:v28+s1+$0x0], $0xffff  }
0x197: {  	v31 =	vld [tilespmem:$0x151E0];
	v17 =	vadd.f32 v22, v17  }
0x198: {  	v18 =	vld.idx.msk [tilespmem:v18+s1+$0x0], $0xffff  }
0x199: {  	v32 =	vld [tilespmem:$0x15260];
	v17 =	vadd.f32 v23, v17  }
0x19a: {  	v19 =	vld.idx.msk [tilespmem:v19+s1+$0x0], $0xffff  }
0x19b: {  	v34 =	vld [tilespmem:$0x152E0];
	v17 =	vadd.f32 v20, v17  }
0x19c: {  	v33 =	vld.idx.msk [tilespmem:v29+s1+$0x0], $0xffff  }
0x19d: {  	v21 =	vld.idx.msk [tilespmem:v30+s1+$0x0], $0xffff;
	v17 =	vadd.f32 v18, v17  }
0x19e: {  	v18 =	vld [tilespmem:$0x15360]  }
0x19f: {  	v22 =	vld.idx.msk [tilespmem:v31+s1+$0x0], $0xffff;
	v17 =	vadd.f32 v19, v17  }
0x1a0: {  	v19 =	vld [tilespmem:$0x153E0]  }
0x1a1: {  	v35 =	vld [tilespmem:$0x15460];
	v17 =	vadd.f32 v33, v17  }
0x1a2: {  	v23 =	vld.idx.msk [tilespmem:v32+s1+$0x0], $0xffff  }
0x1a3: {  	v36 =	vld [tilespmem:$0x154E0];
	v17 =	vadd.f32 v21, v17  }
0x1a4: {  	v24 =	vld.idx.msk [tilespmem:v34+s1+$0x0], $0xffff  }
0x1a5: {  	v37 =	vld [tilespmem:$0x15560];
	v17 =	vadd.f32 v22, v17  }
0x1a6: {  	v18 =	vld.idx.msk [tilespmem:v18+s1+$0x0], $0xffff  }
0x1a7: {  	v38 =	vld [tilespmem:$0x155E0];
	v17 =	vadd.f32 v23, v17  }
0x1a8: {  	v19 =	vld.idx.msk [tilespmem:v19+s1+$0x0], $0xffff  }
0x1a9: {  	v39 =	vld [tilespmem:$0x15660];
	v17 =	vadd.f32 v24, v17  }
0x1aa: {  	v20 =	vld.idx.msk [tilespmem:v35+s1+$0x0], $0xffff  }
0x1ab: {  	v40 =	vld [tilespmem:$0x156E0];
	v17 =	vadd.f32 v18, v17  }
0x1ac: {  	v18 =	vld.idx.msk [tilespmem:v36+s1+$0x0], $0xffff  }
0x1ad: {  	v17 =	vadd.f32 v19, v17  }
0x1ae: {  	v19 =	vld.idx.msk [tilespmem:v37+s1+$0x0], $0xffff  }
0x1af: {  	v17 =	vadd.f32 v20, v17  }
0x1b0: {  	v41 =	vld.idx.msk [tilespmem:v38+s1+$0x0], $0xffff  }
0x1b1: {  	v17 =	vadd.f32 v18, v17  }
0x1b2: {  	v18 =	vld.idx.msk [tilespmem:v39+s1+$0x0], $0xffff  }
0x1b3: {  	v17 =	vadd.f32 v19, v17  }
0x1b4: {  	v19 =	vld.idx.msk [tilespmem:v40+s1+$0x0], $0xffff  }
0x1b5: {  	v17 =	vadd.f32 v41, v17;
	_ =	sdelay $0x1  }
0x1b6: {  	v17 =	vadd.f32 v18, v17;
	_ =	sdelay $0x1  }
0x1b7: {  	v17 =	vadd.f32 v19, v17;
	_ =	sdelay $0x1  }
0x1b8: {  	[tilespmem:s11+$0x13A60] =	vst v17  }
0x1b9: {  	v17 =	vld [tilespmem:$0x14A70];
	_ =	sdelay $0x1  }
0x1ba: {  	v18 =	vld [tilespmem:$0x14AF0];
	_ =	sdelay $0x1  }
0x1bb: {  	v19 =	vld [tilespmem:$0x14B70]  }
0x1bc: {  	v43 =	vld [tilespmem:s11+$0x13A70]  }
0x1bd: {  	v42 =	vld [tilespmem:$0x14BF0]  }
0x1be: {  	v44 =	vld [tilespmem:$0x14C70]  }
0x1bf: {  	v17 =	vld.idx.msk [tilespmem:v17+s1+$0x0], $0xffff  }
0x1c0: {  	v45 =	vld [tilespmem:$0x14CF0]  }
0x1c1: {  	v18 =	vld.idx.msk [tilespmem:v18+s1+$0x0], $0xffff  }
0x1c2: {  	v46 =	vld [tilespmem:$0x14D70]  }
0x1c3: {  	v19 =	vld.idx.msk [tilespmem:v19+s1+$0x0], $0xffff  }
0x1c4: {  	v47 =	vld [tilespmem:$0x14DF0];
	v17 =	vadd.f32 v17, v43  }
0x1c5: {  	v20 =	vld.idx.msk [tilespmem:v42+s1+$0x0], $0xffff  }
0x1c6: {  	v48 =	vld [tilespmem:$0x14E70];
	v17 =	vadd.f32 v18, v17  }
0x1c7: {  	v18 =	vld.idx.msk [tilespmem:v44+s1+$0x0], $0xffff  }
0x1c8: {  	v49 =	vld [tilespmem:$0x14EF0];
	v17 =	vadd.f32 v19, v17  }
0x1c9: {  	v19 =	vld.idx.msk [tilespmem:v45+s1+$0x0], $0xffff  }
0x1ca: {  	v50 =	vld [tilespmem:$0x14F70];
	v17 =	vadd.f32 v20, v17  }
0x1cb: {  	v24 =	vld.idx.msk [tilespmem:v46+s1+$0x0], $0xffff  }
0x1cc: {  	v21 =	vld.idx.msk [tilespmem:v47+s1+$0x0], $0xffff;
	v17 =	vadd.f32 v18, v17  }
0x1cd: {  	v18 =	vld [tilespmem:$0x14FF0]  }
0x1ce: {  	v22 =	vld.idx.msk [tilespmem:v48+s1+$0x0], $0xffff;
	v17 =	vadd.f32 v19, v17  }
0x1cf: {  	v19 =	vld [tilespmem:$0x15070]  }
0x1d0: {  	v51 =	vld [tilespmem:$0x150F0];
	v17 =	vadd.f32 v24, v17  }
0x1d1: {  	v23 =	vld.idx.msk [tilespmem:v49+s1+$0x0], $0xffff  }
0x1d2: {  	v52 =	vld [tilespmem:$0x15170];
	v17 =	vadd.f32 v21, v17  }
0x1d3: {  	v20 =	vld.idx.msk [tilespmem:v50+s1+$0x0], $0xffff  }
0x1d4: {  	v53 =	vld [tilespmem:$0x151F0];
	v17 =	vadd.f32 v22, v17  }
0x1d5: {  	v18 =	vld.idx.msk [tilespmem:v18+s1+$0x0], $0xffff  }
0x1d6: {  	v54 =	vld [tilespmem:$0x15270];
	v17 =	vadd.f32 v23, v17  }
0x1d7: {  	v19 =	vld.idx.msk [tilespmem:v19+s1+$0x0], $0xffff  }
0x1d8: {  	v56 =	vld [tilespmem:$0x152F0];
	v17 =	vadd.f32 v20, v17  }
0x1d9: {  	v55 =	vld.idx.msk [tilespmem:v51+s1+$0x0], $0xffff  }
0x1da: {  	v21 =	vld.idx.msk [tilespmem:v52+s1+$0x0], $0xffff;
	v17 =	vadd.f32 v18, v17  }
0x1db: {  	v18 =	vld [tilespmem:$0x15370]  }
0x1dc: {  	v22 =	vld.idx.msk [tilespmem:v53+s1+$0x0], $0xffff;
	v17 =	vadd.f32 v19, v17  }
0x1dd: {  	v19 =	vld [tilespmem:$0x153F0]  }
0x1de: {  	v57 =	vld [tilespmem:$0x15470];
	v17 =	vadd.f32 v55, v17  }
0x1df: {  	v23 =	vld.idx.msk [tilespmem:v54+s1+$0x0], $0xffff  }
0x1e0: {  	v58 =	vld [tilespmem:$0x154F0];
	v17 =	vadd.f32 v21, v17  }
0x1e1: {  	v24 =	vld.idx.msk [tilespmem:v56+s1+$0x0], $0xffff  }
0x1e2: {  	v59 =	vld [tilespmem:$0x15570];
	v17 =	vadd.f32 v22, v17  }
0x1e3: {  	v18 =	vld.idx.msk [tilespmem:v18+s1+$0x0], $0xffff  }
0x1e4: {  	v60 =	vld [tilespmem:$0x155F0];
	v17 =	vadd.f32 v23, v17  }
0x1e5: {  	v19 =	vld.idx.msk [tilespmem:v19+s1+$0x0], $0xffff  }
0x1e6: {  	v61 =	vld [tilespmem:$0x15670];
	v17 =	vadd.f32 v24, v17  }
0x1e7: {  	v20 =	vld.idx.msk [tilespmem:v57+s1+$0x0], $0xffff  }
0x1e8: {  	v62 =	vld [tilespmem:$0x156F0];
	v17 =	vadd.f32 v18, v17  }
0x1e9: {  	v18 =	vld.idx.msk [tilespmem:v58+s1+$0x0], $0xffff  }
0x1ea: {  	v17 =	vadd.f32 v19, v17  }
0x1eb: {  	v19 =	vld.idx.msk [tilespmem:v59+s1+$0x0], $0xffff  }
0x1ec: {  	v17 =	vadd.f32 v20, v17  }
0x1ed: {  	v63 =	vld.idx.msk [tilespmem:v60+s1+$0x0], $0xffff  }
0x1ee: {  	v17 =	vadd.f32 v18, v17  }
0x1ef: {  	v18 =	vld.idx.msk [tilespmem:v61+s1+$0x0], $0xffff  }
0x1f0: {  	v17 =	vadd.f32 v19, v17  }
0x1f1: {  	v19 =	vld.idx.msk [tilespmem:v62+s1+$0x0], $0xffff  }
0x1f2: {  	v17 =	vadd.f32 v63, v17;
	_ =	sdelay $0x1  }
0x1f3: {  	v17 =	vadd.f32 v18, v17;
	_ =	sdelay $0x1  }
0x1f4: {  	v17 =	vadd.f32 v19, v17;
	_ =	sdelay $0x1  }
0x1f5: {  	[tilespmem:s11+$0x13A70] =	vst v17  }
0x1f6: {  	s0 =	simm.s32 @p0 $0x13A00;
	[bflag:$0x0] =	sbarrier.arrive $0xFFFF  }
0x1f7: {  	[spmem:s2] =	stream.linear.scatter @p0 [tilespmem:s0], [sflag:$0x3], $0x1000, $0x38;
	[tilespmem:$0x1BE90] =	vst v63  }
0x1f8: {  	s0 =	simm.s32 @p0 $0x3  }
0x1f9: {  	_ =	swait.ge @p0 [sflag:s0], $0x1000  }
0x1fa: {  	[sflag:s0] =	ssyncset.done @p0 $0x0  }
0x1fb: {  	[sflag:s0] =	ssyncadd.s32 @p0 $0xFFFFF000  }
0x1fc: {  	[bflag:$0x0] =	sbarrier.arrive @p0 $0xFFFF  }
0x1fd: {  	s3 =	sshrl.u32 @p0 s2, $0x3;
	s17 =	simm.s32 @p0 $0x1C03;
	[bflag:$0x0] =	sbarrier.arrive @p0 $0xFFFF  }
0x1fe: {  	[hbm:s12], [sflag:s17] =	dma.local @p0 [spmem:s3], $0x200  }
0x1ff: {  	_ =	swait.ge @p0 [sflag:s0], $0x200  }
0x200: {  	[sflag:s0] =	ssyncset.done @p0 $0x0  }
0x201: {  	s28 =	sadd.s32 $0x1, s28;
	s3 =	simm.s32 @!p0 $0x1BC90;
	[sflag:s0] =	ssyncadd.s32 @p0 $0xFFFFFE00  }
0x202: {  	s17 =	simm.s32 @!p0 $0x13A00;
	s0 =	simm.s32 @!p0 $0x100;
	[bflag:$0x0] =	sbarrier.arrive @!p0 $0xFFFF  }
0x203: {  	[spmem:s2] =	stream.indirect.scatter.add.f32 @!p0 [tilespmem:s17], [sflag:$0x3], $0x10, s3, s0, $0xb8;
	[tilespmem:$0x1BE90] =	vst v63  }
0x204: {  	p1 =	sne.s32 s28, s13;
	s0 =	simm.s32 @!p0 $0x3  }
.Ltmp1:
0x205: {  	_ =	swait.ge @!p0 [sflag:s0], $0x1000;
	(pc) =	sbr.rel @!p1 .LBB2_14-.Ltmp1, $3  }
0x206: {  	[sflag:s0] =	ssyncset.done @!p0 $0x0  }
0x207: {  	[sflag:s0] =	ssyncadd.s32 @!p0 $0xFFFFF000  }
0x208: {  	[bflag:$0x0] =	sbarrier.arrive @!p0 $0xFFFF;
	_ =	sdelay $0x1  }
.LBB2_1:
0x209: {  	[smem:$0x0] =	sst s14  }
0x20a: {  	[smem:$0x1] =	sst s15  }
0x20b: {  	s0 =	simm.s32 $0x4;
	[smem:$0x2] =	sst s16  }
0x20c: {  	s29 =	simm.s32 $0x5;
	[smem:$0x3] =	sst s0  }
0x20d: {  	s30 =	simm.s32 $0x6;
	[smem:$0x4] =	sst s29  }
0x20e: {  	s31 =	simm.s32 $0x7;
	[smem:$0x5] =	sst s30  }
0x20f: {  	s3 =	simm.s32 $0x8;
	[smem:$0x6] =	sst s31  }
0x210: {  	s17 =	simm.s32 $0x9;
	[smem:$0x7] =	sst s3  }
0x211: {  	s18 =	simm.s32 $0xA;
	[smem:$0x8] =	sst s17  }
0x212: {  	s19 =	simm.s32 $0xB;
	[smem:$0x9] =	sst s18  }
0x213: {  	s20 =	simm.s32 $0xC;
	[smem:$0xA] =	sst s19  }
0x214: {  	s21 =	simm.s32 $0xD;
	[smem:$0xB] =	sst s20  }
0x215: {  	s23 =	simm.s32 $0xE;
	[smem:$0xC] =	sst s21  }
0x216: {  	s29 =	simm.s32 $0xF;
	[smem:$0xD] =	sst s23  }
0x217: {  	s30 =	simm.s32 $0x10;
	[smem:$0xE] =	sst s29  }
0x218: {  	s31 =	simm.s32 $0x11;
	[smem:$0xF] =	sst s30  }
0x219: {  	s3 =	simm.s32 $0x12;
	[smem:$0x10] =	sst s31  }
0x21a: {  	s17 =	simm.s32 $0x13;
	[smem:$0x11] =	sst s3  }
0x21b: {  	s18 =	simm.s32 $0x14;
	[smem:$0x12] =	sst s17  }
0x21c: {  	s19 =	simm.s32 $0x15;
	[smem:$0x13] =	sst s18  }
0x21d: {  	s20 =	simm.s32 $0x16;
	[smem:$0x14] =	sst s19  }
0x21e: {  	s21 =	simm.s32 $0x17;
	[smem:$0x15] =	sst s20  }
0x21f: {  	s23 =	simm.s32 $0x18;
	[smem:$0x16] =	sst s21  }
0x220: {  	s29 =	simm.s32 $0x19;
	[smem:$0x17] =	sst s23  }
0x221: {  	s30 =	simm.s32 $0x22;
	[smem:$0x18] =	sst s29  }
0x222: {  	s31 =	simm.s32 $0x23;
	[smem:$0x19] =	sst s30  }
0x223: {  	s3 =	simm.s32 $0x24;
	[smem:$0x1A] =	sst s31  }
0x224: {  	s17 =	simm.s32 $0x25;
	[smem:$0x1B] =	sst s3  }
0x225: {  	s18 =	simm.s32 $0x26;
	[smem:$0x1C] =	sst s17  }
0x226: {  	s19 =	simm.s32 $0x27;
	[smem:$0x1D] =	sst s18  }
0x227: {  	s20 =	simm.s32 $0x28;
	[smem:$0x1E] =	sst s19  }
0x228: {  	s21 =	simm.s32 $0x29;
	[smem:$0x1F] =	sst s20  }
0x229: {  	s23 =	simm.s32 $0x2A;
	[smem:$0x20] =	sst s21  }
0x22a: {  	s29 =	simm.s32 $0x2B;
	[smem:$0x21] =	sst s23  }
0x22b: {  	s30 =	simm.s32 $0x2C;
	[smem:$0x22] =	sst s29  }
0x22c: {  	s31 =	simm.s32 $0x2D;
	[smem:$0x23] =	sst s30  }
0x22d: {  	s3 =	simm.s32 $0x2E;
	[smem:$0x24] =	sst s31  }
0x22e: {  	s17 =	simm.s32 $0x2F;
	[smem:$0x25] =	sst s3  }
0x22f: {  	s18 =	simm.s32 $0x30;
	[smem:$0x26] =	sst s17  }
0x230: {  	s19 =	simm.s32 $0x31;
	[smem:$0x27] =	sst s18  }
0x231: {  	s20 =	simm.s32 $0x32;
	[smem:$0x28] =	sst s19  }
0x232: {  	s21 =	simm.s32 $0x33;
	[smem:$0x29] =	sst s20  }
0x233: {  	s23 =	simm.s32 $0x34;
	[smem:$0x2A] =	sst s21  }
0x234: {  	s29 =	simm.s32 $0x35;
	[smem:$0x2B] =	sst s23  }
0x235: {  	s30 =	simm.s32 $0x36;
	[smem:$0x2C] =	sst s29  }
0x236: {  	s31 =	simm.s32 $0x37;
	[smem:$0x2D] =	sst s30  }
0x237: {  	s3 =	simm.s32 $0x38;
	[smem:$0x2E] =	sst s31  }
0x238: {  	s17 =	simm.s32 $0x39;
	[smem:$0x2F] =	sst s3  }
0x239: {  	s18 =	simm.s32 $0x43;
	[smem:$0x30] =	sst s17  }
0x23a: {  	s19 =	simm.s32 $0x44;
	[smem:$0x31] =	sst s18  }
0x23b: {  	s20 =	simm.s32 $0x45;
	[smem:$0x32] =	sst s19  }
0x23c: {  	s21 =	simm.s32 $0x46;
	[smem:$0x33] =	sst s20  }
0x23d: {  	s23 =	simm.s32 $0x47;
	[smem:$0x34] =	sst s21  }
0x23e: {  	s29 =	simm.s32 $0x48;
	[smem:$0x35] =	sst s23  }
0x23f: {  	s30 =	simm.s32 $0x49;
	[smem:$0x36] =	sst s29  }
0x240: {  	s31 =	simm.s32 $0x4A;
	[smem:$0x37] =	sst s30  }
0x241: {  	s3 =	simm.s32 $0x4B;
	[smem:$0x38] =	sst s31  }
0x242: {  	s17 =	simm.s32 $0x4C;
	[smem:$0x39] =	sst s3  }
0x243: {  	s18 =	simm.s32 $0x4D;
	[smem:$0x3A] =	sst s17  }
0x244: {  	s19 =	simm.s32 $0x4E;
	[smem:$0x3B] =	sst s18  }
0x245: {  	s20 =	simm.s32 $0x4F;
	[smem:$0x3C] =	sst s19  }
0x246: {  	s21 =	simm.s32 $0x50;
	[smem:$0x3D] =	sst s20  }
0x247: {  	s23 =	simm.s32 $0x51;
	[smem:$0x3E] =	sst s21  }
0x248: {  	s29 =	simm.s32 $0x52;
	[smem:$0x3F] =	sst s23  }
0x249: {  	s30 =	simm.s32 $0x53;
	[smem:$0x40] =	sst s29  }
0x24a: {  	s31 =	simm.s32 $0x54;
	[smem:$0x41] =	sst s30  }
0x24b: {  	s3 =	simm.s32 $0x55;
	[smem:$0x42] =	sst s31  }
0x24c: {  	s17 =	simm.s32 $0x56;
	[smem:$0x43] =	sst s3  }
0x24d: {  	s18 =	simm.s32 $0x57;
	[smem:$0x44] =	sst s17  }
0x24e: {  	s19 =	simm.s32 $0x58;
	[smem:$0x45] =	sst s18  }
0x24f: {  	s20 =	simm.s32 $0x59;
	[smem:$0x46] =	sst s19  }
0x250: {  	s21 =	simm.s32 $0x64;
	[smem:$0x47] =	sst s20  }
0x251: {  	s23 =	simm.s32 $0x65;
	[smem:$0x48] =	sst s21  }
0x252: {  	s29 =	simm.s32 $0x66;
	[smem:$0x49] =	sst s23  }
0x253: {  	s30 =	simm.s32 $0x67;
	[smem:$0x4A] =	sst s29  }
0x254: {  	s31 =	simm.s32 $0x68;
	[smem:$0x4B] =	sst s30  }
0x255: {  	s3 =	simm.s32 $0x69;
	[smem:$0x4C] =	sst s31  }
0x256: {  	s17 =	simm.s32 $0x6A;
	[smem:$0x4D] =	sst s3  }
0x257: {  	s18 =	simm.s32 $0x6B;
	[smem:$0x4E] =	sst s17  }
0x258: {  	s19 =	simm.s32 $0x6C;
	[smem:$0x4F] =	sst s18  }
0x259: {  	s20 =	simm.s32 $0x6D;
	[smem:$0x50] =	sst s19  }
0x25a: {  	s21 =	simm.s32 $0x6E;
	[smem:$0x51] =	sst s20  }
0x25b: {  	s23 =	simm.s32 $0x6F;
	[smem:$0x52] =	sst s21  }
0x25c: {  	s29 =	simm.s32 $0x70;
	[smem:$0x53] =	sst s23  }
0x25d: {  	s30 =	simm.s32 $0x71;
	[smem:$0x54] =	sst s29  }
0x25e: {  	s31 =	simm.s32 $0x72;
	[smem:$0x55] =	sst s30  }
0x25f: {  	s3 =	simm.s32 $0x73;
	[smem:$0x56] =	sst s31  }
0x260: {  	s17 =	simm.s32 $0x74;
	[smem:$0x57] =	sst s3  }
0x261: {  	s18 =	simm.s32 $0x75;
	[smem:$0x58] =	sst s17  }
0x262: {  	s19 =	simm.s32 $0x76;
	[smem:$0x59] =	sst s18  }
0x263: {  	s20 =	simm.s32 $0x77;
	[smem:$0x5A] =	sst s19  }
0x264: {  	s21 =	simm.s32 $0x78;
	[smem:$0x5B] =	sst s20  }
0x265: {  	s23 =	simm.s32 $0x79;
	[smem:$0x5C] =	sst s21  }
0x266: {  	s29 =	simm.s32 $0x85;
	[smem:$0x5D] =	sst s23  }
0x267: {  	s30 =	simm.s32 $0x86;
	[smem:$0x5E] =	sst s29  }
0x268: {  	s31 =	simm.s32 $0x87;
	[smem:$0x5F] =	sst s30  }
0x269: {  	s3 =	simm.s32 $0x88;
	[smem:$0x60] =	sst s31  }
0x26a: {  	s17 =	simm.s32 $0x89;
	[smem:$0x61] =	sst s3  }
0x26b: {  	s18 =	simm.s32 $0x8A;
	[smem:$0x62] =	sst s17  }
0x26c: {  	s19 =	simm.s32 $0x8B;
	[smem:$0x63] =	sst s18  }
0x26d: {  	s20 =	simm.s32 $0x8C;
	[smem:$0x64] =	sst s19  }
0x26e: {  	s21 =	simm.s32 $0x8D;
	[smem:$0x65] =	sst s20  }
0x26f: {  	s23 =	simm.s32 $0x8E;
	[smem:$0x66] =	sst s21  }
0x270: {  	s29 =	simm.s32 $0x8F;
	[smem:$0x67] =	sst s23  }
0x271: {  	s30 =	simm.s32 $0x90;
	[smem:$0x68] =	sst s29  }
0x272: {  	s31 =	simm.s32 $0x91;
	[smem:$0x69] =	sst s30  }
0x273: {  	s3 =	simm.s32 $0x92;
	[smem:$0x6A] =	sst s31  }
0x274: {  	s17 =	simm.s32 $0x93;
	[smem:$0x6B] =	sst s3  }
0x275: {  	s18 =	simm.s32 $0x94;
	[smem:$0x6C] =	sst s17  }
0x276: {  	s19 =	simm.s32 $0x95;
	[smem:$0x6D] =	sst s18  }
0x277: {  	s20 =	simm.s32 $0x96;
	[smem:$0x6E] =	sst s19  }
0x278: {  	s21 =	simm.s32 $0x97;
	[smem:$0x6F] =	sst s20  }
0x279: {  	s23 =	simm.s32 $0x98;
	[smem:$0x70] =	sst s21  }
0x27a: {  	s29 =	simm.s32 $0x99;
	[smem:$0x71] =	sst s23  }
0x27b: {  	s30 =	simm.s32 $0xA6;
	[smem:$0x72] =	sst s29  }
0x27c: {  	s31 =	simm.s32 $0xA7;
	[smem:$0x73] =	sst s30  }
0x27d: {  	s3 =	simm.s32 $0xA8;
	[smem:$0x74] =	sst s31  }
0x27e: {  	s17 =	simm.s32 $0xA9;
	[smem:$0x75] =	sst s3  }
0x27f: {  	s18 =	simm.s32 $0xAA;
	[smem:$0x76] =	sst s17  }
0x280: {  	s19 =	simm.s32 $0xAB;
	[smem:$0x77] =	sst s18  }
0x281: {  	s20 =	simm.s32 $0xAC;
	[smem:$0x78] =	sst s19  }
0x282: {  	s21 =	simm.s32 $0xAD;
	[smem:$0x79] =	sst s20  }
0x283: {  	s23 =	simm.s32 $0xAE;
	[smem:$0x7A] =	sst s21  }
0x284: {  	s29 =	simm.s32 $0xAF;
	[smem:$0x7B] =	sst s23  }
0x285: {  	s30 =	simm.s32 $0xB0;
	[smem:$0x7C] =	sst s29  }
0x286: {  	s31 =	simm.s32 $0xB1;
	[smem:$0x7D] =	sst s30  }
0x287: {  	s3 =	simm.s32 $0xB2;
	[smem:$0x7E] =	sst s31  }
0x288: {  	s17 =	simm.s32 $0xB3;
	[smem:$0x7F] =	sst s3  }
0x289: {  	s18 =	simm.s32 $0xB4;
	[smem:$0x80] =	sst s17  }
0x28a: {  	s19 =	simm.s32 $0xB5;
	[smem:$0x81] =	sst s18  }
0x28b: {  	s20 =	simm.s32 $0xB6;
	[smem:$0x82] =	sst s19  }
0x28c: {  	s21 =	simm.s32 $0xB7;
	[smem:$0x83] =	sst s20  }
0x28d: {  	s23 =	simm.s32 $0xB8;
	[smem:$0x84] =	sst s21  }
0x28e: {  	s29 =	simm.s32 $0xB9;
	[smem:$0x85] =	sst s23  }
0x28f: {  	s30 =	simm.s32 $0xC7;
	[smem:$0x86] =	sst s29  }
0x290: {  	s31 =	simm.s32 $0xC8;
	[smem:$0x87] =	sst s30  }
0x291: {  	s3 =	simm.s32 $0xC9;
	[smem:$0x88] =	sst s31  }
0x292: {  	s17 =	simm.s32 $0xCA;
	[smem:$0x89] =	sst s3  }
0x293: {  	s18 =	simm.s32 $0xCB;
	[smem:$0x8A] =	sst s17  }
0x294: {  	s19 =	simm.s32 $0xCC;
	[smem:$0x8B] =	sst s18  }
0x295: {  	s20 =	simm.s32 $0xCD;
	[smem:$0x8C] =	sst s19  }
0x296: {  	s21 =	simm.s32 $0xCE;
	[smem:$0x8D] =	sst s20  }
0x297: {  	s23 =	simm.s32 $0xCF;
	[smem:$0x8E] =	sst s21  }
0x298: {  	s29 =	simm.s32 $0xD0;
	[smem:$0x8F] =	sst s23  }
0x299: {  	s30 =	simm.s32 $0xD1;
	[smem:$0x90] =	sst s29  }
0x29a: {  	s31 =	simm.s32 $0xD2;
	[smem:$0x91] =	sst s30  }
0x29b: {  	s3 =	simm.s32 $0xD3;
	[smem:$0x92] =	sst s31  }
0x29c: {  	s17 =	simm.s32 $0xD4;
	[smem:$0x93] =	sst s3  }
0x29d: {  	s18 =	simm.s32 $0xD5;
	[smem:$0x94] =	sst s17  }
0x29e: {  	s19 =	simm.s32 $0xD6;
	[smem:$0x95] =	sst s18  }
0x29f: {  	s20 =	simm.s32 $0xD7;
	[smem:$0x96] =	sst s19  }
0x2a0: {  	s21 =	simm.s32 $0xD8;
	[smem:$0x97] =	sst s20  }
0x2a1: {  	s23 =	simm.s32 $0xD9;
	[smem:$0x98] =	sst s21  }
0x2a2: {  	s29 =	simm.s32 $0xE8;
	[smem:$0x99] =	sst s23  }
0x2a3: {  	s30 =	simm.s32 $0xE9;
	[smem:$0x9A] =	sst s29  }
0x2a4: {  	s31 =	simm.s32 $0xEA;
	[smem:$0x9B] =	sst s30  }
0x2a5: {  	s3 =	simm.s32 $0xEB;
	[smem:$0x9C] =	sst s31  }
0x2a6: {  	s17 =	simm.s32 $0xEC;
	[smem:$0x9D] =	sst s3  }
0x2a7: {  	s18 =	simm.s32 $0xED;
	[smem:$0x9E] =	sst s17  }
0x2a8: {  	s19 =	simm.s32 $0xEE;
	[smem:$0x9F] =	sst s18  }
0x2a9: {  	s20 =	simm.s32 $0xEF;
	[smem:$0xA0] =	sst s19  }
0x2aa: {  	s21 =	simm.s32 $0xF0;
	[smem:$0xA1] =	sst s20  }
0x2ab: {  	s23 =	simm.s32 $0xF1;
	[smem:$0xA2] =	sst s21  }
0x2ac: {  	s29 =	simm.s32 $0xF2;
	[smem:$0xA3] =	sst s23  }
0x2ad: {  	s30 =	simm.s32 $0xF3;
	[smem:$0xA4] =	sst s29  }
0x2ae: {  	s31 =	simm.s32 $0xF4;
	[smem:$0xA5] =	sst s30  }
0x2af: {  	s3 =	simm.s32 $0xF5;
	[smem:$0xA6] =	sst s31  }
0x2b0: {  	s17 =	simm.s32 $0xF6;
	[smem:$0xA7] =	sst s3  }
0x2b1: {  	s18 =	simm.s32 $0xF7;
	[smem:$0xA8] =	sst s17  }
0x2b2: {  	s19 =	simm.s32 $0xF8;
	[smem:$0xA9] =	sst s18  }
0x2b3: {  	s20 =	simm.s32 $0xF9;
	[smem:$0xAA] =	sst s19  }
0x2b4: {  	s21 =	simm.s32 $0x109;
	[smem:$0xAB] =	sst s20  }
0x2b5: {  	s23 =	simm.s32 $0x10A;
	[smem:$0xAC] =	sst s21  }
0x2b6: {  	s29 =	simm.s32 $0x10B;
	[smem:$0xAD] =	sst s23  }
0x2b7: {  	s30 =	simm.s32 $0x10C;
	[smem:$0xAE] =	sst s29  }
0x2b8: {  	s31 =	simm.s32 $0x10D;
	[smem:$0xAF] =	sst s30  }
0x2b9: {  	s3 =	simm.s32 $0x10E;
	[smem:$0xB0] =	sst s31  }
0x2ba: {  	s17 =	simm.s32 $0x10F;
	[smem:$0xB1] =	sst s3  }
0x2bb: {  	s18 =	simm.s32 $0x110;
	[smem:$0xB2] =	sst s17  }
0x2bc: {  	s19 =	simm.s32 $0x111;
	[smem:$0xB3] =	sst s18  }
0x2bd: {  	s20 =	simm.s32 $0x112;
	[smem:$0xB4] =	sst s19  }
0x2be: {  	s21 =	simm.s32 $0x113;
	[smem:$0xB5] =	sst s20  }
0x2bf: {  	s23 =	simm.s32 $0x114;
	[smem:$0xB6] =	sst s21  }
0x2c0: {  	s29 =	simm.s32 $0x115;
	[smem:$0xB7] =	sst s23  }
0x2c1: {  	s30 =	simm.s32 $0x116;
	[smem:$0xB8] =	sst s29  }
0x2c2: {  	s31 =	simm.s32 $0x117;
	[smem:$0xB9] =	sst s30  }
0x2c3: {  	s3 =	simm.s32 $0x118;
	[smem:$0xBA] =	sst s31  }
0x2c4: {  	s17 =	simm.s32 $0x119;
	[smem:$0xBB] =	sst s3  }
0x2c5: {  	s18 =	simm.s32 $0x12A;
	[smem:$0xBC] =	sst s17  }
0x2c6: {  	s19 =	simm.s32 $0x12B;
	[smem:$0xBD] =	sst s18  }
0x2c7: {  	s20 =	simm.s32 $0x12C;
	[smem:$0xBE] =	sst s19  }
0x2c8: {  	s21 =	simm.s32 $0x12D;
	[smem:$0xBF] =	sst s20  }
0x2c9: {  	s23 =	simm.s32 $0x12E;
	[smem:$0xC0] =	sst s21  }
0x2ca: {  	s29 =	simm.s32 $0x12F;
	[smem:$0xC1] =	sst s23  }
0x2cb: {  	s30 =	simm.s32 $0x130;
	[smem:$0xC2] =	sst s29  }
0x2cc: {  	s31 =	simm.s32 $0x131;
	[smem:$0xC3] =	sst s30  }
0x2cd: {  	s3 =	simm.s32 $0x132;
	[smem:$0xC4] =	sst s31  }
0x2ce: {  	s17 =	simm.s32 $0x133;
	[smem:$0xC5] =	sst s3  }
0x2cf: {  	s18 =	simm.s32 $0x134;
	[smem:$0xC6] =	sst s17  }
0x2d0: {  	s19 =	simm.s32 $0x135;
	[smem:$0xC7] =	sst s18  }
0x2d1: {  	s20 =	simm.s32 $0x136;
	[smem:$0xC8] =	sst s19  }
0x2d2: {  	s21 =	simm.s32 $0x137;
	[smem:$0xC9] =	sst s20  }
0x2d3: {  	s23 =	simm.s32 $0x138;
	[smem:$0xCA] =	sst s21  }
0x2d4: {  	s29 =	simm.s32 $0x139;
	[smem:$0xCB] =	sst s23  }
0x2d5: {  	s30 =	simm.s32 $0x14B;
	[smem:$0xCC] =	sst s29  }
0x2d6: {  	s31 =	simm.s32 $0x14C;
	[smem:$0xCD] =	sst s30  }
0x2d7: {  	s3 =	simm.s32 $0x14D;
	[smem:$0xCE] =	sst s31  }
0x2d8: {  	s17 =	simm.s32 $0x14E;
	[smem:$0xCF] =	sst s3  }
0x2d9: {  	s18 =	simm.s32 $0x14F;
	[smem:$0xD0] =	sst s17  }
0x2da: {  	s19 =	simm.s32 $0x150;
	[smem:$0xD1] =	sst s18  }
0x2db: {  	s20 =	simm.s32 $0x151;
	[smem:$0xD2] =	sst s19  }
0x2dc: {  	s21 =	simm.s32 $0x152;
	[smem:$0xD3] =	sst s20  }
0x2dd: {  	s23 =	simm.s32 $0x153;
	[smem:$0xD4] =	sst s21  }
0x2de: {  	s29 =	simm.s32 $0x154;
	[smem:$0xD5] =	sst s23  }
0x2df: {  	s30 =	simm.s32 $0x155;
	[smem:$0xD6] =	sst s29  }
0x2e0: {  	s31 =	simm.s32 $0x156;
	[smem:$0xD7] =	sst s30  }
0x2e1: {  	s3 =	simm.s32 $0x157;
	[smem:$0xD8] =	sst s31  }
0x2e2: {  	s17 =	simm.s32 $0x158;
	[smem:$0xD9] =	sst s3  }
0x2e3: {  	s18 =	simm.s32 $0x159;
	[smem:$0xDA] =	sst s17  }
0x2e4: {  	s19 =	simm.s32 $0x16C;
	[smem:$0xDB] =	sst s18  }
0x2e5: {  	s20 =	simm.s32 $0x16D;
	[smem:$0xDC] =	sst s19  }
0x2e6: {  	s21 =	simm.s32 $0x16E;
	[smem:$0xDD] =	sst s20  }
0x2e7: {  	s23 =	simm.s32 $0x16F;
	[smem:$0xDE] =	sst s21  }
0x2e8: {  	s29 =	simm.s32 $0x170;
	[smem:$0xDF] =	sst s23  }
0x2e9: {  	s30 =	simm.s32 $0x171;
	[smem:$0xE0] =	sst s29  }
0x2ea: {  	s31 =	simm.s32 $0x172;
	[smem:$0xE1] =	sst s30  }
0x2eb: {  	s3 =	simm.s32 $0x173;
	[smem:$0xE2] =	sst s31  }
0x2ec: {  	s17 =	simm.s32 $0x174;
	[smem:$0xE3] =	sst s3  }
0x2ed: {  	s18 =	simm.s32 $0x175;
	[smem:$0xE4] =	sst s17  }
0x2ee: {  	s19 =	simm.s32 $0x176;
	[smem:$0xE5] =	sst s18  }
0x2ef: {  	s20 =	simm.s32 $0x177;
	[smem:$0xE6] =	sst s19  }
0x2f0: {  	s21 =	simm.s32 $0x178;
	[smem:$0xE7] =	sst s20  }
0x2f1: {  	s23 =	simm.s32 $0x179;
	[smem:$0xE8] =	sst s21  }
0x2f2: {  	s29 =	simm.s32 $0x18D;
	[smem:$0xE9] =	sst s23  }
0x2f3: {  	s30 =	simm.s32 $0x18E;
	[smem:$0xEA] =	sst s29  }
0x2f4: {  	s31 =	simm.s32 $0x18F;
	[smem:$0xEB] =	sst s30  }
0x2f5: {  	s3 =	simm.s32 $0x190;
	[smem:$0xEC] =	sst s31  }
0x2f6: {  	s17 =	simm.s32 $0x191;
	[smem:$0xED] =	sst s3  }
0x2f7: {  	s18 =	simm.s32 $0x192;
	[smem:$0xEE] =	sst s17  }
0x2f8: {  	s19 =	simm.s32 $0x193;
	[smem:$0xEF] =	sst s18  }
0x2f9: {  	s20 =	simm.s32 $0x194;
	[smem:$0xF0] =	sst s19  }
0x2fa: {  	s21 =	simm.s32 $0x195;
	[smem:$0xF1] =	sst s20  }
0x2fb: {  	s23 =	simm.s32 $0x196;
	[smem:$0xF2] =	sst s21  }
0x2fc: {  	s29 =	simm.s32 $0x197;
	[smem:$0xF3] =	sst s23  }
0x2fd: {  	s30 =	simm.s32 $0x198;
	[smem:$0xF4] =	sst s29  }
0x2fe: {  	s31 =	simm.s32 $0x199;
	[smem:$0xF5] =	sst s30  }
0x2ff: {  	s3 =	simm.s32 $0x1AE;
	[smem:$0xF6] =	sst s31  }
0x300: {  	s17 =	simm.s32 $0x1AF;
	[smem:$0xF7] =	sst s3  }
0x301: {  	s18 =	simm.s32 $0x1B0;
	[smem:$0xF8] =	sst s17  }
0x302: {  	s19 =	simm.s32 $0x1B1;
	[smem:$0xF9] =	sst s18  }
0x303: {  	s20 =	simm.s32 $0x1B2;
	[smem:$0xFA] =	sst s19  }
0x304: {  	s21 =	simm.s32 $0x1B3;
	[smem:$0xFB] =	sst s20  }
0x305: {  	s23 =	simm.s32 $0x1B4;
	[smem:$0xFC] =	sst s21  }
0x306: {  	s29 =	simm.s32 $0x1B5;
	[smem:$0xFD] =	sst s23  }
0x307: {  	s30 =	simm.s32 $0x1B6;
	[smem:$0xFE] =	sst s29  }
0x308: {  	s31 =	simm.s32 $0x1B7;
	[smem:$0xFF] =	sst s30  }
0x309: {  	s3 =	simm.s32 $0x1B8;
	[smem:$0x100] =	sst s31  }
0x30a: {  	s17 =	simm.s32 $0x1B9;
	[smem:$0x101] =	sst s3  }
0x30b: {  	s18 =	simm.s32 $0x1CF;
	[smem:$0x102] =	sst s17  }
0x30c: {  	s19 =	simm.s32 $0x1D0;
	[smem:$0x103] =	sst s18  }
0x30d: {  	s20 =	simm.s32 $0x1D1;
	[smem:$0x104] =	sst s19  }
0x30e: {  	s21 =	simm.s32 $0x1D2;
	[smem:$0x105] =	sst s20  }
0x30f: {  	s23 =	simm.s32 $0x1D3;
	[smem:$0x106] =	sst s21  }
0x310: {  	s29 =	simm.s32 $0x1D4;
	[smem:$0x107] =	sst s23  }
0x311: {  	s30 =	simm.s32 $0x1D5;
	[smem:$0x108] =	sst s29  }
0x312: {  	s31 =	simm.s32 $0x1D6;
	[smem:$0x109] =	sst s30  }
0x313: {  	s3 =	simm.s32 $0x1D7;
	[smem:$0x10A] =	sst s31  }
0x314: {  	s17 =	simm.s32 $0x1D8;
	[smem:$0x10B] =	sst s3  }
0x315: {  	s18 =	simm.s32 $0x1D9;
	[smem:$0x10C] =	sst s17  }
0x316: {  	s19 =	simm.s32 $0x1F0;
	[smem:$0x10D] =	sst s18  }
0x317: {  	s20 =	simm.s32 $0x1F1;
	[smem:$0x10E] =	sst s19  }
0x318: {  	s21 =	simm.s32 $0x1F2;
	[smem:$0x10F] =	sst s20  }
0x319: {  	s23 =	simm.s32 $0x1F3;
	[smem:$0x110] =	sst s21  }
0x31a: {  	s29 =	simm.s32 $0x1F4;
	[smem:$0x111] =	sst s23  }
0x31b: {  	s30 =	simm.s32 $0x1F5;
	[smem:$0x112] =	sst s29  }
0x31c: {  	s31 =	simm.s32 $0x1F6;
	[smem:$0x113] =	sst s30  }
0x31d: {  	s3 =	simm.s32 $0x1F7;
	[smem:$0x114] =	sst s31  }
0x31e: {  	s17 =	simm.s32 $0x1F8;
	[smem:$0x115] =	sst s3  }
0x31f: {  	s18 =	simm.s32 $0x1F9;
	[smem:$0x116] =	sst s17  }
0x320: {  	s19 =	simm.s32 $0x211;
	[smem:$0x117] =	sst s18  }
0x321: {  	s20 =	simm.s32 $0x212;
	[smem:$0x118] =	sst s19  }
0x322: {  	s21 =	simm.s32 $0x213;
	[smem:$0x119] =	sst s20  }
0x323: {  	s23 =	simm.s32 $0x214;
	[smem:$0x11A] =	sst s21  }
0x324: {  	s29 =	simm.s32 $0x215;
	[smem:$0x11B] =	sst s23  }
0x325: {  	s30 =	simm.s32 $0x216;
	[smem:$0x11C] =	sst s29  }
0x326: {  	s31 =	simm.s32 $0x217;
	[smem:$0x11D] =	sst s30  }
0x327: {  	s3 =	simm.s32 $0x218;
	[smem:$0x11E] =	sst s31  }
0x328: {  	s17 =	simm.s32 $0x219;
	[smem:$0x11F] =	sst s3  }
0x329: {  	s18 =	simm.s32 $0x232;
	[smem:$0x120] =	sst s17  }
0x32a: {  	s19 =	simm.s32 $0x233;
	[smem:$0x121] =	sst s18  }
0x32b: {  	s20 =	simm.s32 $0x234;
	[smem:$0x122] =	sst s19  }
0x32c: {  	s21 =	simm.s32 $0x235;
	[smem:$0x123] =	sst s20  }
0x32d: {  	s23 =	simm.s32 $0x236;
	[smem:$0x124] =	sst s21  }
0x32e: {  	s29 =	simm.s32 $0x237;
	[smem:$0x125] =	sst s23  }
0x32f: {  	s30 =	simm.s32 $0x238;
	[smem:$0x126] =	sst s29  }
0x330: {  	s31 =	simm.s32 $0x239;
	[smem:$0x127] =	sst s30  }
0x331: {  	s3 =	simm.s32 $0x253;
	[smem:$0x128] =	sst s31  }
0x332: {  	s17 =	simm.s32 $0x254;
	[smem:$0x129] =	sst s3  }
0x333: {  	s18 =	simm.s32 $0x255;
	[smem:$0x12A] =	sst s17  }
0x334: {  	s19 =	simm.s32 $0x256;
	[smem:$0x12B] =	sst s18  }
0x335: {  	s20 =	simm.s32 $0x257;
	[smem:$0x12C] =	sst s19  }
0x336: {  	s21 =	simm.s32 $0x258;
	[smem:$0x12D] =	sst s20  }
0x337: {  	s23 =	simm.s32 $0x259;
	[smem:$0x12E] =	sst s21  }
0x338: {  	s29 =	simm.s32 $0x274;
	[smem:$0x12F] =	sst s23  }
0x339: {  	s30 =	simm.s32 $0x275;
	[smem:$0x130] =	sst s29  }
0x33a: {  	s31 =	simm.s32 $0x276;
	[smem:$0x131] =	sst s30  }
0x33b: {  	s3 =	simm.s32 $0x277;
	[smem:$0x132] =	sst s31  }
0x33c: {  	s17 =	simm.s32 $0x278;
	[smem:$0x133] =	sst s3  }
0x33d: {  	s18 =	simm.s32 $0x279;
	[smem:$0x134] =	sst s17  }
0x33e: {  	s19 =	simm.s32 $0x295;
	[smem:$0x135] =	sst s18  }
0x33f: {  	s20 =	simm.s32 $0x296;
	[smem:$0x136] =	sst s19  }
0x340: {  	s21 =	simm.s32 $0x297;
	[smem:$0x137] =	sst s20  }
0x341: {  	s23 =	simm.s32 $0x298;
	[smem:$0x138] =	sst s21  }
0x342: {  	s29 =	simm.s32 $0x299;
	[smem:$0x139] =	sst s23  }
0x343: {  	s30 =	simm.s32 $0x2B6;
	[smem:$0x13A] =	sst s29  }
0x344: {  	[smem:$0x13B] =	sst s30  }
0x345: {  	s31 =	simm.s32 $0x2B7;
	s30 =	rddreg [dreg:$0x1]  }
0x346: {  	s3 =	simm.s32 $0x2B8;
	[smem:$0x13C] =	sst s31  }
0x347: {  	[tilespmem:s1], [sflag:$0x3] =	stream.linear.gather [hbm4b:s30+s4], $0x6590, $0x38;
	[tilespmem:$0x1BE90] =	vst v63  }
0x348: {  	s17 =	simm.s32 $0x2B9;
	[smem:$0x13D] =	sst s3  }
0x349: {  	s18 =	simm.s32 $0x2D7;
	[smem:$0x13E] =	sst s17  }
0x34a: {  	s19 =	simm.s32 $0x2D8;
	[smem:$0x13F] =	sst s18  }
0x34b: {  	s20 =	simm.s32 $0x2D9;
	[smem:$0x140] =	sst s19  }
0x34c: {  	s21 =	simm.s32 $0x2F8;
	[smem:$0x141] =	sst s20  }
0x34d: {  	s23 =	simm.s32 $0x2F9;
	[smem:$0x142] =	sst s21  }
0x34e: {  	s29 =	simm.s32 $0x319;
	[smem:$0x143] =	sst s23  }
0x34f: {  	[smem:$0x144] =	sst s29  }
0x350: {  	[smem:$0x145] =	sst s4  }
0x351: {  	[smem:$0x146] =	sst s4  }
0x352: {  	[smem:$0x147] =	sst s4  }
0x353: {  	_ =	swait.ge [sflag:s16], $0x6590  }
0x354: {  	s31 =	simm.s32 $0x80;
	[sflag:s16] =	ssyncset.done $0x0  }
0x355: {  	s3 =	simm.s32 $0x1000;
	s17 =	simm.s32 $0x14A00;
	[sflag:s16] =	ssyncadd.s32 $0xFFFF9A70  }
0x356: {  	[tilespmem:s17], [sflag:$0x3] =	stream.strided.gather [hbm4b:s8+s31], $0xD00, s3, s31, $0x38;
	[tilespmem:$0x1BE90] =	vst v63  }
0x357: {  	_ =	swait.ge [sflag:s16], $0xD00  }
0x358: {  	[sflag:s16] =	ssyncset.done $0x0  }
0x359: {  	s0 =	simm.s32 $0x40;
	s3 =	simm.s32 $0x0;
	[sflag:s16] =	ssyncadd.s32 $0xFFFFF300  }
.LBB2_2:
0x35a: {  	p1 =	sne.s32 s0, $0x3FC0;
	[tilespmem:s3+$0x13A00] =	vst v0;
	s3 =	smov.u32 s0;
	s0 =	sadd.s32 $0x40, s0  }
.Ltmp2:
0x35b: {  	(pc) =	sbr.rel @p1 .LBB2_2-.Ltmp2, $2  }
0x35c: {  	_ =	sdelay $0x2  }
0x35d: {  	s3 =	sshra.s32 s3, $0x2  }
0x35e: {  	[tilespmem:s3+$0x13A00] =	vst v0  }
0x35f: {  	[tilespmem:$0x1BC90] =	vst v1  }
0x360: {  	[tilespmem:$0x1BCA0] =	vst v2  }
0x361: {  	[tilespmem:$0x1BCB0] =	vst v3  }
0x362: {  	[tilespmem:$0x1BCC0] =	vst v4  }
0x363: {  	[tilespmem:$0x1BCD0] =	vst v5  }
0x364: {  	[tilespmem:$0x1BCE0] =	vst v6  }
0x365: {  	[tilespmem:$0x1BCF0] =	vst v7  }
0x366: {  	[tilespmem:$0x1BD00] =	vst v8  }
0x367: {  	[tilespmem:$0x1BD10] =	vst v9  }
0x368: {  	[tilespmem:$0x1BD20] =	vst v10  }
0x369: {  	s0 =	sld [smem:s6+$0x0];
	[tilespmem:$0x1BD30] =	vst v11  }
0x36a: {  	[tilespmem:$0x1BD40] =	vst v12  }
0x36b: {  	[tilespmem:$0x1BD50] =	vst v13  }
0x36c: {  	[tilespmem:$0x1BD60] =	vst v14;
	s20 =	sshll.u32 s0, $0x4  }
0x36d: {  	s29 =	simm.s32 $0x0;
	s17 =	simm.s32 $0xFA00;
	[tilespmem:$0x1BD70] =	vst v15;
	s3 =	sand.u32 $0x1FFFFE00, s20  }
0x36e: {  	s18 =	simm.s32 $0x10A00;
	[tilespmem:$0x1BD80] =	vst v16;
	s21 =	sshrl.u32 s0, $0x5;
	s3 =	sadd.s32 s7, s3  }
0x36f: {  	[tilespmem:s17], [sflag:$0x3] =	stream.linear.gather [hbm4b:s3+s29], $0x1000, $0x38;
	[tilespmem:$0x1BE90] =	vst v63  }
0x370: {  	s0 =	sand.u32 $0x1F, s0;
	s30 =	smul.u32 $0x65900, s21;
	_ =	swait.ge [sflag:s16], $0x1000  }
0x371: {  	s23 =	sshll.u32 s0, $0x9;
	s31 =	smul.u32 $0x3E80, s0;
	[sflag:s16] =	ssyncset.done $0x0  }
0x372: {  	s0 =	smul.u32 $0x65900, s0;
	s17 =	sadd.s32 s7, s23;
	[sflag:s16] =	ssyncadd.s32 $0xFFFFF000  }
0x373: {  	[tilespmem:s18], [sflag:$0x3] =	stream.linear.gather [hbm4b:s17+s29], $0x1000, $0x38;
	[tilespmem:$0x1BE90] =	vst v63  }
0x374: {  	s30 =	sadd.s32 s31, s30;
	s3 =	smul.u32 $0x3E80, s21;
	_ =	swait.ge [sflag:s16], $0x1000  }
0x375: {  	s31 =	sor.u32 $0x20, s6;
	s17 =	sshrl.u32 s30, $0x3;
	[sflag:s16] =	ssyncset.done $0x0  }
0x376: {  	s0 =	sadd.s32 s3, s0;
	s17 =	sadd.s32 s5, s17;
	[sflag:s16] =	ssyncadd.s32 $0xFFFFF000  }
0x377: {  	[tilespmem:s29], [sflag:$0x1] =	stream.linear.gather [hbm4b:s17+s29], $0x3E80, $0x38;
	[tilespmem:$0x1BE90] =	vst v63  }
0x378: {  	s0 =	sshrl.u32 s0, $0x3;
	s3 =	sld [smem:s31+$0x0]  }
0x379: {  	s0 =	sadd.s32 s5, s0  }
0x37a: {  	[tilespmem:s22], [sflag:$0x1] =	stream.linear.gather [hbm4b:s0+s29], $0x3E80, $0x38;
	[tilespmem:$0x1BE90] =	vst v63  }
0x37b: {  	s17 =	sshll.u32 s3, $0x4  }
0x37c: {  	s18 =	simm.s32 $0x11A00;
	s19 =	sshrl.u32 s3, $0x5;
	s0 =	sand.u32 $0x1FFFFE00, s17  }
0x37d: {  	s3 =	sand.u32 $0x1F, s3;
	s21 =	smul.u32 $0x65900, s19;
	s0 =	sadd.s32 s7, s0  }
0x37e: {  	[tilespmem:s18], [sflag:$0x3] =	stream.linear.gather [hbm4b:s0+s29], $0x1000, $0x38;
	[tilespmem:$0x1BE90] =	vst v63  }
0x37f: {  	s23 =	smul.u32 $0x3E80, s3;
	_ =	swait.ge [sflag:s16], $0x1000  }
0x380: {  	s20 =	sshll.u32 s3, $0x9;
	s3 =	smul.u32 $0x65900, s3;
	[sflag:s16] =	ssyncset.done $0x0  }
0x381: {  	s17 =	sadd.s32 s7, s20;
	s0 =	smul.u32 $0x3E80, s19;
	[sflag:s16] =	ssyncadd.s32 $0xFFFFF000  }
0x382: {  	[tilespmem:s24], [sflag:$0x3] =	stream.linear.gather [hbm4b:s17+s29], $0x1000, $0x38;
	[tilespmem:$0x1BE90] =	vst v63  }
0x383: {  	s31 =	sadd.s32 s23, s21;
	s0 =	sadd.s32 s0, s3;
	_ =	swait.ge [sflag:s16], $0x1000  }
.Ltmp3:
0x384: {  	s17 =	sshrl.u32 s31, $0x3;
	[sflag:s16] =	ssyncset.done $0x0;
	(pc) =	sbr.rel .LBB2_4-.Ltmp3, $4  }
0x385: {  	s0 =	sshrl.u32 s0, $0x3;
	s17 =	sadd.s32 s5, s17;
	[sflag:s16] =	ssyncadd.s32 $0xFFFFF000  }
0x386: {  	[tilespmem:s25], [sflag:$0x2] =	stream.linear.gather [hbm4b:s17+s29], $0x3E80, $0x38;
	[tilespmem:$0x1BE90] =	vst v63  }
0x387: {  	s0 =	sadd.s32 s5, s0  }
0x388: {  	[tilespmem:s26], [sflag:$0x2] =	stream.linear.gather [hbm4b:s0+s29], $0x3E80, $0x38;
	[tilespmem:$0x1BE90] =	vst v63  }
.LBB2_12:
0x389: {  	s0 =	sadd.s32 s10, s30  }
0x38a: {  	p1 =	sgt.u32 s0, $0x144  }
0x38b: {  	s0 =	sld @!p1 [smem:s0+$0x0];
	_ =	sdelay $0x2  }
0x38c: {  	s3 =	sshll.u32 @!p1 s0, $0x4  }
0x38d: {  	s3 =	sand.u32 @!p1 $0x1FFFFE00, s3  }
0x38e: {  	s17 =	simm.s32 @!p1 $0x0;
	s18 =	simm.s32 @!p1 $0x11A00;
	s3 =	sadd.s32 @!p1 s7, s3  }
0x38f: {  	[tilespmem:s18], [sflag:$0x3] =	stream.linear.gather @!p1 [hbm4b:s3+s17], $0x1000, $0x38;
	[tilespmem:$0x1BE90] =	vst v63  }
0x390: {  	s3 =	simm.s32 @!p1 $0x3  }
0x391: {  	s18 =	sand.u32 @!p1 $0x1F, s0;
	_ =	swait.ge @!p1 [sflag:s3], $0x1000  }
0x392: {  	s20 =	simm.s32 @!p1 $0x12A00;
	s19 =	sshll.u32 @!p1 s18, $0x9;
	[sflag:s3] =	ssyncset.done @!p1 $0x0  }
0x393: {  	s0 =	sshrl.u32 @!p1 s0, $0x5;
	s19 =	sadd.s32 @!p1 s7, s19;
	[sflag:s3] =	ssyncadd.s32 @!p1 $0xFFFFF000  }
0x394: {  	[tilespmem:s20], [sflag:$0x3] =	stream.linear.gather @!p1 [hbm4b:s19+s17], $0x1000, $0x38;
	[tilespmem:$0x1BE90] =	vst v63  }
0x395: {  	s19 =	smul.u32 @!p1 $0x65900, s0  }
0x396: {  	s20 =	smul.u32 @!p1 $0x3E80, s18  }
0x397: {  	s18 =	smul.u32 @!p1 $0x65900, s18  }
0x398: {  	s0 =	smul.u32 @!p1 $0x3E80, s0;
	_ =	swait.ge @!p1 [sflag:s3], $0x1000  }
0x399: {  	[sflag:s3] =	ssyncset.done @!p1 $0x0;
	s19 =	sadd.s32 @!p1 s20, s19  }
0x39a: {  	s0 =	sadd.s32 @!p1 s0, s18;
	[sflag:s3] =	ssyncadd.s32 @!p1 $0xFFFFF000;
	s3 =	sshrl.u32 @!p1 s19, $0x3  }
0x39b: {  	s19 =	simm.s32 @!p1 $0x7D00;
	s0 =	sshrl.u32 @!p1 s0, $0x3;
	s3 =	sadd.s32 @!p1 s5, s3  }
0x39c: {  	[tilespmem:s19], [sflag:$0x2] =	stream.linear.gather @!p1 [hbm4b:s3+s17], $0x3E80, $0x38;
	[tilespmem:$0x1BE90] =	vst v63  }
0x39d: {  	s29 =	sadd.s32 $0x1, s29;
	s0 =	sadd.s32 @!p1 s5, s0;
	s3 =	simm.s32 @!p1 $0xBB80  }
0x39e: {  	[tilespmem:s3], [sflag:$0x2] =	stream.linear.gather @!p1 [hbm4b:s0+s17], $0x3E80, $0x38;
	[tilespmem:$0x1BE90] =	vst v63  }
0x39f: {  	p1 =	sne.s32 s29, $0x6  }
.Ltmp4:
0x3a0: {  	_ = 	snop;
	(pc) =	sbr.rel @!p1 .LBB2_13-.Ltmp4, $1  }
0x3a1: {  	_ =	sdelay $0x3  }
.LBB2_4:
0x3a2: {  	s30 =	sshll.u32 s29, $0x6  }
0x3a3: {  	s31 =	sor.u32 s6, s30  }
0x3a4: {  	p1 =	sgt.u32 s31, $0x144  }
.Ltmp5:
0x3a5: {  	_ = 	snop;
	(pc) =	sbr.rel @p1 .LBB2_8-.Ltmp5, $1  }
0x3a6: {  	_ =	sdelay $0x3  }
0x3a7: {  	_ =	swait.ge [sflag:s14], $0x3E80  }
0x3a8: {  	[sflag:s14] =	ssyncset.done $0x0  }
0x3a9: {  	[sflag:s14] =	ssyncadd.s32 $0xFFFFC180  }
0x3aa: {  	_ =	swait.ge [sflag:s14], $0x3E80  }
0x3ab: {  	[sflag:s14] =	ssyncset.done $0x0  }
0x3ac: {  	[sflag:s14] =	ssyncadd.s32 $0xFFFFC180  }
0x3ad: {  	s0 =	sld [smem:s31+$0x0]  }
0x3ae: {  	s3 =	simm.s32 $0x0  }
0x3af: {  	v18 =	vld [tilespmem:s3+$0xFA00]  }
0x3b0: {  	s17 =	sshrl.u32 s0, $0x5  }
0x3b1: {  	s17 =	smul.u32 $0xFFFFFC18, s17  }
0x3b2: {  	v19 =	vld [tilespmem:s3+$0x10A00]  }
0x3b3: {  	s0 =	sand.u32 $0x1F, s0;
	v17 =	vmov s17  }
0x3b4: {  	s0 =	smul.u32 $0xFFFFFC18, s0;
	v20 =	vadd.s32 v17, v18  }
0x3b5: {  	v18 =	vand.u32 $0x7, v18;
	v21 =	vand.u32 $0xFFFFFFF8, v20  }
0x3b6: {  	v21 =	vor.u32 v18, v21;
	v18 =	vmov s0  }
0x3b7: {  	v23 =	vadd.s32 v18, v19  }
0x3b8: {  	v19 =	vand.u32 $0x7, v19;
	v24 =	vand.u32 $0xFFFFFFF8, v23  }
0x3b9: {  	v25 =	vadd.s32 $0x3E8, v21;
	v24 =	vor.u32 v19, v24  }
0x3ba: {  	v31 =	vld [tilespmem:s3+$0x13A00];
	s0 =	simm.s32 $0x10;
	v26 =	vadd.s32 $0x3E8, v24  }
0x3bb: {  	v22 =	vadd.s32 $0x7D0, v21;
	v19 =	vld [tilespmem:s0+$0xFA00]  }
0x3bc: {  	v20 =	vld.idx.msk [tilespmem:v20+s4+$0x0], $0xffff;
	v27 =	vadd.s32 $0x7D0, v24  }
0x3bd: {  	v28 =	vadd.s32 $0xBB8, v21;
	v23 =	vld.idx.msk [tilespmem:v23+s22+$0x0], $0xffff  }
0x3be: {  	v29 =	vadd.s32 $0xBB8, v24;
	v25 =	vld.idx.msk [tilespmem:v25+s4+$0x0], $0xffff  }
0x3bf: {  	v30 =	vadd.s32 $0xFA0, v21;
	v26 =	vld.idx.msk [tilespmem:v26+s22+$0x0], $0xffff  }
0x3c0: {  	v32 =	vadd.s32 $0xFA0, v24;
	v22 =	vld.idx.msk [tilespmem:v22+s4+$0x0], $0xffff  }
0x3c1: {  	v33 =	vadd.s32 $0x1388, v21;
	v27 =	vld.idx.msk [tilespmem:v27+s22+$0x0], $0xffff  }
0x3c2: {  	v34 =	vadd.s32 $0x1388, v24;
	v28 =	vld.idx.msk [tilespmem:v28+s4+$0x0], $0xffff;
	v20 =	vmul.f32 v23, v20  }
0x3c3: {  	v23 =	vld.idx.msk [tilespmem:v29+s22+$0x0], $0xffff;
	v29 =	vadd.s32 $0x1770, v21  }
0x3c4: {  	v35 =	vadd.s32 $0x1770, v24;
	v30 =	vld.idx.msk [tilespmem:v30+s4+$0x0], $0xffff;
	v20 =	vadd.f32 v20, v31;
	v25 =	vmul.f32 v26, v25  }
0x3c5: {  	v49 =	vadd.s32 $0x1B58, v21;
	v26 =	vld.idx.msk [tilespmem:v32+s22+$0x0], $0xffff  }
0x3c6: {  	v51 =	vadd.s32 $0x1B58, v24;
	v50 =	vld.idx.msk [tilespmem:v33+s4+$0x0], $0xffff;
	v22 =	vmul.f32 v27, v22;
	v20 =	vadd.f32 v25, v20  }
0x3c7: {  	v27 =	vadd.s32 $0x1F40, v21;
	v25 =	vld.idx.msk [tilespmem:v34+s22+$0x0], $0xffff  }
0x3c8: {  	v52 =	vadd.s32 $0x1F40, v24;
	v29 =	vld.idx.msk [tilespmem:v29+s4+$0x0], $0xffff;
	v20 =	vadd.f32 v22, v20;
	v22 =	vmul.f32 v23, v28  }
0x3c9: {  	v23 =	vld.idx.msk [tilespmem:v35+s22+$0x0], $0xffff;
	v28 =	vadd.s32 $0x2328, v21  }
0x3ca: {  	v53 =	vadd.s32 $0x2328, v24;
	v31 =	vld.idx.msk [tilespmem:v49+s4+$0x0], $0xffff;
	v20 =	vadd.f32 v22, v20;
	v22 =	vmul.f32 v26, v30  }
0x3cb: {  	v54 =	vadd.s32 $0x2710, v21;
	v26 =	vld.idx.msk [tilespmem:v51+s22+$0x0], $0xffff  }
0x3cc: {  	v55 =	vadd.s32 $0x2710, v24;
	v27 =	vld.idx.msk [tilespmem:v27+s4+$0x0], $0xffff;
	v20 =	vadd.f32 v22, v20;
	v22 =	vmul.f32 v25, v50  }
0x3cd: {  	v56 =	vadd.s32 $0x2AF8, v21;
	v25 =	vld.idx.msk [tilespmem:v52+s22+$0x0], $0xffff  }
0x3ce: {  	v57 =	vadd.s32 $0x2AF8, v24;
	v28 =	vld.idx.msk [tilespmem:v28+s4+$0x0], $0xffff;
	v20 =	vadd.f32 v22, v20;
	v22 =	vmul.f32 v23, v29  }
0x3cf: {  	v23 =	vld.idx.msk [tilespmem:v53+s22+$0x0], $0xffff;
	v29 =	vadd.s32 $0x2EE0, v21  }
0x3d0: {  	v58 =	vadd.s32 $0x2EE0, v24;
	v30 =	vld.idx.msk [tilespmem:v54+s4+$0x0], $0xffff;
	v20 =	vadd.f32 v22, v20;
	v22 =	vmul.f32 v26, v31  }
0x3d1: {  	v59 =	vadd.s32 $0x32C8, v21;
	v26 =	vld.idx.msk [tilespmem:v55+s22+$0x0], $0xffff  }
0x3d2: {  	v60 =	vadd.s32 $0x32C8, v24;
	v32 =	vld.idx.msk [tilespmem:v56+s4+$0x0], $0xffff;
	v20 =	vadd.f32 v22, v20;
	v22 =	vmul.f32 v25, v27  }
0x3d3: {  	v25 =	vld.idx.msk [tilespmem:v57+s22+$0x0], $0xffff;
	v27 =	vadd.s32 $0x36B0, v21  }
0x3d4: {  	v61 =	vadd.s32 $0x36B0, v24;
	v29 =	vld.idx.msk [tilespmem:v29+s4+$0x0], $0xffff;
	v23 =	vmul.f32 v23, v28;
	v22 =	vadd.f32 v22, v20  }
0x3d5: {  	v62 =	vadd.s32 $0x3A98, v21;
	v28 =	vld.idx.msk [tilespmem:v58+s22+$0x0], $0xffff  }
0x3d6: {  	v63 =	vadd.s32 $0x3A98, v24;
	v20 =	vld.idx.msk [tilespmem:v59+s4+$0x0], $0xffff;
	v24 =	vmul.f32 v26, v30;
	v22 =	vadd.f32 v23, v22  }
0x3d7: {  	v23 =	vld.idx.msk [tilespmem:v60+s22+$0x0], $0xffff  }
0x3d8: {  	v21 =	vld.idx.msk [tilespmem:v27+s4+$0x0], $0xffff;
	v25 =	vmul.f32 v25, v32;
	v26 =	vadd.f32 v24, v22  }
0x3d9: {  	v24 =	vld.idx.msk [tilespmem:v61+s22+$0x0], $0xffff  }
0x3da: {  	v22 =	vld.idx.msk [tilespmem:v62+s4+$0x0], $0xffff;
	v27 =	vmul.f32 v28, v29;
	v26 =	vadd.f32 v25, v26  }
0x3db: {  	s17 =	simm.s32 $0x80;
	v25 =	vld.idx.msk [tilespmem:v63+s22+$0x0], $0xffff  }
.LBB2_6:
0x3dc: {  	p1 =	sne.s32 s17, $0x3FC0;
	v28 =	vld [tilespmem:s0+$0x10A00];
	v26 =	vadd.f32 v27, v26;
	v20 =	vmul.f32 v23, v20  }
0x3dd: {  	v23 =	vadd.s32 v17, v19;
	v19 =	vand.u32 $0x7, v19  }
0x3de: {  	v27 =	vand.u32 $0xFFFFFFF8, v23;
	v21 =	vmul.f32 v24, v21;
	v20 =	vadd.f32 v20, v26  }
0x3df: {  	v24 =	vor.u32 v19, v27  }
0x3e0: {  	v26 =	vadd.s32 $0x7D0, v24;
	v19 =	vadd.f32 v21, v20;
	v20 =	vmul.f32 v25, v22  }
0x3e1: {  	v21 =	vadd.s32 v18, v28  }
0x3e2: {  	v25 =	vand.u32 $0x7, v28;
	v22 =	vand.u32 $0xFFFFFFF8, v21;
	v20 =	vadd.f32 v20, v19  }
0x3e3: {  	s18 =	sshra.s32 s17, $0x2;
	v27 =	vadd.s32 $0x3E8, v24;
	v22 =	vor.u32 v25, v22  }
0x3e4: {  	v19 =	vld [tilespmem:s18+$0xFA00];
	v25 =	vadd.s32 $0x3E8, v22;
	[tilespmem:s3+$0x13A00] =	vst v20;
	s3 =	smov.u32 s0;
	s0 =	smov.u32 s18  }
0x3e5: {  	v20 =	vld.idx.msk [tilespmem:v26+s4+$0x0], $0xffff  }
0x3e6: {  	v26 =	vadd.s32 $0x7D0, v22;
	v23 =	vld.idx.msk [tilespmem:v23+s4+$0x0], $0xffff  }
0x3e7: {  	v28 =	vadd.s32 $0xBB8, v24;
	v21 =	vld.idx.msk [tilespmem:v21+s22+$0x0], $0xffff  }
0x3e8: {  	v29 =	vadd.s32 $0xBB8, v22;
	v27 =	vld.idx.msk [tilespmem:v27+s4+$0x0], $0xffff  }
0x3e9: {  	v30 =	vadd.s32 $0xFA0, v24;
	v25 =	vld.idx.msk [tilespmem:v25+s22+$0x0], $0xffff  }
0x3ea: {  	v32 =	vadd.s32 $0xFA0, v22;
	v31 =	vld [tilespmem:s3+$0x13A00]  }
0x3eb: {  	v33 =	vadd.s32 $0x1388, v24;
	v26 =	vld.idx.msk [tilespmem:v26+s22+$0x0], $0xffff  }
0x3ec: {  	v34 =	vadd.s32 $0x1388, v22;
	v28 =	vld.idx.msk [tilespmem:v28+s4+$0x0], $0xffff  }
0x3ed: {  	v21 =	vmul.f32 v21, v23;
	v23 =	vld.idx.msk [tilespmem:v29+s22+$0x0], $0xffff;
	v29 =	vadd.s32 $0x1770, v24  }
0x3ee: {  	v35 =	vadd.s32 $0x1770, v22;
	v30 =	vld.idx.msk [tilespmem:v30+s4+$0x0], $0xffff  }
0x3ef: {  	v25 =	vmul.f32 v25, v27;
	v21 =	vadd.f32 v21, v31;
	v27 =	vld.idx.msk [tilespmem:v32+s22+$0x0], $0xffff;
	v31 =	vadd.s32 $0x1B58, v24  }
0x3f0: {  	v32 =	vld.idx.msk [tilespmem:v33+s4+$0x0], $0xffff;
	v33 =	vadd.s32 $0x1B58, v22  }
0x3f1: {  	v20 =	vmul.f32 v26, v20;
	v26 =	vadd.s32 $0x1F40, v24;
	v21 =	vadd.f32 v25, v21;
	v25 =	vld.idx.msk [tilespmem:v34+s22+$0x0], $0xffff  }
0x3f2: {  	v34 =	vadd.s32 $0x1F40, v22;
	v29 =	vld.idx.msk [tilespmem:v29+s4+$0x0], $0xffff  }
0x3f3: {  	v20 =	vadd.f32 v20, v21;
	v21 =	vmul.f32 v23, v28;
	v23 =	vld.idx.msk [tilespmem:v35+s22+$0x0], $0xffff;
	v28 =	vadd.s32 $0x2328, v24  }
0x3f4: {  	v35 =	vadd.s32 $0x2328, v22;
	v31 =	vld.idx.msk [tilespmem:v31+s4+$0x0], $0xffff  }
0x3f5: {  	v20 =	vadd.f32 v21, v20;
	v21 =	vmul.f32 v27, v30;
	v27 =	vld.idx.msk [tilespmem:v33+s22+$0x0], $0xffff;
	v30 =	vadd.s32 $0x2710, v24  }
0x3f6: {  	v33 =	vadd.s32 $0x2710, v22;
	v26 =	vld.idx.msk [tilespmem:v26+s4+$0x0], $0xffff  }
0x3f7: {  	v20 =	vadd.f32 v21, v20;
	v21 =	vmul.f32 v25, v32;
	v25 =	vld.idx.msk [tilespmem:v34+s22+$0x0], $0xffff;
	v32 =	vadd.s32 $0x2AF8, v24  }
0x3f8: {  	v34 =	vadd.s32 $0x2AF8, v22;
	v28 =	vld.idx.msk [tilespmem:v28+s4+$0x0], $0xffff  }
0x3f9: {  	v20 =	vadd.f32 v21, v20;
	v21 =	vmul.f32 v23, v29;
	v23 =	vld.idx.msk [tilespmem:v35+s22+$0x0], $0xffff;
	v29 =	vadd.s32 $0x2EE0, v24  }
0x3fa: {  	v35 =	vadd.s32 $0x2EE0, v22;
	v30 =	vld.idx.msk [tilespmem:v30+s4+$0x0], $0xffff  }
0x3fb: {  	v20 =	vadd.f32 v21, v20;
	v21 =	vmul.f32 v27, v31;
	v27 =	vld.idx.msk [tilespmem:v33+s22+$0x0], $0xffff;
	v31 =	vadd.s32 $0x32C8, v24  }
0x3fc: {  	v33 =	vadd.s32 $0x32C8, v22;
	v32 =	vld.idx.msk [tilespmem:v32+s4+$0x0], $0xffff  }
0x3fd: {  	v20 =	vadd.f32 v21, v20;
	v21 =	vmul.f32 v25, v26;
	v25 =	vld.idx.msk [tilespmem:v34+s22+$0x0], $0xffff;
	v26 =	vadd.s32 $0x36B0, v24  }
0x3fe: {  	v34 =	vadd.s32 $0x36B0, v22;
	v29 =	vld.idx.msk [tilespmem:v29+s4+$0x0], $0xffff  }
0x3ff: {  	v23 =	vmul.f32 v23, v28;
	v21 =	vadd.f32 v21, v20;
	v28 =	vld.idx.msk [tilespmem:v35+s22+$0x0], $0xffff;
	v35 =	vadd.s32 $0x3A98, v24  }
0x400: {  	v20 =	vld.idx.msk [tilespmem:v31+s4+$0x0], $0xffff;
	v31 =	vadd.s32 $0x3A98, v22  }
0x401: {  	v24 =	vmul.f32 v27, v30;
	v22 =	vadd.f32 v23, v21;
	v23 =	vld.idx.msk [tilespmem:v33+s22+$0x0], $0xffff  }
.Ltmp6:
0x402: {  	v21 =	vld.idx.msk [tilespmem:v26+s4+$0x0], $0xffff;
	(pc) =	sbr.rel @p1 .LBB2_6-.Ltmp6, $4  }
0x403: {  	v25 =	vmul.f32 v25, v32;
	v26 =	vadd.f32 v24, v22;
	v24 =	vld.idx.msk [tilespmem:v34+s22+$0x0], $0xffff  }
0x404: {  	v22 =	vld.idx.msk [tilespmem:v35+s4+$0x0], $0xffff  }
0x405: {  	v27 =	vmul.f32 v28, v29;
	v26 =	vadd.f32 v25, v26;
	v25 =	vld.idx.msk [tilespmem:v31+s22+$0x0], $0xffff  }
0x406: {  	s17 =	sadd.s32 $0x40, s17  }
0x407: {  	v28 =	vld [tilespmem:s0+$0x10A00];
	v26 =	vadd.f32 v27, v26;
	v20 =	vmul.f32 v23, v20;
	_ =	sdelay $0x1  }
0x408: {  	v17 =	vadd.s32 v17, v19;
	v21 =	vmul.f32 v24, v21;
	v20 =	vadd.f32 v20, v26  }
0x409: {  	v19 =	vand.u32 $0x7, v19;
	v51 =	vand.u32 $0xFFFFFFF8, v17  }
0x40a: {  	v19 =	vor.u32 v19, v51;
	v52 =	vmul.f32 v25, v22;
	v20 =	vadd.f32 v21, v20  }
0x40b: {  	v55 =	vadd.s32 $0x3E8, v19;
	v18 =	vadd.s32 v18, v28  }
0x40c: {  	v54 =	vand.u32 $0x7, v28;
	v53 =	vand.u32 $0xFFFFFFF8, v18;
	v20 =	vadd.f32 v52, v20  }
0x40d: {  	v22 =	vor.u32 v54, v53  }
0x40e: {  	v23 =	vadd.s32 $0x3E8, v22;
	[tilespmem:s3+$0x13A00] =	vst v20  }
0x40f: {  	v56 =	vadd.s32 $0x7D0, v19;
	v17 =	vld.idx.msk [tilespmem:v17+s4+$0x0], $0xffff  }
0x410: {  	v57 =	vadd.s32 $0x7D0, v22;
	v21 =	vld.idx.msk [tilespmem:v55+s4+$0x0], $0xffff  }
0x411: {  	v58 =	vadd.s32 $0xBB8, v19;
	v18 =	vld.idx.msk [tilespmem:v18+s22+$0x0], $0xffff  }
0x412: {  	v59 =	vadd.s32 $0xBB8, v22;
	v61 =	vld [tilespmem:s0+$0x13A00]  }
0x413: {  	v60 =	vadd.s32 $0xFA0, v19;
	v23 =	vld.idx.msk [tilespmem:v23+s22+$0x0], $0xffff  }
0x414: {  	v29 =	vadd.s32 $0xFA0, v22;
	v20 =	vld.idx.msk [tilespmem:v56+s4+$0x0], $0xffff  }
0x415: {  	v30 =	vadd.s32 $0x1388, v19;
	v24 =	vld.idx.msk [tilespmem:v57+s22+$0x0], $0xffff  }
0x416: {  	v31 =	vadd.s32 $0x1388, v22;
	v25 =	vld.idx.msk [tilespmem:v58+s4+$0x0], $0xffff;
	v17 =	vmul.f32 v18, v17  }
0x417: {  	v62 =	vadd.s32 $0x1770, v19;
	v18 =	vld.idx.msk [tilespmem:v59+s22+$0x0], $0xffff  }
0x418: {  	v32 =	vadd.s32 $0x1770, v22;
	v27 =	vld.idx.msk [tilespmem:v60+s4+$0x0], $0xffff;
	v17 =	vadd.f32 v17, v61;
	v21 =	vmul.f32 v23, v21  }
0x419: {  	v35 =	vadd.s32 $0x1B58, v19;
	v63 =	vld.idx.msk [tilespmem:v29+s22+$0x0], $0xffff  }
0x41a: {  	v37 =	vadd.s32 $0x1B58, v22;
	v36 =	vld.idx.msk [tilespmem:v30+s4+$0x0], $0xffff;
	v20 =	vmul.f32 v24, v20;
	v17 =	vadd.f32 v21, v17  }
0x41b: {  	v40 =	vadd.s32 $0x1F40, v22;
	v38 =	vld.idx.msk [tilespmem:v31+s22+$0x0], $0xffff  }
0x41c: {  	v39 =	vadd.s32 $0x1F40, v19;
	v26 =	vld.idx.msk [tilespmem:v62+s4+$0x0], $0xffff;
	v18 =	vmul.f32 v18, v25;
	v17 =	vadd.f32 v20, v17  }
0x41d: {  	v43 =	vadd.s32 $0x2328, v22;
	v41 =	vld.idx.msk [tilespmem:v32+s22+$0x0], $0xffff  }
0x41e: {  	v42 =	vadd.s32 $0x2328, v19;
	v28 =	vld.idx.msk [tilespmem:v35+s4+$0x0], $0xffff;
	v17 =	vadd.f32 v18, v17;
	v18 =	vmul.f32 v63, v27  }
0x41f: {  	v46 =	vadd.s32 $0x2710, v22;
	v44 =	vld.idx.msk [tilespmem:v37+s22+$0x0], $0xffff  }
0x420: {  	v45 =	vadd.s32 $0x2710, v19;
	v47 =	vld.idx.msk [tilespmem:v40+s22+$0x0], $0xffff;
	v17 =	vadd.f32 v18, v17;
	v18 =	vmul.f32 v38, v36  }
0x421: {  	v48 =	vadd.s32 $0x2AF8, v19;
	v24 =	vld.idx.msk [tilespmem:v39+s4+$0x0], $0xffff  }
0x422: {  	v49 =	vadd.s32 $0x2AF8, v22;
	v50 =	vld.idx.msk [tilespmem:v43+s22+$0x0], $0xffff;
	v17 =	vadd.f32 v18, v17;
	v18 =	vmul.f32 v41, v26  }
0x423: {  	v52 =	vadd.s32 $0x2EE0, v22;
	v25 =	vld.idx.msk [tilespmem:v42+s4+$0x0], $0xffff  }
0x424: {  	v51 =	vadd.s32 $0x2EE0, v19;
	v53 =	vld.idx.msk [tilespmem:v46+s22+$0x0], $0xffff;
	v17 =	vadd.f32 v18, v17;
	v18 =	vmul.f32 v44, v28  }
0x425: {  	v54 =	vadd.s32 $0x32C8, v19;
	v27 =	vld.idx.msk [tilespmem:v45+s4+$0x0], $0xffff  }
0x426: {  	v55 =	vadd.s32 $0x32C8, v22;
	v29 =	vld.idx.msk [tilespmem:v48+s4+$0x0], $0xffff;
	v17 =	vadd.f32 v18, v17;
	v18 =	vmul.f32 v47, v24  }
0x427: {  	v58 =	vadd.s32 $0x36B0, v22;
	v56 =	vld.idx.msk [tilespmem:v49+s22+$0x0], $0xffff  }
0x428: {  	v57 =	vadd.s32 $0x36B0, v19;
	v59 =	vld.idx.msk [tilespmem:v52+s22+$0x0], $0xffff;
	v17 =	vadd.f32 v18, v17;
	v18 =	vmul.f32 v50, v25  }
0x429: {  	v19 =	vadd.s32 $0x3A98, v19;
	v26 =	vld.idx.msk [tilespmem:v51+s4+$0x0], $0xffff  }
0x42a: {  	v22 =	vadd.s32 $0x3A98, v22;
	v60 =	vld.idx.msk [tilespmem:v54+s4+$0x0], $0xffff;
	v17 =	vadd.f32 v18, v17;
	v18 =	vmul.f32 v53, v27  }
0x42b: {  	v61 =	vld.idx.msk [tilespmem:v55+s22+$0x0], $0xffff  }
0x42c: {  	v62 =	vld.idx.msk [tilespmem:v58+s22+$0x0], $0xffff;
	v17 =	vadd.f32 v18, v17;
	v18 =	vmul.f32 v56, v29  }
0x42d: {  	v24 =	vld.idx.msk [tilespmem:v57+s4+$0x0], $0xffff  }
0x42e: {  	v19 =	vld.idx.msk [tilespmem:v19+s4+$0x0], $0xffff;
	v17 =	vadd.f32 v18, v17;
	v18 =	vmul.f32 v59, v26  }
0x42f: {  	v63 =	vld.idx.msk [tilespmem:v22+s22+$0x0], $0xffff  }
0x430: {  	v17 =	vadd.f32 v18, v17;
	v18 =	vmul.f32 v61, v60;
	_ =	sdelay $0x1  }
0x431: {  	v17 =	vadd.f32 v18, v17;
	v18 =	vmul.f32 v62, v24;
	_ =	sdelay $0x1  }
0x432: {  	v17 =	vadd.f32 v18, v17;
	v18 =	vmul.f32 v63, v19;
	_ =	sdelay $0x1  }
0x433: {  	v17 =	vadd.f32 v18, v17;
	_ =	sdelay $0x1  }
0x434: {  	[tilespmem:s0+$0x13A00] =	vst v17  }
.LBB2_8:
0x435: {  	s0 =	sadd.s32 s9, s30  }
0x436: {  	p1 =	sgt.u32 s0, $0x144  }
0x437: {  	s0 =	sld @!p1 [smem:s0+$0x0];
	_ =	sdelay $0x2  }
0x438: {  	s3 =	sshll.u32 @!p1 s0, $0x4  }
0x439: {  	s3 =	sand.u32 @!p1 $0x1FFFFE00, s3  }
0x43a: {  	s17 =	simm.s32 @!p1 $0x0;
	s18 =	simm.s32 @!p1 $0xFA00;
	s3 =	sadd.s32 @!p1 s7, s3  }
0x43b: {  	[tilespmem:s18], [sflag:$0x3] =	stream.linear.gather @!p1 [hbm4b:s3+s17], $0x1000, $0x38;
	[tilespmem:$0x1BE90] =	vst v63  }
0x43c: {  	s18 =	sshrl.u32 @!p1 s0, $0x5  }
0x43d: {  	s3 =	simm.s32 @!p1 $0x3;
	s0 =	sand.u32 @!p1 $0x1F, s0;
	s20 =	smul.u32 @!p1 $0x65900, s18  }
0x43e: {  	s21 =	simm.s32 @!p1 $0x10A00;
	_ =	swait.ge @!p1 [sflag:s3], $0x1000;
	s23 =	smul.u32 @!p1 $0x3E80, s0  }
0x43f: {  	s19 =	sshll.u32 @!p1 s0, $0x9;
	s0 =	smul.u32 @!p1 $0x65900, s0;
	[sflag:s3] =	ssyncset.done @!p1 $0x0  }
0x440: {  	s18 =	smul.u32 @!p1 $0x3E80, s18;
	s19 =	sadd.s32 @!p1 s7, s19;
	[sflag:s3] =	ssyncadd.s32 @!p1 $0xFFFFF000  }
0x441: {  	[tilespmem:s21], [sflag:$0x3] =	stream.linear.gather @!p1 [hbm4b:s19+s17], $0x1000, $0x38;
	[tilespmem:$0x1BE90] =	vst v63  }
0x442: {  	s19 =	sadd.s32 @!p1 s23, s20;
	_ =	swait.ge @!p1 [sflag:s3], $0x1000  }
0x443: {  	s0 =	sadd.s32 @!p1 s18, s0;
	s19 =	sshrl.u32 @!p1 s19, $0x3;
	[sflag:s3] =	ssyncset.done @!p1 $0x0  }
0x444: {  	s0 =	sshrl.u32 @!p1 s0, $0x3;
	[sflag:s3] =	ssyncadd.s32 @!p1 $0xFFFFF000;
	s3 =	sadd.s32 @!p1 s5, s19  }
0x445: {  	[tilespmem:s17], [sflag:$0x1] =	stream.linear.gather @!p1 [hbm4b:s3+s17], $0x3E80, $0x38;
	[tilespmem:$0x1BE90] =	vst v63  }
0x446: {  	s0 =	sadd.s32 @!p1 s5, s0;
	s3 =	simm.s32 @!p1 $0x3E80  }
0x447: {  	[tilespmem:s3], [sflag:$0x1] =	stream.linear.gather @!p1 [hbm4b:s0+s17], $0x3E80, $0x38;
	[tilespmem:$0x1BE90] =	vst v63  }
0x448: {  	s0 =	sor.u32 $0x20, s31  }
0x449: {  	p1 =	sgt.u32 s0, $0x144  }
.Ltmp7:
0x44a: {  	_ = 	snop;
	(pc) =	sbr.rel @p1 .LBB2_12-.Ltmp7, $1  }
0x44b: {  	_ =	sdelay $0x3  }
0x44c: {  	_ =	swait.ge [sflag:s15], $0x3E80  }
0x44d: {  	[sflag:s15] =	ssyncset.done $0x0  }
0x44e: {  	[sflag:s15] =	ssyncadd.s32 $0xFFFFC180  }
0x44f: {  	_ =	swait.ge [sflag:s15], $0x3E80  }
0x450: {  	[sflag:s15] =	ssyncset.done $0x0  }
0x451: {  	[sflag:s15] =	ssyncadd.s32 $0xFFFFC180  }
0x452: {  	s0 =	sld [smem:s0+$0x0]  }
0x453: {  	s3 =	simm.s32 $0x0  }
0x454: {  	v18 =	vld [tilespmem:s3+$0x11A00]  }
0x455: {  	s17 =	sshrl.u32 s0, $0x5  }
0x456: {  	s17 =	smul.u32 $0xFFFFFC18, s17  }
0x457: {  	v19 =	vld [tilespmem:s3+$0x12A00]  }
0x458: {  	s0 =	sand.u32 $0x1F, s0;
	v17 =	vmov s17  }
0x459: {  	s0 =	smul.u32 $0xFFFFFC18, s0;
	v20 =	vadd.s32 v17, v18  }
0x45a: {  	v18 =	vand.u32 $0x7, v18;
	v21 =	vand.u32 $0xFFFFFFF8, v20  }
0x45b: {  	v21 =	vor.u32 v18, v21;
	v18 =	vmov s0  }
0x45c: {  	v23 =	vadd.s32 v18, v19  }
0x45d: {  	v19 =	vand.u32 $0x7, v19;
	v24 =	vand.u32 $0xFFFFFFF8, v23  }
0x45e: {  	v25 =	vadd.s32 $0x3E8, v21;
	v24 =	vor.u32 v19, v24  }
0x45f: {  	v31 =	vld [tilespmem:s3+$0x13A00];
	s0 =	simm.s32 $0x10;
	v26 =	vadd.s32 $0x3E8, v24  }
0x460: {  	v22 =	vadd.s32 $0x7D0, v21;
	v19 =	vld [tilespmem:s0+$0x11A00]  }
0x461: {  	v20 =	vld.idx.msk [tilespmem:v20+s25+$0x0], $0xffff;
	v27 =	vadd.s32 $0x7D0, v24  }
0x462: {  	v28 =	vadd.s32 $0xBB8, v21;
	v23 =	vld.idx.msk [tilespmem:v23+s26+$0x0], $0xffff  }
0x463: {  	v29 =	vadd.s32 $0xBB8, v24;
	v25 =	vld.idx.msk [tilespmem:v25+s25+$0x0], $0xffff  }
0x464: {  	v30 =	vadd.s32 $0xFA0, v21;
	v26 =	vld.idx.msk [tilespmem:v26+s26+$0x0], $0xffff  }
0x465: {  	v32 =	vadd.s32 $0xFA0, v24;
	v22 =	vld.idx.msk [tilespmem:v22+s25+$0x0], $0xffff  }
0x466: {  	v33 =	vadd.s32 $0x1388, v21;
	v27 =	vld.idx.msk [tilespmem:v27+s26+$0x0], $0xffff  }
0x467: {  	v34 =	vadd.s32 $0x1388, v24;
	v28 =	vld.idx.msk [tilespmem:v28+s25+$0x0], $0xffff;
	v20 =	vmul.f32 v23, v20  }
0x468: {  	v23 =	vld.idx.msk [tilespmem:v29+s26+$0x0], $0xffff;
	v29 =	vadd.s32 $0x1770, v21  }
0x469: {  	v35 =	vadd.s32 $0x1770, v24;
	v30 =	vld.idx.msk [tilespmem:v30+s25+$0x0], $0xffff;
	v20 =	vadd.f32 v20, v31;
	v25 =	vmul.f32 v26, v25  }
0x46a: {  	v49 =	vadd.s32 $0x1B58, v21;
	v26 =	vld.idx.msk [tilespmem:v32+s26+$0x0], $0xffff  }
0x46b: {  	v51 =	vadd.s32 $0x1B58, v24;
	v50 =	vld.idx.msk [tilespmem:v33+s25+$0x0], $0xffff;
	v22 =	vmul.f32 v27, v22;
	v20 =	vadd.f32 v25, v20  }
0x46c: {  	v27 =	vadd.s32 $0x1F40, v21;
	v25 =	vld.idx.msk [tilespmem:v34+s26+$0x0], $0xffff  }
0x46d: {  	v52 =	vadd.s32 $0x1F40, v24;
	v29 =	vld.idx.msk [tilespmem:v29+s25+$0x0], $0xffff;
	v20 =	vadd.f32 v22, v20;
	v22 =	vmul.f32 v23, v28  }
0x46e: {  	v23 =	vld.idx.msk [tilespmem:v35+s26+$0x0], $0xffff;
	v28 =	vadd.s32 $0x2328, v21  }
0x46f: {  	v53 =	vadd.s32 $0x2328, v24;
	v31 =	vld.idx.msk [tilespmem:v49+s25+$0x0], $0xffff;
	v20 =	vadd.f32 v22, v20;
	v22 =	vmul.f32 v26, v30  }
0x470: {  	v54 =	vadd.s32 $0x2710, v21;
	v26 =	vld.idx.msk [tilespmem:v51+s26+$0x0], $0xffff  }
0x471: {  	v55 =	vadd.s32 $0x2710, v24;
	v27 =	vld.idx.msk [tilespmem:v27+s25+$0x0], $0xffff;
	v20 =	vadd.f32 v22, v20;
	v22 =	vmul.f32 v25, v50  }
0x472: {  	v56 =	vadd.s32 $0x2AF8, v21;
	v25 =	vld.idx.msk [tilespmem:v52+s26+$0x0], $0xffff  }
0x473: {  	v57 =	vadd.s32 $0x2AF8, v24;
	v28 =	vld.idx.msk [tilespmem:v28+s25+$0x0], $0xffff;
	v20 =	vadd.f32 v22, v20;
	v22 =	vmul.f32 v23, v29  }
0x474: {  	v23 =	vld.idx.msk [tilespmem:v53+s26+$0x0], $0xffff;
	v29 =	vadd.s32 $0x2EE0, v21  }
0x475: {  	v58 =	vadd.s32 $0x2EE0, v24;
	v30 =	vld.idx.msk [tilespmem:v54+s25+$0x0], $0xffff;
	v20 =	vadd.f32 v22, v20;
	v22 =	vmul.f32 v26, v31  }
0x476: {  	v59 =	vadd.s32 $0x32C8, v21;
	v26 =	vld.idx.msk [tilespmem:v55+s26+$0x0], $0xffff  }
0x477: {  	v60 =	vadd.s32 $0x32C8, v24;
	v32 =	vld.idx.msk [tilespmem:v56+s25+$0x0], $0xffff;
	v20 =	vadd.f32 v22, v20;
	v22 =	vmul.f32 v25, v27  }
0x478: {  	v25 =	vld.idx.msk [tilespmem:v57+s26+$0x0], $0xffff;
	v27 =	vadd.s32 $0x36B0, v21  }
0x479: {  	v61 =	vadd.s32 $0x36B0, v24;
	v29 =	vld.idx.msk [tilespmem:v29+s25+$0x0], $0xffff;
	v23 =	vmul.f32 v23, v28;
	v22 =	vadd.f32 v22, v20  }
0x47a: {  	v62 =	vadd.s32 $0x3A98, v21;
	v28 =	vld.idx.msk [tilespmem:v58+s26+$0x0], $0xffff  }
0x47b: {  	v63 =	vadd.s32 $0x3A98, v24;
	v20 =	vld.idx.msk [tilespmem:v59+s25+$0x0], $0xffff;
	v24 =	vmul.f32 v26, v30;
	v22 =	vadd.f32 v23, v22  }
0x47c: {  	v23 =	vld.idx.msk [tilespmem:v60+s26+$0x0], $0xffff  }
0x47d: {  	v21 =	vld.idx.msk [tilespmem:v27+s25+$0x0], $0xffff;
	v25 =	vmul.f32 v25, v32;
	v26 =	vadd.f32 v24, v22  }
0x47e: {  	v24 =	vld.idx.msk [tilespmem:v61+s26+$0x0], $0xffff  }
0x47f: {  	v22 =	vld.idx.msk [tilespmem:v62+s25+$0x0], $0xffff;
	v27 =	vmul.f32 v28, v29;
	v26 =	vadd.f32 v25, v26  }
0x480: {  	s17 =	simm.s32 $0x80;
	v25 =	vld.idx.msk [tilespmem:v63+s26+$0x0], $0xffff  }
.LBB2_10:
0x481: {  	p1 =	sne.s32 s17, $0x3FC0;
	v28 =	vld [tilespmem:s0+$0x12A00];
	v26 =	vadd.f32 v27, v26;
	v20 =	vmul.f32 v23, v20  }
0x482: {  	v23 =	vadd.s32 v17, v19;
	v19 =	vand.u32 $0x7, v19  }
0x483: {  	v27 =	vand.u32 $0xFFFFFFF8, v23;
	v21 =	vmul.f32 v24, v21;
	v20 =	vadd.f32 v20, v26  }
0x484: {  	v24 =	vor.u32 v19, v27  }
0x485: {  	v26 =	vadd.s32 $0x7D0, v24;
	v19 =	vadd.f32 v21, v20;
	v20 =	vmul.f32 v25, v22  }
0x486: {  	v21 =	vadd.s32 v18, v28  }
0x487: {  	v25 =	vand.u32 $0x7, v28;
	v22 =	vand.u32 $0xFFFFFFF8, v21;
	v20 =	vadd.f32 v20, v19  }
0x488: {  	s18 =	sshra.s32 s17, $0x2;
	v27 =	vadd.s32 $0x3E8, v24;
	v22 =	vor.u32 v25, v22  }
0x489: {  	v19 =	vld [tilespmem:s18+$0x11A00];
	v25 =	vadd.s32 $0x3E8, v22;
	[tilespmem:s3+$0x13A00] =	vst v20;
	s3 =	smov.u32 s0;
	s0 =	smov.u32 s18  }
0x48a: {  	v20 =	vld.idx.msk [tilespmem:v26+s25+$0x0], $0xffff  }
0x48b: {  	v26 =	vadd.s32 $0x7D0, v22;
	v23 =	vld.idx.msk [tilespmem:v23+s25+$0x0], $0xffff  }
0x48c: {  	v28 =	vadd.s32 $0xBB8, v24;
	v21 =	vld.idx.msk [tilespmem:v21+s26+$0x0], $0xffff  }
0x48d: {  	v29 =	vadd.s32 $0xBB8, v22;
	v27 =	vld.idx.msk [tilespmem:v27+s25+$0x0], $0xffff  }
0x48e: {  	v30 =	vadd.s32 $0xFA0, v24;
	v25 =	vld.idx.msk [tilespmem:v25+s26+$0x0], $0xffff  }
0x48f: {  	v32 =	vadd.s32 $0xFA0, v22;
	v31 =	vld [tilespmem:s3+$0x13A00]  }
0x490: {  	v33 =	vadd.s32 $0x1388, v24;
	v26 =	vld.idx.msk [tilespmem:v26+s26+$0x0], $0xffff  }
0x491: {  	v34 =	vadd.s32 $0x1388, v22;
	v28 =	vld.idx.msk [tilespmem:v28+s25+$0x0], $0xffff  }
0x492: {  	v21 =	vmul.f32 v21, v23;
	v23 =	vld.idx.msk [tilespmem:v29+s26+$0x0], $0xffff;
	v29 =	vadd.s32 $0x1770, v24  }
0x493: {  	v35 =	vadd.s32 $0x1770, v22;
	v30 =	vld.idx.msk [tilespmem:v30+s25+$0x0], $0xffff  }
0x494: {  	v25 =	vmul.f32 v25, v27;
	v21 =	vadd.f32 v21, v31;
	v27 =	vld.idx.msk [tilespmem:v32+s26+$0x0], $0xffff;
	v31 =	vadd.s32 $0x1B58, v24  }
0x495: {  	v32 =	vld.idx.msk [tilespmem:v33+s25+$0x0], $0xffff;
	v33 =	vadd.s32 $0x1B58, v22  }
0x496: {  	v20 =	vmul.f32 v26, v20;
	v26 =	vadd.s32 $0x1F40, v24;
	v21 =	vadd.f32 v25, v21;
	v25 =	vld.idx.msk [tilespmem:v34+s26+$0x0], $0xffff  }
0x497: {  	v34 =	vadd.s32 $0x1F40, v22;
	v29 =	vld.idx.msk [tilespmem:v29+s25+$0x0], $0xffff  }
0x498: {  	v20 =	vadd.f32 v20, v21;
	v21 =	vmul.f32 v23, v28;
	v23 =	vld.idx.msk [tilespmem:v35+s26+$0x0], $0xffff;
	v28 =	vadd.s32 $0x2328, v24  }
0x499: {  	v35 =	vadd.s32 $0x2328, v22;
	v31 =	vld.idx.msk [tilespmem:v31+s25+$0x0], $0xffff  }
0x49a: {  	v20 =	vadd.f32 v21, v20;
	v21 =	vmul.f32 v27, v30;
	v27 =	vld.idx.msk [tilespmem:v33+s26+$0x0], $0xffff;
	v30 =	vadd.s32 $0x2710, v24  }
0x49b: {  	v33 =	vadd.s32 $0x2710, v22;
	v26 =	vld.idx.msk [tilespmem:v26+s25+$0x0], $0xffff  }
0x49c: {  	v20 =	vadd.f32 v21, v20;
	v21 =	vmul.f32 v25, v32;
	v25 =	vld.idx.msk [tilespmem:v34+s26+$0x0], $0xffff;
	v32 =	vadd.s32 $0x2AF8, v24  }
0x49d: {  	v34 =	vadd.s32 $0x2AF8, v22;
	v28 =	vld.idx.msk [tilespmem:v28+s25+$0x0], $0xffff  }
0x49e: {  	v20 =	vadd.f32 v21, v20;
	v21 =	vmul.f32 v23, v29;
	v23 =	vld.idx.msk [tilespmem:v35+s26+$0x0], $0xffff;
	v29 =	vadd.s32 $0x2EE0, v24  }
0x49f: {  	v35 =	vadd.s32 $0x2EE0, v22;
	v30 =	vld.idx.msk [tilespmem:v30+s25+$0x0], $0xffff  }
0x4a0: {  	v20 =	vadd.f32 v21, v20;
	v21 =	vmul.f32 v27, v31;
	v27 =	vld.idx.msk [tilespmem:v33+s26+$0x0], $0xffff;
	v31 =	vadd.s32 $0x32C8, v24  }
0x4a1: {  	v33 =	vadd.s32 $0x32C8, v22;
	v32 =	vld.idx.msk [tilespmem:v32+s25+$0x0], $0xffff  }
0x4a2: {  	v20 =	vadd.f32 v21, v20;
	v21 =	vmul.f32 v25, v26;
	v25 =	vld.idx.msk [tilespmem:v34+s26+$0x0], $0xffff;
	v26 =	vadd.s32 $0x36B0, v24  }
0x4a3: {  	v34 =	vadd.s32 $0x36B0, v22;
	v29 =	vld.idx.msk [tilespmem:v29+s25+$0x0], $0xffff  }
0x4a4: {  	v23 =	vmul.f32 v23, v28;
	v21 =	vadd.f32 v21, v20;
	v28 =	vld.idx.msk [tilespmem:v35+s26+$0x0], $0xffff;
	v35 =	vadd.s32 $0x3A98, v24  }
0x4a5: {  	v20 =	vld.idx.msk [tilespmem:v31+s25+$0x0], $0xffff;
	v31 =	vadd.s32 $0x3A98, v22  }
0x4a6: {  	v24 =	vmul.f32 v27, v30;
	v22 =	vadd.f32 v23, v21;
	v23 =	vld.idx.msk [tilespmem:v33+s26+$0x0], $0xffff  }
.Ltmp8:
0x4a7: {  	v21 =	vld.idx.msk [tilespmem:v26+s25+$0x0], $0xffff;
	(pc) =	sbr.rel @p1 .LBB2_10-.Ltmp8, $4  }
0x4a8: {  	v25 =	vmul.f32 v25, v32;
	v26 =	vadd.f32 v24, v22;
	v24 =	vld.idx.msk [tilespmem:v34+s26+$0x0], $0xffff  }
0x4a9: {  	v22 =	vld.idx.msk [tilespmem:v35+s25+$0x0], $0xffff  }
0x4aa: {  	v27 =	vmul.f32 v28, v29;
	v26 =	vadd.f32 v25, v26;
	v25 =	vld.idx.msk [tilespmem:v31+s26+$0x0], $0xffff  }
0x4ab: {  	s17 =	sadd.s32 $0x40, s17  }
0x4ac: {  	v28 =	vld [tilespmem:s0+$0x12A00];
	v26 =	vadd.f32 v27, v26;
	v20 =	vmul.f32 v23, v20;
	_ =	sdelay $0x1  }
0x4ad: {  	v17 =	vadd.s32 v17, v19;
	v21 =	vmul.f32 v24, v21;
	v20 =	vadd.f32 v20, v26  }
0x4ae: {  	v19 =	vand.u32 $0x7, v19;
	v51 =	vand.u32 $0xFFFFFFF8, v17  }
0x4af: {  	v19 =	vor.u32 v19, v51;
	v52 =	vmul.f32 v25, v22;
	v20 =	vadd.f32 v21, v20  }
0x4b0: {  	v55 =	vadd.s32 $0x3E8, v19;
	v18 =	vadd.s32 v18, v28  }
0x4b1: {  	v54 =	vand.u32 $0x7, v28;
	v53 =	vand.u32 $0xFFFFFFF8, v18;
	v20 =	vadd.f32 v52, v20  }
0x4b2: {  	v22 =	vor.u32 v54, v53  }
0x4b3: {  	v23 =	vadd.s32 $0x3E8, v22;
	[tilespmem:s3+$0x13A00] =	vst v20  }
0x4b4: {  	v56 =	vadd.s32 $0x7D0, v19;
	v17 =	vld.idx.msk [tilespmem:v17+s25+$0x0], $0xffff  }
0x4b5: {  	v57 =	vadd.s32 $0x7D0, v22;
	v21 =	vld.idx.msk [tilespmem:v55+s25+$0x0], $0xffff  }
0x4b6: {  	v58 =	vadd.s32 $0xBB8, v19;
	v18 =	vld.idx.msk [tilespmem:v18+s26+$0x0], $0xffff  }
0x4b7: {  	v59 =	vadd.s32 $0xBB8, v22;
	v61 =	vld [tilespmem:s0+$0x13A00]  }
0x4b8: {  	v60 =	vadd.s32 $0xFA0, v19;
	v23 =	vld.idx.msk [tilespmem:v23+s26+$0x0], $0xffff  }
0x4b9: {  	v29 =	vadd.s32 $0xFA0, v22;
	v20 =	vld.idx.msk [tilespmem:v56+s25+$0x0], $0xffff  }
0x4ba: {  	v30 =	vadd.s32 $0x1388, v19;
	v24 =	vld.idx.msk [tilespmem:v57+s26+$0x0], $0xffff  }
0x4bb: {  	v31 =	vadd.s32 $0x1388, v22;
	v25 =	vld.idx.msk [tilespmem:v58+s25+$0x0], $0xffff;
	v17 =	vmul.f32 v18, v17  }
0x4bc: {  	v62 =	vadd.s32 $0x1770, v19;
	v18 =	vld.idx.msk [tilespmem:v59+s26+$0x0], $0xffff  }
0x4bd: {  	v32 =	vadd.s32 $0x1770, v22;
	v27 =	vld.idx.msk [tilespmem:v60+s25+$0x0], $0xffff;
	v17 =	vadd.f32 v17, v61;
	v21 =	vmul.f32 v23, v21  }
0x4be: {  	v35 =	vadd.s32 $0x1B58, v19;
	v63 =	vld.idx.msk [tilespmem:v29+s26+$0x0], $0xffff  }
0x4bf: {  	v37 =	vadd.s32 $0x1B58, v22;
	v36 =	vld.idx.msk [tilespmem:v30+s25+$0x0], $0xffff;
	v20 =	vmul.f32 v24, v20;
	v17 =	vadd.f32 v21, v17  }
0x4c0: {  	v40 =	vadd.s32 $0x1F40, v22;
	v38 =	vld.idx.msk [tilespmem:v31+s26+$0x0], $0xffff  }
0x4c1: {  	v39 =	vadd.s32 $0x1F40, v19;
	v26 =	vld.idx.msk [tilespmem:v62+s25+$0x0], $0xffff;
	v18 =	vmul.f32 v18, v25;
	v17 =	vadd.f32 v20, v17  }
0x4c2: {  	v43 =	vadd.s32 $0x2328, v22;
	v41 =	vld.idx.msk [tilespmem:v32+s26+$0x0], $0xffff  }
0x4c3: {  	v42 =	vadd.s32 $0x2328, v19;
	v28 =	vld.idx.msk [tilespmem:v35+s25+$0x0], $0xffff;
	v17 =	vadd.f32 v18, v17;
	v18 =	vmul.f32 v63, v27  }
0x4c4: {  	v46 =	vadd.s32 $0x2710, v22;
	v44 =	vld.idx.msk [tilespmem:v37+s26+$0x0], $0xffff  }
0x4c5: {  	v45 =	vadd.s32 $0x2710, v19;
	v47 =	vld.idx.msk [tilespmem:v40+s26+$0x0], $0xffff;
	v17 =	vadd.f32 v18, v17;
	v18 =	vmul.f32 v38, v36  }
0x4c6: {  	v48 =	vadd.s32 $0x2AF8, v19;
	v24 =	vld.idx.msk [tilespmem:v39+s25+$0x0], $0xffff  }
0x4c7: {  	v49 =	vadd.s32 $0x2AF8, v22;
	v50 =	vld.idx.msk [tilespmem:v43+s26+$0x0], $0xffff;
	v17 =	vadd.f32 v18, v17;
	v18 =	vmul.f32 v41, v26  }
0x4c8: {  	v52 =	vadd.s32 $0x2EE0, v22;
	v25 =	vld.idx.msk [tilespmem:v42+s25+$0x0], $0xffff  }
0x4c9: {  	v51 =	vadd.s32 $0x2EE0, v19;
	v53 =	vld.idx.msk [tilespmem:v46+s26+$0x0], $0xffff;
	v17 =	vadd.f32 v18, v17;
	v18 =	vmul.f32 v44, v28  }
0x4ca: {  	v54 =	vadd.s32 $0x32C8, v19;
	v27 =	vld.idx.msk [tilespmem:v45+s25+$0x0], $0xffff  }
0x4cb: {  	v55 =	vadd.s32 $0x32C8, v22;
	v29 =	vld.idx.msk [tilespmem:v48+s25+$0x0], $0xffff;
	v17 =	vadd.f32 v18, v17;
	v18 =	vmul.f32 v47, v24  }
0x4cc: {  	v58 =	vadd.s32 $0x36B0, v22;
	v56 =	vld.idx.msk [tilespmem:v49+s26+$0x0], $0xffff  }
0x4cd: {  	v57 =	vadd.s32 $0x36B0, v19;
	v59 =	vld.idx.msk [tilespmem:v52+s26+$0x0], $0xffff;
	v17 =	vadd.f32 v18, v17;
	v18 =	vmul.f32 v50, v25  }
0x4ce: {  	v19 =	vadd.s32 $0x3A98, v19;
	v26 =	vld.idx.msk [tilespmem:v51+s25+$0x0], $0xffff  }
0x4cf: {  	v22 =	vadd.s32 $0x3A98, v22;
	v60 =	vld.idx.msk [tilespmem:v54+s25+$0x0], $0xffff;
	v17 =	vadd.f32 v18, v17;
	v18 =	vmul.f32 v53, v27  }
0x4d0: {  	v61 =	vld.idx.msk [tilespmem:v55+s26+$0x0], $0xffff  }
0x4d1: {  	v62 =	vld.idx.msk [tilespmem:v58+s26+$0x0], $0xffff;
	v17 =	vadd.f32 v18, v17;
	v18 =	vmul.f32 v56, v29  }
0x4d2: {  	v24 =	vld.idx.msk [tilespmem:v57+s25+$0x0], $0xffff  }
0x4d3: {  	v19 =	vld.idx.msk [tilespmem:v19+s25+$0x0], $0xffff;
	v17 =	vadd.f32 v18, v17;
	v18 =	vmul.f32 v59, v26  }
0x4d4: {  	v63 =	vld.idx.msk [tilespmem:v22+s26+$0x0], $0xffff  }
0x4d5: {  	v17 =	vadd.f32 v18, v17;
	v18 =	vmul.f32 v61, v60;
	_ =	sdelay $0x1  }
0x4d6: {  	v17 =	vadd.f32 v18, v17;
	v18 =	vmul.f32 v62, v24;
	_ =	sdelay $0x1  }
.Ltmp9:
0x4d7: {  	v17 =	vadd.f32 v18, v17;
	v18 =	vmul.f32 v63, v19;
	(pc) =	sbr.rel .LBB2_12-.Ltmp9, $3  }
0x4d8: {  	_ = 	snop  }
0x4d9: {  	v17 =	vadd.f32 v18, v17;
	_ =	sdelay $0x1  }
0x4da: {  	[tilespmem:s0+$0x13A00] =	vst v17  }
.LBB2_14:
0x4db: {  	_ =	sfence.sel $0x180000  }
0x4dc: {  	[bflag:$0x0] =	sbarrier.arrive $0xFFFF  }
0x4dd: {  	_ =	strace $0x90000047  }
0x4de: {  	s0 =	stileid.u32;
	[bflag:$0x2] =	sbarrier.arrive $0xFFFF  }
0x4df: {  	p0 =	sne.s32 s0, $0x0;
	s0 =	rddreg [dreg:$0x4]  }
0x4e0: {  	s0 =	sadd.s32 @!p0 $0x100000, s0  }
0x4e1: {  	[sflag:s0] =	ssyncadd.tile.s32 @!p0 $0x1;
	_ =	shalt  }
.Lfunc_end2:
_tile_overlayer_lowered:
.L_overlay_start_2:
0x4e2: {  	(tag) =	ssettag $0x2  }
0x4e3: {  	s0 =	rddreg [dreg:$0x0];
	s2 =	stileid.u32  }
0x4e4: {  	s1 =	rddreg [dreg:$0x1];
	p0 =	sne.s32 s2, $0x0  }
0x4e5: {  	s3 =	rddreg [dreg:$0x2];
	[bflag:$0x3] =	sbarrier.arrive $0xFFFF;
	s2 =	simm.s32 @!p0 $0x1C03  }
0x4e6: {  	[timem:s3], [sflag:s2] =	dma.local @!p0 [hbm:s0], s1  }
0x4e7: {  	s0 =	simm.s32 @!p0 $0x3  }
0x4e8: {  	_ =	swait.ge @!p0 [sflag:s0], s1  }
0x4e9: {  	s1 =	ssub.s32 @!p0 $0x0, s1;
	[sflag:s0] =	ssyncset.done @!p0 $0x0  }
0x4ea: {  	[sflag:s0] =	ssyncadd.s32 @!p0 s1  }
0x4eb: {  	[bflag:$0x3] =	sbarrier.arrive $0xFFFF  }
0x4ec: {  	_ =	shalt  }

</sc_bundles>
